<compile_context>
chip_gen: v7x
topology: tpu7x:2x2x1
jax: 0.10.2.dev20260603
libtpu: 0.0.44.dev20260713+nightly
codegen_flags: <defaults>
</compile_context>

<pallas_src>
import functools

import jax
import jax.numpy as jnp
from jax import lax
from jax.experimental import pallas as pl
from jax.experimental.pallas import tpu as pltpu
from jax.experimental.pallas import tpu_sc as plsc

N = 10000
D = 128
HD = D // 2
E = 320000
NC, NS = 2, 16
CH = 128
K = 160
EPT = CH * K
EPAD = NS * EPT
NP = 10240
RPT = NP // NS
HPT = N // NS
G = 2
NG = K // G
NB = 2 * G
DW = 1024
NWD = EPAD // (NC * NS * DW)

_mesh = plsc.VectorSubcoreMesh(
    core_axis_name="c", subcore_axis_name="s", num_cores=NC, num_subcores=NS
)
_sc_params = pltpu.CompilerParams(
    needs_layout_passes=False, use_tc_tiling_on_sc=False
)


@functools.partial(
    pl.kernel,
    out_type=jax.ShapeDtypeStruct((NC, NS, NP), jnp.float32),
    mesh=_mesh,
    scratch_types=[
        pltpu.VMEM((2, DW), jnp.int32),
        pltpu.VMEM((NP,), jnp.float32),
        pltpu.SemaphoreType.DMA,
    ],
    compiler_params=_sc_params,
)
def _sc_deg(dst_hbm, degp_hbm, didx_v, hist_v, sem):
    cid = lax.axis_index("c")
    sid = lax.axis_index("s")

    pltpu.async_copy(dst_hbm.at[cid, sid, 0], didx_v.at[0], sem)
    pltpu.async_copy(dst_hbm.at[cid, sid, 1], didx_v.at[1], sem)

    def hinit(i, carry):
        hist_v[pl.ds(16 * i, 16)] = jnp.zeros((16,), jnp.float32)
        return carry

    lax.fori_loop(0, NP // 16, hinit, 0)

    ones16 = jnp.ones((16,), jnp.float32)

    def wait_w():
        pltpu.make_async_copy(dst_hbm.at[0, 0, 0], didx_v.at[0], sem).wait()

    def body(w, carry):
        wait_w()

        def add16(l, carry2):
            idx = didx_v[w % 2, pl.ds(16 * l, 16)]
            plsc.addupdate_scatter(hist_v, [idx], ones16)
            return carry2

        lax.fori_loop(0, DW // 16, add16, 0)

        @pl.when(w + 2 < NWD)
        def _():
            pltpu.async_copy(dst_hbm.at[cid, sid, w + 2],
                             didx_v.at[(w + 2) % 2], sem)

        return carry

    lax.fori_loop(0, NWD, body, 0)
    pltpu.sync_copy(hist_v, degp_hbm.at[cid, sid])


@functools.partial(
    pl.kernel,
    out_type=jax.ShapeDtypeStruct((NC, NP, HD), jnp.float32),
    mesh=_mesh,
    scratch_types=[
        pltpu.VMEM((3, G * CH), jnp.int32),
        pltpu.VMEM((3, G, CH), jnp.int32),
        pltpu.VMEM((NB, CH, HD), jnp.float32),
        pltpu.VMEM_SHARED((N, HD), jnp.float32),
        pltpu.VMEM_SHARED((NP, HD), jnp.float32),
        pltpu.SemaphoreType.DMA,
        pltpu.SemaphoreType.DMA,
        pltpu.SemaphoreType.DMA,
    ],
    compiler_params=_sc_params,
)
def _sc_edge(htab_hbm, src_hbm, dst_hbm, part_hbm,
             sidx_v, didx_v, rows_v, htab_sh, acc_sh, sem_i, sem_g, sem_s):
    cid = lax.axis_index("c")
    sid = lax.axis_index("s")
    r0 = sid * RPT

    def fire_idx(g):
        p = g % 3
        pltpu.async_copy(src_hbm.at[sid, g], sidx_v.at[p], sem_i)
        pltpu.async_copy(dst_hbm.at[sid, g], didx_v.at[p], sem_i)

    def wait_idx():
        pltpu.make_async_copy(src_hbm.at[0, 0], sidx_v.at[0], sem_i).wait()
        pltpu.make_async_copy(dst_hbm.at[0, 0], didx_v.at[0], sem_i).wait()

    def fire_gathers(g):
        p, base = g % 3, (g % 2) * G
        for b in range(G):
            pltpu.async_copy(
                htab_sh.at[sidx_v.at[p, pl.ds(b * CH, CH)]],
                rows_v.at[base + b], sem_g,
            )

    def wait_gather():
        pltpu.make_async_copy(
            htab_sh.at[sidx_v.at[0, pl.ds(0, CH)]], rows_v.at[0], sem_g
        ).wait()

    def wait_scatter():
        pltpu.make_async_copy(
            rows_v.at[0], acc_sh.at[didx_v.at[0, 0]], sem_s
        ).wait()

    def process(g):
        p, base = g % 3, (g % 2) * G
        for b in range(G):
            wait_gather()
            pltpu.async_copy(
                rows_v.at[base + b], acc_sh.at[didx_v.at[p, b]],
                sem_s, add=True,
            )

    fire_idx(0)
    fire_idx(1)
    fire_idx(2)

    def zinit(i, carry):
        for jj in range(HD // 16):
            rows_v[0, i, pl.ds(16 * jj, 16)] = jnp.zeros((16,), jnp.float32)
        return carry

    lax.fori_loop(0, CH, zinit, 0)

    for k5 in range(RPT // CH):
        pltpu.sync_copy(rows_v.at[0], acc_sh.at[pl.ds(r0 + CH * k5, CH)])
    pltpu.sync_copy(htab_hbm.at[cid, pl.ds(sid * HPT, HPT)],
                    htab_sh.at[pl.ds(sid * HPT, HPT)])
    plsc.subcore_barrier()

    wait_idx()
    fire_gathers(0)
    wait_idx()
    fire_gathers(1)
    process(0)

    def body(g, carry):
        for _ in range(G):
            wait_scatter()
        fire_idx(g + 2)
        wait_idx()
        fire_gathers(g + 1)
        process(g)
        return carry

    lax.fori_loop(1, NG - 2, body, 0)
    for _ in range(G):
        wait_scatter()
    wait_idx()
    fire_gathers(NG - 1)
    process(NG - 2)
    for _ in range(G):
        wait_scatter()
    process(NG - 1)
    for _ in range(G):
        wait_scatter()
    plsc.subcore_barrier()

    pltpu.sync_copy(acc_sh.at[pl.ds(r0, RPT)],
                    part_hbm.at[cid, pl.ds(r0, RPT)])


_BN = 2048


def _tc_body(h_ref, p_ref, d_ref, wt_ref, o_ref):
    neigh = jnp.concatenate([p_ref[0], p_ref[1]], axis=-1)
    deg = jnp.sum(d_ref[...], axis=(0, 1)).reshape(_BN, 1)
    mean = neigh / jnp.maximum(deg, 1.0)
    hb = h_ref[...]
    z = jnp.dot(hb, wt_ref[:D], preferred_element_type=jnp.float32)
    z = z + jnp.dot(mean, wt_ref[D:], preferred_element_type=jnp.float32)
    z = jnp.maximum(z, 0.0)
    o_ref[...] = z / (jnp.sqrt(jnp.sum(z * z, axis=-1, keepdims=True)) + 1e-12)


_tc_layer = pl.pallas_call(
    _tc_body,
    grid=(NP // _BN,),
    in_specs=[
        pl.BlockSpec((_BN, D), lambda i: (i, 0)),
        pl.BlockSpec((NC, _BN, HD), lambda i: (0, i, 0)),
        pl.BlockSpec((NC, NS, _BN), lambda i: (0, 0, i)),
        pl.BlockSpec((2 * D, D), lambda i: (0, 0)),
    ],
    out_specs=pl.BlockSpec((_BN, D), lambda i: (i, 0)),
    out_shape=jax.ShapeDtypeStruct((N, D), jnp.float32),
)


def kernel(x, edge_index, W1, W2):
    src = edge_index[0].astype(jnp.int32)
    dst = edge_index[1].astype(jnp.int32)
    pad = EPAD - E
    src_p = jnp.concatenate([src, jnp.zeros((pad,), jnp.int32)])
    src_w = src_p.reshape(NS, NG, G * CH)
    dst_pad = N + (jnp.arange(pad, dtype=jnp.int32) % (NP - N))
    dst_p = jnp.concatenate([dst, dst_pad])
    dst_w = dst_p.reshape(NS, NG, G, CH)
    dst_d = dst_p.reshape(NC, NS, NWD, DW)

    degp = _sc_deg(dst_d)
    src_w = src_w + (0.0 * degp[0, 0, 0]).astype(jnp.int32)
    h = x
    for W in (W1, W2):
        htab = h.reshape(N, NC, HD).transpose(1, 0, 2)
        part = _sc_edge(htab, src_w, dst_w)
        h = _tc_layer(h, part, degp, W.T)
    return h

# --- scband reference (transcript-rebuilt; emitter-appended) ---
"""Pipeline reference for scband-graph-sage-42769284333575 (READ-ONLY COPY).

The authoritative reference and input builder live on the scoring server;
editing this copy changes nothing except your own understanding.
"""

import jax, jax.numpy as jnp
import numpy as np

N_NODES = 10000
N_EDGES = 320000
D = 128
DEPTH = 2

def _xavier_normal(key, shape):
    fan_out, fan_in = shape
    std = float(np.sqrt(2.0 / (fan_in + fan_out)))
    return jax.random.normal(key, shape, dtype=jnp.float32) * std

def setup_inputs(seed: int = 0) -> dict:
    key = jax.random.key(seed)
    k1, k2, k3, k4 = jax.random.split(key, 4)
    x = jax.random.normal(k1, (N_NODES, D), dtype=jnp.float32)
    edge_index = jax.random.randint(k2, (2, N_EDGES), 0, N_NODES)
    # The torch module's graph_conv computes W @ concat([h_self, h_neigh]),
    # so each layer weight maps 2*hidden -> hidden.
    W1 = _xavier_normal(k3, (D, 2 * D))
    W2 = _xavier_normal(k4, (D, 2 * D))
    return {"x": x, "edge_index": edge_index, "W1": W1, "W2": W2}

def reference(x, edge_index, W1, W2):
    # Vectorized, full-graph GraphSAGE with Mean aggregator (depth=2).
    # Faithful to the per-node math: for each node v at layer k:
    #   h_N(v) = mean_{u in N(v)} h_u^{k-1}
    #   h_v^k  = relu(W_k @ concat([h_v^{k-1}, h_N(v)]))
    #   h_v^k  = h_v^k / ||h_v^k||_2
    src = edge_index[0]
    dst = edge_index[1]
    N = x.shape[0]
    E = src.shape[0]
    h = x
    for W in (W1, W2):
        gathered = jnp.take(h, src, axis=0)                     # [E, D] gather
        neigh_sum = jax.ops.segment_sum(gathered, dst, num_segments=N)
        deg = jax.ops.segment_sum(jnp.ones((E,), dtype=h.dtype), dst, num_segments=N)
        neigh_mean = neigh_sum / jnp.clip(deg, 1.0)[:, None]
        z = jnp.concatenate([h, neigh_mean], axis=-1) @ W.T     # [N, D]
        z = jax.nn.relu(z)
        h = z / (jnp.linalg.norm(z, axis=-1, keepdims=True) + 1e-12)
    return h

if __name__ == "__main__":
    import jax
    _d = setup_inputs()
    print(jax.jit(kernel)(*tuple(_d.values())))

</pallas_src>

<mosaic_0001>
#map = affine_map<(d0, d1) -> (0, 0, 0)>
#map1 = affine_map<(d0, d1) -> (0, 0, 0, 0)>
module attributes {stable_mosaic.version = 14 : i64} {
  func.func @_sc_edge(%arg0: i32, %arg1: i32, %arg2: memref<2x10000x64xf32, #tpu.memory_space<hbm>>, %arg3: memref<16x80x256xi32, #tpu.memory_space<hbm>>, %arg4: memref<16x80x2x128xi32, #tpu.memory_space<hbm>>, %arg5: memref<2x10240x64xf32, #tpu.memory_space<hbm>>, %arg6: memref<3x256xi32, #tpu.memory_space<vmem>>, %arg7: memref<3x2x128xi32, #tpu.memory_space<vmem>>, %arg8: memref<4x128x64xf32, #tpu.memory_space<vmem>>, %arg9: memref<10000x64xf32, #tpu.memory_space<vmem_shared>>, %arg10: memref<10240x64xf32, #tpu.memory_space<vmem_shared>>, %arg11: memref<!tpu.dma_semaphore, #tpu.memory_space<semaphore_mem>>, %arg12: memref<!tpu.dma_semaphore, #tpu.memory_space<semaphore_mem>>, %arg13: memref<!tpu.dma_semaphore, #tpu.memory_space<semaphore_mem>>) attributes {dimension_semantics = [#tpu.dimension_semantics<core_parallel>, #tpu.dimension_semantics<subcore_parallel>], iteration_bounds = array<i64: 2, 16>, scalar_prefetch = 0 : i64, scratch_operands = 8 : i64, tpu.core_type = #tpu.core_type<sc_vector_subcore>, window_params = [{transform_indices = #map}, {transform_indices = #map}, {transform_indices = #map1}, {transform_indices = #map}]} {
    %mul3A = arith.constant 640 : i32
    %mul3A_0 = arith.muli %arg1, %mul3A : i32
    %dma_start3A = arith.constant 0 : i32
    %dma_start3A_1 = arith.constant 0 : i32
    %dma_start3A_2 = arith.constant 0 : i32
    %dma_start3A_3 = tpu.memref_slice %arg6[%dma_start3A_1, %dma_start3A_2] : memref<3x256xi32, #tpu.memory_space<vmem>> -> memref<1x256xi32, #tpu.memory_space<vmem>>
    %dma_start3A_4 = tpu.memref_squeeze %dma_start3A_3 : memref<1x256xi32, #tpu.memory_space<vmem>> -> memref<256xi32, #tpu.memory_space<vmem>>
    %dma_start3A_5 = arith.constant 0 : i32
    %dma_start3A_6 = tpu.memref_slice %arg3[%arg1, %dma_start3A, %dma_start3A_5] : memref<16x80x256xi32, #tpu.memory_space<hbm>> -> memref<1x1x256xi32, #tpu.memory_space<hbm>>
    %dma_start3A_7 = tpu.memref_squeeze %dma_start3A_6 : memref<1x1x256xi32, #tpu.memory_space<hbm>> -> memref<256xi32, #tpu.memory_space<hbm>>
    %dma_start3A_8 = arith.constant 0 : i32
    %dma_start3A_9 = tpu.memref_slice %arg6[%dma_start3A_1, %dma_start3A_8] : memref<3x256xi32, #tpu.memory_space<vmem>> -> memref<1x256xi32, #tpu.memory_space<vmem>>
    %dma_start3A_10 = tpu.memref_squeeze %dma_start3A_9 : memref<1x256xi32, #tpu.memory_space<vmem>> -> memref<256xi32, #tpu.memory_space<vmem>>
    %dma_start3A_11 = arith.constant 0 : i32
    %dma_start3A_12 = tpu.memref_slice %arg3[%arg1, %dma_start3A, %dma_start3A_11] : memref<16x80x256xi32, #tpu.memory_space<hbm>> -> memref<1x1x256xi32, #tpu.memory_space<hbm>>
    %dma_start3A_13 = tpu.memref_squeeze %dma_start3A_12 : memref<1x1x256xi32, #tpu.memory_space<hbm>> -> memref<256xi32, #tpu.memory_space<hbm>>
    tpu.enqueue_dma source(%dma_start3A_13 : memref<256xi32, #tpu.memory_space<hbm>>) target(%dma_start3A_10 : memref<256xi32, #tpu.memory_space<vmem>>) target_semaphore(%arg11 : memref<!tpu.dma_semaphore, #tpu.memory_space<semaphore_mem>>)
    %dma_start3A_14 = arith.constant 0 : i32
    %dma_start3A_15 = arith.constant 0 : i32
    %dma_start3A_16 = arith.constant 0 : i32
    %dma_start3A_17 = arith.constant 0 : i32
    %dma_start3A_18 = tpu.memref_slice %arg7[%dma_start3A_15, %dma_start3A_16, %dma_start3A_17] : memref<3x2x128xi32, #tpu.memory_space<vmem>> -> memref<1x2x128xi32, #tpu.memory_space<vmem>>
    %dma_start3A_19 = tpu.memref_squeeze %dma_start3A_18 : memref<1x2x128xi32, #tpu.memory_space<vmem>> -> memref<2x128xi32, #tpu.memory_space<vmem>>
    %dma_start3A_20 = arith.constant 0 : i32
    %dma_start3A_21 = arith.constant 0 : i32
    %dma_start3A_22 = tpu.memref_slice %arg4[%arg1, %dma_start3A_14, %dma_start3A_20, %dma_start3A_21] : memref<16x80x2x128xi32, #tpu.memory_space<hbm>> -> memref<1x1x2x128xi32, #tpu.memory_space<hbm>>
    %dma_start3A_23 = tpu.memref_squeeze %dma_start3A_22 : memref<1x1x2x128xi32, #tpu.memory_space<hbm>> -> memref<2x128xi32, #tpu.memory_space<hbm>>
    %dma_start3A_24 = arith.constant 0 : i32
    %dma_start3A_25 = arith.constant 0 : i32
    %dma_start3A_26 = tpu.memref_slice %arg7[%dma_start3A_15, %dma_start3A_24, %dma_start3A_25] : memref<3x2x128xi32, #tpu.memory_space<vmem>> -> memref<1x2x128xi32, #tpu.memory_space<vmem>>
    %dma_start3A_27 = tpu.memref_squeeze %dma_start3A_26 : memref<1x2x128xi32, #tpu.memory_space<vmem>> -> memref<2x128xi32, #tpu.memory_space<vmem>>
    %dma_start3A_28 = arith.constant 0 : i32
    %dma_start3A_29 = arith.constant 0 : i32
    %dma_start3A_30 = tpu.memref_slice %arg4[%arg1, %dma_start3A_14, %dma_start3A_28, %dma_start3A_29] : memref<16x80x2x128xi32, #tpu.memory_space<hbm>> -> memref<1x1x2x128xi32, #tpu.memory_space<hbm>>
    %dma_start3A_31 = tpu.memref_squeeze %dma_start3A_30 : memref<1x1x2x128xi32, #tpu.memory_space<hbm>> -> memref<2x128xi32, #tpu.memory_space<hbm>>
    tpu.enqueue_dma source(%dma_start3A_31 : memref<2x128xi32, #tpu.memory_space<hbm>>) target(%dma_start3A_27 : memref<2x128xi32, #tpu.memory_space<vmem>>) target_semaphore(%arg11 : memref<!tpu.dma_semaphore, #tpu.memory_space<semaphore_mem>>)
    %dma_start3A_32 = arith.constant 1 : i32
    %dma_start3A_33 = arith.constant 1 : i32
    %dma_start3A_34 = arith.constant 0 : i32
    %dma_start3A_35 = tpu.memref_slice %arg6[%dma_start3A_33, %dma_start3A_34] : memref<3x256xi32, #tpu.memory_space<vmem>> -> memref<1x256xi32, #tpu.memory_space<vmem>>
    %dma_start3A_36 = tpu.memref_squeeze %dma_start3A_35 : memref<1x256xi32, #tpu.memory_space<vmem>> -> memref<256xi32, #tpu.memory_space<vmem>>
    %dma_start3A_37 = arith.constant 0 : i32
    %dma_start3A_38 = tpu.memref_slice %arg3[%arg1, %dma_start3A_32, %dma_start3A_37] : memref<16x80x256xi32, #tpu.memory_space<hbm>> -> memref<1x1x256xi32, #tpu.memory_space<hbm>>
    %dma_start3A_39 = tpu.memref_squeeze %dma_start3A_38 : memref<1x1x256xi32, #tpu.memory_space<hbm>> -> memref<256xi32, #tpu.memory_space<hbm>>
    %dma_start3A_40 = arith.constant 0 : i32
    %dma_start3A_41 = tpu.memref_slice %arg6[%dma_start3A_33, %dma_start3A_40] : memref<3x256xi32, #tpu.memory_space<vmem>> -> memref<1x256xi32, #tpu.memory_space<vmem>>
    %dma_start3A_42 = tpu.memref_squeeze %dma_start3A_41 : memref<1x256xi32, #tpu.memory_space<vmem>> -> memref<256xi32, #tpu.memory_space<vmem>>
    %dma_start3A_43 = arith.constant 0 : i32
    %dma_start3A_44 = tpu.memref_slice %arg3[%arg1, %dma_start3A_32, %dma_start3A_43] : memref<16x80x256xi32, #tpu.memory_space<hbm>> -> memref<1x1x256xi32, #tpu.memory_space<hbm>>
    %dma_start3A_45 = tpu.memref_squeeze %dma_start3A_44 : memref<1x1x256xi32, #tpu.memory_space<hbm>> -> memref<256xi32, #tpu.memory_space<hbm>>
    tpu.enqueue_dma source(%dma_start3A_45 : memref<256xi32, #tpu.memory_space<hbm>>) target(%dma_start3A_42 : memref<256xi32, #tpu.memory_space<vmem>>) target_semaphore(%arg11 : memref<!tpu.dma_semaphore, #tpu.memory_space<semaphore_mem>>)
    %dma_start3A_46 = arith.constant 1 : i32
    %dma_start3A_47 = arith.constant 1 : i32
    %dma_start3A_48 = arith.constant 0 : i32
    %dma_start3A_49 = arith.constant 0 : i32
    %dma_start3A_50 = tpu.memref_slice %arg7[%dma_start3A_47, %dma_start3A_48, %dma_start3A_49] : memref<3x2x128xi32, #tpu.memory_space<vmem>> -> memref<1x2x128xi32, #tpu.memory_space<vmem>>
    %dma_start3A_51 = tpu.memref_squeeze %dma_start3A_50 : memref<1x2x128xi32, #tpu.memory_space<vmem>> -> memref<2x128xi32, #tpu.memory_space<vmem>>
    %dma_start3A_52 = arith.constant 0 : i32
    %dma_start3A_53 = arith.constant 0 : i32
    %dma_start3A_54 = tpu.memref_slice %arg4[%arg1, %dma_start3A_46, %dma_start3A_52, %dma_start3A_53] : memref<16x80x2x128xi32, #tpu.memory_space<hbm>> -> memref<1x1x2x128xi32, #tpu.memory_space<hbm>>
    %dma_start3A_55 = tpu.memref_squeeze %dma_start3A_54 : memref<1x1x2x128xi32, #tpu.memory_space<hbm>> -> memref<2x128xi32, #tpu.memory_space<hbm>>
    %dma_start3A_56 = arith.constant 0 : i32
    %dma_start3A_57 = arith.constant 0 : i32
    %dma_start3A_58 = tpu.memref_slice %arg7[%dma_start3A_47, %dma_start3A_56, %dma_start3A_57] : memref<3x2x128xi32, #tpu.memory_space<vmem>> -> memref<1x2x128xi32, #tpu.memory_space<vmem>>
    %dma_start3A_59 = tpu.memref_squeeze %dma_start3A_58 : memref<1x2x128xi32, #tpu.memory_space<vmem>> -> memref<2x128xi32, #tpu.memory_space<vmem>>
    %dma_start3A_60 = arith.constant 0 : i32
    %dma_start3A_61 = arith.constant 0 : i32
    %dma_start3A_62 = tpu.memref_slice %arg4[%arg1, %dma_start3A_46, %dma_start3A_60, %dma_start3A_61] : memref<16x80x2x128xi32, #tpu.memory_space<hbm>> -> memref<1x1x2x128xi32, #tpu.memory_space<hbm>>
    %dma_start3A_63 = tpu.memref_squeeze %dma_start3A_62 : memref<1x1x2x128xi32, #tpu.memory_space<hbm>> -> memref<2x128xi32, #tpu.memory_space<hbm>>
    tpu.enqueue_dma source(%dma_start3A_63 : memref<2x128xi32, #tpu.memory_space<hbm>>) target(%dma_start3A_59 : memref<2x128xi32, #tpu.memory_space<vmem>>) target_semaphore(%arg11 : memref<!tpu.dma_semaphore, #tpu.memory_space<semaphore_mem>>)
    %dma_start3A_64 = arith.constant 2 : i32
    %dma_start3A_65 = arith.constant 2 : i32
    %dma_start3A_66 = arith.constant 0 : i32
    %dma_start3A_67 = tpu.memref_slice %arg6[%dma_start3A_65, %dma_start3A_66] : memref<3x256xi32, #tpu.memory_space<vmem>> -> memref<1x256xi32, #tpu.memory_space<vmem>>
    %dma_start3A_68 = tpu.memref_squeeze %dma_start3A_67 : memref<1x256xi32, #tpu.memory_space<vmem>> -> memref<256xi32, #tpu.memory_space<vmem>>
    %dma_start3A_69 = arith.constant 0 : i32
    %dma_start3A_70 = tpu.memref_slice %arg3[%arg1, %dma_start3A_64, %dma_start3A_69] : memref<16x80x256xi32, #tpu.memory_space<hbm>> -> memref<1x1x256xi32, #tpu.memory_space<hbm>>
    %dma_start3A_71 = tpu.memref_squeeze %dma_start3A_70 : memref<1x1x256xi32, #tpu.memory_space<hbm>> -> memref<256xi32, #tpu.memory_space<hbm>>
    %dma_start3A_72 = arith.constant 0 : i32
    %dma_start3A_73 = tpu.memref_slice %arg6[%dma_start3A_65, %dma_start3A_72] : memref<3x256xi32, #tpu.memory_space<vmem>> -> memref<1x256xi32, #tpu.memory_space<vmem>>
    %dma_start3A_74 = tpu.memref_squeeze %dma_start3A_73 : memref<1x256xi32, #tpu.memory_space<vmem>> -> memref<256xi32, #tpu.memory_space<vmem>>
    %dma_start3A_75 = arith.constant 0 : i32
    %dma_start3A_76 = tpu.memref_slice %arg3[%arg1, %dma_start3A_64, %dma_start3A_75] : memref<16x80x256xi32, #tpu.memory_space<hbm>> -> memref<1x1x256xi32, #tpu.memory_space<hbm>>
    %dma_start3A_77 = tpu.memref_squeeze %dma_start3A_76 : memref<1x1x256xi32, #tpu.memory_space<hbm>> -> memref<256xi32, #tpu.memory_space<hbm>>
    tpu.enqueue_dma source(%dma_start3A_77 : memref<256xi32, #tpu.memory_space<hbm>>) target(%dma_start3A_74 : memref<256xi32, #tpu.memory_space<vmem>>) target_semaphore(%arg11 : memref<!tpu.dma_semaphore, #tpu.memory_space<semaphore_mem>>)
    %dma_start3A_78 = arith.constant 2 : i32
    %dma_start3A_79 = arith.constant 2 : i32
    %dma_start3A_80 = arith.constant 0 : i32
    %dma_start3A_81 = arith.constant 0 : i32
    %dma_start3A_82 = tpu.memref_slice %arg7[%dma_start3A_79, %dma_start3A_80, %dma_start3A_81] : memref<3x2x128xi32, #tpu.memory_space<vmem>> -> memref<1x2x128xi32, #tpu.memory_space<vmem>>
    %dma_start3A_83 = tpu.memref_squeeze %dma_start3A_82 : memref<1x2x128xi32, #tpu.memory_space<vmem>> -> memref<2x128xi32, #tpu.memory_space<vmem>>
    %dma_start3A_84 = arith.constant 0 : i32
    %dma_start3A_85 = arith.constant 0 : i32
    %dma_start3A_86 = tpu.memref_slice %arg4[%arg1, %dma_start3A_78, %dma_start3A_84, %dma_start3A_85] : memref<16x80x2x128xi32, #tpu.memory_space<hbm>> -> memref<1x1x2x128xi32, #tpu.memory_space<hbm>>
    %dma_start3A_87 = tpu.memref_squeeze %dma_start3A_86 : memref<1x1x2x128xi32, #tpu.memory_space<hbm>> -> memref<2x128xi32, #tpu.memory_space<hbm>>
    %dma_start3A_88 = arith.constant 0 : i32
    %dma_start3A_89 = arith.constant 0 : i32
    %dma_start3A_90 = tpu.memref_slice %arg7[%dma_start3A_79, %dma_start3A_88, %dma_start3A_89] : memref<3x2x128xi32, #tpu.memory_space<vmem>> -> memref<1x2x128xi32, #tpu.memory_space<vmem>>
    %dma_start3A_91 = tpu.memref_squeeze %dma_start3A_90 : memref<1x2x128xi32, #tpu.memory_space<vmem>> -> memref<2x128xi32, #tpu.memory_space<vmem>>
    %dma_start3A_92 = arith.constant 0 : i32
    %dma_start3A_93 = arith.constant 0 : i32
    %dma_start3A_94 = tpu.memref_slice %arg4[%arg1, %dma_start3A_78, %dma_start3A_92, %dma_start3A_93] : memref<16x80x2x128xi32, #tpu.memory_space<hbm>> -> memref<1x1x2x128xi32, #tpu.memory_space<hbm>>
    %dma_start3A_95 = tpu.memref_squeeze %dma_start3A_94 : memref<1x1x2x128xi32, #tpu.memory_space<hbm>> -> memref<2x128xi32, #tpu.memory_space<hbm>>
    tpu.enqueue_dma source(%dma_start3A_95 : memref<2x128xi32, #tpu.memory_space<hbm>>) target(%dma_start3A_91 : memref<2x128xi32, #tpu.memory_space<vmem>>) target_semaphore(%arg11 : memref<!tpu.dma_semaphore, #tpu.memory_space<semaphore_mem>>)
    %scan3A = arith.constant 0 : i32
    %scan3A_96 = arith.constant 0 : i32
    %scan3A_97 = arith.constant 128 : i32
    %scan3A_98 = arith.addi %scan3A_96, %scan3A_97 : i32
    %scan3A_99 = arith.constant 1 : i32
    scf.for %scan3A_526 = %scan3A_96 to %scan3A_98 step %scan3A_99  : i32 {
      %broadcast_in_dim3A = arith.constant 0.000000e+00 : f32
      %broadcast_in_dim3A_527 = vector.broadcast %broadcast_in_dim3A : f32 to vector<16xf32>
      %swap3A = arith.constant 0 : i32
      %swap3A_528 = arith.index_cast %swap3A : i32 to index
      %swap3A_529 = arith.index_cast %scan3A_526 : i32 to index
      %swap3A_530 = arith.constant 0 : index
      %swap3A_531 = tpu.vector_load %arg8[%swap3A_528, %swap3A_529, %swap3A_530] {strides = array<i32>} : memref<4x128x64xf32, #tpu.memory_space<vmem>>, vector<16xf32>,
      tpu.vector_store %arg8[%swap3A_528, %swap3A_529, %swap3A_530], %broadcast_in_dim3A_527 {strides = array<i32>} : memref<4x128x64xf32, #tpu.memory_space<vmem>>, vector<16xf32>,
      %broadcast_in_dim3A_532 = arith.constant 0.000000e+00 : f32
      %broadcast_in_dim3A_533 = vector.broadcast %broadcast_in_dim3A_532 : f32 to vector<16xf32>
      %swap3A_534 = arith.constant 0 : i32
      %swap3A_535 = arith.index_cast %swap3A_534 : i32 to index
      %swap3A_536 = arith.index_cast %scan3A_526 : i32 to index
      %swap3A_537 = arith.constant 16 : index
      %swap3A_538 = tpu.vector_load %arg8[%swap3A_535, %swap3A_536, %swap3A_537] {strides = array<i32>} : memref<4x128x64xf32, #tpu.memory_space<vmem>>, vector<16xf32>,
      tpu.vector_store %arg8[%swap3A_535, %swap3A_536, %swap3A_537], %broadcast_in_dim3A_533 {strides = array<i32>} : memref<4x128x64xf32, #tpu.memory_space<vmem>>, vector<16xf32>,
      %broadcast_in_dim3A_539 = arith.constant 0.000000e+00 : f32
      %broadcast_in_dim3A_540 = vector.broadcast %broadcast_in_dim3A_539 : f32 to vector<16xf32>
      %swap3A_541 = arith.constant 0 : i32
      %swap3A_542 = arith.index_cast %swap3A_541 : i32 to index
      %swap3A_543 = arith.index_cast %scan3A_526 : i32 to index
      %swap3A_544 = arith.constant 32 : index
      %swap3A_545 = tpu.vector_load %arg8[%swap3A_542, %swap3A_543, %swap3A_544] {strides = array<i32>} : memref<4x128x64xf32, #tpu.memory_space<vmem>>, vector<16xf32>,
      tpu.vector_store %arg8[%swap3A_542, %swap3A_543, %swap3A_544], %broadcast_in_dim3A_540 {strides = array<i32>} : memref<4x128x64xf32, #tpu.memory_space<vmem>>, vector<16xf32>,
      %broadcast_in_dim3A_546 = arith.constant 0.000000e+00 : f32
      %broadcast_in_dim3A_547 = vector.broadcast %broadcast_in_dim3A_546 : f32 to vector<16xf32>
      %swap3A_548 = arith.constant 0 : i32
      %swap3A_549 = arith.index_cast %swap3A_548 : i32 to index
      %swap3A_550 = arith.index_cast %scan3A_526 : i32 to index
      %swap3A_551 = arith.constant 48 : index
      %swap3A_552 = tpu.vector_load %arg8[%swap3A_549, %swap3A_550, %swap3A_551] {strides = array<i32>} : memref<4x128x64xf32, #tpu.memory_space<vmem>>, vector<16xf32>,
      tpu.vector_store %arg8[%swap3A_549, %swap3A_550, %swap3A_551], %broadcast_in_dim3A_547 {strides = array<i32>} : memref<4x128x64xf32, #tpu.memory_space<vmem>>, vector<16xf32>,
    }
    %scan3A_100 = arith.constant 128 : i32
    %add3A = arith.constant 0 : i32
    %add3A_101 = arith.addi %mul3A_0, %add3A : i32
    %run_scoped3A = arith.constant 0 : i32
    "tpu.region"() ({
      %run_scoped3A_526 = tpu.sem_alloc : memref<!tpu.dma_semaphore, #tpu.memory_space<semaphore_mem>>
      %dma_start3A_527 = arith.constant 0 : i32
      %dma_start3A_528 = arith.constant 0 : i32
      %dma_start3A_529 = tpu.memref_slice %arg8[%run_scoped3A, %dma_start3A_527, %dma_start3A_528] : memref<4x128x64xf32, #tpu.memory_space<vmem>> -> memref<1x128x64xf32, #tpu.memory_space<vmem>>
      %dma_start3A_530 = tpu.memref_squeeze %dma_start3A_529 : memref<1x128x64xf32, #tpu.memory_space<vmem>> -> memref<128x64xf32, #tpu.memory_space<vmem>>
      %dma_start3A_531 = arith.constant 0 : i32
      %dma_start3A_532 = tpu.memref_slice %arg10[%add3A_101, %dma_start3A_531] : memref<10240x64xf32, #tpu.memory_space<vmem_shared>> -> memref<128x64xf32, #tpu.memory_space<vmem_shared>>
      %dma_start3A_533 = arith.constant 0 : i32
      %dma_start3A_534 = tpu.memref_slice %arg10[%add3A_101, %dma_start3A_533] : memref<10240x64xf32, #tpu.memory_space<vmem_shared>> -> memref<128x64xf32, #tpu.memory_space<vmem_shared>>
      %dma_start3A_535 = arith.constant 0 : i32
      %dma_start3A_536 = arith.constant 0 : i32
      %dma_start3A_537 = tpu.memref_slice %arg8[%run_scoped3A, %dma_start3A_535, %dma_start3A_536] : memref<4x128x64xf32, #tpu.memory_space<vmem>> -> memref<1x128x64xf32, #tpu.memory_space<vmem>>
      %dma_start3A_538 = tpu.memref_squeeze %dma_start3A_537 : memref<1x128x64xf32, #tpu.memory_space<vmem>> -> memref<128x64xf32, #tpu.memory_space<vmem>>
      tpu.enqueue_dma source(%dma_start3A_538 : memref<128x64xf32, #tpu.memory_space<vmem>>) target(%dma_start3A_534 : memref<128x64xf32, #tpu.memory_space<vmem_shared>>) target_semaphore(%run_scoped3A_526 : memref<!tpu.dma_semaphore, #tpu.memory_space<semaphore_mem>>)
      %dma_wait3A_539 = arith.constant 0 : i32
      %dma_wait3A_540 = arith.constant 0 : i32
      %dma_wait3A_541 = tpu.memref_slice %arg8[%run_scoped3A, %dma_wait3A_539, %dma_wait3A_540] : memref<4x128x64xf32, #tpu.memory_space<vmem>> -> memref<1x128x64xf32, #tpu.memory_space<vmem>>
      %dma_wait3A_542 = tpu.memref_squeeze %dma_wait3A_541 : memref<1x128x64xf32, #tpu.memory_space<vmem>> -> memref<128x64xf32, #tpu.memory_space<vmem>>
      %dma_wait3A_543 = arith.constant 0 : i32
      %dma_wait3A_544 = tpu.memref_slice %arg10[%add3A_101, %dma_wait3A_543] : memref<10240x64xf32, #tpu.memory_space<vmem_shared>> -> memref<128x64xf32, #tpu.memory_space<vmem_shared>>
      %dma_wait3A_545 = arith.constant 0 : i32
      %dma_wait3A_546 = tpu.memref_slice %arg10[%add3A_101, %dma_wait3A_545] : memref<10240x64xf32, #tpu.memory_space<vmem_shared>> -> memref<128x64xf32, #tpu.memory_space<vmem_shared>>
      %dma_wait3A_547 = arith.constant 0 : i32
      %dma_wait3A_548 = arith.constant 0 : i32
      %dma_wait3A_549 = tpu.memref_slice %arg8[%run_scoped3A, %dma_wait3A_547, %dma_wait3A_548] : memref<4x128x64xf32, #tpu.memory_space<vmem>> -> memref<1x128x64xf32, #tpu.memory_space<vmem>>
      %dma_wait3A_550 = tpu.memref_squeeze %dma_wait3A_549 : memref<1x128x64xf32, #tpu.memory_space<vmem>> -> memref<128x64xf32, #tpu.memory_space<vmem>>
      tpu.wait_dma2 semaphore(%run_scoped3A_526 : memref<!tpu.dma_semaphore, #tpu.memory_space<semaphore_mem>>) src(%dma_wait3A_550 : memref<128x64xf32, #tpu.memory_space<vmem>>) dst(%dma_wait3A_546 : memref<128x64xf32, #tpu.memory_space<vmem_shared>>)
      tpu.yield
    }) : () -> ()
    %add3A_102 = arith.constant 128 : i32
    %add3A_103 = arith.addi %mul3A_0, %add3A_102 : i32
    %run_scoped3A_104 = arith.constant 0 : i32
    "tpu.region"() ({
      %run_scoped3A_526 = tpu.sem_alloc : memref<!tpu.dma_semaphore, #tpu.memory_space<semaphore_mem>>
      %dma_start3A_527 = arith.constant 0 : i32
      %dma_start3A_528 = arith.constant 0 : i32
      %dma_start3A_529 = tpu.memref_slice %arg8[%run_scoped3A_104, %dma_start3A_527, %dma_start3A_528] : memref<4x128x64xf32, #tpu.memory_space<vmem>> -> memref<1x128x64xf32, #tpu.memory_space<vmem>>
      %dma_start3A_530 = tpu.memref_squeeze %dma_start3A_529 : memref<1x128x64xf32, #tpu.memory_space<vmem>> -> memref<128x64xf32, #tpu.memory_space<vmem>>
      %dma_start3A_531 = arith.constant 0 : i32
      %dma_start3A_532 = tpu.memref_slice %arg10[%add3A_103, %dma_start3A_531] : memref<10240x64xf32, #tpu.memory_space<vmem_shared>> -> memref<128x64xf32, #tpu.memory_space<vmem_shared>>
      %dma_start3A_533 = arith.constant 0 : i32
      %dma_start3A_534 = tpu.memref_slice %arg10[%add3A_103, %dma_start3A_533] : memref<10240x64xf32, #tpu.memory_space<vmem_shared>> -> memref<128x64xf32, #tpu.memory_space<vmem_shared>>
      %dma_start3A_535 = arith.constant 0 : i32
      %dma_start3A_536 = arith.constant 0 : i32
      %dma_start3A_537 = tpu.memref_slice %arg8[%run_scoped3A_104, %dma_start3A_535, %dma_start3A_536] : memref<4x128x64xf32, #tpu.memory_space<vmem>> -> memref<1x128x64xf32, #tpu.memory_space<vmem>>
      %dma_start3A_538 = tpu.memref_squeeze %dma_start3A_537 : memref<1x128x64xf32, #tpu.memory_space<vmem>> -> memref<128x64xf32, #tpu.memory_space<vmem>>
      tpu.enqueue_dma source(%dma_start3A_538 : memref<128x64xf32, #tpu.memory_space<vmem>>) target(%dma_start3A_534 : memref<128x64xf32, #tpu.memory_space<vmem_shared>>) target_semaphore(%run_scoped3A_526 : memref<!tpu.dma_semaphore, #tpu.memory_space<semaphore_mem>>)
      %dma_wait3A_539 = arith.constant 0 : i32
      %dma_wait3A_540 = arith.constant 0 : i32
      %dma_wait3A_541 = tpu.memref_slice %arg8[%run_scoped3A_104, %dma_wait3A_539, %dma_wait3A_540] : memref<4x128x64xf32, #tpu.memory_space<vmem>> -> memref<1x128x64xf32, #tpu.memory_space<vmem>>
      %dma_wait3A_542 = tpu.memref_squeeze %dma_wait3A_541 : memref<1x128x64xf32, #tpu.memory_space<vmem>> -> memref<128x64xf32, #tpu.memory_space<vmem>>
      %dma_wait3A_543 = arith.constant 0 : i32
      %dma_wait3A_544 = tpu.memref_slice %arg10[%add3A_103, %dma_wait3A_543] : memref<10240x64xf32, #tpu.memory_space<vmem_shared>> -> memref<128x64xf32, #tpu.memory_space<vmem_shared>>
      %dma_wait3A_545 = arith.constant 0 : i32
      %dma_wait3A_546 = tpu.memref_slice %arg10[%add3A_103, %dma_wait3A_545] : memref<10240x64xf32, #tpu.memory_space<vmem_shared>> -> memref<128x64xf32, #tpu.memory_space<vmem_shared>>
      %dma_wait3A_547 = arith.constant 0 : i32
      %dma_wait3A_548 = arith.constant 0 : i32
      %dma_wait3A_549 = tpu.memref_slice %arg8[%run_scoped3A_104, %dma_wait3A_547, %dma_wait3A_548] : memref<4x128x64xf32, #tpu.memory_space<vmem>> -> memref<1x128x64xf32, #tpu.memory_space<vmem>>
      %dma_wait3A_550 = tpu.memref_squeeze %dma_wait3A_549 : memref<1x128x64xf32, #tpu.memory_space<vmem>> -> memref<128x64xf32, #tpu.memory_space<vmem>>
      tpu.wait_dma2 semaphore(%run_scoped3A_526 : memref<!tpu.dma_semaphore, #tpu.memory_space<semaphore_mem>>) src(%dma_wait3A_550 : memref<128x64xf32, #tpu.memory_space<vmem>>) dst(%dma_wait3A_546 : memref<128x64xf32, #tpu.memory_space<vmem_shared>>)
      tpu.yield
    }) : () -> ()
    %add3A_105 = arith.constant 256 : i32
    %add3A_106 = arith.addi %mul3A_0, %add3A_105 : i32
    %run_scoped3A_107 = arith.constant 0 : i32
    "tpu.region"() ({
      %run_scoped3A_526 = tpu.sem_alloc : memref<!tpu.dma_semaphore, #tpu.memory_space<semaphore_mem>>
      %dma_start3A_527 = arith.constant 0 : i32
      %dma_start3A_528 = arith.constant 0 : i32
      %dma_start3A_529 = tpu.memref_slice %arg8[%run_scoped3A_107, %dma_start3A_527, %dma_start3A_528] : memref<4x128x64xf32, #tpu.memory_space<vmem>> -> memref<1x128x64xf32, #tpu.memory_space<vmem>>
      %dma_start3A_530 = tpu.memref_squeeze %dma_start3A_529 : memref<1x128x64xf32, #tpu.memory_space<vmem>> -> memref<128x64xf32, #tpu.memory_space<vmem>>
      %dma_start3A_531 = arith.constant 0 : i32
      %dma_start3A_532 = tpu.memref_slice %arg10[%add3A_106, %dma_start3A_531] : memref<10240x64xf32, #tpu.memory_space<vmem_shared>> -> memref<128x64xf32, #tpu.memory_space<vmem_shared>>
      %dma_start3A_533 = arith.constant 0 : i32
      %dma_start3A_534 = tpu.memref_slice %arg10[%add3A_106, %dma_start3A_533] : memref<10240x64xf32, #tpu.memory_space<vmem_shared>> -> memref<128x64xf32, #tpu.memory_space<vmem_shared>>
      %dma_start3A_535 = arith.constant 0 : i32
      %dma_start3A_536 = arith.constant 0 : i32
      %dma_start3A_537 = tpu.memref_slice %arg8[%run_scoped3A_107, %dma_start3A_535, %dma_start3A_536] : memref<4x128x64xf32, #tpu.memory_space<vmem>> -> memref<1x128x64xf32, #tpu.memory_space<vmem>>
      %dma_start3A_538 = tpu.memref_squeeze %dma_start3A_537 : memref<1x128x64xf32, #tpu.memory_space<vmem>> -> memref<128x64xf32, #tpu.memory_space<vmem>>
      tpu.enqueue_dma source(%dma_start3A_538 : memref<128x64xf32, #tpu.memory_space<vmem>>) target(%dma_start3A_534 : memref<128x64xf32, #tpu.memory_space<vmem_shared>>) target_semaphore(%run_scoped3A_526 : memref<!tpu.dma_semaphore, #tpu.memory_space<semaphore_mem>>)
      %dma_wait3A_539 = arith.constant 0 : i32
      %dma_wait3A_540 = arith.constant 0 : i32
      %dma_wait3A_541 = tpu.memref_slice %arg8[%run_scoped3A_107, %dma_wait3A_539, %dma_wait3A_540] : memref<4x128x64xf32, #tpu.memory_space<vmem>> -> memref<1x128x64xf32, #tpu.memory_space<vmem>>
      %dma_wait3A_542 = tpu.memref_squeeze %dma_wait3A_541 : memref<1x128x64xf32, #tpu.memory_space<vmem>> -> memref<128x64xf32, #tpu.memory_space<vmem>>
      %dma_wait3A_543 = arith.constant 0 : i32
      %dma_wait3A_544 = tpu.memref_slice %arg10[%add3A_106, %dma_wait3A_543] : memref<10240x64xf32, #tpu.memory_space<vmem_shared>> -> memref<128x64xf32, #tpu.memory_space<vmem_shared>>
      %dma_wait3A_545 = arith.constant 0 : i32
      %dma_wait3A_546 = tpu.memref_slice %arg10[%add3A_106, %dma_wait3A_545] : memref<10240x64xf32, #tpu.memory_space<vmem_shared>> -> memref<128x64xf32, #tpu.memory_space<vmem_shared>>
      %dma_wait3A_547 = arith.constant 0 : i32
      %dma_wait3A_548 = arith.constant 0 : i32
      %dma_wait3A_549 = tpu.memref_slice %arg8[%run_scoped3A_107, %dma_wait3A_547, %dma_wait3A_548] : memref<4x128x64xf32, #tpu.memory_space<vmem>> -> memref<1x128x64xf32, #tpu.memory_space<vmem>>
      %dma_wait3A_550 = tpu.memref_squeeze %dma_wait3A_549 : memref<1x128x64xf32, #tpu.memory_space<vmem>> -> memref<128x64xf32, #tpu.memory_space<vmem>>
      tpu.wait_dma2 semaphore(%run_scoped3A_526 : memref<!tpu.dma_semaphore, #tpu.memory_space<semaphore_mem>>) src(%dma_wait3A_550 : memref<128x64xf32, #tpu.memory_space<vmem>>) dst(%dma_wait3A_546 : memref<128x64xf32, #tpu.memory_space<vmem_shared>>)
      tpu.yield
    }) : () -> ()
    %add3A_108 = arith.constant 384 : i32
    %add3A_109 = arith.addi %mul3A_0, %add3A_108 : i32
    %run_scoped3A_110 = arith.constant 0 : i32
    "tpu.region"() ({
      %run_scoped3A_526 = tpu.sem_alloc : memref<!tpu.dma_semaphore, #tpu.memory_space<semaphore_mem>>
      %dma_start3A_527 = arith.constant 0 : i32
      %dma_start3A_528 = arith.constant 0 : i32
      %dma_start3A_529 = tpu.memref_slice %arg8[%run_scoped3A_110, %dma_start3A_527, %dma_start3A_528] : memref<4x128x64xf32, #tpu.memory_space<vmem>> -> memref<1x128x64xf32, #tpu.memory_space<vmem>>
      %dma_start3A_530 = tpu.memref_squeeze %dma_start3A_529 : memref<1x128x64xf32, #tpu.memory_space<vmem>> -> memref<128x64xf32, #tpu.memory_space<vmem>>
      %dma_start3A_531 = arith.constant 0 : i32
      %dma_start3A_532 = tpu.memref_slice %arg10[%add3A_109, %dma_start3A_531] : memref<10240x64xf32, #tpu.memory_space<vmem_shared>> -> memref<128x64xf32, #tpu.memory_space<vmem_shared>>
      %dma_start3A_533 = arith.constant 0 : i32
      %dma_start3A_534 = tpu.memref_slice %arg10[%add3A_109, %dma_start3A_533] : memref<10240x64xf32, #tpu.memory_space<vmem_shared>> -> memref<128x64xf32, #tpu.memory_space<vmem_shared>>
      %dma_start3A_535 = arith.constant 0 : i32
      %dma_start3A_536 = arith.constant 0 : i32
      %dma_start3A_537 = tpu.memref_slice %arg8[%run_scoped3A_110, %dma_start3A_535, %dma_start3A_536] : memref<4x128x64xf32, #tpu.memory_space<vmem>> -> memref<1x128x64xf32, #tpu.memory_space<vmem>>
      %dma_start3A_538 = tpu.memref_squeeze %dma_start3A_537 : memref<1x128x64xf32, #tpu.memory_space<vmem>> -> memref<128x64xf32, #tpu.memory_space<vmem>>
      tpu.enqueue_dma source(%dma_start3A_538 : memref<128x64xf32, #tpu.memory_space<vmem>>) target(%dma_start3A_534 : memref<128x64xf32, #tpu.memory_space<vmem_shared>>) target_semaphore(%run_scoped3A_526 : memref<!tpu.dma_semaphore, #tpu.memory_space<semaphore_mem>>)
      %dma_wait3A_539 = arith.constant 0 : i32
      %dma_wait3A_540 = arith.constant 0 : i32
      %dma_wait3A_541 = tpu.memref_slice %arg8[%run_scoped3A_110, %dma_wait3A_539, %dma_wait3A_540] : memref<4x128x64xf32, #tpu.memory_space<vmem>> -> memref<1x128x64xf32, #tpu.memory_space<vmem>>
      %dma_wait3A_542 = tpu.memref_squeeze %dma_wait3A_541 : memref<1x128x64xf32, #tpu.memory_space<vmem>> -> memref<128x64xf32, #tpu.memory_space<vmem>>
      %dma_wait3A_543 = arith.constant 0 : i32
      %dma_wait3A_544 = tpu.memref_slice %arg10[%add3A_109, %dma_wait3A_543] : memref<10240x64xf32, #tpu.memory_space<vmem_shared>> -> memref<128x64xf32, #tpu.memory_space<vmem_shared>>
      %dma_wait3A_545 = arith.constant 0 : i32
      %dma_wait3A_546 = tpu.memref_slice %arg10[%add3A_109, %dma_wait3A_545] : memref<10240x64xf32, #tpu.memory_space<vmem_shared>> -> memref<128x64xf32, #tpu.memory_space<vmem_shared>>
      %dma_wait3A_547 = arith.constant 0 : i32
      %dma_wait3A_548 = arith.constant 0 : i32
      %dma_wait3A_549 = tpu.memref_slice %arg8[%run_scoped3A_110, %dma_wait3A_547, %dma_wait3A_548] : memref<4x128x64xf32, #tpu.memory_space<vmem>> -> memref<1x128x64xf32, #tpu.memory_space<vmem>>
      %dma_wait3A_550 = tpu.memref_squeeze %dma_wait3A_549 : memref<1x128x64xf32, #tpu.memory_space<vmem>> -> memref<128x64xf32, #tpu.memory_space<vmem>>
      tpu.wait_dma2 semaphore(%run_scoped3A_526 : memref<!tpu.dma_semaphore, #tpu.memory_space<semaphore_mem>>) src(%dma_wait3A_550 : memref<128x64xf32, #tpu.memory_space<vmem>>) dst(%dma_wait3A_546 : memref<128x64xf32, #tpu.memory_space<vmem_shared>>)
      tpu.yield
    }) : () -> ()
    %add3A_111 = arith.constant 512 : i32
    %add3A_112 = arith.addi %mul3A_0, %add3A_111 : i32
    %run_scoped3A_113 = arith.constant 0 : i32
    "tpu.region"() ({
      %run_scoped3A_526 = tpu.sem_alloc : memref<!tpu.dma_semaphore, #tpu.memory_space<semaphore_mem>>
      %dma_start3A_527 = arith.constant 0 : i32
      %dma_start3A_528 = arith.constant 0 : i32
      %dma_start3A_529 = tpu.memref_slice %arg8[%run_scoped3A_113, %dma_start3A_527, %dma_start3A_528] : memref<4x128x64xf32, #tpu.memory_space<vmem>> -> memref<1x128x64xf32, #tpu.memory_space<vmem>>
      %dma_start3A_530 = tpu.memref_squeeze %dma_start3A_529 : memref<1x128x64xf32, #tpu.memory_space<vmem>> -> memref<128x64xf32, #tpu.memory_space<vmem>>
      %dma_start3A_531 = arith.constant 0 : i32
      %dma_start3A_532 = tpu.memref_slice %arg10[%add3A_112, %dma_start3A_531] : memref<10240x64xf32, #tpu.memory_space<vmem_shared>> -> memref<128x64xf32, #tpu.memory_space<vmem_shared>>
      %dma_start3A_533 = arith.constant 0 : i32
      %dma_start3A_534 = tpu.memref_slice %arg10[%add3A_112, %dma_start3A_533] : memref<10240x64xf32, #tpu.memory_space<vmem_shared>> -> memref<128x64xf32, #tpu.memory_space<vmem_shared>>
      %dma_start3A_535 = arith.constant 0 : i32
      %dma_start3A_536 = arith.constant 0 : i32
      %dma_start3A_537 = tpu.memref_slice %arg8[%run_scoped3A_113, %dma_start3A_535, %dma_start3A_536] : memref<4x128x64xf32, #tpu.memory_space<vmem>> -> memref<1x128x64xf32, #tpu.memory_space<vmem>>
      %dma_start3A_538 = tpu.memref_squeeze %dma_start3A_537 : memref<1x128x64xf32, #tpu.memory_space<vmem>> -> memref<128x64xf32, #tpu.memory_space<vmem>>
      tpu.enqueue_dma source(%dma_start3A_538 : memref<128x64xf32, #tpu.memory_space<vmem>>) target(%dma_start3A_534 : memref<128x64xf32, #tpu.memory_space<vmem_shared>>) target_semaphore(%run_scoped3A_526 : memref<!tpu.dma_semaphore, #tpu.memory_space<semaphore_mem>>)
      %dma_wait3A_539 = arith.constant 0 : i32
      %dma_wait3A_540 = arith.constant 0 : i32
      %dma_wait3A_541 = tpu.memref_slice %arg8[%run_scoped3A_113, %dma_wait3A_539, %dma_wait3A_540] : memref<4x128x64xf32, #tpu.memory_space<vmem>> -> memref<1x128x64xf32, #tpu.memory_space<vmem>>
      %dma_wait3A_542 = tpu.memref_squeeze %dma_wait3A_541 : memref<1x128x64xf32, #tpu.memory_space<vmem>> -> memref<128x64xf32, #tpu.memory_space<vmem>>
      %dma_wait3A_543 = arith.constant 0 : i32
      %dma_wait3A_544 = tpu.memref_slice %arg10[%add3A_112, %dma_wait3A_543] : memref<10240x64xf32, #tpu.memory_space<vmem_shared>> -> memref<128x64xf32, #tpu.memory_space<vmem_shared>>
      %dma_wait3A_545 = arith.constant 0 : i32
      %dma_wait3A_546 = tpu.memref_slice %arg10[%add3A_112, %dma_wait3A_545] : memref<10240x64xf32, #tpu.memory_space<vmem_shared>> -> memref<128x64xf32, #tpu.memory_space<vmem_shared>>
      %dma_wait3A_547 = arith.constant 0 : i32
      %dma_wait3A_548 = arith.constant 0 : i32
      %dma_wait3A_549 = tpu.memref_slice %arg8[%run_scoped3A_113, %dma_wait3A_547, %dma_wait3A_548] : memref<4x128x64xf32, #tpu.memory_space<vmem>> -> memref<1x128x64xf32, #tpu.memory_space<vmem>>
      %dma_wait3A_550 = tpu.memref_squeeze %dma_wait3A_549 : memref<1x128x64xf32, #tpu.memory_space<vmem>> -> memref<128x64xf32, #tpu.memory_space<vmem>>
      tpu.wait_dma2 semaphore(%run_scoped3A_526 : memref<!tpu.dma_semaphore, #tpu.memory_space<semaphore_mem>>) src(%dma_wait3A_550 : memref<128x64xf32, #tpu.memory_space<vmem>>) dst(%dma_wait3A_546 : memref<128x64xf32, #tpu.memory_space<vmem_shared>>)
      tpu.yield
    }) : () -> ()
    %mul3A_114 = arith.constant 625 : i32
    %mul3A_115 = arith.muli %arg1, %mul3A_114 : i32
    %mul3A_116 = arith.constant 625 : i32
    %mul3A_117 = arith.muli %arg1, %mul3A_116 : i32
    "tpu.region"() ({
      %run_scoped3A_526 = tpu.sem_alloc : memref<!tpu.dma_semaphore, #tpu.memory_space<semaphore_mem>>
      %dma_start3A_527 = arith.constant 0 : i32
      %dma_start3A_528 = tpu.memref_slice %arg9[%mul3A_117, %dma_start3A_527] : memref<10000x64xf32, #tpu.memory_space<vmem_shared>> -> memref<625x64xf32, #tpu.memory_space<vmem_shared>>
      %dma_start3A_529 = arith.constant 0 : i32
      %dma_start3A_530 = tpu.memref_slice %arg2[%arg0, %mul3A_115, %dma_start3A_529] : memref<2x10000x64xf32, #tpu.memory_space<hbm>> -> memref<1x625x64xf32, #tpu.memory_space<hbm>>
      %dma_start3A_531 = tpu.memref_squeeze %dma_start3A_530 : memref<1x625x64xf32, #tpu.memory_space<hbm>> -> memref<625x64xf32, #tpu.memory_space<hbm>>
      tpu.enqueue_dma source(%dma_start3A_531 : memref<625x64xf32, #tpu.memory_space<hbm>>) target(%dma_start3A_528 : memref<625x64xf32, #tpu.memory_space<vmem_shared>>) target_semaphore(%run_scoped3A_526 : memref<!tpu.dma_semaphore, #tpu.memory_space<semaphore_mem>>)
      %dma_wait3A_532 = arith.constant 0 : i32
      %dma_wait3A_533 = tpu.memref_slice %arg9[%mul3A_117, %dma_wait3A_532] : memref<10000x64xf32, #tpu.memory_space<vmem_shared>> -> memref<625x64xf32, #tpu.memory_space<vmem_shared>>
      %dma_wait3A_534 = arith.constant 0 : i32
      %dma_wait3A_535 = tpu.memref_slice %arg2[%arg0, %mul3A_115, %dma_wait3A_534] : memref<2x10000x64xf32, #tpu.memory_space<hbm>> -> memref<1x625x64xf32, #tpu.memory_space<hbm>>
      %dma_wait3A_536 = tpu.memref_squeeze %dma_wait3A_535 : memref<1x625x64xf32, #tpu.memory_space<hbm>> -> memref<625x64xf32, #tpu.memory_space<hbm>>
      tpu.wait_dma2 semaphore(%run_scoped3A_526 : memref<!tpu.dma_semaphore, #tpu.memory_space<semaphore_mem>>) src(%dma_wait3A_536 : memref<625x64xf32, #tpu.memory_space<hbm>>) dst(%dma_wait3A_533 : memref<625x64xf32, #tpu.memory_space<vmem_shared>>)
      tpu.yield
    }) : () -> ()
    %barrier3A = arith.constant 0 : index
    tpu.barrier barrier_id(%barrier3A)
    %dma_wait3A = arith.constant 0 : i32
    %dma_wait3A_118 = arith.constant 0 : i32
    %dma_wait3A_119 = arith.constant 0 : i32
    %dma_wait3A_120 = arith.constant 0 : i32
    %dma_wait3A_121 = tpu.memref_slice %arg6[%dma_wait3A_119, %dma_wait3A_120] : memref<3x256xi32, #tpu.memory_space<vmem>> -> memref<1x256xi32, #tpu.memory_space<vmem>>
    %dma_wait3A_122 = tpu.memref_squeeze %dma_wait3A_121 : memref<1x256xi32, #tpu.memory_space<vmem>> -> memref<256xi32, #tpu.memory_space<vmem>>
    %dma_wait3A_123 = arith.constant 0 : i32
    %dma_wait3A_124 = tpu.memref_slice %arg3[%dma_wait3A, %dma_wait3A_118, %dma_wait3A_123] : memref<16x80x256xi32, #tpu.memory_space<hbm>> -> memref<1x1x256xi32, #tpu.memory_space<hbm>>
    %dma_wait3A_125 = tpu.memref_squeeze %dma_wait3A_124 : memref<1x1x256xi32, #tpu.memory_space<hbm>> -> memref<256xi32, #tpu.memory_space<hbm>>
    %dma_wait3A_126 = arith.constant 0 : i32
    %dma_wait3A_127 = tpu.memref_slice %arg6[%dma_wait3A_119, %dma_wait3A_126] : memref<3x256xi32, #tpu.memory_space<vmem>> -> memref<1x256xi32, #tpu.memory_space<vmem>>
    %dma_wait3A_128 = tpu.memref_squeeze %dma_wait3A_127 : memref<1x256xi32, #tpu.memory_space<vmem>> -> memref<256xi32, #tpu.memory_space<vmem>>
    %dma_wait3A_129 = arith.constant 0 : i32
    %dma_wait3A_130 = tpu.memref_slice %arg3[%dma_wait3A, %dma_wait3A_118, %dma_wait3A_129] : memref<16x80x256xi32, #tpu.memory_space<hbm>> -> memref<1x1x256xi32, #tpu.memory_space<hbm>>
    %dma_wait3A_131 = tpu.memref_squeeze %dma_wait3A_130 : memref<1x1x256xi32, #tpu.memory_space<hbm>> -> memref<256xi32, #tpu.memory_space<hbm>>
    tpu.wait_dma2 semaphore(%arg11 : memref<!tpu.dma_semaphore, #tpu.memory_space<semaphore_mem>>) src(%dma_wait3A_131 : memref<256xi32, #tpu.memory_space<hbm>>) dst(%dma_wait3A_128 : memref<256xi32, #tpu.memory_space<vmem>>)
    %dma_wait3A_132 = arith.constant 0 : i32
    %dma_wait3A_133 = arith.constant 0 : i32
    %dma_wait3A_134 = arith.constant 0 : i32
    %dma_wait3A_135 = arith.constant 0 : i32
    %dma_wait3A_136 = arith.constant 0 : i32
    %dma_wait3A_137 = tpu.memref_slice %arg7[%dma_wait3A_134, %dma_wait3A_135, %dma_wait3A_136] : memref<3x2x128xi32, #tpu.memory_space<vmem>> -> memref<1x2x128xi32, #tpu.memory_space<vmem>>
    %dma_wait3A_138 = tpu.memref_squeeze %dma_wait3A_137 : memref<1x2x128xi32, #tpu.memory_space<vmem>> -> memref<2x128xi32, #tpu.memory_space<vmem>>
    %dma_wait3A_139 = arith.constant 0 : i32
    %dma_wait3A_140 = arith.constant 0 : i32
    %dma_wait3A_141 = tpu.memref_slice %arg4[%dma_wait3A_132, %dma_wait3A_133, %dma_wait3A_139, %dma_wait3A_140] : memref<16x80x2x128xi32, #tpu.memory_space<hbm>> -> memref<1x1x2x128xi32, #tpu.memory_space<hbm>>
    %dma_wait3A_142 = tpu.memref_squeeze %dma_wait3A_141 : memref<1x1x2x128xi32, #tpu.memory_space<hbm>> -> memref<2x128xi32, #tpu.memory_space<hbm>>
    %dma_wait3A_143 = arith.constant 0 : i32
    %dma_wait3A_144 = arith.constant 0 : i32
    %dma_wait3A_145 = tpu.memref_slice %arg7[%dma_wait3A_134, %dma_wait3A_143, %dma_wait3A_144] : memref<3x2x128xi32, #tpu.memory_space<vmem>> -> memref<1x2x128xi32, #tpu.memory_space<vmem>>
    %dma_wait3A_146 = tpu.memref_squeeze %dma_wait3A_145 : memref<1x2x128xi32, #tpu.memory_space<vmem>> -> memref<2x128xi32, #tpu.memory_space<vmem>>
    %dma_wait3A_147 = arith.constant 0 : i32
    %dma_wait3A_148 = arith.constant 0 : i32
    %dma_wait3A_149 = tpu.memref_slice %arg4[%dma_wait3A_132, %dma_wait3A_133, %dma_wait3A_147, %dma_wait3A_148] : memref<16x80x2x128xi32, #tpu.memory_space<hbm>> -> memref<1x1x2x128xi32, #tpu.memory_space<hbm>>
    %dma_wait3A_150 = tpu.memref_squeeze %dma_wait3A_149 : memref<1x1x2x128xi32, #tpu.memory_space<hbm>> -> memref<2x128xi32, #tpu.memory_space<hbm>>
    tpu.wait_dma2 semaphore(%arg11 : memref<!tpu.dma_semaphore, #tpu.memory_space<semaphore_mem>>) src(%dma_wait3A_150 : memref<2x128xi32, #tpu.memory_space<hbm>>) dst(%dma_wait3A_146 : memref<2x128xi32, #tpu.memory_space<vmem>>)
    %dma_start3A_151 = arith.constant 0 : i32
    %dma_start3A_152 = arith.constant 0 : i32
    %dma_start3A_153 = arith.constant 0 : i32
    %dma_start3A_154 = arith.constant 0 : i32
    %dma_start3A_155 = tpu.memref_slice %arg8[%dma_start3A_152, %dma_start3A_153, %dma_start3A_154] : memref<4x128x64xf32, #tpu.memory_space<vmem>> -> memref<1x128x64xf32, #tpu.memory_space<vmem>>
    %dma_start3A_156 = tpu.memref_squeeze %dma_start3A_155 : memref<1x128x64xf32, #tpu.memory_space<vmem>> -> memref<128x64xf32, #tpu.memory_space<vmem>>
    %dma_start3A_157 = arith.constant 0 : i32
    %dma_start3A_158 = tpu.memref_slice %arg6[%dma_start3A_151, %dma_start3A_157] : memref<3x256xi32, #tpu.memory_space<vmem>> -> memref<1x128xi32, #tpu.memory_space<vmem>>
    %dma_start3A_159 = tpu.memref_squeeze %dma_start3A_158 : memref<1x128xi32, #tpu.memory_space<vmem>> -> memref<128xi32, #tpu.memory_space<vmem>>
    %dma_start3A_160 = arith.constant 0 : i32
    %dma_start3A_161 = arith.constant 0 : i32
    %dma_start3A_162 = tpu.memref_slice %arg9[%dma_start3A_160, %dma_start3A_161] : memref<10000x64xf32, #tpu.memory_space<vmem_shared>> -> memref<10000x64xf32, #tpu.memory_space<vmem_shared>>
    tpu.enqueue_indirect_dma source(%dma_start3A_162 : memref<10000x64xf32, #tpu.memory_space<vmem_shared>>) target(%dma_start3A_156 : memref<128x64xf32, #tpu.memory_space<vmem>>) offsets(%dma_start3A_159 : memref<128xi32, #tpu.memory_space<vmem>>) semaphore(%arg12 : memref<!tpu.dma_semaphore, #tpu.memory_space<semaphore_mem>>)
    %dma_start3A_163 = arith.constant 0 : i32
    %dma_start3A_164 = arith.constant 1 : i32
    %dma_start3A_165 = arith.constant 0 : i32
    %dma_start3A_166 = arith.constant 0 : i32
    %dma_start3A_167 = tpu.memref_slice %arg8[%dma_start3A_164, %dma_start3A_165, %dma_start3A_166] : memref<4x128x64xf32, #tpu.memory_space<vmem>> -> memref<1x128x64xf32, #tpu.memory_space<vmem>>
    %dma_start3A_168 = tpu.memref_squeeze %dma_start3A_167 : memref<1x128x64xf32, #tpu.memory_space<vmem>> -> memref<128x64xf32, #tpu.memory_space<vmem>>
    %dma_start3A_169 = arith.constant 128 : i32
    %dma_start3A_170 = tpu.memref_slice %arg6[%dma_start3A_163, %dma_start3A_169] : memref<3x256xi32, #tpu.memory_space<vmem>> -> memref<1x128xi32, #tpu.memory_space<vmem>>
    %dma_start3A_171 = tpu.memref_squeeze %dma_start3A_170 : memref<1x128xi32, #tpu.memory_space<vmem>> -> memref<128xi32, #tpu.memory_space<vmem>>
    %dma_start3A_172 = arith.constant 0 : i32
    %dma_start3A_173 = arith.constant 0 : i32
    %dma_start3A_174 = tpu.memref_slice %arg9[%dma_start3A_172, %dma_start3A_173] : memref<10000x64xf32, #tpu.memory_space<vmem_shared>> -> memref<10000x64xf32, #tpu.memory_space<vmem_shared>>
    tpu.enqueue_indirect_dma source(%dma_start3A_174 : memref<10000x64xf32, #tpu.memory_space<vmem_shared>>) target(%dma_start3A_168 : memref<128x64xf32, #tpu.memory_space<vmem>>) offsets(%dma_start3A_171 : memref<128xi32, #tpu.memory_space<vmem>>) semaphore(%arg12 : memref<!tpu.dma_semaphore, #tpu.memory_space<semaphore_mem>>)
    %dma_wait3A_175 = arith.constant 0 : i32
    %dma_wait3A_176 = arith.constant 0 : i32
    %dma_wait3A_177 = arith.constant 0 : i32
    %dma_wait3A_178 = arith.constant 0 : i32
    %dma_wait3A_179 = tpu.memref_slice %arg6[%dma_wait3A_177, %dma_wait3A_178] : memref<3x256xi32, #tpu.memory_space<vmem>> -> memref<1x256xi32, #tpu.memory_space<vmem>>
    %dma_wait3A_180 = tpu.memref_squeeze %dma_wait3A_179 : memref<1x256xi32, #tpu.memory_space<vmem>> -> memref<256xi32, #tpu.memory_space<vmem>>
    %dma_wait3A_181 = arith.constant 0 : i32
    %dma_wait3A_182 = tpu.memref_slice %arg3[%dma_wait3A_175, %dma_wait3A_176, %dma_wait3A_181] : memref<16x80x256xi32, #tpu.memory_space<hbm>> -> memref<1x1x256xi32, #tpu.memory_space<hbm>>
    %dma_wait3A_183 = tpu.memref_squeeze %dma_wait3A_182 : memref<1x1x256xi32, #tpu.memory_space<hbm>> -> memref<256xi32, #tpu.memory_space<hbm>>
    %dma_wait3A_184 = arith.constant 0 : i32
    %dma_wait3A_185 = tpu.memref_slice %arg6[%dma_wait3A_177, %dma_wait3A_184] : memref<3x256xi32, #tpu.memory_space<vmem>> -> memref<1x256xi32, #tpu.memory_space<vmem>>
    %dma_wait3A_186 = tpu.memref_squeeze %dma_wait3A_185 : memref<1x256xi32, #tpu.memory_space<vmem>> -> memref<256xi32, #tpu.memory_space<vmem>>
    %dma_wait3A_187 = arith.constant 0 : i32
    %dma_wait3A_188 = tpu.memref_slice %arg3[%dma_wait3A_175, %dma_wait3A_176, %dma_wait3A_187] : memref<16x80x256xi32, #tpu.memory_space<hbm>> -> memref<1x1x256xi32, #tpu.memory_space<hbm>>
    %dma_wait3A_189 = tpu.memref_squeeze %dma_wait3A_188 : memref<1x1x256xi32, #tpu.memory_space<hbm>> -> memref<256xi32, #tpu.memory_space<hbm>>
    tpu.wait_dma2 semaphore(%arg11 : memref<!tpu.dma_semaphore, #tpu.memory_space<semaphore_mem>>) src(%dma_wait3A_189 : memref<256xi32, #tpu.memory_space<hbm>>) dst(%dma_wait3A_186 : memref<256xi32, #tpu.memory_space<vmem>>)
    %dma_wait3A_190 = arith.constant 0 : i32
    %dma_wait3A_191 = arith.constant 0 : i32
    %dma_wait3A_192 = arith.constant 0 : i32
    %dma_wait3A_193 = arith.constant 0 : i32
    %dma_wait3A_194 = arith.constant 0 : i32
    %dma_wait3A_195 = tpu.memref_slice %arg7[%dma_wait3A_192, %dma_wait3A_193, %dma_wait3A_194] : memref<3x2x128xi32, #tpu.memory_space<vmem>> -> memref<1x2x128xi32, #tpu.memory_space<vmem>>
    %dma_wait3A_196 = tpu.memref_squeeze %dma_wait3A_195 : memref<1x2x128xi32, #tpu.memory_space<vmem>> -> memref<2x128xi32, #tpu.memory_space<vmem>>
    %dma_wait3A_197 = arith.constant 0 : i32
    %dma_wait3A_198 = arith.constant 0 : i32
    %dma_wait3A_199 = tpu.memref_slice %arg4[%dma_wait3A_190, %dma_wait3A_191, %dma_wait3A_197, %dma_wait3A_198] : memref<16x80x2x128xi32, #tpu.memory_space<hbm>> -> memref<1x1x2x128xi32, #tpu.memory_space<hbm>>
    %dma_wait3A_200 = tpu.memref_squeeze %dma_wait3A_199 : memref<1x1x2x128xi32, #tpu.memory_space<hbm>> -> memref<2x128xi32, #tpu.memory_space<hbm>>
    %dma_wait3A_201 = arith.constant 0 : i32
    %dma_wait3A_202 = arith.constant 0 : i32
    %dma_wait3A_203 = tpu.memref_slice %arg7[%dma_wait3A_192, %dma_wait3A_201, %dma_wait3A_202] : memref<3x2x128xi32, #tpu.memory_space<vmem>> -> memref<1x2x128xi32, #tpu.memory_space<vmem>>
    %dma_wait3A_204 = tpu.memref_squeeze %dma_wait3A_203 : memref<1x2x128xi32, #tpu.memory_space<vmem>> -> memref<2x128xi32, #tpu.memory_space<vmem>>
    %dma_wait3A_205 = arith.constant 0 : i32
    %dma_wait3A_206 = arith.constant 0 : i32
    %dma_wait3A_207 = tpu.memref_slice %arg4[%dma_wait3A_190, %dma_wait3A_191, %dma_wait3A_205, %dma_wait3A_206] : memref<16x80x2x128xi32, #tpu.memory_space<hbm>> -> memref<1x1x2x128xi32, #tpu.memory_space<hbm>>
    %dma_wait3A_208 = tpu.memref_squeeze %dma_wait3A_207 : memref<1x1x2x128xi32, #tpu.memory_space<hbm>> -> memref<2x128xi32, #tpu.memory_space<hbm>>
    tpu.wait_dma2 semaphore(%arg11 : memref<!tpu.dma_semaphore, #tpu.memory_space<semaphore_mem>>) src(%dma_wait3A_208 : memref<2x128xi32, #tpu.memory_space<hbm>>) dst(%dma_wait3A_204 : memref<2x128xi32, #tpu.memory_space<vmem>>)
    %dma_start3A_209 = arith.constant 1 : i32
    %dma_start3A_210 = arith.constant 2 : i32
    %dma_start3A_211 = arith.constant 0 : i32
    %dma_start3A_212 = arith.constant 0 : i32
    %dma_start3A_213 = tpu.memref_slice %arg8[%dma_start3A_210, %dma_start3A_211, %dma_start3A_212] : memref<4x128x64xf32, #tpu.memory_space<vmem>> -> memref<1x128x64xf32, #tpu.memory_space<vmem>>
    %dma_start3A_214 = tpu.memref_squeeze %dma_start3A_213 : memref<1x128x64xf32, #tpu.memory_space<vmem>> -> memref<128x64xf32, #tpu.memory_space<vmem>>
    %dma_start3A_215 = arith.constant 0 : i32
    %dma_start3A_216 = tpu.memref_slice %arg6[%dma_start3A_209, %dma_start3A_215] : memref<3x256xi32, #tpu.memory_space<vmem>> -> memref<1x128xi32, #tpu.memory_space<vmem>>
    %dma_start3A_217 = tpu.memref_squeeze %dma_start3A_216 : memref<1x128xi32, #tpu.memory_space<vmem>> -> memref<128xi32, #tpu.memory_space<vmem>>
    %dma_start3A_218 = arith.constant 0 : i32
    %dma_start3A_219 = arith.constant 0 : i32
    %dma_start3A_220 = tpu.memref_slice %arg9[%dma_start3A_218, %dma_start3A_219] : memref<10000x64xf32, #tpu.memory_space<vmem_shared>> -> memref<10000x64xf32, #tpu.memory_space<vmem_shared>>
    tpu.enqueue_indirect_dma source(%dma_start3A_220 : memref<10000x64xf32, #tpu.memory_space<vmem_shared>>) target(%dma_start3A_214 : memref<128x64xf32, #tpu.memory_space<vmem>>) offsets(%dma_start3A_217 : memref<128xi32, #tpu.memory_space<vmem>>) semaphore(%arg12 : memref<!tpu.dma_semaphore, #tpu.memory_space<semaphore_mem>>)
    %dma_start3A_221 = arith.constant 1 : i32
    %dma_start3A_222 = arith.constant 3 : i32
    %dma_start3A_223 = arith.constant 0 : i32
    %dma_start3A_224 = arith.constant 0 : i32
    %dma_start3A_225 = tpu.memref_slice %arg8[%dma_start3A_222, %dma_start3A_223, %dma_start3A_224] : memref<4x128x64xf32, #tpu.memory_space<vmem>> -> memref<1x128x64xf32, #tpu.memory_space<vmem>>
    %dma_start3A_226 = tpu.memref_squeeze %dma_start3A_225 : memref<1x128x64xf32, #tpu.memory_space<vmem>> -> memref<128x64xf32, #tpu.memory_space<vmem>>
    %dma_start3A_227 = arith.constant 128 : i32
    %dma_start3A_228 = tpu.memref_slice %arg6[%dma_start3A_221, %dma_start3A_227] : memref<3x256xi32, #tpu.memory_space<vmem>> -> memref<1x128xi32, #tpu.memory_space<vmem>>
    %dma_start3A_229 = tpu.memref_squeeze %dma_start3A_228 : memref<1x128xi32, #tpu.memory_space<vmem>> -> memref<128xi32, #tpu.memory_space<vmem>>
    %dma_start3A_230 = arith.constant 0 : i32
    %dma_start3A_231 = arith.constant 0 : i32
    %dma_start3A_232 = tpu.memref_slice %arg9[%dma_start3A_230, %dma_start3A_231] : memref<10000x64xf32, #tpu.memory_space<vmem_shared>> -> memref<10000x64xf32, #tpu.memory_space<vmem_shared>>
    tpu.enqueue_indirect_dma source(%dma_start3A_232 : memref<10000x64xf32, #tpu.memory_space<vmem_shared>>) target(%dma_start3A_226 : memref<128x64xf32, #tpu.memory_space<vmem>>) offsets(%dma_start3A_229 : memref<128xi32, #tpu.memory_space<vmem>>) semaphore(%arg12 : memref<!tpu.dma_semaphore, #tpu.memory_space<semaphore_mem>>)
    %dma_wait3A_233 = arith.constant 0 : i32
    %dma_wait3A_234 = arith.constant 0 : i32
    %dma_wait3A_235 = arith.constant 0 : i32
    %dma_wait3A_236 = arith.constant 0 : i32
    %dma_wait3A_237 = tpu.memref_slice %arg8[%dma_wait3A_234, %dma_wait3A_235, %dma_wait3A_236] : memref<4x128x64xf32, #tpu.memory_space<vmem>> -> memref<1x128x64xf32, #tpu.memory_space<vmem>>
    %dma_wait3A_238 = tpu.memref_squeeze %dma_wait3A_237 : memref<1x128x64xf32, #tpu.memory_space<vmem>> -> memref<128x64xf32, #tpu.memory_space<vmem>>
    %dma_wait3A_239 = arith.constant 0 : i32
    %dma_wait3A_240 = tpu.memref_slice %arg6[%dma_wait3A_233, %dma_wait3A_239] : memref<3x256xi32, #tpu.memory_space<vmem>> -> memref<1x128xi32, #tpu.memory_space<vmem>>
    %dma_wait3A_241 = tpu.memref_squeeze %dma_wait3A_240 : memref<1x128xi32, #tpu.memory_space<vmem>> -> memref<128xi32, #tpu.memory_space<vmem>>
    %dma_wait3A_242 = arith.constant 0 : i32
    %dma_wait3A_243 = arith.constant 0 : i32
    %dma_wait3A_244 = tpu.memref_slice %arg9[%dma_wait3A_242, %dma_wait3A_243] : memref<10000x64xf32, #tpu.memory_space<vmem_shared>> -> memref<10000x64xf32, #tpu.memory_space<vmem_shared>>
    tpu.wait_indirect_dma semaphore(%arg12 : memref<!tpu.dma_semaphore, #tpu.memory_space<semaphore_mem>>) src(%dma_wait3A_244 : memref<10000x64xf32, #tpu.memory_space<vmem_shared>>) dst(%dma_wait3A_238 : memref<128x64xf32, #tpu.memory_space<vmem>>)
    %dma_start3A_245 = arith.constant 0 : i32
    %dma_start3A_246 = arith.constant 0 : i32
    %dma_start3A_247 = arith.constant 0 : i32
    %dma_start3A_248 = arith.constant 0 : i32
    %dma_start3A_249 = arith.constant 0 : i32
    %dma_start3A_250 = tpu.memref_slice %arg8[%dma_start3A_245, %dma_start3A_248, %dma_start3A_249] : memref<4x128x64xf32, #tpu.memory_space<vmem>> -> memref<1x128x64xf32, #tpu.memory_space<vmem>>
    %dma_start3A_251 = tpu.memref_squeeze %dma_start3A_250 : memref<1x128x64xf32, #tpu.memory_space<vmem>> -> memref<128x64xf32, #tpu.memory_space<vmem>>
    %dma_start3A_252 = arith.constant 0 : i32
    %dma_start3A_253 = tpu.memref_slice %arg7[%dma_start3A_246, %dma_start3A_247, %dma_start3A_252] : memref<3x2x128xi32, #tpu.memory_space<vmem>> -> memref<1x1x128xi32, #tpu.memory_space<vmem>>
    %dma_start3A_254 = tpu.memref_squeeze %dma_start3A_253 : memref<1x1x128xi32, #tpu.memory_space<vmem>> -> memref<128xi32, #tpu.memory_space<vmem>>
    %dma_start3A_255 = arith.constant 0 : i32
    %dma_start3A_256 = arith.constant 0 : i32
    %dma_start3A_257 = tpu.memref_slice %arg10[%dma_start3A_255, %dma_start3A_256] : memref<10240x64xf32, #tpu.memory_space<vmem_shared>> -> memref<10240x64xf32, #tpu.memory_space<vmem_shared>>
    tpu.enqueue_indirect_dma source(%dma_start3A_251 : memref<128x64xf32, #tpu.memory_space<vmem>>) target(%dma_start3A_257 : memref<10240x64xf32, #tpu.memory_space<vmem_shared>>) offsets(%dma_start3A_254 : memref<128xi32, #tpu.memory_space<vmem>>) semaphore(%arg13 : memref<!tpu.dma_semaphore, #tpu.memory_space<semaphore_mem>>) {add = true}
    %dma_wait3A_258 = arith.constant 0 : i32
    %dma_wait3A_259 = arith.constant 0 : i32
    %dma_wait3A_260 = arith.constant 0 : i32
    %dma_wait3A_261 = arith.constant 0 : i32
    %dma_wait3A_262 = tpu.memref_slice %arg8[%dma_wait3A_259, %dma_wait3A_260, %dma_wait3A_261] : memref<4x128x64xf32, #tpu.memory_space<vmem>> -> memref<1x128x64xf32, #tpu.memory_space<vmem>>
    %dma_wait3A_263 = tpu.memref_squeeze %dma_wait3A_262 : memref<1x128x64xf32, #tpu.memory_space<vmem>> -> memref<128x64xf32, #tpu.memory_space<vmem>>
    %dma_wait3A_264 = arith.constant 0 : i32
    %dma_wait3A_265 = tpu.memref_slice %arg6[%dma_wait3A_258, %dma_wait3A_264] : memref<3x256xi32, #tpu.memory_space<vmem>> -> memref<1x128xi32, #tpu.memory_space<vmem>>
    %dma_wait3A_266 = tpu.memref_squeeze %dma_wait3A_265 : memref<1x128xi32, #tpu.memory_space<vmem>> -> memref<128xi32, #tpu.memory_space<vmem>>
    %dma_wait3A_267 = arith.constant 0 : i32
    %dma_wait3A_268 = arith.constant 0 : i32
    %dma_wait3A_269 = tpu.memref_slice %arg9[%dma_wait3A_267, %dma_wait3A_268] : memref<10000x64xf32, #tpu.memory_space<vmem_shared>> -> memref<10000x64xf32, #tpu.memory_space<vmem_shared>>
    tpu.wait_indirect_dma semaphore(%arg12 : memref<!tpu.dma_semaphore, #tpu.memory_space<semaphore_mem>>) src(%dma_wait3A_269 : memref<10000x64xf32, #tpu.memory_space<vmem_shared>>) dst(%dma_wait3A_263 : memref<128x64xf32, #tpu.memory_space<vmem>>)
    %dma_start3A_270 = arith.constant 1 : i32
    %dma_start3A_271 = arith.constant 0 : i32
    %dma_start3A_272 = arith.constant 1 : i32
    %dma_start3A_273 = arith.constant 0 : i32
    %dma_start3A_274 = arith.constant 0 : i32
    %dma_start3A_275 = tpu.memref_slice %arg8[%dma_start3A_270, %dma_start3A_273, %dma_start3A_274] : memref<4x128x64xf32, #tpu.memory_space<vmem>> -> memref<1x128x64xf32, #tpu.memory_space<vmem>>
    %dma_start3A_276 = tpu.memref_squeeze %dma_start3A_275 : memref<1x128x64xf32, #tpu.memory_space<vmem>> -> memref<128x64xf32, #tpu.memory_space<vmem>>
    %dma_start3A_277 = arith.constant 0 : i32
    %dma_start3A_278 = tpu.memref_slice %arg7[%dma_start3A_271, %dma_start3A_272, %dma_start3A_277] : memref<3x2x128xi32, #tpu.memory_space<vmem>> -> memref<1x1x128xi32, #tpu.memory_space<vmem>>
    %dma_start3A_279 = tpu.memref_squeeze %dma_start3A_278 : memref<1x1x128xi32, #tpu.memory_space<vmem>> -> memref<128xi32, #tpu.memory_space<vmem>>
    %dma_start3A_280 = arith.constant 0 : i32
    %dma_start3A_281 = arith.constant 0 : i32
    %dma_start3A_282 = tpu.memref_slice %arg10[%dma_start3A_280, %dma_start3A_281] : memref<10240x64xf32, #tpu.memory_space<vmem_shared>> -> memref<10240x64xf32, #tpu.memory_space<vmem_shared>>
    tpu.enqueue_indirect_dma source(%dma_start3A_276 : memref<128x64xf32, #tpu.memory_space<vmem>>) target(%dma_start3A_282 : memref<10240x64xf32, #tpu.memory_space<vmem_shared>>) offsets(%dma_start3A_279 : memref<128xi32, #tpu.memory_space<vmem>>) semaphore(%arg13 : memref<!tpu.dma_semaphore, #tpu.memory_space<semaphore_mem>>) {add = true}
    %scan3A_283 = arith.constant 0 : i32
    %scan3A_284 = arith.constant 1 : i32
    %scan3A_285 = arith.constant 77 : i32
    %scan3A_286 = arith.addi %scan3A_284, %scan3A_285 : i32
    %scan3A_287 = arith.constant 1 : i32
    scf.for %scan3A_526 = %scan3A_284 to %scan3A_286 step %scan3A_287  : i32 {
      %dma_wait3A_527 = arith.constant 0 : i32
      %dma_wait3A_528 = arith.constant 0 : i32
      %dma_wait3A_529 = arith.constant 0 : i32
      %dma_wait3A_530 = arith.constant 0 : i32
      %dma_wait3A_531 = arith.constant 0 : i32
      %dma_wait3A_532 = tpu.memref_slice %arg8[%dma_wait3A_527, %dma_wait3A_530, %dma_wait3A_531] : memref<4x128x64xf32, #tpu.memory_space<vmem>> -> memref<1x128x64xf32, #tpu.memory_space<vmem>>
      %dma_wait3A_533 = tpu.memref_squeeze %dma_wait3A_532 : memref<1x128x64xf32, #tpu.memory_space<vmem>> -> memref<128x64xf32, #tpu.memory_space<vmem>>
      %dma_wait3A_534 = arith.constant 0 : i32
      %dma_wait3A_535 = tpu.memref_slice %arg7[%dma_wait3A_528, %dma_wait3A_529, %dma_wait3A_534] : memref<3x2x128xi32, #tpu.memory_space<vmem>> -> memref<1x1x128xi32, #tpu.memory_space<vmem>>
      %dma_wait3A_536 = tpu.memref_squeeze %dma_wait3A_535 : memref<1x1x128xi32, #tpu.memory_space<vmem>> -> memref<128xi32, #tpu.memory_space<vmem>>
      %dma_wait3A_537 = arith.constant 0 : i32
      %dma_wait3A_538 = arith.constant 0 : i32
      %dma_wait3A_539 = tpu.memref_slice %arg10[%dma_wait3A_537, %dma_wait3A_538] : memref<10240x64xf32, #tpu.memory_space<vmem_shared>> -> memref<10240x64xf32, #tpu.memory_space<vmem_shared>>
      tpu.wait_indirect_dma semaphore(%arg13 : memref<!tpu.dma_semaphore, #tpu.memory_space<semaphore_mem>>) src(%dma_wait3A_533 : memref<128x64xf32, #tpu.memory_space<vmem>>) dst(%dma_wait3A_539 : memref<10240x64xf32, #tpu.memory_space<vmem_shared>>)
      %dma_wait3A_540 = arith.constant 0 : i32
      %dma_wait3A_541 = arith.constant 0 : i32
      %dma_wait3A_542 = arith.constant 0 : i32
      %dma_wait3A_543 = arith.constant 0 : i32
      %dma_wait3A_544 = arith.constant 0 : i32
      %dma_wait3A_545 = tpu.memref_slice %arg8[%dma_wait3A_540, %dma_wait3A_543, %dma_wait3A_544] : memref<4x128x64xf32, #tpu.memory_space<vmem>> -> memref<1x128x64xf32, #tpu.memory_space<vmem>>
      %dma_wait3A_546 = tpu.memref_squeeze %dma_wait3A_545 : memref<1x128x64xf32, #tpu.memory_space<vmem>> -> memref<128x64xf32, #tpu.memory_space<vmem>>
      %dma_wait3A_547 = arith.constant 0 : i32
      %dma_wait3A_548 = tpu.memref_slice %arg7[%dma_wait3A_541, %dma_wait3A_542, %dma_wait3A_547] : memref<3x2x128xi32, #tpu.memory_space<vmem>> -> memref<1x1x128xi32, #tpu.memory_space<vmem>>
      %dma_wait3A_549 = tpu.memref_squeeze %dma_wait3A_548 : memref<1x1x128xi32, #tpu.memory_space<vmem>> -> memref<128xi32, #tpu.memory_space<vmem>>
      %dma_wait3A_550 = arith.constant 0 : i32
      %dma_wait3A_551 = arith.constant 0 : i32
      %dma_wait3A_552 = tpu.memref_slice %arg10[%dma_wait3A_550, %dma_wait3A_551] : memref<10240x64xf32, #tpu.memory_space<vmem_shared>> -> memref<10240x64xf32, #tpu.memory_space<vmem_shared>>
      tpu.wait_indirect_dma semaphore(%arg13 : memref<!tpu.dma_semaphore, #tpu.memory_space<semaphore_mem>>) src(%dma_wait3A_546 : memref<128x64xf32, #tpu.memory_space<vmem>>) dst(%dma_wait3A_552 : memref<10240x64xf32, #tpu.memory_space<vmem_shared>>)
      %add3A_553 = arith.constant 2 : i32
      %add3A_554 = arith.addi %scan3A_526, %add3A_553 : i32
      %jit3A = arith.constant 3 : i32
      %eq3A = arith.constant 0 : i32
      %eq3A_555 = arith.cmpi eq, %jit3A, %eq3A : i32
      %jit3A_556 = arith.constant 1 : i32
      %select_n3A = arith.select %eq3A_555, %jit3A_556, %jit3A : i32
      %rem3A = arith.remsi %add3A_554, %select_n3A : i32
      %ne3A = arith.constant 0 : i32
      %ne3A_557 = arith.cmpi ne, %rem3A, %ne3A : i32
      %lt3A = arith.constant 0 : i32
      %lt3A_558 = arith.cmpi slt, %rem3A, %lt3A : i32
      %lt3A_559 = arith.constant 0 : i32
      %lt3A_560 = arith.cmpi slt, %select_n3A, %lt3A_559 : i32
      %ne3A_561 = arith.xori %lt3A_558, %lt3A_560 : i1
      %and3A = arith.andi %ne3A_561, %ne3A_557 : i1
      %add3A_562 = arith.addi %rem3A, %select_n3A : i32
      %select_n3A_563 = arith.select %and3A, %add3A_562, %rem3A : i32
      %dma_start3A_564 = arith.constant 0 : i32
      %dma_start3A_565 = tpu.memref_slice %arg6[%select_n3A_563, %dma_start3A_564] : memref<3x256xi32, #tpu.memory_space<vmem>> -> memref<1x256xi32, #tpu.memory_space<vmem>>
      %dma_start3A_566 = tpu.memref_squeeze %dma_start3A_565 : memref<1x256xi32, #tpu.memory_space<vmem>> -> memref<256xi32, #tpu.memory_space<vmem>>
      %dma_start3A_567 = arith.constant 0 : i32
      %dma_start3A_568 = tpu.memref_slice %arg3[%arg1, %add3A_554, %dma_start3A_567] : memref<16x80x256xi32, #tpu.memory_space<hbm>> -> memref<1x1x256xi32, #tpu.memory_space<hbm>>
      %dma_start3A_569 = tpu.memref_squeeze %dma_start3A_568 : memref<1x1x256xi32, #tpu.memory_space<hbm>> -> memref<256xi32, #tpu.memory_space<hbm>>
      %dma_start3A_570 = arith.constant 0 : i32
      %dma_start3A_571 = tpu.memref_slice %arg6[%select_n3A_563, %dma_start3A_570] : memref<3x256xi32, #tpu.memory_space<vmem>> -> memref<1x256xi32, #tpu.memory_space<vmem>>
      %dma_start3A_572 = tpu.memref_squeeze %dma_start3A_571 : memref<1x256xi32, #tpu.memory_space<vmem>> -> memref<256xi32, #tpu.memory_space<vmem>>
      %dma_start3A_573 = arith.constant 0 : i32
      %dma_start3A_574 = tpu.memref_slice %arg3[%arg1, %add3A_554, %dma_start3A_573] : memref<16x80x256xi32, #tpu.memory_space<hbm>> -> memref<1x1x256xi32, #tpu.memory_space<hbm>>
      %dma_start3A_575 = tpu.memref_squeeze %dma_start3A_574 : memref<1x1x256xi32, #tpu.memory_space<hbm>> -> memref<256xi32, #tpu.memory_space<hbm>>
      tpu.enqueue_dma source(%dma_start3A_575 : memref<256xi32, #tpu.memory_space<hbm>>) target(%dma_start3A_572 : memref<256xi32, #tpu.memory_space<vmem>>) target_semaphore(%arg11 : memref<!tpu.dma_semaphore, #tpu.memory_space<semaphore_mem>>)
      %dma_start3A_576 = arith.constant 0 : i32
      %dma_start3A_577 = arith.constant 0 : i32
      %dma_start3A_578 = tpu.memref_slice %arg7[%select_n3A_563, %dma_start3A_576, %dma_start3A_577] : memref<3x2x128xi32, #tpu.memory_space<vmem>> -> memref<1x2x128xi32, #tpu.memory_space<vmem>>
      %dma_start3A_579 = tpu.memref_squeeze %dma_start3A_578 : memref<1x2x128xi32, #tpu.memory_space<vmem>> -> memref<2x128xi32, #tpu.memory_space<vmem>>
      %dma_start3A_580 = arith.constant 0 : i32
      %dma_start3A_581 = arith.constant 0 : i32
      %dma_start3A_582 = tpu.memref_slice %arg4[%arg1, %add3A_554, %dma_start3A_580, %dma_start3A_581] : memref<16x80x2x128xi32, #tpu.memory_space<hbm>> -> memref<1x1x2x128xi32, #tpu.memory_space<hbm>>
      %dma_start3A_583 = tpu.memref_squeeze %dma_start3A_582 : memref<1x1x2x128xi32, #tpu.memory_space<hbm>> -> memref<2x128xi32, #tpu.memory_space<hbm>>
      %dma_start3A_584 = arith.constant 0 : i32
      %dma_start3A_585 = arith.constant 0 : i32
      %dma_start3A_586 = tpu.memref_slice %arg7[%select_n3A_563, %dma_start3A_584, %dma_start3A_585] : memref<3x2x128xi32, #tpu.memory_space<vmem>> -> memref<1x2x128xi32, #tpu.memory_space<vmem>>
      %dma_start3A_587 = tpu.memref_squeeze %dma_start3A_586 : memref<1x2x128xi32, #tpu.memory_space<vmem>> -> memref<2x128xi32, #tpu.memory_space<vmem>>
      %dma_start3A_588 = arith.constant 0 : i32
      %dma_start3A_589 = arith.constant 0 : i32
      %dma_start3A_590 = tpu.memref_slice %arg4[%arg1, %add3A_554, %dma_start3A_588, %dma_start3A_589] : memref<16x80x2x128xi32, #tpu.memory_space<hbm>> -> memref<1x1x2x128xi32, #tpu.memory_space<hbm>>
      %dma_start3A_591 = tpu.memref_squeeze %dma_start3A_590 : memref<1x1x2x128xi32, #tpu.memory_space<hbm>> -> memref<2x128xi32, #tpu.memory_space<hbm>>
      tpu.enqueue_dma source(%dma_start3A_591 : memref<2x128xi32, #tpu.memory_space<hbm>>) target(%dma_start3A_587 : memref<2x128xi32, #tpu.memory_space<vmem>>) target_semaphore(%arg11 : memref<!tpu.dma_semaphore, #tpu.memory_space<semaphore_mem>>)
      %dma_wait3A_592 = arith.constant 0 : i32
      %dma_wait3A_593 = arith.constant 0 : i32
      %dma_wait3A_594 = arith.constant 0 : i32
      %dma_wait3A_595 = arith.constant 0 : i32
      %dma_wait3A_596 = tpu.memref_slice %arg6[%dma_wait3A_594, %dma_wait3A_595] : memref<3x256xi32, #tpu.memory_space<vmem>> -> memref<1x256xi32, #tpu.memory_space<vmem>>
      %dma_wait3A_597 = tpu.memref_squeeze %dma_wait3A_596 : memref<1x256xi32, #tpu.memory_space<vmem>> -> memref<256xi32, #tpu.memory_space<vmem>>
      %dma_wait3A_598 = arith.constant 0 : i32
      %dma_wait3A_599 = tpu.memref_slice %arg3[%dma_wait3A_592, %dma_wait3A_593, %dma_wait3A_598] : memref<16x80x256xi32, #tpu.memory_space<hbm>> -> memref<1x1x256xi32, #tpu.memory_space<hbm>>
      %dma_wait3A_600 = tpu.memref_squeeze %dma_wait3A_599 : memref<1x1x256xi32, #tpu.memory_space<hbm>> -> memref<256xi32, #tpu.memory_space<hbm>>
      %dma_wait3A_601 = arith.constant 0 : i32
      %dma_wait3A_602 = tpu.memref_slice %arg6[%dma_wait3A_594, %dma_wait3A_601] : memref<3x256xi32, #tpu.memory_space<vmem>> -> memref<1x256xi32, #tpu.memory_space<vmem>>
      %dma_wait3A_603 = tpu.memref_squeeze %dma_wait3A_602 : memref<1x256xi32, #tpu.memory_space<vmem>> -> memref<256xi32, #tpu.memory_space<vmem>>
      %dma_wait3A_604 = arith.constant 0 : i32
      %dma_wait3A_605 = tpu.memref_slice %arg3[%dma_wait3A_592, %dma_wait3A_593, %dma_wait3A_604] : memref<16x80x256xi32, #tpu.memory_space<hbm>> -> memref<1x1x256xi32, #tpu.memory_space<hbm>>
      %dma_wait3A_606 = tpu.memref_squeeze %dma_wait3A_605 : memref<1x1x256xi32, #tpu.memory_space<hbm>> -> memref<256xi32, #tpu.memory_space<hbm>>
      tpu.wait_dma2 semaphore(%arg11 : memref<!tpu.dma_semaphore, #tpu.memory_space<semaphore_mem>>) src(%dma_wait3A_606 : memref<256xi32, #tpu.memory_space<hbm>>) dst(%dma_wait3A_603 : memref<256xi32, #tpu.memory_space<vmem>>)
      %dma_wait3A_607 = arith.constant 0 : i32
      %dma_wait3A_608 = arith.constant 0 : i32
      %dma_wait3A_609 = arith.constant 0 : i32
      %dma_wait3A_610 = arith.constant 0 : i32
      %dma_wait3A_611 = arith.constant 0 : i32
      %dma_wait3A_612 = tpu.memref_slice %arg7[%dma_wait3A_609, %dma_wait3A_610, %dma_wait3A_611] : memref<3x2x128xi32, #tpu.memory_space<vmem>> -> memref<1x2x128xi32, #tpu.memory_space<vmem>>
      %dma_wait3A_613 = tpu.memref_squeeze %dma_wait3A_612 : memref<1x2x128xi32, #tpu.memory_space<vmem>> -> memref<2x128xi32, #tpu.memory_space<vmem>>
      %dma_wait3A_614 = arith.constant 0 : i32
      %dma_wait3A_615 = arith.constant 0 : i32
      %dma_wait3A_616 = tpu.memref_slice %arg4[%dma_wait3A_607, %dma_wait3A_608, %dma_wait3A_614, %dma_wait3A_615] : memref<16x80x2x128xi32, #tpu.memory_space<hbm>> -> memref<1x1x2x128xi32, #tpu.memory_space<hbm>>
      %dma_wait3A_617 = tpu.memref_squeeze %dma_wait3A_616 : memref<1x1x2x128xi32, #tpu.memory_space<hbm>> -> memref<2x128xi32, #tpu.memory_space<hbm>>
      %dma_wait3A_618 = arith.constant 0 : i32
      %dma_wait3A_619 = arith.constant 0 : i32
      %dma_wait3A_620 = tpu.memref_slice %arg7[%dma_wait3A_609, %dma_wait3A_618, %dma_wait3A_619] : memref<3x2x128xi32, #tpu.memory_space<vmem>> -> memref<1x2x128xi32, #tpu.memory_space<vmem>>
      %dma_wait3A_621 = tpu.memref_squeeze %dma_wait3A_620 : memref<1x2x128xi32, #tpu.memory_space<vmem>> -> memref<2x128xi32, #tpu.memory_space<vmem>>
      %dma_wait3A_622 = arith.constant 0 : i32
      %dma_wait3A_623 = arith.constant 0 : i32
      %dma_wait3A_624 = tpu.memref_slice %arg4[%dma_wait3A_607, %dma_wait3A_608, %dma_wait3A_622, %dma_wait3A_623] : memref<16x80x2x128xi32, #tpu.memory_space<hbm>> -> memref<1x1x2x128xi32, #tpu.memory_space<hbm>>
      %dma_wait3A_625 = tpu.memref_squeeze %dma_wait3A_624 : memref<1x1x2x128xi32, #tpu.memory_space<hbm>> -> memref<2x128xi32, #tpu.memory_space<hbm>>
      tpu.wait_dma2 semaphore(%arg11 : memref<!tpu.dma_semaphore, #tpu.memory_space<semaphore_mem>>) src(%dma_wait3A_625 : memref<2x128xi32, #tpu.memory_space<hbm>>) dst(%dma_wait3A_621 : memref<2x128xi32, #tpu.memory_space<vmem>>)
      %add3A_626 = arith.constant 1 : i32
      %add3A_627 = arith.addi %scan3A_526, %add3A_626 : i32
      %jit3A_628 = arith.constant 3 : i32
      %eq3A_629 = arith.constant 0 : i32
      %eq3A_630 = arith.cmpi eq, %jit3A_628, %eq3A_629 : i32
      %jit3A_631 = arith.constant 1 : i32
      %select_n3A_632 = arith.select %eq3A_630, %jit3A_631, %jit3A_628 : i32
      %rem3A_633 = arith.remsi %add3A_627, %select_n3A_632 : i32
      %ne3A_634 = arith.constant 0 : i32
      %ne3A_635 = arith.cmpi ne, %rem3A_633, %ne3A_634 : i32
      %lt3A_636 = arith.constant 0 : i32
      %lt3A_637 = arith.cmpi slt, %rem3A_633, %lt3A_636 : i32
      %lt3A_638 = arith.constant 0 : i32
      %lt3A_639 = arith.cmpi slt, %select_n3A_632, %lt3A_638 : i32
      %ne3A_640 = arith.xori %lt3A_637, %lt3A_639 : i1
      %and3A_641 = arith.andi %ne3A_640, %ne3A_635 : i1
      %add3A_642 = arith.addi %rem3A_633, %select_n3A_632 : i32
      %select_n3A_643 = arith.select %and3A_641, %add3A_642, %rem3A_633 : i32
      %jit3A_644 = arith.constant 2 : i32
      %eq3A_645 = arith.constant 0 : i32
      %eq3A_646 = arith.cmpi eq, %jit3A_644, %eq3A_645 : i32
      %jit3A_647 = arith.constant 1 : i32
      %select_n3A_648 = arith.select %eq3A_646, %jit3A_647, %jit3A_644 : i32
      %rem3A_649 = arith.remsi %add3A_627, %select_n3A_648 : i32
      %ne3A_650 = arith.constant 0 : i32
      %ne3A_651 = arith.cmpi ne, %rem3A_649, %ne3A_650 : i32
      %lt3A_652 = arith.constant 0 : i32
      %lt3A_653 = arith.cmpi slt, %rem3A_649, %lt3A_652 : i32
      %lt3A_654 = arith.constant 0 : i32
      %lt3A_655 = arith.cmpi slt, %select_n3A_648, %lt3A_654 : i32
      %ne3A_656 = arith.xori %lt3A_653, %lt3A_655 : i1
      %and3A_657 = arith.andi %ne3A_656, %ne3A_651 : i1
      %add3A_658 = arith.addi %rem3A_649, %select_n3A_648 : i32
      %select_n3A_659 = arith.select %and3A_657, %add3A_658, %rem3A_649 : i32
      %mul3A_660 = arith.constant 2 : i32
      %mul3A_661 = arith.muli %select_n3A_659, %mul3A_660 : i32
      %add3A_662 = arith.constant 0 : i32
      %add3A_663 = arith.addi %mul3A_661, %add3A_662 : i32
      %dma_start3A_664 = arith.constant 0 : i32
      %dma_start3A_665 = arith.constant 0 : i32
      %dma_start3A_666 = tpu.memref_slice %arg8[%add3A_663, %dma_start3A_664, %dma_start3A_665] : memref<4x128x64xf32, #tpu.memory_space<vmem>> -> memref<1x128x64xf32, #tpu.memory_space<vmem>>
      %dma_start3A_667 = tpu.memref_squeeze %dma_start3A_666 : memref<1x128x64xf32, #tpu.memory_space<vmem>> -> memref<128x64xf32, #tpu.memory_space<vmem>>
      %dma_start3A_668 = arith.constant 0 : i32
      %dma_start3A_669 = tpu.memref_slice %arg6[%select_n3A_643, %dma_start3A_668] : memref<3x256xi32, #tpu.memory_space<vmem>> -> memref<1x128xi32, #tpu.memory_space<vmem>>
      %dma_start3A_670 = tpu.memref_squeeze %dma_start3A_669 : memref<1x128xi32, #tpu.memory_space<vmem>> -> memref<128xi32, #tpu.memory_space<vmem>>
      %dma_start3A_671 = arith.constant 0 : i32
      %dma_start3A_672 = arith.constant 0 : i32
      %dma_start3A_673 = tpu.memref_slice %arg9[%dma_start3A_671, %dma_start3A_672] : memref<10000x64xf32, #tpu.memory_space<vmem_shared>> -> memref<10000x64xf32, #tpu.memory_space<vmem_shared>>
      tpu.enqueue_indirect_dma source(%dma_start3A_673 : memref<10000x64xf32, #tpu.memory_space<vmem_shared>>) target(%dma_start3A_667 : memref<128x64xf32, #tpu.memory_space<vmem>>) offsets(%dma_start3A_670 : memref<128xi32, #tpu.memory_space<vmem>>) semaphore(%arg12 : memref<!tpu.dma_semaphore, #tpu.memory_space<semaphore_mem>>)
      %add3A_674 = arith.constant 1 : i32
      %add3A_675 = arith.addi %mul3A_661, %add3A_674 : i32
      %dma_start3A_676 = arith.constant 0 : i32
      %dma_start3A_677 = arith.constant 0 : i32
      %dma_start3A_678 = tpu.memref_slice %arg8[%add3A_675, %dma_start3A_676, %dma_start3A_677] : memref<4x128x64xf32, #tpu.memory_space<vmem>> -> memref<1x128x64xf32, #tpu.memory_space<vmem>>
      %dma_start3A_679 = tpu.memref_squeeze %dma_start3A_678 : memref<1x128x64xf32, #tpu.memory_space<vmem>> -> memref<128x64xf32, #tpu.memory_space<vmem>>
      %dma_start3A_680 = arith.constant 128 : i32
      %dma_start3A_681 = tpu.memref_slice %arg6[%select_n3A_643, %dma_start3A_680] : memref<3x256xi32, #tpu.memory_space<vmem>> -> memref<1x128xi32, #tpu.memory_space<vmem>>
      %dma_start3A_682 = tpu.memref_squeeze %dma_start3A_681 : memref<1x128xi32, #tpu.memory_space<vmem>> -> memref<128xi32, #tpu.memory_space<vmem>>
      %dma_start3A_683 = arith.constant 0 : i32
      %dma_start3A_684 = arith.constant 0 : i32
      %dma_start3A_685 = tpu.memref_slice %arg9[%dma_start3A_683, %dma_start3A_684] : memref<10000x64xf32, #tpu.memory_space<vmem_shared>> -> memref<10000x64xf32, #tpu.memory_space<vmem_shared>>
      tpu.enqueue_indirect_dma source(%dma_start3A_685 : memref<10000x64xf32, #tpu.memory_space<vmem_shared>>) target(%dma_start3A_679 : memref<128x64xf32, #tpu.memory_space<vmem>>) offsets(%dma_start3A_682 : memref<128xi32, #tpu.memory_space<vmem>>) semaphore(%arg12 : memref<!tpu.dma_semaphore, #tpu.memory_space<semaphore_mem>>)
      %jit3A_686 = arith.constant 3 : i32
      %eq3A_687 = arith.constant 0 : i32
      %eq3A_688 = arith.cmpi eq, %jit3A_686, %eq3A_687 : i32
      %jit3A_689 = arith.constant 1 : i32
      %select_n3A_690 = arith.select %eq3A_688, %jit3A_689, %jit3A_686 : i32
      %rem3A_691 = arith.remsi %scan3A_526, %select_n3A_690 : i32
      %ne3A_692 = arith.constant 0 : i32
      %ne3A_693 = arith.cmpi ne, %rem3A_691, %ne3A_692 : i32
      %lt3A_694 = arith.constant 0 : i32
      %lt3A_695 = arith.cmpi slt, %rem3A_691, %lt3A_694 : i32
      %lt3A_696 = arith.constant 0 : i32
      %lt3A_697 = arith.cmpi slt, %select_n3A_690, %lt3A_696 : i32
      %ne3A_698 = arith.xori %lt3A_695, %lt3A_697 : i1
      %and3A_699 = arith.andi %ne3A_698, %ne3A_693 : i1
      %add3A_700 = arith.addi %rem3A_691, %select_n3A_690 : i32
      %select_n3A_701 = arith.select %and3A_699, %add3A_700, %rem3A_691 : i32
      %jit3A_702 = arith.constant 2 : i32
      %eq3A_703 = arith.constant 0 : i32
      %eq3A_704 = arith.cmpi eq, %jit3A_702, %eq3A_703 : i32
      %jit3A_705 = arith.constant 1 : i32
      %select_n3A_706 = arith.select %eq3A_704, %jit3A_705, %jit3A_702 : i32
      %rem3A_707 = arith.remsi %scan3A_526, %select_n3A_706 : i32
      %ne3A_708 = arith.constant 0 : i32
      %ne3A_709 = arith.cmpi ne, %rem3A_707, %ne3A_708 : i32
      %lt3A_710 = arith.constant 0 : i32
      %lt3A_711 = arith.cmpi slt, %rem3A_707, %lt3A_710 : i32
      %lt3A_712 = arith.constant 0 : i32
      %lt3A_713 = arith.cmpi slt, %select_n3A_706, %lt3A_712 : i32
      %ne3A_714 = arith.xori %lt3A_711, %lt3A_713 : i1
      %and3A_715 = arith.andi %ne3A_714, %ne3A_709 : i1
      %add3A_716 = arith.addi %rem3A_707, %select_n3A_706 : i32
      %select_n3A_717 = arith.select %and3A_715, %add3A_716, %rem3A_707 : i32
      %mul3A_718 = arith.constant 2 : i32
      %mul3A_719 = arith.muli %select_n3A_717, %mul3A_718 : i32
      %dma_wait3A_720 = arith.constant 0 : i32
      %dma_wait3A_721 = arith.constant 0 : i32
      %dma_wait3A_722 = arith.constant 0 : i32
      %dma_wait3A_723 = arith.constant 0 : i32
      %dma_wait3A_724 = tpu.memref_slice %arg8[%dma_wait3A_721, %dma_wait3A_722, %dma_wait3A_723] : memref<4x128x64xf32, #tpu.memory_space<vmem>> -> memref<1x128x64xf32, #tpu.memory_space<vmem>>
      %dma_wait3A_725 = tpu.memref_squeeze %dma_wait3A_724 : memref<1x128x64xf32, #tpu.memory_space<vmem>> -> memref<128x64xf32, #tpu.memory_space<vmem>>
      %dma_wait3A_726 = arith.constant 0 : i32
      %dma_wait3A_727 = tpu.memref_slice %arg6[%dma_wait3A_720, %dma_wait3A_726] : memref<3x256xi32, #tpu.memory_space<vmem>> -> memref<1x128xi32, #tpu.memory_space<vmem>>
      %dma_wait3A_728 = tpu.memref_squeeze %dma_wait3A_727 : memref<1x128xi32, #tpu.memory_space<vmem>> -> memref<128xi32, #tpu.memory_space<vmem>>
      %dma_wait3A_729 = arith.constant 0 : i32
      %dma_wait3A_730 = arith.constant 0 : i32
      %dma_wait3A_731 = tpu.memref_slice %arg9[%dma_wait3A_729, %dma_wait3A_730] : memref<10000x64xf32, #tpu.memory_space<vmem_shared>> -> memref<10000x64xf32, #tpu.memory_space<vmem_shared>>
      tpu.wait_indirect_dma semaphore(%arg12 : memref<!tpu.dma_semaphore, #tpu.memory_space<semaphore_mem>>) src(%dma_wait3A_731 : memref<10000x64xf32, #tpu.memory_space<vmem_shared>>) dst(%dma_wait3A_725 : memref<128x64xf32, #tpu.memory_space<vmem>>)
      %add3A_732 = arith.constant 0 : i32
      %add3A_733 = arith.addi %mul3A_719, %add3A_732 : i32
      %dma_start3A_734 = arith.constant 0 : i32
      %dma_start3A_735 = arith.constant 0 : i32
      %dma_start3A_736 = arith.constant 0 : i32
      %dma_start3A_737 = tpu.memref_slice %arg8[%add3A_733, %dma_start3A_735, %dma_start3A_736] : memref<4x128x64xf32, #tpu.memory_space<vmem>> -> memref<1x128x64xf32, #tpu.memory_space<vmem>>
      %dma_start3A_738 = tpu.memref_squeeze %dma_start3A_737 : memref<1x128x64xf32, #tpu.memory_space<vmem>> -> memref<128x64xf32, #tpu.memory_space<vmem>>
      %dma_start3A_739 = arith.constant 0 : i32
      %dma_start3A_740 = tpu.memref_slice %arg7[%select_n3A_701, %dma_start3A_734, %dma_start3A_739] : memref<3x2x128xi32, #tpu.memory_space<vmem>> -> memref<1x1x128xi32, #tpu.memory_space<vmem>>
      %dma_start3A_741 = tpu.memref_squeeze %dma_start3A_740 : memref<1x1x128xi32, #tpu.memory_space<vmem>> -> memref<128xi32, #tpu.memory_space<vmem>>
      %dma_start3A_742 = arith.constant 0 : i32
      %dma_start3A_743 = arith.constant 0 : i32
      %dma_start3A_744 = tpu.memref_slice %arg10[%dma_start3A_742, %dma_start3A_743] : memref<10240x64xf32, #tpu.memory_space<vmem_shared>> -> memref<10240x64xf32, #tpu.memory_space<vmem_shared>>
      tpu.enqueue_indirect_dma source(%dma_start3A_738 : memref<128x64xf32, #tpu.memory_space<vmem>>) target(%dma_start3A_744 : memref<10240x64xf32, #tpu.memory_space<vmem_shared>>) offsets(%dma_start3A_741 : memref<128xi32, #tpu.memory_space<vmem>>) semaphore(%arg13 : memref<!tpu.dma_semaphore, #tpu.memory_space<semaphore_mem>>) {add = true}
      %dma_wait3A_745 = arith.constant 0 : i32
      %dma_wait3A_746 = arith.constant 0 : i32
      %dma_wait3A_747 = arith.constant 0 : i32
      %dma_wait3A_748 = arith.constant 0 : i32
      %dma_wait3A_749 = tpu.memref_slice %arg8[%dma_wait3A_746, %dma_wait3A_747, %dma_wait3A_748] : memref<4x128x64xf32, #tpu.memory_space<vmem>> -> memref<1x128x64xf32, #tpu.memory_space<vmem>>
      %dma_wait3A_750 = tpu.memref_squeeze %dma_wait3A_749 : memref<1x128x64xf32, #tpu.memory_space<vmem>> -> memref<128x64xf32, #tpu.memory_space<vmem>>
      %dma_wait3A_751 = arith.constant 0 : i32
      %dma_wait3A_752 = tpu.memref_slice %arg6[%dma_wait3A_745, %dma_wait3A_751] : memref<3x256xi32, #tpu.memory_space<vmem>> -> memref<1x128xi32, #tpu.memory_space<vmem>>
      %dma_wait3A_753 = tpu.memref_squeeze %dma_wait3A_752 : memref<1x128xi32, #tpu.memory_space<vmem>> -> memref<128xi32, #tpu.memory_space<vmem>>
      %dma_wait3A_754 = arith.constant 0 : i32
      %dma_wait3A_755 = arith.constant 0 : i32
      %dma_wait3A_756 = tpu.memref_slice %arg9[%dma_wait3A_754, %dma_wait3A_755] : memref<10000x64xf32, #tpu.memory_space<vmem_shared>> -> memref<10000x64xf32, #tpu.memory_space<vmem_shared>>
      tpu.wait_indirect_dma semaphore(%arg12 : memref<!tpu.dma_semaphore, #tpu.memory_space<semaphore_mem>>) src(%dma_wait3A_756 : memref<10000x64xf32, #tpu.memory_space<vmem_shared>>) dst(%dma_wait3A_750 : memref<128x64xf32, #tpu.memory_space<vmem>>)
      %add3A_757 = arith.constant 1 : i32
      %add3A_758 = arith.addi %mul3A_719, %add3A_757 : i32
      %dma_start3A_759 = arith.constant 1 : i32
      %dma_start3A_760 = arith.constant 0 : i32
      %dma_start3A_761 = arith.constant 0 : i32
      %dma_start3A_762 = tpu.memref_slice %arg8[%add3A_758, %dma_start3A_760, %dma_start3A_761] : memref<4x128x64xf32, #tpu.memory_space<vmem>> -> memref<1x128x64xf32, #tpu.memory_space<vmem>>
      %dma_start3A_763 = tpu.memref_squeeze %dma_start3A_762 : memref<1x128x64xf32, #tpu.memory_space<vmem>> -> memref<128x64xf32, #tpu.memory_space<vmem>>
      %dma_start3A_764 = arith.constant 0 : i32
      %dma_start3A_765 = tpu.memref_slice %arg7[%select_n3A_701, %dma_start3A_759, %dma_start3A_764] : memref<3x2x128xi32, #tpu.memory_space<vmem>> -> memref<1x1x128xi32, #tpu.memory_space<vmem>>
      %dma_start3A_766 = tpu.memref_squeeze %dma_start3A_765 : memref<1x1x128xi32, #tpu.memory_space<vmem>> -> memref<128xi32, #tpu.memory_space<vmem>>
      %dma_start3A_767 = arith.constant 0 : i32
      %dma_start3A_768 = arith.constant 0 : i32
      %dma_start3A_769 = tpu.memref_slice %arg10[%dma_start3A_767, %dma_start3A_768] : memref<10240x64xf32, #tpu.memory_space<vmem_shared>> -> memref<10240x64xf32, #tpu.memory_space<vmem_shared>>
      tpu.enqueue_indirect_dma source(%dma_start3A_763 : memref<128x64xf32, #tpu.memory_space<vmem>>) target(%dma_start3A_769 : memref<10240x64xf32, #tpu.memory_space<vmem_shared>>) offsets(%dma_start3A_766 : memref<128xi32, #tpu.memory_space<vmem>>) semaphore(%arg13 : memref<!tpu.dma_semaphore, #tpu.memory_space<semaphore_mem>>) {add = true}
    }
    %scan3A_288 = arith.constant 77 : i32
    %dma_wait3A_289 = arith.constant 0 : i32
    %dma_wait3A_290 = arith.constant 0 : i32
    %dma_wait3A_291 = arith.constant 0 : i32
    %dma_wait3A_292 = arith.constant 0 : i32
    %dma_wait3A_293 = arith.constant 0 : i32
    %dma_wait3A_294 = tpu.memref_slice %arg8[%dma_wait3A_289, %dma_wait3A_292, %dma_wait3A_293] : memref<4x128x64xf32, #tpu.memory_space<vmem>> -> memref<1x128x64xf32, #tpu.memory_space<vmem>>
    %dma_wait3A_295 = tpu.memref_squeeze %dma_wait3A_294 : memref<1x128x64xf32, #tpu.memory_space<vmem>> -> memref<128x64xf32, #tpu.memory_space<vmem>>
    %dma_wait3A_296 = arith.constant 0 : i32
    %dma_wait3A_297 = tpu.memref_slice %arg7[%dma_wait3A_290, %dma_wait3A_291, %dma_wait3A_296] : memref<3x2x128xi32, #tpu.memory_space<vmem>> -> memref<1x1x128xi32, #tpu.memory_space<vmem>>
    %dma_wait3A_298 = tpu.memref_squeeze %dma_wait3A_297 : memref<1x1x128xi32, #tpu.memory_space<vmem>> -> memref<128xi32, #tpu.memory_space<vmem>>
    %dma_wait3A_299 = arith.constant 0 : i32
    %dma_wait3A_300 = arith.constant 0 : i32
    %dma_wait3A_301 = tpu.memref_slice %arg10[%dma_wait3A_299, %dma_wait3A_300] : memref<10240x64xf32, #tpu.memory_space<vmem_shared>> -> memref<10240x64xf32, #tpu.memory_space<vmem_shared>>
    tpu.wait_indirect_dma semaphore(%arg13 : memref<!tpu.dma_semaphore, #tpu.memory_space<semaphore_mem>>) src(%dma_wait3A_295 : memref<128x64xf32, #tpu.memory_space<vmem>>) dst(%dma_wait3A_301 : memref<10240x64xf32, #tpu.memory_space<vmem_shared>>)
    %dma_wait3A_302 = arith.constant 0 : i32
    %dma_wait3A_303 = arith.constant 0 : i32
    %dma_wait3A_304 = arith.constant 0 : i32
    %dma_wait3A_305 = arith.constant 0 : i32
    %dma_wait3A_306 = arith.constant 0 : i32
    %dma_wait3A_307 = tpu.memref_slice %arg8[%dma_wait3A_302, %dma_wait3A_305, %dma_wait3A_306] : memref<4x128x64xf32, #tpu.memory_space<vmem>> -> memref<1x128x64xf32, #tpu.memory_space<vmem>>
    %dma_wait3A_308 = tpu.memref_squeeze %dma_wait3A_307 : memref<1x128x64xf32, #tpu.memory_space<vmem>> -> memref<128x64xf32, #tpu.memory_space<vmem>>
    %dma_wait3A_309 = arith.constant 0 : i32
    %dma_wait3A_310 = tpu.memref_slice %arg7[%dma_wait3A_303, %dma_wait3A_304, %dma_wait3A_309] : memref<3x2x128xi32, #tpu.memory_space<vmem>> -> memref<1x1x128xi32, #tpu.memory_space<vmem>>
    %dma_wait3A_311 = tpu.memref_squeeze %dma_wait3A_310 : memref<1x1x128xi32, #tpu.memory_space<vmem>> -> memref<128xi32, #tpu.memory_space<vmem>>
    %dma_wait3A_312 = arith.constant 0 : i32
    %dma_wait3A_313 = arith.constant 0 : i32
    %dma_wait3A_314 = tpu.memref_slice %arg10[%dma_wait3A_312, %dma_wait3A_313] : memref<10240x64xf32, #tpu.memory_space<vmem_shared>> -> memref<10240x64xf32, #tpu.memory_space<vmem_shared>>
    tpu.wait_indirect_dma semaphore(%arg13 : memref<!tpu.dma_semaphore, #tpu.memory_space<semaphore_mem>>) src(%dma_wait3A_308 : memref<128x64xf32, #tpu.memory_space<vmem>>) dst(%dma_wait3A_314 : memref<10240x64xf32, #tpu.memory_space<vmem_shared>>)
    %dma_wait3A_315 = arith.constant 0 : i32
    %dma_wait3A_316 = arith.constant 0 : i32
    %dma_wait3A_317 = arith.constant 0 : i32
    %dma_wait3A_318 = arith.constant 0 : i32
    %dma_wait3A_319 = tpu.memref_slice %arg6[%dma_wait3A_317, %dma_wait3A_318] : memref<3x256xi32, #tpu.memory_space<vmem>> -> memref<1x256xi32, #tpu.memory_space<vmem>>
    %dma_wait3A_320 = tpu.memref_squeeze %dma_wait3A_319 : memref<1x256xi32, #tpu.memory_space<vmem>> -> memref<256xi32, #tpu.memory_space<vmem>>
    %dma_wait3A_321 = arith.constant 0 : i32
    %dma_wait3A_322 = tpu.memref_slice %arg3[%dma_wait3A_315, %dma_wait3A_316, %dma_wait3A_321] : memref<16x80x256xi32, #tpu.memory_space<hbm>> -> memref<1x1x256xi32, #tpu.memory_space<hbm>>
    %dma_wait3A_323 = tpu.memref_squeeze %dma_wait3A_322 : memref<1x1x256xi32, #tpu.memory_space<hbm>> -> memref<256xi32, #tpu.memory_space<hbm>>
    %dma_wait3A_324 = arith.constant 0 : i32
    %dma_wait3A_325 = tpu.memref_slice %arg6[%dma_wait3A_317, %dma_wait3A_324] : memref<3x256xi32, #tpu.memory_space<vmem>> -> memref<1x256xi32, #tpu.memory_space<vmem>>
    %dma_wait3A_326 = tpu.memref_squeeze %dma_wait3A_325 : memref<1x256xi32, #tpu.memory_space<vmem>> -> memref<256xi32, #tpu.memory_space<vmem>>
    %dma_wait3A_327 = arith.constant 0 : i32
    %dma_wait3A_328 = tpu.memref_slice %arg3[%dma_wait3A_315, %dma_wait3A_316, %dma_wait3A_327] : memref<16x80x256xi32, #tpu.memory_space<hbm>> -> memref<1x1x256xi32, #tpu.memory_space<hbm>>
    %dma_wait3A_329 = tpu.memref_squeeze %dma_wait3A_328 : memref<1x1x256xi32, #tpu.memory_space<hbm>> -> memref<256xi32, #tpu.memory_space<hbm>>
    tpu.wait_dma2 semaphore(%arg11 : memref<!tpu.dma_semaphore, #tpu.memory_space<semaphore_mem>>) src(%dma_wait3A_329 : memref<256xi32, #tpu.memory_space<hbm>>) dst(%dma_wait3A_326 : memref<256xi32, #tpu.memory_space<vmem>>)
    %dma_wait3A_330 = arith.constant 0 : i32
    %dma_wait3A_331 = arith.constant 0 : i32
    %dma_wait3A_332 = arith.constant 0 : i32
    %dma_wait3A_333 = arith.constant 0 : i32
    %dma_wait3A_334 = arith.constant 0 : i32
    %dma_wait3A_335 = tpu.memref_slice %arg7[%dma_wait3A_332, %dma_wait3A_333, %dma_wait3A_334] : memref<3x2x128xi32, #tpu.memory_space<vmem>> -> memref<1x2x128xi32, #tpu.memory_space<vmem>>
    %dma_wait3A_336 = tpu.memref_squeeze %dma_wait3A_335 : memref<1x2x128xi32, #tpu.memory_space<vmem>> -> memref<2x128xi32, #tpu.memory_space<vmem>>
    %dma_wait3A_337 = arith.constant 0 : i32
    %dma_wait3A_338 = arith.constant 0 : i32
    %dma_wait3A_339 = tpu.memref_slice %arg4[%dma_wait3A_330, %dma_wait3A_331, %dma_wait3A_337, %dma_wait3A_338] : memref<16x80x2x128xi32, #tpu.memory_space<hbm>> -> memref<1x1x2x128xi32, #tpu.memory_space<hbm>>
    %dma_wait3A_340 = tpu.memref_squeeze %dma_wait3A_339 : memref<1x1x2x128xi32, #tpu.memory_space<hbm>> -> memref<2x128xi32, #tpu.memory_space<hbm>>
    %dma_wait3A_341 = arith.constant 0 : i32
    %dma_wait3A_342 = arith.constant 0 : i32
    %dma_wait3A_343 = tpu.memref_slice %arg7[%dma_wait3A_332, %dma_wait3A_341, %dma_wait3A_342] : memref<3x2x128xi32, #tpu.memory_space<vmem>> -> memref<1x2x128xi32, #tpu.memory_space<vmem>>
    %dma_wait3A_344 = tpu.memref_squeeze %dma_wait3A_343 : memref<1x2x128xi32, #tpu.memory_space<vmem>> -> memref<2x128xi32, #tpu.memory_space<vmem>>
    %dma_wait3A_345 = arith.constant 0 : i32
    %dma_wait3A_346 = arith.constant 0 : i32
    %dma_wait3A_347 = tpu.memref_slice %arg4[%dma_wait3A_330, %dma_wait3A_331, %dma_wait3A_345, %dma_wait3A_346] : memref<16x80x2x128xi32, #tpu.memory_space<hbm>> -> memref<1x1x2x128xi32, #tpu.memory_space<hbm>>
    %dma_wait3A_348 = tpu.memref_squeeze %dma_wait3A_347 : memref<1x1x2x128xi32, #tpu.memory_space<hbm>> -> memref<2x128xi32, #tpu.memory_space<hbm>>
    tpu.wait_dma2 semaphore(%arg11 : memref<!tpu.dma_semaphore, #tpu.memory_space<semaphore_mem>>) src(%dma_wait3A_348 : memref<2x128xi32, #tpu.memory_space<hbm>>) dst(%dma_wait3A_344 : memref<2x128xi32, #tpu.memory_space<vmem>>)
    %dma_start3A_349 = arith.constant 1 : i32
    %dma_start3A_350 = arith.constant 2 : i32
    %dma_start3A_351 = arith.constant 0 : i32
    %dma_start3A_352 = arith.constant 0 : i32
    %dma_start3A_353 = tpu.memref_slice %arg8[%dma_start3A_350, %dma_start3A_351, %dma_start3A_352] : memref<4x128x64xf32, #tpu.memory_space<vmem>> -> memref<1x128x64xf32, #tpu.memory_space<vmem>>
    %dma_start3A_354 = tpu.memref_squeeze %dma_start3A_353 : memref<1x128x64xf32, #tpu.memory_space<vmem>> -> memref<128x64xf32, #tpu.memory_space<vmem>>
    %dma_start3A_355 = arith.constant 0 : i32
    %dma_start3A_356 = tpu.memref_slice %arg6[%dma_start3A_349, %dma_start3A_355] : memref<3x256xi32, #tpu.memory_space<vmem>> -> memref<1x128xi32, #tpu.memory_space<vmem>>
    %dma_start3A_357 = tpu.memref_squeeze %dma_start3A_356 : memref<1x128xi32, #tpu.memory_space<vmem>> -> memref<128xi32, #tpu.memory_space<vmem>>
    %dma_start3A_358 = arith.constant 0 : i32
    %dma_start3A_359 = arith.constant 0 : i32
    %dma_start3A_360 = tpu.memref_slice %arg9[%dma_start3A_358, %dma_start3A_359] : memref<10000x64xf32, #tpu.memory_space<vmem_shared>> -> memref<10000x64xf32, #tpu.memory_space<vmem_shared>>
    tpu.enqueue_indirect_dma source(%dma_start3A_360 : memref<10000x64xf32, #tpu.memory_space<vmem_shared>>) target(%dma_start3A_354 : memref<128x64xf32, #tpu.memory_space<vmem>>) offsets(%dma_start3A_357 : memref<128xi32, #tpu.memory_space<vmem>>) semaphore(%arg12 : memref<!tpu.dma_semaphore, #tpu.memory_space<semaphore_mem>>)
    %dma_start3A_361 = arith.constant 1 : i32
    %dma_start3A_362 = arith.constant 3 : i32
    %dma_start3A_363 = arith.constant 0 : i32
    %dma_start3A_364 = arith.constant 0 : i32
    %dma_start3A_365 = tpu.memref_slice %arg8[%dma_start3A_362, %dma_start3A_363, %dma_start3A_364] : memref<4x128x64xf32, #tpu.memory_space<vmem>> -> memref<1x128x64xf32, #tpu.memory_space<vmem>>
    %dma_start3A_366 = tpu.memref_squeeze %dma_start3A_365 : memref<1x128x64xf32, #tpu.memory_space<vmem>> -> memref<128x64xf32, #tpu.memory_space<vmem>>
    %dma_start3A_367 = arith.constant 128 : i32
    %dma_start3A_368 = tpu.memref_slice %arg6[%dma_start3A_361, %dma_start3A_367] : memref<3x256xi32, #tpu.memory_space<vmem>> -> memref<1x128xi32, #tpu.memory_space<vmem>>
    %dma_start3A_369 = tpu.memref_squeeze %dma_start3A_368 : memref<1x128xi32, #tpu.memory_space<vmem>> -> memref<128xi32, #tpu.memory_space<vmem>>
    %dma_start3A_370 = arith.constant 0 : i32
    %dma_start3A_371 = arith.constant 0 : i32
    %dma_start3A_372 = tpu.memref_slice %arg9[%dma_start3A_370, %dma_start3A_371] : memref<10000x64xf32, #tpu.memory_space<vmem_shared>> -> memref<10000x64xf32, #tpu.memory_space<vmem_shared>>
    tpu.enqueue_indirect_dma source(%dma_start3A_372 : memref<10000x64xf32, #tpu.memory_space<vmem_shared>>) target(%dma_start3A_366 : memref<128x64xf32, #tpu.memory_space<vmem>>) offsets(%dma_start3A_369 : memref<128xi32, #tpu.memory_space<vmem>>) semaphore(%arg12 : memref<!tpu.dma_semaphore, #tpu.memory_space<semaphore_mem>>)
    %dma_wait3A_373 = arith.constant 0 : i32
    %dma_wait3A_374 = arith.constant 0 : i32
    %dma_wait3A_375 = arith.constant 0 : i32
    %dma_wait3A_376 = arith.constant 0 : i32
    %dma_wait3A_377 = tpu.memref_slice %arg8[%dma_wait3A_374, %dma_wait3A_375, %dma_wait3A_376] : memref<4x128x64xf32, #tpu.memory_space<vmem>> -> memref<1x128x64xf32, #tpu.memory_space<vmem>>
    %dma_wait3A_378 = tpu.memref_squeeze %dma_wait3A_377 : memref<1x128x64xf32, #tpu.memory_space<vmem>> -> memref<128x64xf32, #tpu.memory_space<vmem>>
    %dma_wait3A_379 = arith.constant 0 : i32
    %dma_wait3A_380 = tpu.memref_slice %arg6[%dma_wait3A_373, %dma_wait3A_379] : memref<3x256xi32, #tpu.memory_space<vmem>> -> memref<1x128xi32, #tpu.memory_space<vmem>>
    %dma_wait3A_381 = tpu.memref_squeeze %dma_wait3A_380 : memref<1x128xi32, #tpu.memory_space<vmem>> -> memref<128xi32, #tpu.memory_space<vmem>>
    %dma_wait3A_382 = arith.constant 0 : i32
    %dma_wait3A_383 = arith.constant 0 : i32
    %dma_wait3A_384 = tpu.memref_slice %arg9[%dma_wait3A_382, %dma_wait3A_383] : memref<10000x64xf32, #tpu.memory_space<vmem_shared>> -> memref<10000x64xf32, #tpu.memory_space<vmem_shared>>
    tpu.wait_indirect_dma semaphore(%arg12 : memref<!tpu.dma_semaphore, #tpu.memory_space<semaphore_mem>>) src(%dma_wait3A_384 : memref<10000x64xf32, #tpu.memory_space<vmem_shared>>) dst(%dma_wait3A_378 : memref<128x64xf32, #tpu.memory_space<vmem>>)
    %dma_start3A_385 = arith.constant 0 : i32
    %dma_start3A_386 = arith.constant 0 : i32
    %dma_start3A_387 = arith.constant 0 : i32
    %dma_start3A_388 = arith.constant 0 : i32
    %dma_start3A_389 = arith.constant 0 : i32
    %dma_start3A_390 = tpu.memref_slice %arg8[%dma_start3A_385, %dma_start3A_388, %dma_start3A_389] : memref<4x128x64xf32, #tpu.memory_space<vmem>> -> memref<1x128x64xf32, #tpu.memory_space<vmem>>
    %dma_start3A_391 = tpu.memref_squeeze %dma_start3A_390 : memref<1x128x64xf32, #tpu.memory_space<vmem>> -> memref<128x64xf32, #tpu.memory_space<vmem>>
    %dma_start3A_392 = arith.constant 0 : i32
    %dma_start3A_393 = tpu.memref_slice %arg7[%dma_start3A_386, %dma_start3A_387, %dma_start3A_392] : memref<3x2x128xi32, #tpu.memory_space<vmem>> -> memref<1x1x128xi32, #tpu.memory_space<vmem>>
    %dma_start3A_394 = tpu.memref_squeeze %dma_start3A_393 : memref<1x1x128xi32, #tpu.memory_space<vmem>> -> memref<128xi32, #tpu.memory_space<vmem>>
    %dma_start3A_395 = arith.constant 0 : i32
    %dma_start3A_396 = arith.constant 0 : i32
    %dma_start3A_397 = tpu.memref_slice %arg10[%dma_start3A_395, %dma_start3A_396] : memref<10240x64xf32, #tpu.memory_space<vmem_shared>> -> memref<10240x64xf32, #tpu.memory_space<vmem_shared>>
    tpu.enqueue_indirect_dma source(%dma_start3A_391 : memref<128x64xf32, #tpu.memory_space<vmem>>) target(%dma_start3A_397 : memref<10240x64xf32, #tpu.memory_space<vmem_shared>>) offsets(%dma_start3A_394 : memref<128xi32, #tpu.memory_space<vmem>>) semaphore(%arg13 : memref<!tpu.dma_semaphore, #tpu.memory_space<semaphore_mem>>) {add = true}
    %dma_wait3A_398 = arith.constant 0 : i32
    %dma_wait3A_399 = arith.constant 0 : i32
    %dma_wait3A_400 = arith.constant 0 : i32
    %dma_wait3A_401 = arith.constant 0 : i32
    %dma_wait3A_402 = tpu.memref_slice %arg8[%dma_wait3A_399, %dma_wait3A_400, %dma_wait3A_401] : memref<4x128x64xf32, #tpu.memory_space<vmem>> -> memref<1x128x64xf32, #tpu.memory_space<vmem>>
    %dma_wait3A_403 = tpu.memref_squeeze %dma_wait3A_402 : memref<1x128x64xf32, #tpu.memory_space<vmem>> -> memref<128x64xf32, #tpu.memory_space<vmem>>
    %dma_wait3A_404 = arith.constant 0 : i32
    %dma_wait3A_405 = tpu.memref_slice %arg6[%dma_wait3A_398, %dma_wait3A_404] : memref<3x256xi32, #tpu.memory_space<vmem>> -> memref<1x128xi32, #tpu.memory_space<vmem>>
    %dma_wait3A_406 = tpu.memref_squeeze %dma_wait3A_405 : memref<1x128xi32, #tpu.memory_space<vmem>> -> memref<128xi32, #tpu.memory_space<vmem>>
    %dma_wait3A_407 = arith.constant 0 : i32
    %dma_wait3A_408 = arith.constant 0 : i32
    %dma_wait3A_409 = tpu.memref_slice %arg9[%dma_wait3A_407, %dma_wait3A_408] : memref<10000x64xf32, #tpu.memory_space<vmem_shared>> -> memref<10000x64xf32, #tpu.memory_space<vmem_shared>>
    tpu.wait_indirect_dma semaphore(%arg12 : memref<!tpu.dma_semaphore, #tpu.memory_space<semaphore_mem>>) src(%dma_wait3A_409 : memref<10000x64xf32, #tpu.memory_space<vmem_shared>>) dst(%dma_wait3A_403 : memref<128x64xf32, #tpu.memory_space<vmem>>)
    %dma_start3A_410 = arith.constant 1 : i32
    %dma_start3A_411 = arith.constant 0 : i32
    %dma_start3A_412 = arith.constant 1 : i32
    %dma_start3A_413 = arith.constant 0 : i32
    %dma_start3A_414 = arith.constant 0 : i32
    %dma_start3A_415 = tpu.memref_slice %arg8[%dma_start3A_410, %dma_start3A_413, %dma_start3A_414] : memref<4x128x64xf32, #tpu.memory_space<vmem>> -> memref<1x128x64xf32, #tpu.memory_space<vmem>>
    %dma_start3A_416 = tpu.memref_squeeze %dma_start3A_415 : memref<1x128x64xf32, #tpu.memory_space<vmem>> -> memref<128x64xf32, #tpu.memory_space<vmem>>
    %dma_start3A_417 = arith.constant 0 : i32
    %dma_start3A_418 = tpu.memref_slice %arg7[%dma_start3A_411, %dma_start3A_412, %dma_start3A_417] : memref<3x2x128xi32, #tpu.memory_space<vmem>> -> memref<1x1x128xi32, #tpu.memory_space<vmem>>
    %dma_start3A_419 = tpu.memref_squeeze %dma_start3A_418 : memref<1x1x128xi32, #tpu.memory_space<vmem>> -> memref<128xi32, #tpu.memory_space<vmem>>
    %dma_start3A_420 = arith.constant 0 : i32
    %dma_start3A_421 = arith.constant 0 : i32
    %dma_start3A_422 = tpu.memref_slice %arg10[%dma_start3A_420, %dma_start3A_421] : memref<10240x64xf32, #tpu.memory_space<vmem_shared>> -> memref<10240x64xf32, #tpu.memory_space<vmem_shared>>
    tpu.enqueue_indirect_dma source(%dma_start3A_416 : memref<128x64xf32, #tpu.memory_space<vmem>>) target(%dma_start3A_422 : memref<10240x64xf32, #tpu.memory_space<vmem_shared>>) offsets(%dma_start3A_419 : memref<128xi32, #tpu.memory_space<vmem>>) semaphore(%arg13 : memref<!tpu.dma_semaphore, #tpu.memory_space<semaphore_mem>>) {add = true}
    %dma_wait3A_423 = arith.constant 0 : i32
    %dma_wait3A_424 = arith.constant 0 : i32
    %dma_wait3A_425 = arith.constant 0 : i32
    %dma_wait3A_426 = arith.constant 0 : i32
    %dma_wait3A_427 = arith.constant 0 : i32
    %dma_wait3A_428 = tpu.memref_slice %arg8[%dma_wait3A_423, %dma_wait3A_426, %dma_wait3A_427] : memref<4x128x64xf32, #tpu.memory_space<vmem>> -> memref<1x128x64xf32, #tpu.memory_space<vmem>>
    %dma_wait3A_429 = tpu.memref_squeeze %dma_wait3A_428 : memref<1x128x64xf32, #tpu.memory_space<vmem>> -> memref<128x64xf32, #tpu.memory_space<vmem>>
    %dma_wait3A_430 = arith.constant 0 : i32
    %dma_wait3A_431 = tpu.memref_slice %arg7[%dma_wait3A_424, %dma_wait3A_425, %dma_wait3A_430] : memref<3x2x128xi32, #tpu.memory_space<vmem>> -> memref<1x1x128xi32, #tpu.memory_space<vmem>>
    %dma_wait3A_432 = tpu.memref_squeeze %dma_wait3A_431 : memref<1x1x128xi32, #tpu.memory_space<vmem>> -> memref<128xi32, #tpu.memory_space<vmem>>
    %dma_wait3A_433 = arith.constant 0 : i32
    %dma_wait3A_434 = arith.constant 0 : i32
    %dma_wait3A_435 = tpu.memref_slice %arg10[%dma_wait3A_433, %dma_wait3A_434] : memref<10240x64xf32, #tpu.memory_space<vmem_shared>> -> memref<10240x64xf32, #tpu.memory_space<vmem_shared>>
    tpu.wait_indirect_dma semaphore(%arg13 : memref<!tpu.dma_semaphore, #tpu.memory_space<semaphore_mem>>) src(%dma_wait3A_429 : memref<128x64xf32, #tpu.memory_space<vmem>>) dst(%dma_wait3A_435 : memref<10240x64xf32, #tpu.memory_space<vmem_shared>>)
    %dma_wait3A_436 = arith.constant 0 : i32
    %dma_wait3A_437 = arith.constant 0 : i32
    %dma_wait3A_438 = arith.constant 0 : i32
    %dma_wait3A_439 = arith.constant 0 : i32
    %dma_wait3A_440 = arith.constant 0 : i32
    %dma_wait3A_441 = tpu.memref_slice %arg8[%dma_wait3A_436, %dma_wait3A_439, %dma_wait3A_440] : memref<4x128x64xf32, #tpu.memory_space<vmem>> -> memref<1x128x64xf32, #tpu.memory_space<vmem>>
    %dma_wait3A_442 = tpu.memref_squeeze %dma_wait3A_441 : memref<1x128x64xf32, #tpu.memory_space<vmem>> -> memref<128x64xf32, #tpu.memory_space<vmem>>
    %dma_wait3A_443 = arith.constant 0 : i32
    %dma_wait3A_444 = tpu.memref_slice %arg7[%dma_wait3A_437, %dma_wait3A_438, %dma_wait3A_443] : memref<3x2x128xi32, #tpu.memory_space<vmem>> -> memref<1x1x128xi32, #tpu.memory_space<vmem>>
    %dma_wait3A_445 = tpu.memref_squeeze %dma_wait3A_444 : memref<1x1x128xi32, #tpu.memory_space<vmem>> -> memref<128xi32, #tpu.memory_space<vmem>>
    %dma_wait3A_446 = arith.constant 0 : i32
    %dma_wait3A_447 = arith.constant 0 : i32
    %dma_wait3A_448 = tpu.memref_slice %arg10[%dma_wait3A_446, %dma_wait3A_447] : memref<10240x64xf32, #tpu.memory_space<vmem_shared>> -> memref<10240x64xf32, #tpu.memory_space<vmem_shared>>
    tpu.wait_indirect_dma semaphore(%arg13 : memref<!tpu.dma_semaphore, #tpu.memory_space<semaphore_mem>>) src(%dma_wait3A_442 : memref<128x64xf32, #tpu.memory_space<vmem>>) dst(%dma_wait3A_448 : memref<10240x64xf32, #tpu.memory_space<vmem_shared>>)
    %dma_wait3A_449 = arith.constant 0 : i32
    %dma_wait3A_450 = arith.constant 0 : i32
    %dma_wait3A_451 = arith.constant 0 : i32
    %dma_wait3A_452 = arith.constant 0 : i32
    %dma_wait3A_453 = tpu.memref_slice %arg8[%dma_wait3A_450, %dma_wait3A_451, %dma_wait3A_452] : memref<4x128x64xf32, #tpu.memory_space<vmem>> -> memref<1x128x64xf32, #tpu.memory_space<vmem>>
    %dma_wait3A_454 = tpu.memref_squeeze %dma_wait3A_453 : memref<1x128x64xf32, #tpu.memory_space<vmem>> -> memref<128x64xf32, #tpu.memory_space<vmem>>
    %dma_wait3A_455 = arith.constant 0 : i32
    %dma_wait3A_456 = tpu.memref_slice %arg6[%dma_wait3A_449, %dma_wait3A_455] : memref<3x256xi32, #tpu.memory_space<vmem>> -> memref<1x128xi32, #tpu.memory_space<vmem>>
    %dma_wait3A_457 = tpu.memref_squeeze %dma_wait3A_456 : memref<1x128xi32, #tpu.memory_space<vmem>> -> memref<128xi32, #tpu.memory_space<vmem>>
    %dma_wait3A_458 = arith.constant 0 : i32
    %dma_wait3A_459 = arith.constant 0 : i32
    %dma_wait3A_460 = tpu.memref_slice %arg9[%dma_wait3A_458, %dma_wait3A_459] : memref<10000x64xf32, #tpu.memory_space<vmem_shared>> -> memref<10000x64xf32, #tpu.memory_space<vmem_shared>>
    tpu.wait_indirect_dma semaphore(%arg12 : memref<!tpu.dma_semaphore, #tpu.memory_space<semaphore_mem>>) src(%dma_wait3A_460 : memref<10000x64xf32, #tpu.memory_space<vmem_shared>>) dst(%dma_wait3A_454 : memref<128x64xf32, #tpu.memory_space<vmem>>)
    %dma_start3A_461 = arith.constant 2 : i32
    %dma_start3A_462 = arith.constant 1 : i32
    %dma_start3A_463 = arith.constant 0 : i32
    %dma_start3A_464 = arith.constant 0 : i32
    %dma_start3A_465 = arith.constant 0 : i32
    %dma_start3A_466 = tpu.memref_slice %arg8[%dma_start3A_461, %dma_start3A_464, %dma_start3A_465] : memref<4x128x64xf32, #tpu.memory_space<vmem>> -> memref<1x128x64xf32, #tpu.memory_space<vmem>>
    %dma_start3A_467 = tpu.memref_squeeze %dma_start3A_466 : memref<1x128x64xf32, #tpu.memory_space<vmem>> -> memref<128x64xf32, #tpu.memory_space<vmem>>
    %dma_start3A_468 = arith.constant 0 : i32
    %dma_start3A_469 = tpu.memref_slice %arg7[%dma_start3A_462, %dma_start3A_463, %dma_start3A_468] : memref<3x2x128xi32, #tpu.memory_space<vmem>> -> memref<1x1x128xi32, #tpu.memory_space<vmem>>
    %dma_start3A_470 = tpu.memref_squeeze %dma_start3A_469 : memref<1x1x128xi32, #tpu.memory_space<vmem>> -> memref<128xi32, #tpu.memory_space<vmem>>
    %dma_start3A_471 = arith.constant 0 : i32
    %dma_start3A_472 = arith.constant 0 : i32
    %dma_start3A_473 = tpu.memref_slice %arg10[%dma_start3A_471, %dma_start3A_472] : memref<10240x64xf32, #tpu.memory_space<vmem_shared>> -> memref<10240x64xf32, #tpu.memory_space<vmem_shared>>
    tpu.enqueue_indirect_dma source(%dma_start3A_467 : memref<128x64xf32, #tpu.memory_space<vmem>>) target(%dma_start3A_473 : memref<10240x64xf32, #tpu.memory_space<vmem_shared>>) offsets(%dma_start3A_470 : memref<128xi32, #tpu.memory_space<vmem>>) semaphore(%arg13 : memref<!tpu.dma_semaphore, #tpu.memory_space<semaphore_mem>>) {add = true}
    %dma_wait3A_474 = arith.constant 0 : i32
    %dma_wait3A_475 = arith.constant 0 : i32
    %dma_wait3A_476 = arith.constant 0 : i32
    %dma_wait3A_477 = arith.constant 0 : i32
    %dma_wait3A_478 = tpu.memref_slice %arg8[%dma_wait3A_475, %dma_wait3A_476, %dma_wait3A_477] : memref<4x128x64xf32, #tpu.memory_space<vmem>> -> memref<1x128x64xf32, #tpu.memory_space<vmem>>
    %dma_wait3A_479 = tpu.memref_squeeze %dma_wait3A_478 : memref<1x128x64xf32, #tpu.memory_space<vmem>> -> memref<128x64xf32, #tpu.memory_space<vmem>>
    %dma_wait3A_480 = arith.constant 0 : i32
    %dma_wait3A_481 = tpu.memref_slice %arg6[%dma_wait3A_474, %dma_wait3A_480] : memref<3x256xi32, #tpu.memory_space<vmem>> -> memref<1x128xi32, #tpu.memory_space<vmem>>
    %dma_wait3A_482 = tpu.memref_squeeze %dma_wait3A_481 : memref<1x128xi32, #tpu.memory_space<vmem>> -> memref<128xi32, #tpu.memory_space<vmem>>
    %dma_wait3A_483 = arith.constant 0 : i32
    %dma_wait3A_484 = arith.constant 0 : i32
    %dma_wait3A_485 = tpu.memref_slice %arg9[%dma_wait3A_483, %dma_wait3A_484] : memref<10000x64xf32, #tpu.memory_space<vmem_shared>> -> memref<10000x64xf32, #tpu.memory_space<vmem_shared>>
    tpu.wait_indirect_dma semaphore(%arg12 : memref<!tpu.dma_semaphore, #tpu.memory_space<semaphore_mem>>) src(%dma_wait3A_485 : memref<10000x64xf32, #tpu.memory_space<vmem_shared>>) dst(%dma_wait3A_479 : memref<128x64xf32, #tpu.memory_space<vmem>>)
    %dma_start3A_486 = arith.constant 3 : i32
    %dma_start3A_487 = arith.constant 1 : i32
    %dma_start3A_488 = arith.constant 1 : i32
    %dma_start3A_489 = arith.constant 0 : i32
    %dma_start3A_490 = arith.constant 0 : i32
    %dma_start3A_491 = tpu.memref_slice %arg8[%dma_start3A_486, %dma_start3A_489, %dma_start3A_490] : memref<4x128x64xf32, #tpu.memory_space<vmem>> -> memref<1x128x64xf32, #tpu.memory_space<vmem>>
    %dma_start3A_492 = tpu.memref_squeeze %dma_start3A_491 : memref<1x128x64xf32, #tpu.memory_space<vmem>> -> memref<128x64xf32, #tpu.memory_space<vmem>>
    %dma_start3A_493 = arith.constant 0 : i32
    %dma_start3A_494 = tpu.memref_slice %arg7[%dma_start3A_487, %dma_start3A_488, %dma_start3A_493] : memref<3x2x128xi32, #tpu.memory_space<vmem>> -> memref<1x1x128xi32, #tpu.memory_space<vmem>>
    %dma_start3A_495 = tpu.memref_squeeze %dma_start3A_494 : memref<1x1x128xi32, #tpu.memory_space<vmem>> -> memref<128xi32, #tpu.memory_space<vmem>>
    %dma_start3A_496 = arith.constant 0 : i32
    %dma_start3A_497 = arith.constant 0 : i32
    %dma_start3A_498 = tpu.memref_slice %arg10[%dma_start3A_496, %dma_start3A_497] : memref<10240x64xf32, #tpu.memory_space<vmem_shared>> -> memref<10240x64xf32, #tpu.memory_space<vmem_shared>>
    tpu.enqueue_indirect_dma source(%dma_start3A_492 : memref<128x64xf32, #tpu.memory_space<vmem>>) target(%dma_start3A_498 : memref<10240x64xf32, #tpu.memory_space<vmem_shared>>) offsets(%dma_start3A_495 : memref<128xi32, #tpu.memory_space<vmem>>) semaphore(%arg13 : memref<!tpu.dma_semaphore, #tpu.memory_space<semaphore_mem>>) {add = true}
    %dma_wait3A_499 = arith.constant 0 : i32
    %dma_wait3A_500 = arith.constant 0 : i32
    %dma_wait3A_501 = arith.constant 0 : i32
    %dma_wait3A_502 = arith.constant 0 : i32
    %dma_wait3A_503 = arith.constant 0 : i32
    %dma_wait3A_504 = tpu.memref_slice %arg8[%dma_wait3A_499, %dma_wait3A_502, %dma_wait3A_503] : memref<4x128x64xf32, #tpu.memory_space<vmem>> -> memref<1x128x64xf32, #tpu.memory_space<vmem>>
    %dma_wait3A_505 = tpu.memref_squeeze %dma_wait3A_504 : memref<1x128x64xf32, #tpu.memory_space<vmem>> -> memref<128x64xf32, #tpu.memory_space<vmem>>
    %dma_wait3A_506 = arith.constant 0 : i32
    %dma_wait3A_507 = tpu.memref_slice %arg7[%dma_wait3A_500, %dma_wait3A_501, %dma_wait3A_506] : memref<3x2x128xi32, #tpu.memory_space<vmem>> -> memref<1x1x128xi32, #tpu.memory_space<vmem>>
    %dma_wait3A_508 = tpu.memref_squeeze %dma_wait3A_507 : memref<1x1x128xi32, #tpu.memory_space<vmem>> -> memref<128xi32, #tpu.memory_space<vmem>>
    %dma_wait3A_509 = arith.constant 0 : i32
    %dma_wait3A_510 = arith.constant 0 : i32
    %dma_wait3A_511 = tpu.memref_slice %arg10[%dma_wait3A_509, %dma_wait3A_510] : memref<10240x64xf32, #tpu.memory_space<vmem_shared>> -> memref<10240x64xf32, #tpu.memory_space<vmem_shared>>
    tpu.wait_indirect_dma semaphore(%arg13 : memref<!tpu.dma_semaphore, #tpu.memory_space<semaphore_mem>>) src(%dma_wait3A_505 : memref<128x64xf32, #tpu.memory_space<vmem>>) dst(%dma_wait3A_511 : memref<10240x64xf32, #tpu.memory_space<vmem_shared>>)
    %dma_wait3A_512 = arith.constant 0 : i32
    %dma_wait3A_513 = arith.constant 0 : i32
    %dma_wait3A_514 = arith.constant 0 : i32
    %dma_wait3A_515 = arith.constant 0 : i32
    %dma_wait3A_516 = arith.constant 0 : i32
    %dma_wait3A_517 = tpu.memref_slice %arg8[%dma_wait3A_512, %dma_wait3A_515, %dma_wait3A_516] : memref<4x128x64xf32, #tpu.memory_space<vmem>> -> memref<1x128x64xf32, #tpu.memory_space<vmem>>
    %dma_wait3A_518 = tpu.memref_squeeze %dma_wait3A_517 : memref<1x128x64xf32, #tpu.memory_space<vmem>> -> memref<128x64xf32, #tpu.memory_space<vmem>>
    %dma_wait3A_519 = arith.constant 0 : i32
    %dma_wait3A_520 = tpu.memref_slice %arg7[%dma_wait3A_513, %dma_wait3A_514, %dma_wait3A_519] : memref<3x2x128xi32, #tpu.memory_space<vmem>> -> memref<1x1x128xi32, #tpu.memory_space<vmem>>
    %dma_wait3A_521 = tpu.memref_squeeze %dma_wait3A_520 : memref<1x1x128xi32, #tpu.memory_space<vmem>> -> memref<128xi32, #tpu.memory_space<vmem>>
    %dma_wait3A_522 = arith.constant 0 : i32
    %dma_wait3A_523 = arith.constant 0 : i32
    %dma_wait3A_524 = tpu.memref_slice %arg10[%dma_wait3A_522, %dma_wait3A_523] : memref<10240x64xf32, #tpu.memory_space<vmem_shared>> -> memref<10240x64xf32, #tpu.memory_space<vmem_shared>>
    tpu.wait_indirect_dma semaphore(%arg13 : memref<!tpu.dma_semaphore, #tpu.memory_space<semaphore_mem>>) src(%dma_wait3A_518 : memref<128x64xf32, #tpu.memory_space<vmem>>) dst(%dma_wait3A_524 : memref<10240x64xf32, #tpu.memory_space<vmem_shared>>)
    %barrier3A_525 = arith.constant 0 : index
    tpu.barrier barrier_id(%barrier3A_525)
    "tpu.region"() ({
      %run_scoped3A_526 = tpu.sem_alloc : memref<!tpu.dma_semaphore, #tpu.memory_space<semaphore_mem>>
      %dma_start3A_527 = arith.constant 0 : i32
      %dma_start3A_528 = tpu.memref_slice %arg5[%arg0, %mul3A_0, %dma_start3A_527] : memref<2x10240x64xf32, #tpu.memory_space<hbm>> -> memref<1x640x64xf32, #tpu.memory_space<hbm>>
      %dma_start3A_529 = tpu.memref_squeeze %dma_start3A_528 : memref<1x640x64xf32, #tpu.memory_space<hbm>> -> memref<640x64xf32, #tpu.memory_space<hbm>>
      %dma_start3A_530 = arith.constant 0 : i32
      %dma_start3A_531 = tpu.memref_slice %arg10[%mul3A_0, %dma_start3A_530] : memref<10240x64xf32, #tpu.memory_space<vmem_shared>> -> memref<640x64xf32, #tpu.memory_space<vmem_shared>>
      tpu.enqueue_dma source(%dma_start3A_531 : memref<640x64xf32, #tpu.memory_space<vmem_shared>>) target(%dma_start3A_529 : memref<640x64xf32, #tpu.memory_space<hbm>>) target_semaphore(%run_scoped3A_526 : memref<!tpu.dma_semaphore, #tpu.memory_space<semaphore_mem>>)
      %dma_wait3A_532 = arith.constant 0 : i32
      %dma_wait3A_533 = tpu.memref_slice %arg5[%arg0, %mul3A_0, %dma_wait3A_532] : memref<2x10240x64xf32, #tpu.memory_space<hbm>> -> memref<1x640x64xf32, #tpu.memory_space<hbm>>
      %dma_wait3A_534 = tpu.memref_squeeze %dma_wait3A_533 : memref<1x640x64xf32, #tpu.memory_space<hbm>> -> memref<640x64xf32, #tpu.memory_space<hbm>>
      %dma_wait3A_535 = arith.constant 0 : i32
      %dma_wait3A_536 = tpu.memref_slice %arg10[%mul3A_0, %dma_wait3A_535] : memref<10240x64xf32, #tpu.memory_space<vmem_shared>> -> memref<640x64xf32, #tpu.memory_space<vmem_shared>>
      tpu.wait_dma2 semaphore(%run_scoped3A_526 : memref<!tpu.dma_semaphore, #tpu.memory_space<semaphore_mem>>) src(%dma_wait3A_536 : memref<640x64xf32, #tpu.memory_space<vmem_shared>>) dst(%dma_wait3A_534 : memref<640x64xf32, #tpu.memory_space<hbm>>)
      tpu.yield
    }) : () -> ()
    return
  }
}

#map = affine_map<(d0, d1) -> (0, 0, 0, 0)>
#map1 = affine_map<(d0, d1) -> (0, 0, 0)>
module attributes {stable_mosaic.version = 14 : i64} {
  func.func @_sc_deg(%arg0: i32, %arg1: i32, %arg2: memref<2x16x10x1024xi32, #tpu.memory_space<hbm>>, %arg3: memref<2x16x10240xf32, #tpu.memory_space<hbm>>, %arg4: memref<2x1024xi32, #tpu.memory_space<vmem>>, %arg5: memref<10240xf32, #tpu.memory_space<vmem>>, %arg6: memref<!tpu.dma_semaphore, #tpu.memory_space<semaphore_mem>>) attributes {dimension_semantics = [#tpu.dimension_semantics<core_parallel>, #tpu.dimension_semantics<subcore_parallel>], iteration_bounds = array<i64: 2, 16>, scalar_prefetch = 0 : i64, scratch_operands = 3 : i64, tpu.core_type = #tpu.core_type<sc_vector_subcore>, window_params = [{transform_indices = #map}, {transform_indices = #map1}]} {
    %dma_start3A = arith.constant 0 : i32
    %dma_start3A_0 = arith.constant 0 : i32
    %dma_start3A_1 = arith.constant 0 : i32
    %dma_start3A_2 = tpu.memref_slice %arg4[%dma_start3A_0, %dma_start3A_1] : memref<2x1024xi32, #tpu.memory_space<vmem>> -> memref<1x1024xi32, #tpu.memory_space<vmem>>
    %dma_start3A_3 = tpu.memref_squeeze %dma_start3A_2 : memref<1x1024xi32, #tpu.memory_space<vmem>> -> memref<1024xi32, #tpu.memory_space<vmem>>
    %dma_start3A_4 = arith.constant 0 : i32
    %dma_start3A_5 = tpu.memref_slice %arg2[%arg0, %arg1, %dma_start3A, %dma_start3A_4] : memref<2x16x10x1024xi32, #tpu.memory_space<hbm>> -> memref<1x1x1x1024xi32, #tpu.memory_space<hbm>>
    %dma_start3A_6 = tpu.memref_squeeze %dma_start3A_5 : memref<1x1x1x1024xi32, #tpu.memory_space<hbm>> -> memref<1024xi32, #tpu.memory_space<hbm>>
    %dma_start3A_7 = arith.constant 0 : i32
    %dma_start3A_8 = tpu.memref_slice %arg4[%dma_start3A_0, %dma_start3A_7] : memref<2x1024xi32, #tpu.memory_space<vmem>> -> memref<1x1024xi32, #tpu.memory_space<vmem>>
    %dma_start3A_9 = tpu.memref_squeeze %dma_start3A_8 : memref<1x1024xi32, #tpu.memory_space<vmem>> -> memref<1024xi32, #tpu.memory_space<vmem>>
    %dma_start3A_10 = arith.constant 0 : i32
    %dma_start3A_11 = tpu.memref_slice %arg2[%arg0, %arg1, %dma_start3A, %dma_start3A_10] : memref<2x16x10x1024xi32, #tpu.memory_space<hbm>> -> memref<1x1x1x1024xi32, #tpu.memory_space<hbm>>
    %dma_start3A_12 = tpu.memref_squeeze %dma_start3A_11 : memref<1x1x1x1024xi32, #tpu.memory_space<hbm>> -> memref<1024xi32, #tpu.memory_space<hbm>>
    tpu.enqueue_dma source(%dma_start3A_12 : memref<1024xi32, #tpu.memory_space<hbm>>) target(%dma_start3A_9 : memref<1024xi32, #tpu.memory_space<vmem>>) target_semaphore(%arg6 : memref<!tpu.dma_semaphore, #tpu.memory_space<semaphore_mem>>)
    %dma_start3A_13 = arith.constant 1 : i32
    %dma_start3A_14 = arith.constant 1 : i32
    %dma_start3A_15 = arith.constant 0 : i32
    %dma_start3A_16 = tpu.memref_slice %arg4[%dma_start3A_14, %dma_start3A_15] : memref<2x1024xi32, #tpu.memory_space<vmem>> -> memref<1x1024xi32, #tpu.memory_space<vmem>>
    %dma_start3A_17 = tpu.memref_squeeze %dma_start3A_16 : memref<1x1024xi32, #tpu.memory_space<vmem>> -> memref<1024xi32, #tpu.memory_space<vmem>>
    %dma_start3A_18 = arith.constant 0 : i32
    %dma_start3A_19 = tpu.memref_slice %arg2[%arg0, %arg1, %dma_start3A_13, %dma_start3A_18] : memref<2x16x10x1024xi32, #tpu.memory_space<hbm>> -> memref<1x1x1x1024xi32, #tpu.memory_space<hbm>>
    %dma_start3A_20 = tpu.memref_squeeze %dma_start3A_19 : memref<1x1x1x1024xi32, #tpu.memory_space<hbm>> -> memref<1024xi32, #tpu.memory_space<hbm>>
    %dma_start3A_21 = arith.constant 0 : i32
    %dma_start3A_22 = tpu.memref_slice %arg4[%dma_start3A_14, %dma_start3A_21] : memref<2x1024xi32, #tpu.memory_space<vmem>> -> memref<1x1024xi32, #tpu.memory_space<vmem>>
    %dma_start3A_23 = tpu.memref_squeeze %dma_start3A_22 : memref<1x1024xi32, #tpu.memory_space<vmem>> -> memref<1024xi32, #tpu.memory_space<vmem>>
    %dma_start3A_24 = arith.constant 0 : i32
    %dma_start3A_25 = tpu.memref_slice %arg2[%arg0, %arg1, %dma_start3A_13, %dma_start3A_24] : memref<2x16x10x1024xi32, #tpu.memory_space<hbm>> -> memref<1x1x1x1024xi32, #tpu.memory_space<hbm>>
    %dma_start3A_26 = tpu.memref_squeeze %dma_start3A_25 : memref<1x1x1x1024xi32, #tpu.memory_space<hbm>> -> memref<1024xi32, #tpu.memory_space<hbm>>
    tpu.enqueue_dma source(%dma_start3A_26 : memref<1024xi32, #tpu.memory_space<hbm>>) target(%dma_start3A_23 : memref<1024xi32, #tpu.memory_space<vmem>>) target_semaphore(%arg6 : memref<!tpu.dma_semaphore, #tpu.memory_space<semaphore_mem>>)
    %scan3A = arith.constant 0 : i32
    %scan3A_27 = arith.constant 0 : i32
    %scan3A_28 = arith.constant 640 : i32
    %scan3A_29 = arith.addi %scan3A_27, %scan3A_28 : i32
    %scan3A_30 = arith.constant 1 : i32
    scf.for %scan3A_39 = %scan3A_27 to %scan3A_29 step %scan3A_30  : i32 {
      %broadcast_in_dim3A_40 = arith.constant 0.000000e+00 : f32
      %broadcast_in_dim3A_41 = vector.broadcast %broadcast_in_dim3A_40 : f32 to vector<16xf32>
      %mul3A = arith.constant 16 : i32
      %mul3A_42 = arith.muli %mul3A, %scan3A_39 : i32
      %swap3A = arith.index_cast %mul3A_42 : i32 to index
      %swap3A_43 = tpu.vector_load %arg5[%swap3A] {strides = array<i32>} : memref<10240xf32, #tpu.memory_space<vmem>>, vector<16xf32>,
      tpu.vector_store %arg5[%swap3A], %broadcast_in_dim3A_41 {strides = array<i32>} : memref<10240xf32, #tpu.memory_space<vmem>>, vector<16xf32>,
    }
    %scan3A_31 = arith.constant 640 : i32
    %broadcast_in_dim3A = arith.constant 1.000000e+00 : f32
    %broadcast_in_dim3A_32 = vector.broadcast %broadcast_in_dim3A : f32 to vector<16xf32>
    %scan3A_33 = arith.constant 0 : i32
    %scan3A_34 = arith.constant 0 : i32
    %scan3A_35 = arith.constant 10 : i32
    %scan3A_36 = arith.addi %scan3A_34, %scan3A_35 : i32
    %scan3A_37 = arith.constant 1 : i32
    scf.for %scan3A_39 = %scan3A_34 to %scan3A_36 step %scan3A_37  : i32 {
      %dma_wait3A = arith.constant 0 : i32
      %dma_wait3A_40 = arith.constant 0 : i32
      %dma_wait3A_41 = arith.constant 0 : i32
      %dma_wait3A_42 = arith.constant 0 : i32
      %dma_wait3A_43 = arith.constant 0 : i32
      %dma_wait3A_44 = tpu.memref_slice %arg4[%dma_wait3A_42, %dma_wait3A_43] : memref<2x1024xi32, #tpu.memory_space<vmem>> -> memref<1x1024xi32, #tpu.memory_space<vmem>>
      %dma_wait3A_45 = tpu.memref_squeeze %dma_wait3A_44 : memref<1x1024xi32, #tpu.memory_space<vmem>> -> memref<1024xi32, #tpu.memory_space<vmem>>
      %dma_wait3A_46 = arith.constant 0 : i32
      %dma_wait3A_47 = tpu.memref_slice %arg2[%dma_wait3A, %dma_wait3A_40, %dma_wait3A_41, %dma_wait3A_46] : memref<2x16x10x1024xi32, #tpu.memory_space<hbm>> -> memref<1x1x1x1024xi32, #tpu.memory_space<hbm>>
      %dma_wait3A_48 = tpu.memref_squeeze %dma_wait3A_47 : memref<1x1x1x1024xi32, #tpu.memory_space<hbm>> -> memref<1024xi32, #tpu.memory_space<hbm>>
      %dma_wait3A_49 = arith.constant 0 : i32
      %dma_wait3A_50 = tpu.memref_slice %arg4[%dma_wait3A_42, %dma_wait3A_49] : memref<2x1024xi32, #tpu.memory_space<vmem>> -> memref<1x1024xi32, #tpu.memory_space<vmem>>
      %dma_wait3A_51 = tpu.memref_squeeze %dma_wait3A_50 : memref<1x1024xi32, #tpu.memory_space<vmem>> -> memref<1024xi32, #tpu.memory_space<vmem>>
      %dma_wait3A_52 = arith.constant 0 : i32
      %dma_wait3A_53 = tpu.memref_slice %arg2[%dma_wait3A, %dma_wait3A_40, %dma_wait3A_41, %dma_wait3A_52] : memref<2x16x10x1024xi32, #tpu.memory_space<hbm>> -> memref<1x1x1x1024xi32, #tpu.memory_space<hbm>>
      %dma_wait3A_54 = tpu.memref_squeeze %dma_wait3A_53 : memref<1x1x1x1024xi32, #tpu.memory_space<hbm>> -> memref<1024xi32, #tpu.memory_space<hbm>>
      tpu.wait_dma2 semaphore(%arg6 : memref<!tpu.dma_semaphore, #tpu.memory_space<semaphore_mem>>) src(%dma_wait3A_54 : memref<1024xi32, #tpu.memory_space<hbm>>) dst(%dma_wait3A_51 : memref<1024xi32, #tpu.memory_space<vmem>>)
      %scan3A_55 = arith.constant 0 : i32
      %scan3A_56 = arith.constant 0 : i32
      %scan3A_57 = arith.constant 64 : i32
      %scan3A_58 = arith.addi %scan3A_56, %scan3A_57 : i32
      %scan3A_59 = arith.constant 1 : i32
      scf.for %scan3A_64 = %scan3A_56 to %scan3A_58 step %scan3A_59  : i32 {
        %jit3A = arith.constant 2 : i32
        %eq3A = arith.constant 0 : i32
        %eq3A_65 = arith.cmpi eq, %jit3A, %eq3A : i32
        %jit3A_66 = arith.constant 1 : i32
        %select_n3A = arith.select %eq3A_65, %jit3A_66, %jit3A : i32
        %rem3A = arith.remsi %scan3A_39, %select_n3A : i32
        %ne3A = arith.constant 0 : i32
        %ne3A_67 = arith.cmpi ne, %rem3A, %ne3A : i32
        %lt3A_68 = arith.constant 0 : i32
        %lt3A_69 = arith.cmpi slt, %rem3A, %lt3A_68 : i32
        %lt3A_70 = arith.constant 0 : i32
        %lt3A_71 = arith.cmpi slt, %select_n3A, %lt3A_70 : i32
        %ne3A_72 = arith.xori %lt3A_69, %lt3A_71 : i1
        %and3A = arith.andi %ne3A_72, %ne3A_67 : i1
        %add3A_73 = arith.addi %rem3A, %select_n3A : i32
        %select_n3A_74 = arith.select %and3A, %add3A_73, %rem3A : i32
        %mul3A = arith.constant 16 : i32
        %mul3A_75 = arith.muli %mul3A, %scan3A_64 : i32
        %get3A = arith.index_cast %select_n3A_74 : i32 to index
        %get3A_76 = arith.index_cast %mul3A_75 : i32 to index
        %get3A_77 = tpu.vector_load %arg4[%get3A, %get3A_76] {strides = array<i32>} : memref<2x1024xi32, #tpu.memory_space<vmem>>, vector<16xi32>,
        tpu.vector_store_idx %arg5[%get3A_77], %broadcast_in_dim3A_32 {add = true} : memref<10240xf32, #tpu.memory_space<vmem>>[vector<16xi32>], vector<16xf32>,
      }
      %scan3A_60 = arith.constant 64 : i32
      %add3A = arith.constant 2 : i32
      %add3A_61 = arith.addi %scan3A_39, %add3A : i32
      %lt3A = arith.constant 10 : i32
      %lt3A_62 = arith.cmpi slt, %add3A_61, %lt3A : i32
      %convert_element_type3A = arith.extui %lt3A_62 : i1 to i32
      %cond3A = arith.constant 0 : i32
      %cond3A_63 = arith.cmpi ne, %convert_element_type3A, %cond3A : i32
      scf.if %cond3A_63 {
        %add3A_64 = arith.constant 2 : i32
        %add3A_65 = arith.addi %scan3A_39, %add3A_64 : i32
        %add3A_66 = arith.constant 2 : i32
        %add3A_67 = arith.addi %scan3A_39, %add3A_66 : i32
        %jit3A = arith.constant 2 : i32
        %eq3A = arith.constant 0 : i32
        %eq3A_68 = arith.cmpi eq, %jit3A, %eq3A : i32
        %jit3A_69 = arith.constant 1 : i32
        %select_n3A = arith.select %eq3A_68, %jit3A_69, %jit3A : i32
        %rem3A = arith.remsi %add3A_67, %select_n3A : i32
        %ne3A = arith.constant 0 : i32
        %ne3A_70 = arith.cmpi ne, %rem3A, %ne3A : i32
        %lt3A_71 = arith.constant 0 : i32
        %lt3A_72 = arith.cmpi slt, %rem3A, %lt3A_71 : i32
        %lt3A_73 = arith.constant 0 : i32
        %lt3A_74 = arith.cmpi slt, %select_n3A, %lt3A_73 : i32
        %ne3A_75 = arith.xori %lt3A_72, %lt3A_74 : i1
        %and3A = arith.andi %ne3A_75, %ne3A_70 : i1
        %add3A_76 = arith.addi %rem3A, %select_n3A : i32
        %select_n3A_77 = arith.select %and3A, %add3A_76, %rem3A : i32
        %dma_start3A_78 = arith.constant 0 : i32
        %dma_start3A_79 = tpu.memref_slice %arg4[%select_n3A_77, %dma_start3A_78] : memref<2x1024xi32, #tpu.memory_space<vmem>> -> memref<1x1024xi32, #tpu.memory_space<vmem>>
        %dma_start3A_80 = tpu.memref_squeeze %dma_start3A_79 : memref<1x1024xi32, #tpu.memory_space<vmem>> -> memref<1024xi32, #tpu.memory_space<vmem>>
        %dma_start3A_81 = arith.constant 0 : i32
        %dma_start3A_82 = tpu.memref_slice %arg2[%arg0, %arg1, %add3A_65, %dma_start3A_81] : memref<2x16x10x1024xi32, #tpu.memory_space<hbm>> -> memref<1x1x1x1024xi32, #tpu.memory_space<hbm>>
        %dma_start3A_83 = tpu.memref_squeeze %dma_start3A_82 : memref<1x1x1x1024xi32, #tpu.memory_space<hbm>> -> memref<1024xi32, #tpu.memory_space<hbm>>
        %dma_start3A_84 = arith.constant 0 : i32
        %dma_start3A_85 = tpu.memref_slice %arg4[%select_n3A_77, %dma_start3A_84] : memref<2x1024xi32, #tpu.memory_space<vmem>> -> memref<1x1024xi32, #tpu.memory_space<vmem>>
        %dma_start3A_86 = tpu.memref_squeeze %dma_start3A_85 : memref<1x1024xi32, #tpu.memory_space<vmem>> -> memref<1024xi32, #tpu.memory_space<vmem>>
        %dma_start3A_87 = arith.constant 0 : i32
        %dma_start3A_88 = tpu.memref_slice %arg2[%arg0, %arg1, %add3A_65, %dma_start3A_87] : memref<2x16x10x1024xi32, #tpu.memory_space<hbm>> -> memref<1x1x1x1024xi32, #tpu.memory_space<hbm>>
        %dma_start3A_89 = tpu.memref_squeeze %dma_start3A_88 : memref<1x1x1x1024xi32, #tpu.memory_space<hbm>> -> memref<1024xi32, #tpu.memory_space<hbm>>
        tpu.enqueue_dma source(%dma_start3A_89 : memref<1024xi32, #tpu.memory_space<hbm>>) target(%dma_start3A_86 : memref<1024xi32, #tpu.memory_space<vmem>>) target_semaphore(%arg6 : memref<!tpu.dma_semaphore, #tpu.memory_space<semaphore_mem>>)
      } else {
      }
    }
    %scan3A_38 = arith.constant 10 : i32
    "tpu.region"() ({
      %run_scoped3A = tpu.sem_alloc : memref<!tpu.dma_semaphore, #tpu.memory_space<semaphore_mem>>
      %dma_start3A_39 = arith.constant 0 : i32
      %dma_start3A_40 = tpu.memref_slice %arg3[%arg0, %arg1, %dma_start3A_39] : memref<2x16x10240xf32, #tpu.memory_space<hbm>> -> memref<1x1x10240xf32, #tpu.memory_space<hbm>>
      %dma_start3A_41 = tpu.memref_squeeze %dma_start3A_40 : memref<1x1x10240xf32, #tpu.memory_space<hbm>> -> memref<10240xf32, #tpu.memory_space<hbm>>
      %dma_start3A_42 = arith.constant 0 : i32
      %dma_start3A_43 = tpu.memref_slice %arg3[%arg0, %arg1, %dma_start3A_42] : memref<2x16x10240xf32, #tpu.memory_space<hbm>> -> memref<1x1x10240xf32, #tpu.memory_space<hbm>>
      %dma_start3A_44 = tpu.memref_squeeze %dma_start3A_43 : memref<1x1x10240xf32, #tpu.memory_space<hbm>> -> memref<10240xf32, #tpu.memory_space<hbm>>
      tpu.enqueue_dma source(%arg5 : memref<10240xf32, #tpu.memory_space<vmem>>) target(%dma_start3A_44 : memref<10240xf32, #tpu.memory_space<hbm>>) target_semaphore(%run_scoped3A : memref<!tpu.dma_semaphore, #tpu.memory_space<semaphore_mem>>)
      %dma_wait3A = arith.constant 0 : i32
      %dma_wait3A_45 = tpu.memref_slice %arg3[%arg0, %arg1, %dma_wait3A] : memref<2x16x10240xf32, #tpu.memory_space<hbm>> -> memref<1x1x10240xf32, #tpu.memory_space<hbm>>
      %dma_wait3A_46 = tpu.memref_squeeze %dma_wait3A_45 : memref<1x1x10240xf32, #tpu.memory_space<hbm>> -> memref<10240xf32, #tpu.memory_space<hbm>>
      %dma_wait3A_47 = arith.constant 0 : i32
      %dma_wait3A_48 = tpu.memref_slice %arg3[%arg0, %arg1, %dma_wait3A_47] : memref<2x16x10240xf32, #tpu.memory_space<hbm>> -> memref<1x1x10240xf32, #tpu.memory_space<hbm>>
      %dma_wait3A_49 = tpu.memref_squeeze %dma_wait3A_48 : memref<1x1x10240xf32, #tpu.memory_space<hbm>> -> memref<10240xf32, #tpu.memory_space<hbm>>
      tpu.wait_dma2 semaphore(%run_scoped3A : memref<!tpu.dma_semaphore, #tpu.memory_space<semaphore_mem>>) src(%arg5 : memref<10240xf32, #tpu.memory_space<vmem>>) dst(%dma_wait3A_49 : memref<10240xf32, #tpu.memory_space<hbm>>)
      tpu.yield
    }) : () -> ()
    return
  }
}

#map = affine_map<(d0, d1) -> (0, 0, 0)>
#map1 = affine_map<(d0, d1) -> (0, 0, 0, 0)>
module attributes {stable_mosaic.version = 14 : i64} {
  func.func @_sc_edge(%arg0: i32, %arg1: i32, %arg2: memref<2x10000x64xf32, #tpu.memory_space<hbm>>, %arg3: memref<16x80x256xi32, #tpu.memory_space<hbm>>, %arg4: memref<16x80x2x128xi32, #tpu.memory_space<hbm>>, %arg5: memref<2x10240x64xf32, #tpu.memory_space<hbm>>, %arg6: memref<3x256xi32, #tpu.memory_space<vmem>>, %arg7: memref<3x2x128xi32, #tpu.memory_space<vmem>>, %arg8: memref<4x128x64xf32, #tpu.memory_space<vmem>>, %arg9: memref<10000x64xf32, #tpu.memory_space<vmem_shared>>, %arg10: memref<10240x64xf32, #tpu.memory_space<vmem_shared>>, %arg11: memref<!tpu.dma_semaphore, #tpu.memory_space<semaphore_mem>>, %arg12: memref<!tpu.dma_semaphore, #tpu.memory_space<semaphore_mem>>, %arg13: memref<!tpu.dma_semaphore, #tpu.memory_space<semaphore_mem>>) attributes {dimension_semantics = [#tpu.dimension_semantics<core_parallel>, #tpu.dimension_semantics<subcore_parallel>], iteration_bounds = array<i64: 2, 16>, scalar_prefetch = 0 : i64, scratch_operands = 8 : i64, tpu.core_type = #tpu.core_type<sc_vector_subcore>, window_params = [{transform_indices = #map}, {transform_indices = #map}, {transform_indices = #map1}, {transform_indices = #map}]} {
    %mul3A = arith.constant 640 : i32
    %mul3A_0 = arith.muli %arg1, %mul3A : i32
    %dma_start3A = arith.constant 0 : i32
    %dma_start3A_1 = arith.constant 0 : i32
    %dma_start3A_2 = arith.constant 0 : i32
    %dma_start3A_3 = tpu.memref_slice %arg6[%dma_start3A_1, %dma_start3A_2] : memref<3x256xi32, #tpu.memory_space<vmem>> -> memref<1x256xi32, #tpu.memory_space<vmem>>
    %dma_start3A_4 = tpu.memref_squeeze %dma_start3A_3 : memref<1x256xi32, #tpu.memory_space<vmem>> -> memref<256xi32, #tpu.memory_space<vmem>>
    %dma_start3A_5 = arith.constant 0 : i32
    %dma_start3A_6 = tpu.memref_slice %arg3[%arg1, %dma_start3A, %dma_start3A_5] : memref<16x80x256xi32, #tpu.memory_space<hbm>> -> memref<1x1x256xi32, #tpu.memory_space<hbm>>
    %dma_start3A_7 = tpu.memref_squeeze %dma_start3A_6 : memref<1x1x256xi32, #tpu.memory_space<hbm>> -> memref<256xi32, #tpu.memory_space<hbm>>
    %dma_start3A_8 = arith.constant 0 : i32
    %dma_start3A_9 = tpu.memref_slice %arg6[%dma_start3A_1, %dma_start3A_8] : memref<3x256xi32, #tpu.memory_space<vmem>> -> memref<1x256xi32, #tpu.memory_space<vmem>>
    %dma_start3A_10 = tpu.memref_squeeze %dma_start3A_9 : memref<1x256xi32, #tpu.memory_space<vmem>> -> memref<256xi32, #tpu.memory_space<vmem>>
    %dma_start3A_11 = arith.constant 0 : i32
    %dma_start3A_12 = tpu.memref_slice %arg3[%arg1, %dma_start3A, %dma_start3A_11] : memref<16x80x256xi32, #tpu.memory_space<hbm>> -> memref<1x1x256xi32, #tpu.memory_space<hbm>>
    %dma_start3A_13 = tpu.memref_squeeze %dma_start3A_12 : memref<1x1x256xi32, #tpu.memory_space<hbm>> -> memref<256xi32, #tpu.memory_space<hbm>>
    tpu.enqueue_dma source(%dma_start3A_13 : memref<256xi32, #tpu.memory_space<hbm>>) target(%dma_start3A_10 : memref<256xi32, #tpu.memory_space<vmem>>) target_semaphore(%arg11 : memref<!tpu.dma_semaphore, #tpu.memory_space<semaphore_mem>>)
    %dma_start3A_14 = arith.constant 0 : i32
    %dma_start3A_15 = arith.constant 0 : i32
    %dma_start3A_16 = arith.constant 0 : i32
    %dma_start3A_17 = arith.constant 0 : i32
    %dma_start3A_18 = tpu.memref_slice %arg7[%dma_start3A_15, %dma_start3A_16, %dma_start3A_17] : memref<3x2x128xi32, #tpu.memory_space<vmem>> -> memref<1x2x128xi32, #tpu.memory_space<vmem>>
    %dma_start3A_19 = tpu.memref_squeeze %dma_start3A_18 : memref<1x2x128xi32, #tpu.memory_space<vmem>> -> memref<2x128xi32, #tpu.memory_space<vmem>>
    %dma_start3A_20 = arith.constant 0 : i32
    %dma_start3A_21 = arith.constant 0 : i32
    %dma_start3A_22 = tpu.memref_slice %arg4[%arg1, %dma_start3A_14, %dma_start3A_20, %dma_start3A_21] : memref<16x80x2x128xi32, #tpu.memory_space<hbm>> -> memref<1x1x2x128xi32, #tpu.memory_space<hbm>>
    %dma_start3A_23 = tpu.memref_squeeze %dma_start3A_22 : memref<1x1x2x128xi32, #tpu.memory_space<hbm>> -> memref<2x128xi32, #tpu.memory_space<hbm>>
    %dma_start3A_24 = arith.constant 0 : i32
    %dma_start3A_25 = arith.constant 0 : i32
    %dma_start3A_26 = tpu.memref_slice %arg7[%dma_start3A_15, %dma_start3A_24, %dma_start3A_25] : memref<3x2x128xi32, #tpu.memory_space<vmem>> -> memref<1x2x128xi32, #tpu.memory_space<vmem>>
    %dma_start3A_27 = tpu.memref_squeeze %dma_start3A_26 : memref<1x2x128xi32, #tpu.memory_space<vmem>> -> memref<2x128xi32, #tpu.memory_space<vmem>>
    %dma_start3A_28 = arith.constant 0 : i32
    %dma_start3A_29 = arith.constant 0 : i32
    %dma_start3A_30 = tpu.memref_slice %arg4[%arg1, %dma_start3A_14, %dma_start3A_28, %dma_start3A_29] : memref<16x80x2x128xi32, #tpu.memory_space<hbm>> -> memref<1x1x2x128xi32, #tpu.memory_space<hbm>>
    %dma_start3A_31 = tpu.memref_squeeze %dma_start3A_30 : memref<1x1x2x128xi32, #tpu.memory_space<hbm>> -> memref<2x128xi32, #tpu.memory_space<hbm>>
    tpu.enqueue_dma source(%dma_start3A_31 : memref<2x128xi32, #tpu.memory_space<hbm>>) target(%dma_start3A_27 : memref<2x128xi32, #tpu.memory_space<vmem>>) target_semaphore(%arg11 : memref<!tpu.dma_semaphore, #tpu.memory_space<semaphore_mem>>)
    %dma_start3A_32 = arith.constant 1 : i32
    %dma_start3A_33 = arith.constant 1 : i32
    %dma_start3A_34 = arith.constant 0 : i32
    %dma_start3A_35 = tpu.memref_slice %arg6[%dma_start3A_33, %dma_start3A_34] : memref<3x256xi32, #tpu.memory_space<vmem>> -> memref<1x256xi32, #tpu.memory_space<vmem>>
    %dma_start3A_36 = tpu.memref_squeeze %dma_start3A_35 : memref<1x256xi32, #tpu.memory_space<vmem>> -> memref<256xi32, #tpu.memory_space<vmem>>
    %dma_start3A_37 = arith.constant 0 : i32
    %dma_start3A_38 = tpu.memref_slice %arg3[%arg1, %dma_start3A_32, %dma_start3A_37] : memref<16x80x256xi32, #tpu.memory_space<hbm>> -> memref<1x1x256xi32, #tpu.memory_space<hbm>>
    %dma_start3A_39 = tpu.memref_squeeze %dma_start3A_38 : memref<1x1x256xi32, #tpu.memory_space<hbm>> -> memref<256xi32, #tpu.memory_space<hbm>>
    %dma_start3A_40 = arith.constant 0 : i32
    %dma_start3A_41 = tpu.memref_slice %arg6[%dma_start3A_33, %dma_start3A_40] : memref<3x256xi32, #tpu.memory_space<vmem>> -> memref<1x256xi32, #tpu.memory_space<vmem>>
    %dma_start3A_42 = tpu.memref_squeeze %dma_start3A_41 : memref<1x256xi32, #tpu.memory_space<vmem>> -> memref<256xi32, #tpu.memory_space<vmem>>
    %dma_start3A_43 = arith.constant 0 : i32
    %dma_start3A_44 = tpu.memref_slice %arg3[%arg1, %dma_start3A_32, %dma_start3A_43] : memref<16x80x256xi32, #tpu.memory_space<hbm>> -> memref<1x1x256xi32, #tpu.memory_space<hbm>>
    %dma_start3A_45 = tpu.memref_squeeze %dma_start3A_44 : memref<1x1x256xi32, #tpu.memory_space<hbm>> -> memref<256xi32, #tpu.memory_space<hbm>>
    tpu.enqueue_dma source(%dma_start3A_45 : memref<256xi32, #tpu.memory_space<hbm>>) target(%dma_start3A_42 : memref<256xi32, #tpu.memory_space<vmem>>) target_semaphore(%arg11 : memref<!tpu.dma_semaphore, #tpu.memory_space<semaphore_mem>>)
    %dma_start3A_46 = arith.constant 1 : i32
    %dma_start3A_47 = arith.constant 1 : i32
    %dma_start3A_48 = arith.constant 0 : i32
    %dma_start3A_49 = arith.constant 0 : i32
    %dma_start3A_50 = tpu.memref_slice %arg7[%dma_start3A_47, %dma_start3A_48, %dma_start3A_49] : memref<3x2x128xi32, #tpu.memory_space<vmem>> -> memref<1x2x128xi32, #tpu.memory_space<vmem>>
    %dma_start3A_51 = tpu.memref_squeeze %dma_start3A_50 : memref<1x2x128xi32, #tpu.memory_space<vmem>> -> memref<2x128xi32, #tpu.memory_space<vmem>>
    %dma_start3A_52 = arith.constant 0 : i32
    %dma_start3A_53 = arith.constant 0 : i32
    %dma_start3A_54 = tpu.memref_slice %arg4[%arg1, %dma_start3A_46, %dma_start3A_52, %dma_start3A_53] : memref<16x80x2x128xi32, #tpu.memory_space<hbm>> -> memref<1x1x2x128xi32, #tpu.memory_space<hbm>>
    %dma_start3A_55 = tpu.memref_squeeze %dma_start3A_54 : memref<1x1x2x128xi32, #tpu.memory_space<hbm>> -> memref<2x128xi32, #tpu.memory_space<hbm>>
    %dma_start3A_56 = arith.constant 0 : i32
    %dma_start3A_57 = arith.constant 0 : i32
    %dma_start3A_58 = tpu.memref_slice %arg7[%dma_start3A_47, %dma_start3A_56, %dma_start3A_57] : memref<3x2x128xi32, #tpu.memory_space<vmem>> -> memref<1x2x128xi32, #tpu.memory_space<vmem>>
    %dma_start3A_59 = tpu.memref_squeeze %dma_start3A_58 : memref<1x2x128xi32, #tpu.memory_space<vmem>> -> memref<2x128xi32, #tpu.memory_space<vmem>>
    %dma_start3A_60 = arith.constant 0 : i32
    %dma_start3A_61 = arith.constant 0 : i32
    %dma_start3A_62 = tpu.memref_slice %arg4[%arg1, %dma_start3A_46, %dma_start3A_60, %dma_start3A_61] : memref<16x80x2x128xi32, #tpu.memory_space<hbm>> -> memref<1x1x2x128xi32, #tpu.memory_space<hbm>>
    %dma_start3A_63 = tpu.memref_squeeze %dma_start3A_62 : memref<1x1x2x128xi32, #tpu.memory_space<hbm>> -> memref<2x128xi32, #tpu.memory_space<hbm>>
    tpu.enqueue_dma source(%dma_start3A_63 : memref<2x128xi32, #tpu.memory_space<hbm>>) target(%dma_start3A_59 : memref<2x128xi32, #tpu.memory_space<vmem>>) target_semaphore(%arg11 : memref<!tpu.dma_semaphore, #tpu.memory_space<semaphore_mem>>)
    %dma_start3A_64 = arith.constant 2 : i32
    %dma_start3A_65 = arith.constant 2 : i32
    %dma_start3A_66 = arith.constant 0 : i32
    %dma_start3A_67 = tpu.memref_slice %arg6[%dma_start3A_65, %dma_start3A_66] : memref<3x256xi32, #tpu.memory_space<vmem>> -> memref<1x256xi32, #tpu.memory_space<vmem>>
    %dma_start3A_68 = tpu.memref_squeeze %dma_start3A_67 : memref<1x256xi32, #tpu.memory_space<vmem>> -> memref<256xi32, #tpu.memory_space<vmem>>
    %dma_start3A_69 = arith.constant 0 : i32
    %dma_start3A_70 = tpu.memref_slice %arg3[%arg1, %dma_start3A_64, %dma_start3A_69] : memref<16x80x256xi32, #tpu.memory_space<hbm>> -> memref<1x1x256xi32, #tpu.memory_space<hbm>>
    %dma_start3A_71 = tpu.memref_squeeze %dma_start3A_70 : memref<1x1x256xi32, #tpu.memory_space<hbm>> -> memref<256xi32, #tpu.memory_space<hbm>>
    %dma_start3A_72 = arith.constant 0 : i32
    %dma_start3A_73 = tpu.memref_slice %arg6[%dma_start3A_65, %dma_start3A_72] : memref<3x256xi32, #tpu.memory_space<vmem>> -> memref<1x256xi32, #tpu.memory_space<vmem>>
    %dma_start3A_74 = tpu.memref_squeeze %dma_start3A_73 : memref<1x256xi32, #tpu.memory_space<vmem>> -> memref<256xi32, #tpu.memory_space<vmem>>
    %dma_start3A_75 = arith.constant 0 : i32
    %dma_start3A_76 = tpu.memref_slice %arg3[%arg1, %dma_start3A_64, %dma_start3A_75] : memref<16x80x256xi32, #tpu.memory_space<hbm>> -> memref<1x1x256xi32, #tpu.memory_space<hbm>>
    %dma_start3A_77 = tpu.memref_squeeze %dma_start3A_76 : memref<1x1x256xi32, #tpu.memory_space<hbm>> -> memref<256xi32, #tpu.memory_space<hbm>>
    tpu.enqueue_dma source(%dma_start3A_77 : memref<256xi32, #tpu.memory_space<hbm>>) target(%dma_start3A_74 : memref<256xi32, #tpu.memory_space<vmem>>) target_semaphore(%arg11 : memref<!tpu.dma_semaphore, #tpu.memory_space<semaphore_mem>>)
    %dma_start3A_78 = arith.constant 2 : i32
    %dma_start3A_79 = arith.constant 2 : i32
    %dma_start3A_80 = arith.constant 0 : i32
    %dma_start3A_81 = arith.constant 0 : i32
    %dma_start3A_82 = tpu.memref_slice %arg7[%dma_start3A_79, %dma_start3A_80, %dma_start3A_81] : memref<3x2x128xi32, #tpu.memory_space<vmem>> -> memref<1x2x128xi32, #tpu.memory_space<vmem>>
    %dma_start3A_83 = tpu.memref_squeeze %dma_start3A_82 : memref<1x2x128xi32, #tpu.memory_space<vmem>> -> memref<2x128xi32, #tpu.memory_space<vmem>>
    %dma_start3A_84 = arith.constant 0 : i32
    %dma_start3A_85 = arith.constant 0 : i32
    %dma_start3A_86 = tpu.memref_slice %arg4[%arg1, %dma_start3A_78, %dma_start3A_84, %dma_start3A_85] : memref<16x80x2x128xi32, #tpu.memory_space<hbm>> -> memref<1x1x2x128xi32, #tpu.memory_space<hbm>>
    %dma_start3A_87 = tpu.memref_squeeze %dma_start3A_86 : memref<1x1x2x128xi32, #tpu.memory_space<hbm>> -> memref<2x128xi32, #tpu.memory_space<hbm>>
    %dma_start3A_88 = arith.constant 0 : i32
    %dma_start3A_89 = arith.constant 0 : i32
    %dma_start3A_90 = tpu.memref_slice %arg7[%dma_start3A_79, %dma_start3A_88, %dma_start3A_89] : memref<3x2x128xi32, #tpu.memory_space<vmem>> -> memref<1x2x128xi32, #tpu.memory_space<vmem>>
    %dma_start3A_91 = tpu.memref_squeeze %dma_start3A_90 : memref<1x2x128xi32, #tpu.memory_space<vmem>> -> memref<2x128xi32, #tpu.memory_space<vmem>>
    %dma_start3A_92 = arith.constant 0 : i32
    %dma_start3A_93 = arith.constant 0 : i32
    %dma_start3A_94 = tpu.memref_slice %arg4[%arg1, %dma_start3A_78, %dma_start3A_92, %dma_start3A_93] : memref<16x80x2x128xi32, #tpu.memory_space<hbm>> -> memref<1x1x2x128xi32, #tpu.memory_space<hbm>>
    %dma_start3A_95 = tpu.memref_squeeze %dma_start3A_94 : memref<1x1x2x128xi32, #tpu.memory_space<hbm>> -> memref<2x128xi32, #tpu.memory_space<hbm>>
    tpu.enqueue_dma source(%dma_start3A_95 : memref<2x128xi32, #tpu.memory_space<hbm>>) target(%dma_start3A_91 : memref<2x128xi32, #tpu.memory_space<vmem>>) target_semaphore(%arg11 : memref<!tpu.dma_semaphore, #tpu.memory_space<semaphore_mem>>)
    %scan3A = arith.constant 0 : i32
    %scan3A_96 = arith.constant 0 : i32
    %scan3A_97 = arith.constant 128 : i32
    %scan3A_98 = arith.addi %scan3A_96, %scan3A_97 : i32
    %scan3A_99 = arith.constant 1 : i32
    scf.for %scan3A_526 = %scan3A_96 to %scan3A_98 step %scan3A_99  : i32 {
      %broadcast_in_dim3A = arith.constant 0.000000e+00 : f32
      %broadcast_in_dim3A_527 = vector.broadcast %broadcast_in_dim3A : f32 to vector<16xf32>
      %swap3A = arith.constant 0 : i32
      %swap3A_528 = arith.index_cast %swap3A : i32 to index
      %swap3A_529 = arith.index_cast %scan3A_526 : i32 to index
      %swap3A_530 = arith.constant 0 : index
      %swap3A_531 = tpu.vector_load %arg8[%swap3A_528, %swap3A_529, %swap3A_530] {strides = array<i32>} : memref<4x128x64xf32, #tpu.memory_space<vmem>>, vector<16xf32>,
      tpu.vector_store %arg8[%swap3A_528, %swap3A_529, %swap3A_530], %broadcast_in_dim3A_527 {strides = array<i32>} : memref<4x128x64xf32, #tpu.memory_space<vmem>>, vector<16xf32>,
      %broadcast_in_dim3A_532 = arith.constant 0.000000e+00 : f32
      %broadcast_in_dim3A_533 = vector.broadcast %broadcast_in_dim3A_532 : f32 to vector<16xf32>
      %swap3A_534 = arith.constant 0 : i32
      %swap3A_535 = arith.index_cast %swap3A_534 : i32 to index
      %swap3A_536 = arith.index_cast %scan3A_526 : i32 to index
      %swap3A_537 = arith.constant 16 : index
      %swap3A_538 = tpu.vector_load %arg8[%swap3A_535, %swap3A_536, %swap3A_537] {strides = array<i32>} : memref<4x128x64xf32, #tpu.memory_space<vmem>>, vector<16xf32>,
      tpu.vector_store %arg8[%swap3A_535, %swap3A_536, %swap3A_537], %broadcast_in_dim3A_533 {strides = array<i32>} : memref<4x128x64xf32, #tpu.memory_space<vmem>>, vector<16xf32>,
      %broadcast_in_dim3A_539 = arith.constant 0.000000e+00 : f32
      %broadcast_in_dim3A_540 = vector.broadcast %broadcast_in_dim3A_539 : f32 to vector<16xf32>
      %swap3A_541 = arith.constant 0 : i32
      %swap3A_542 = arith.index_cast %swap3A_541 : i32 to index
      %swap3A_543 = arith.index_cast %scan3A_526 : i32 to index
      %swap3A_544 = arith.constant 32 : index
      %swap3A_545 = tpu.vector_load %arg8[%swap3A_542, %swap3A_543, %swap3A_544] {strides = array<i32>} : memref<4x128x64xf32, #tpu.memory_space<vmem>>, vector<16xf32>,
      tpu.vector_store %arg8[%swap3A_542, %swap3A_543, %swap3A_544], %broadcast_in_dim3A_540 {strides = array<i32>} : memref<4x128x64xf32, #tpu.memory_space<vmem>>, vector<16xf32>,
      %broadcast_in_dim3A_546 = arith.constant 0.000000e+00 : f32
      %broadcast_in_dim3A_547 = vector.broadcast %broadcast_in_dim3A_546 : f32 to vector<16xf32>
      %swap3A_548 = arith.constant 0 : i32
      %swap3A_549 = arith.index_cast %swap3A_548 : i32 to index
      %swap3A_550 = arith.index_cast %scan3A_526 : i32 to index
      %swap3A_551 = arith.constant 48 : index
      %swap3A_552 = tpu.vector_load %arg8[%swap3A_549, %swap3A_550, %swap3A_551] {strides = array<i32>} : memref<4x128x64xf32, #tpu.memory_space<vmem>>, vector<16xf32>,
      tpu.vector_store %arg8[%swap3A_549, %swap3A_550, %swap3A_551], %broadcast_in_dim3A_547 {strides = array<i32>} : memref<4x128x64xf32, #tpu.memory_space<vmem>>, vector<16xf32>,
    }
    %scan3A_100 = arith.constant 128 : i32
    %add3A = arith.constant 0 : i32
    %add3A_101 = arith.addi %mul3A_0, %add3A : i32
    %run_scoped3A = arith.constant 0 : i32
    "tpu.region"() ({
      %run_scoped3A_526 = tpu.sem_alloc : memref<!tpu.dma_semaphore, #tpu.memory_space<semaphore_mem>>
      %dma_start3A_527 = arith.constant 0 : i32
      %dma_start3A_528 = arith.constant 0 : i32
      %dma_start3A_529 = tpu.memref_slice %arg8[%run_scoped3A, %dma_start3A_527, %dma_start3A_528] : memref<4x128x64xf32, #tpu.memory_space<vmem>> -> memref<1x128x64xf32, #tpu.memory_space<vmem>>
      %dma_start3A_530 = tpu.memref_squeeze %dma_start3A_529 : memref<1x128x64xf32, #tpu.memory_space<vmem>> -> memref<128x64xf32, #tpu.memory_space<vmem>>
      %dma_start3A_531 = arith.constant 0 : i32
      %dma_start3A_532 = tpu.memref_slice %arg10[%add3A_101, %dma_start3A_531] : memref<10240x64xf32, #tpu.memory_space<vmem_shared>> -> memref<128x64xf32, #tpu.memory_space<vmem_shared>>
      %dma_start3A_533 = arith.constant 0 : i32
      %dma_start3A_534 = tpu.memref_slice %arg10[%add3A_101, %dma_start3A_533] : memref<10240x64xf32, #tpu.memory_space<vmem_shared>> -> memref<128x64xf32, #tpu.memory_space<vmem_shared>>
      %dma_start3A_535 = arith.constant 0 : i32
      %dma_start3A_536 = arith.constant 0 : i32
      %dma_start3A_537 = tpu.memref_slice %arg8[%run_scoped3A, %dma_start3A_535, %dma_start3A_536] : memref<4x128x64xf32, #tpu.memory_space<vmem>> -> memref<1x128x64xf32, #tpu.memory_space<vmem>>
      %dma_start3A_538 = tpu.memref_squeeze %dma_start3A_537 : memref<1x128x64xf32, #tpu.memory_space<vmem>> -> memref<128x64xf32, #tpu.memory_space<vmem>>
      tpu.enqueue_dma source(%dma_start3A_538 : memref<128x64xf32, #tpu.memory_space<vmem>>) target(%dma_start3A_534 : memref<128x64xf32, #tpu.memory_space<vmem_shared>>) target_semaphore(%run_scoped3A_526 : memref<!tpu.dma_semaphore, #tpu.memory_space<semaphore_mem>>)
      %dma_wait3A_539 = arith.constant 0 : i32
      %dma_wait3A_540 = arith.constant 0 : i32
      %dma_wait3A_541 = tpu.memref_slice %arg8[%run_scoped3A, %dma_wait3A_539, %dma_wait3A_540] : memref<4x128x64xf32, #tpu.memory_space<vmem>> -> memref<1x128x64xf32, #tpu.memory_space<vmem>>
      %dma_wait3A_542 = tpu.memref_squeeze %dma_wait3A_541 : memref<1x128x64xf32, #tpu.memory_space<vmem>> -> memref<128x64xf32, #tpu.memory_space<vmem>>
      %dma_wait3A_543 = arith.constant 0 : i32
      %dma_wait3A_544 = tpu.memref_slice %arg10[%add3A_101, %dma_wait3A_543] : memref<10240x64xf32, #tpu.memory_space<vmem_shared>> -> memref<128x64xf32, #tpu.memory_space<vmem_shared>>
      %dma_wait3A_545 = arith.constant 0 : i32
      %dma_wait3A_546 = tpu.memref_slice %arg10[%add3A_101, %dma_wait3A_545] : memref<10240x64xf32, #tpu.memory_space<vmem_shared>> -> memref<128x64xf32, #tpu.memory_space<vmem_shared>>
      %dma_wait3A_547 = arith.constant 0 : i32
      %dma_wait3A_548 = arith.constant 0 : i32
      %dma_wait3A_549 = tpu.memref_slice %arg8[%run_scoped3A, %dma_wait3A_547, %dma_wait3A_548] : memref<4x128x64xf32, #tpu.memory_space<vmem>> -> memref<1x128x64xf32, #tpu.memory_space<vmem>>
      %dma_wait3A_550 = tpu.memref_squeeze %dma_wait3A_549 : memref<1x128x64xf32, #tpu.memory_space<vmem>> -> memref<128x64xf32, #tpu.memory_space<vmem>>
      tpu.wait_dma2 semaphore(%run_scoped3A_526 : memref<!tpu.dma_semaphore, #tpu.memory_space<semaphore_mem>>) src(%dma_wait3A_550 : memref<128x64xf32, #tpu.memory_space<vmem>>) dst(%dma_wait3A_546 : memref<128x64xf32, #tpu.memory_space<vmem_shared>>)
      tpu.yield
    }) : () -> ()
    %add3A_102 = arith.constant 128 : i32
    %add3A_103 = arith.addi %mul3A_0, %add3A_102 : i32
    %run_scoped3A_104 = arith.constant 0 : i32
    "tpu.region"() ({
      %run_scoped3A_526 = tpu.sem_alloc : memref<!tpu.dma_semaphore, #tpu.memory_space<semaphore_mem>>
      %dma_start3A_527 = arith.constant 0 : i32
      %dma_start3A_528 = arith.constant 0 : i32
      %dma_start3A_529 = tpu.memref_slice %arg8[%run_scoped3A_104, %dma_start3A_527, %dma_start3A_528] : memref<4x128x64xf32, #tpu.memory_space<vmem>> -> memref<1x128x64xf32, #tpu.memory_space<vmem>>
      %dma_start3A_530 = tpu.memref_squeeze %dma_start3A_529 : memref<1x128x64xf32, #tpu.memory_space<vmem>> -> memref<128x64xf32, #tpu.memory_space<vmem>>
      %dma_start3A_531 = arith.constant 0 : i32
      %dma_start3A_532 = tpu.memref_slice %arg10[%add3A_103, %dma_start3A_531] : memref<10240x64xf32, #tpu.memory_space<vmem_shared>> -> memref<128x64xf32, #tpu.memory_space<vmem_shared>>
      %dma_start3A_533 = arith.constant 0 : i32
      %dma_start3A_534 = tpu.memref_slice %arg10[%add3A_103, %dma_start3A_533] : memref<10240x64xf32, #tpu.memory_space<vmem_shared>> -> memref<128x64xf32, #tpu.memory_space<vmem_shared>>
      %dma_start3A_535 = arith.constant 0 : i32
      %dma_start3A_536 = arith.constant 0 : i32
      %dma_start3A_537 = tpu.memref_slice %arg8[%run_scoped3A_104, %dma_start3A_535, %dma_start3A_536] : memref<4x128x64xf32, #tpu.memory_space<vmem>> -> memref<1x128x64xf32, #tpu.memory_space<vmem>>
      %dma_start3A_538 = tpu.memref_squeeze %dma_start3A_537 : memref<1x128x64xf32, #tpu.memory_space<vmem>> -> memref<128x64xf32, #tpu.memory_space<vmem>>
      tpu.enqueue_dma source(%dma_start3A_538 : memref<128x64xf32, #tpu.memory_space<vmem>>) target(%dma_start3A_534 : memref<128x64xf32, #tpu.memory_space<vmem_shared>>) target_semaphore(%run_scoped3A_526 : memref<!tpu.dma_semaphore, #tpu.memory_space<semaphore_mem>>)
      %dma_wait3A_539 = arith.constant 0 : i32
      %dma_wait3A_540 = arith.constant 0 : i32
      %dma_wait3A_541 = tpu.memref_slice %arg8[%run_scoped3A_104, %dma_wait3A_539, %dma_wait3A_540] : memref<4x128x64xf32, #tpu.memory_space<vmem>> -> memref<1x128x64xf32, #tpu.memory_space<vmem>>
      %dma_wait3A_542 = tpu.memref_squeeze %dma_wait3A_541 : memref<1x128x64xf32, #tpu.memory_space<vmem>> -> memref<128x64xf32, #tpu.memory_space<vmem>>
      %dma_wait3A_543 = arith.constant 0 : i32
      %dma_wait3A_544 = tpu.memref_slice %arg10[%add3A_103, %dma_wait3A_543] : memref<10240x64xf32, #tpu.memory_space<vmem_shared>> -> memref<128x64xf32, #tpu.memory_space<vmem_shared>>
      %dma_wait3A_545 = arith.constant 0 : i32
      %dma_wait3A_546 = tpu.memref_slice %arg10[%add3A_103, %dma_wait3A_545] : memref<10240x64xf32, #tpu.memory_space<vmem_shared>> -> memref<128x64xf32, #tpu.memory_space<vmem_shared>>
      %dma_wait3A_547 = arith.constant 0 : i32
      %dma_wait3A_548 = arith.constant 0 : i32
      %dma_wait3A_549 = tpu.memref_slice %arg8[%run_scoped3A_104, %dma_wait3A_547, %dma_wait3A_548] : memref<4x128x64xf32, #tpu.memory_space<vmem>> -> memref<1x128x64xf32, #tpu.memory_space<vmem>>
      %dma_wait3A_550 = tpu.memref_squeeze %dma_wait3A_549 : memref<1x128x64xf32, #tpu.memory_space<vmem>> -> memref<128x64xf32, #tpu.memory_space<vmem>>
      tpu.wait_dma2 semaphore(%run_scoped3A_526 : memref<!tpu.dma_semaphore, #tpu.memory_space<semaphore_mem>>) src(%dma_wait3A_550 : memref<128x64xf32, #tpu.memory_space<vmem>>) dst(%dma_wait3A_546 : memref<128x64xf32, #tpu.memory_space<vmem_shared>>)
      tpu.yield
    }) : () -> ()
    %add3A_105 = arith.constant 256 : i32
    %add3A_106 = arith.addi %mul3A_0, %add3A_105 : i32
    %run_scoped3A_107 = arith.constant 0 : i32
    "tpu.region"() ({
      %run_scoped3A_526 = tpu.sem_alloc : memref<!tpu.dma_semaphore, #tpu.memory_space<semaphore_mem>>
      %dma_start3A_527 = arith.constant 0 : i32
      %dma_start3A_528 = arith.constant 0 : i32
      %dma_start3A_529 = tpu.memref_slice %arg8[%run_scoped3A_107, %dma_start3A_527, %dma_start3A_528] : memref<4x128x64xf32, #tpu.memory_space<vmem>> -> memref<1x128x64xf32, #tpu.memory_space<vmem>>
      %dma_start3A_530 = tpu.memref_squeeze %dma_start3A_529 : memref<1x128x64xf32, #tpu.memory_space<vmem>> -> memref<128x64xf32, #tpu.memory_space<vmem>>
      %dma_start3A_531 = arith.constant 0 : i32
      %dma_start3A_532 = tpu.memref_slice %arg10[%add3A_106, %dma_start3A_531] : memref<10240x64xf32, #tpu.memory_space<vmem_shared>> -> memref<128x64xf32, #tpu.memory_space<vmem_shared>>
      %dma_start3A_533 = arith.constant 0 : i32
      %dma_start3A_534 = tpu.memref_slice %arg10[%add3A_106, %dma_start3A_533] : memref<10240x64xf32, #tpu.memory_space<vmem_shared>> -> memref<128x64xf32, #tpu.memory_space<vmem_shared>>
      %dma_start3A_535 = arith.constant 0 : i32
      %dma_start3A_536 = arith.constant 0 : i32
      %dma_start3A_537 = tpu.memref_slice %arg8[%run_scoped3A_107, %dma_start3A_535, %dma_start3A_536] : memref<4x128x64xf32, #tpu.memory_space<vmem>> -> memref<1x128x64xf32, #tpu.memory_space<vmem>>
      %dma_start3A_538 = tpu.memref_squeeze %dma_start3A_537 : memref<1x128x64xf32, #tpu.memory_space<vmem>> -> memref<128x64xf32, #tpu.memory_space<vmem>>
      tpu.enqueue_dma source(%dma_start3A_538 : memref<128x64xf32, #tpu.memory_space<vmem>>) target(%dma_start3A_534 : memref<128x64xf32, #tpu.memory_space<vmem_shared>>) target_semaphore(%run_scoped3A_526 : memref<!tpu.dma_semaphore, #tpu.memory_space<semaphore_mem>>)
      %dma_wait3A_539 = arith.constant 0 : i32
      %dma_wait3A_540 = arith.constant 0 : i32
      %dma_wait3A_541 = tpu.memref_slice %arg8[%run_scoped3A_107, %dma_wait3A_539, %dma_wait3A_540] : memref<4x128x64xf32, #tpu.memory_space<vmem>> -> memref<1x128x64xf32, #tpu.memory_space<vmem>>
      %dma_wait3A_542 = tpu.memref_squeeze %dma_wait3A_541 : memref<1x128x64xf32, #tpu.memory_space<vmem>> -> memref<128x64xf32, #tpu.memory_space<vmem>>
      %dma_wait3A_543 = arith.constant 0 : i32
      %dma_wait3A_544 = tpu.memref_slice %arg10[%add3A_106, %dma_wait3A_543] : memref<10240x64xf32, #tpu.memory_space<vmem_shared>> -> memref<128x64xf32, #tpu.memory_space<vmem_shared>>
      %dma_wait3A_545 = arith.constant 0 : i32
      %dma_wait3A_546 = tpu.memref_slice %arg10[%add3A_106, %dma_wait3A_545] : memref<10240x64xf32, #tpu.memory_space<vmem_shared>> -> memref<128x64xf32, #tpu.memory_space<vmem_shared>>
      %dma_wait3A_547 = arith.constant 0 : i32
      %dma_wait3A_548 = arith.constant 0 : i32
      %dma_wait3A_549 = tpu.memref_slice %arg8[%run_scoped3A_107, %dma_wait3A_547, %dma_wait3A_548] : memref<4x128x64xf32, #tpu.memory_space<vmem>> -> memref<1x128x64xf32, #tpu.memory_space<vmem>>
      %dma_wait3A_550 = tpu.memref_squeeze %dma_wait3A_549 : memref<1x128x64xf32, #tpu.memory_space<vmem>> -> memref<128x64xf32, #tpu.memory_space<vmem>>
      tpu.wait_dma2 semaphore(%run_scoped3A_526 : memref<!tpu.dma_semaphore, #tpu.memory_space<semaphore_mem>>) src(%dma_wait3A_550 : memref<128x64xf32, #tpu.memory_space<vmem>>) dst(%dma_wait3A_546 : memref<128x64xf32, #tpu.memory_space<vmem_shared>>)
      tpu.yield
    }) : () -> ()
    %add3A_108 = arith.constant 384 : i32
    %add3A_109 = arith.addi %mul3A_0, %add3A_108 : i32
    %run_scoped3A_110 = arith.constant 0 : i32
    "tpu.region"() ({
      %run_scoped3A_526 = tpu.sem_alloc : memref<!tpu.dma_semaphore, #tpu.memory_space<semaphore_mem>>
      %dma_start3A_527 = arith.constant 0 : i32
      %dma_start3A_528 = arith.constant 0 : i32
      %dma_start3A_529 = tpu.memref_slice %arg8[%run_scoped3A_110, %dma_start3A_527, %dma_start3A_528] : memref<4x128x64xf32, #tpu.memory_space<vmem>> -> memref<1x128x64xf32, #tpu.memory_space<vmem>>
      %dma_start3A_530 = tpu.memref_squeeze %dma_start3A_529 : memref<1x128x64xf32, #tpu.memory_space<vmem>> -> memref<128x64xf32, #tpu.memory_space<vmem>>
      %dma_start3A_531 = arith.constant 0 : i32
      %dma_start3A_532 = tpu.memref_slice %arg10[%add3A_109, %dma_start3A_531] : memref<10240x64xf32, #tpu.memory_space<vmem_shared>> -> memref<128x64xf32, #tpu.memory_space<vmem_shared>>
      %dma_start3A_533 = arith.constant 0 : i32
      %dma_start3A_534 = tpu.memref_slice %arg10[%add3A_109, %dma_start3A_533] : memref<10240x64xf32, #tpu.memory_space<vmem_shared>> -> memref<128x64xf32, #tpu.memory_space<vmem_shared>>
      %dma_start3A_535 = arith.constant 0 : i32
      %dma_start3A_536 = arith.constant 0 : i32
      %dma_start3A_537 = tpu.memref_slice %arg8[%run_scoped3A_110, %dma_start3A_535, %dma_start3A_536] : memref<4x128x64xf32, #tpu.memory_space<vmem>> -> memref<1x128x64xf32, #tpu.memory_space<vmem>>
      %dma_start3A_538 = tpu.memref_squeeze %dma_start3A_537 : memref<1x128x64xf32, #tpu.memory_space<vmem>> -> memref<128x64xf32, #tpu.memory_space<vmem>>
      tpu.enqueue_dma source(%dma_start3A_538 : memref<128x64xf32, #tpu.memory_space<vmem>>) target(%dma_start3A_534 : memref<128x64xf32, #tpu.memory_space<vmem_shared>>) target_semaphore(%run_scoped3A_526 : memref<!tpu.dma_semaphore, #tpu.memory_space<semaphore_mem>>)
      %dma_wait3A_539 = arith.constant 0 : i32
      %dma_wait3A_540 = arith.constant 0 : i32
      %dma_wait3A_541 = tpu.memref_slice %arg8[%run_scoped3A_110, %dma_wait3A_539, %dma_wait3A_540] : memref<4x128x64xf32, #tpu.memory_space<vmem>> -> memref<1x128x64xf32, #tpu.memory_space<vmem>>
      %dma_wait3A_542 = tpu.memref_squeeze %dma_wait3A_541 : memref<1x128x64xf32, #tpu.memory_space<vmem>> -> memref<128x64xf32, #tpu.memory_space<vmem>>
      %dma_wait3A_543 = arith.constant 0 : i32
      %dma_wait3A_544 = tpu.memref_slice %arg10[%add3A_109, %dma_wait3A_543] : memref<10240x64xf32, #tpu.memory_space<vmem_shared>> -> memref<128x64xf32, #tpu.memory_space<vmem_shared>>
      %dma_wait3A_545 = arith.constant 0 : i32
      %dma_wait3A_546 = tpu.memref_slice %arg10[%add3A_109, %dma_wait3A_545] : memref<10240x64xf32, #tpu.memory_space<vmem_shared>> -> memref<128x64xf32, #tpu.memory_space<vmem_shared>>
      %dma_wait3A_547 = arith.constant 0 : i32
      %dma_wait3A_548 = arith.constant 0 : i32
      %dma_wait3A_549 = tpu.memref_slice %arg8[%run_scoped3A_110, %dma_wait3A_547, %dma_wait3A_548] : memref<4x128x64xf32, #tpu.memory_space<vmem>> -> memref<1x128x64xf32, #tpu.memory_space<vmem>>
      %dma_wait3A_550 = tpu.memref_squeeze %dma_wait3A_549 : memref<1x128x64xf32, #tpu.memory_space<vmem>> -> memref<128x64xf32, #tpu.memory_space<vmem>>
      tpu.wait_dma2 semaphore(%run_scoped3A_526 : memref<!tpu.dma_semaphore, #tpu.memory_space<semaphore_mem>>) src(%dma_wait3A_550 : memref<128x64xf32, #tpu.memory_space<vmem>>) dst(%dma_wait3A_546 : memref<128x64xf32, #tpu.memory_space<vmem_shared>>)
      tpu.yield
    }) : () -> ()
    %add3A_111 = arith.constant 512 : i32
    %add3A_112 = arith.addi %mul3A_0, %add3A_111 : i32
    %run_scoped3A_113 = arith.constant 0 : i32
    "tpu.region"() ({
      %run_scoped3A_526 = tpu.sem_alloc : memref<!tpu.dma_semaphore, #tpu.memory_space<semaphore_mem>>
      %dma_start3A_527 = arith.constant 0 : i32
      %dma_start3A_528 = arith.constant 0 : i32
      %dma_start3A_529 = tpu.memref_slice %arg8[%run_scoped3A_113, %dma_start3A_527, %dma_start3A_528] : memref<4x128x64xf32, #tpu.memory_space<vmem>> -> memref<1x128x64xf32, #tpu.memory_space<vmem>>
      %dma_start3A_530 = tpu.memref_squeeze %dma_start3A_529 : memref<1x128x64xf32, #tpu.memory_space<vmem>> -> memref<128x64xf32, #tpu.memory_space<vmem>>
      %dma_start3A_531 = arith.constant 0 : i32
      %dma_start3A_532 = tpu.memref_slice %arg10[%add3A_112, %dma_start3A_531] : memref<10240x64xf32, #tpu.memory_space<vmem_shared>> -> memref<128x64xf32, #tpu.memory_space<vmem_shared>>
      %dma_start3A_533 = arith.constant 0 : i32
      %dma_start3A_534 = tpu.memref_slice %arg10[%add3A_112, %dma_start3A_533] : memref<10240x64xf32, #tpu.memory_space<vmem_shared>> -> memref<128x64xf32, #tpu.memory_space<vmem_shared>>
      %dma_start3A_535 = arith.constant 0 : i32
      %dma_start3A_536 = arith.constant 0 : i32
      %dma_start3A_537 = tpu.memref_slice %arg8[%run_scoped3A_113, %dma_start3A_535, %dma_start3A_536] : memref<4x128x64xf32, #tpu.memory_space<vmem>> -> memref<1x128x64xf32, #tpu.memory_space<vmem>>
      %dma_start3A_538 = tpu.memref_squeeze %dma_start3A_537 : memref<1x128x64xf32, #tpu.memory_space<vmem>> -> memref<128x64xf32, #tpu.memory_space<vmem>>
      tpu.enqueue_dma source(%dma_start3A_538 : memref<128x64xf32, #tpu.memory_space<vmem>>) target(%dma_start3A_534 : memref<128x64xf32, #tpu.memory_space<vmem_shared>>) target_semaphore(%run_scoped3A_526 : memref<!tpu.dma_semaphore, #tpu.memory_space<semaphore_mem>>)
      %dma_wait3A_539 = arith.constant 0 : i32
      %dma_wait3A_540 = arith.constant 0 : i32
      %dma_wait3A_541 = tpu.memref_slice %arg8[%run_scoped3A_113, %dma_wait3A_539, %dma_wait3A_540] : memref<4x128x64xf32, #tpu.memory_space<vmem>> -> memref<1x128x64xf32, #tpu.memory_space<vmem>>
      %dma_wait3A_542 = tpu.memref_squeeze %dma_wait3A_541 : memref<1x128x64xf32, #tpu.memory_space<vmem>> -> memref<128x64xf32, #tpu.memory_space<vmem>>
      %dma_wait3A_543 = arith.constant 0 : i32
      %dma_wait3A_544 = tpu.memref_slice %arg10[%add3A_112, %dma_wait3A_543] : memref<10240x64xf32, #tpu.memory_space<vmem_shared>> -> memref<128x64xf32, #tpu.memory_space<vmem_shared>>
      %dma_wait3A_545 = arith.constant 0 : i32
      %dma_wait3A_546 = tpu.memref_slice %arg10[%add3A_112, %dma_wait3A_545] : memref<10240x64xf32, #tpu.memory_space<vmem_shared>> -> memref<128x64xf32, #tpu.memory_space<vmem_shared>>
      %dma_wait3A_547 = arith.constant 0 : i32
      %dma_wait3A_548 = arith.constant 0 : i32
      %dma_wait3A_549 = tpu.memref_slice %arg8[%run_scoped3A_113, %dma_wait3A_547, %dma_wait3A_548] : memref<4x128x64xf32, #tpu.memory_space<vmem>> -> memref<1x128x64xf32, #tpu.memory_space<vmem>>
      %dma_wait3A_550 = tpu.memref_squeeze %dma_wait3A_549 : memref<1x128x64xf32, #tpu.memory_space<vmem>> -> memref<128x64xf32, #tpu.memory_space<vmem>>
      tpu.wait_dma2 semaphore(%run_scoped3A_526 : memref<!tpu.dma_semaphore, #tpu.memory_space<semaphore_mem>>) src(%dma_wait3A_550 : memref<128x64xf32, #tpu.memory_space<vmem>>) dst(%dma_wait3A_546 : memref<128x64xf32, #tpu.memory_space<vmem_shared>>)
      tpu.yield
    }) : () -> ()
    %mul3A_114 = arith.constant 625 : i32
    %mul3A_115 = arith.muli %arg1, %mul3A_114 : i32
    %mul3A_116 = arith.constant 625 : i32
    %mul3A_117 = arith.muli %arg1, %mul3A_116 : i32
    "tpu.region"() ({
      %run_scoped3A_526 = tpu.sem_alloc : memref<!tpu.dma_semaphore, #tpu.memory_space<semaphore_mem>>
      %dma_start3A_527 = arith.constant 0 : i32
      %dma_start3A_528 = tpu.memref_slice %arg9[%mul3A_117, %dma_start3A_527] : memref<10000x64xf32, #tpu.memory_space<vmem_shared>> -> memref<625x64xf32, #tpu.memory_space<vmem_shared>>
      %dma_start3A_529 = arith.constant 0 : i32
      %dma_start3A_530 = tpu.memref_slice %arg2[%arg0, %mul3A_115, %dma_start3A_529] : memref<2x10000x64xf32, #tpu.memory_space<hbm>> -> memref<1x625x64xf32, #tpu.memory_space<hbm>>
      %dma_start3A_531 = tpu.memref_squeeze %dma_start3A_530 : memref<1x625x64xf32, #tpu.memory_space<hbm>> -> memref<625x64xf32, #tpu.memory_space<hbm>>
      tpu.enqueue_dma source(%dma_start3A_531 : memref<625x64xf32, #tpu.memory_space<hbm>>) target(%dma_start3A_528 : memref<625x64xf32, #tpu.memory_space<vmem_shared>>) target_semaphore(%run_scoped3A_526 : memref<!tpu.dma_semaphore, #tpu.memory_space<semaphore_mem>>)
      %dma_wait3A_532 = arith.constant 0 : i32
      %dma_wait3A_533 = tpu.memref_slice %arg9[%mul3A_117, %dma_wait3A_532] : memref<10000x64xf32, #tpu.memory_space<vmem_shared>> -> memref<625x64xf32, #tpu.memory_space<vmem_shared>>
      %dma_wait3A_534 = arith.constant 0 : i32
      %dma_wait3A_535 = tpu.memref_slice %arg2[%arg0, %mul3A_115, %dma_wait3A_534] : memref<2x10000x64xf32, #tpu.memory_space<hbm>> -> memref<1x625x64xf32, #tpu.memory_space<hbm>>
      %dma_wait3A_536 = tpu.memref_squeeze %dma_wait3A_535 : memref<1x625x64xf32, #tpu.memory_space<hbm>> -> memref<625x64xf32, #tpu.memory_space<hbm>>
      tpu.wait_dma2 semaphore(%run_scoped3A_526 : memref<!tpu.dma_semaphore, #tpu.memory_space<semaphore_mem>>) src(%dma_wait3A_536 : memref<625x64xf32, #tpu.memory_space<hbm>>) dst(%dma_wait3A_533 : memref<625x64xf32, #tpu.memory_space<vmem_shared>>)
      tpu.yield
    }) : () -> ()
    %barrier3A = arith.constant 0 : index
    tpu.barrier barrier_id(%barrier3A)
    %dma_wait3A = arith.constant 0 : i32
    %dma_wait3A_118 = arith.constant 0 : i32
    %dma_wait3A_119 = arith.constant 0 : i32
    %dma_wait3A_120 = arith.constant 0 : i32
    %dma_wait3A_121 = tpu.memref_slice %arg6[%dma_wait3A_119, %dma_wait3A_120] : memref<3x256xi32, #tpu.memory_space<vmem>> -> memref<1x256xi32, #tpu.memory_space<vmem>>
    %dma_wait3A_122 = tpu.memref_squeeze %dma_wait3A_121 : memref<1x256xi32, #tpu.memory_space<vmem>> -> memref<256xi32, #tpu.memory_space<vmem>>
    %dma_wait3A_123 = arith.constant 0 : i32
    %dma_wait3A_124 = tpu.memref_slice %arg3[%dma_wait3A, %dma_wait3A_118, %dma_wait3A_123] : memref<16x80x256xi32, #tpu.memory_space<hbm>> -> memref<1x1x256xi32, #tpu.memory_space<hbm>>
    %dma_wait3A_125 = tpu.memref_squeeze %dma_wait3A_124 : memref<1x1x256xi32, #tpu.memory_space<hbm>> -> memref<256xi32, #tpu.memory_space<hbm>>
    %dma_wait3A_126 = arith.constant 0 : i32
    %dma_wait3A_127 = tpu.memref_slice %arg6[%dma_wait3A_119, %dma_wait3A_126] : memref<3x256xi32, #tpu.memory_space<vmem>> -> memref<1x256xi32, #tpu.memory_space<vmem>>
    %dma_wait3A_128 = tpu.memref_squeeze %dma_wait3A_127 : memref<1x256xi32, #tpu.memory_space<vmem>> -> memref<256xi32, #tpu.memory_space<vmem>>
    %dma_wait3A_129 = arith.constant 0 : i32
    %dma_wait3A_130 = tpu.memref_slice %arg3[%dma_wait3A, %dma_wait3A_118, %dma_wait3A_129] : memref<16x80x256xi32, #tpu.memory_space<hbm>> -> memref<1x1x256xi32, #tpu.memory_space<hbm>>
    %dma_wait3A_131 = tpu.memref_squeeze %dma_wait3A_130 : memref<1x1x256xi32, #tpu.memory_space<hbm>> -> memref<256xi32, #tpu.memory_space<hbm>>
    tpu.wait_dma2 semaphore(%arg11 : memref<!tpu.dma_semaphore, #tpu.memory_space<semaphore_mem>>) src(%dma_wait3A_131 : memref<256xi32, #tpu.memory_space<hbm>>) dst(%dma_wait3A_128 : memref<256xi32, #tpu.memory_space<vmem>>)
    %dma_wait3A_132 = arith.constant 0 : i32
    %dma_wait3A_133 = arith.constant 0 : i32
    %dma_wait3A_134 = arith.constant 0 : i32
    %dma_wait3A_135 = arith.constant 0 : i32
    %dma_wait3A_136 = arith.constant 0 : i32
    %dma_wait3A_137 = tpu.memref_slice %arg7[%dma_wait3A_134, %dma_wait3A_135, %dma_wait3A_136] : memref<3x2x128xi32, #tpu.memory_space<vmem>> -> memref<1x2x128xi32, #tpu.memory_space<vmem>>
    %dma_wait3A_138 = tpu.memref_squeeze %dma_wait3A_137 : memref<1x2x128xi32, #tpu.memory_space<vmem>> -> memref<2x128xi32, #tpu.memory_space<vmem>>
    %dma_wait3A_139 = arith.constant 0 : i32
    %dma_wait3A_140 = arith.constant 0 : i32
    %dma_wait3A_141 = tpu.memref_slice %arg4[%dma_wait3A_132, %dma_wait3A_133, %dma_wait3A_139, %dma_wait3A_140] : memref<16x80x2x128xi32, #tpu.memory_space<hbm>> -> memref<1x1x2x128xi32, #tpu.memory_space<hbm>>
    %dma_wait3A_142 = tpu.memref_squeeze %dma_wait3A_141 : memref<1x1x2x128xi32, #tpu.memory_space<hbm>> -> memref<2x128xi32, #tpu.memory_space<hbm>>
    %dma_wait3A_143 = arith.constant 0 : i32
    %dma_wait3A_144 = arith.constant 0 : i32
    %dma_wait3A_145 = tpu.memref_slice %arg7[%dma_wait3A_134, %dma_wait3A_143, %dma_wait3A_144] : memref<3x2x128xi32, #tpu.memory_space<vmem>> -> memref<1x2x128xi32, #tpu.memory_space<vmem>>
    %dma_wait3A_146 = tpu.memref_squeeze %dma_wait3A_145 : memref<1x2x128xi32, #tpu.memory_space<vmem>> -> memref<2x128xi32, #tpu.memory_space<vmem>>
    %dma_wait3A_147 = arith.constant 0 : i32
    %dma_wait3A_148 = arith.constant 0 : i32
    %dma_wait3A_149 = tpu.memref_slice %arg4[%dma_wait3A_132, %dma_wait3A_133, %dma_wait3A_147, %dma_wait3A_148] : memref<16x80x2x128xi32, #tpu.memory_space<hbm>> -> memref<1x1x2x128xi32, #tpu.memory_space<hbm>>
    %dma_wait3A_150 = tpu.memref_squeeze %dma_wait3A_149 : memref<1x1x2x128xi32, #tpu.memory_space<hbm>> -> memref<2x128xi32, #tpu.memory_space<hbm>>
    tpu.wait_dma2 semaphore(%arg11 : memref<!tpu.dma_semaphore, #tpu.memory_space<semaphore_mem>>) src(%dma_wait3A_150 : memref<2x128xi32, #tpu.memory_space<hbm>>) dst(%dma_wait3A_146 : memref<2x128xi32, #tpu.memory_space<vmem>>)
    %dma_start3A_151 = arith.constant 0 : i32
    %dma_start3A_152 = arith.constant 0 : i32
    %dma_start3A_153 = arith.constant 0 : i32
    %dma_start3A_154 = arith.constant 0 : i32
    %dma_start3A_155 = tpu.memref_slice %arg8[%dma_start3A_152, %dma_start3A_153, %dma_start3A_154] : memref<4x128x64xf32, #tpu.memory_space<vmem>> -> memref<1x128x64xf32, #tpu.memory_space<vmem>>
    %dma_start3A_156 = tpu.memref_squeeze %dma_start3A_155 : memref<1x128x64xf32, #tpu.memory_space<vmem>> -> memref<128x64xf32, #tpu.memory_space<vmem>>
    %dma_start3A_157 = arith.constant 0 : i32
    %dma_start3A_158 = tpu.memref_slice %arg6[%dma_start3A_151, %dma_start3A_157] : memref<3x256xi32, #tpu.memory_space<vmem>> -> memref<1x128xi32, #tpu.memory_space<vmem>>
    %dma_start3A_159 = tpu.memref_squeeze %dma_start3A_158 : memref<1x128xi32, #tpu.memory_space<vmem>> -> memref<128xi32, #tpu.memory_space<vmem>>
    %dma_start3A_160 = arith.constant 0 : i32
    %dma_start3A_161 = arith.constant 0 : i32
    %dma_start3A_162 = tpu.memref_slice %arg9[%dma_start3A_160, %dma_start3A_161] : memref<10000x64xf32, #tpu.memory_space<vmem_shared>> -> memref<10000x64xf32, #tpu.memory_space<vmem_shared>>
    tpu.enqueue_indirect_dma source(%dma_start3A_162 : memref<10000x64xf32, #tpu.memory_space<vmem_shared>>) target(%dma_start3A_156 : memref<128x64xf32, #tpu.memory_space<vmem>>) offsets(%dma_start3A_159 : memref<128xi32, #tpu.memory_space<vmem>>) semaphore(%arg12 : memref<!tpu.dma_semaphore, #tpu.memory_space<semaphore_mem>>)
    %dma_start3A_163 = arith.constant 0 : i32
    %dma_start3A_164 = arith.constant 1 : i32
    %dma_start3A_165 = arith.constant 0 : i32
    %dma_start3A_166 = arith.constant 0 : i32
    %dma_start3A_167 = tpu.memref_slice %arg8[%dma_start3A_164, %dma_start3A_165, %dma_start3A_166] : memref<4x128x64xf32, #tpu.memory_space<vmem>> -> memref<1x128x64xf32, #tpu.memory_space<vmem>>
    %dma_start3A_168 = tpu.memref_squeeze %dma_start3A_167 : memref<1x128x64xf32, #tpu.memory_space<vmem>> -> memref<128x64xf32, #tpu.memory_space<vmem>>
    %dma_start3A_169 = arith.constant 128 : i32
    %dma_start3A_170 = tpu.memref_slice %arg6[%dma_start3A_163, %dma_start3A_169] : memref<3x256xi32, #tpu.memory_space<vmem>> -> memref<1x128xi32, #tpu.memory_space<vmem>>
    %dma_start3A_171 = tpu.memref_squeeze %dma_start3A_170 : memref<1x128xi32, #tpu.memory_space<vmem>> -> memref<128xi32, #tpu.memory_space<vmem>>
    %dma_start3A_172 = arith.constant 0 : i32
    %dma_start3A_173 = arith.constant 0 : i32
    %dma_start3A_174 = tpu.memref_slice %arg9[%dma_start3A_172, %dma_start3A_173] : memref<10000x64xf32, #tpu.memory_space<vmem_shared>> -> memref<10000x64xf32, #tpu.memory_space<vmem_shared>>
    tpu.enqueue_indirect_dma source(%dma_start3A_174 : memref<10000x64xf32, #tpu.memory_space<vmem_shared>>) target(%dma_start3A_168 : memref<128x64xf32, #tpu.memory_space<vmem>>) offsets(%dma_start3A_171 : memref<128xi32, #tpu.memory_space<vmem>>) semaphore(%arg12 : memref<!tpu.dma_semaphore, #tpu.memory_space<semaphore_mem>>)
    %dma_wait3A_175 = arith.constant 0 : i32
    %dma_wait3A_176 = arith.constant 0 : i32
    %dma_wait3A_177 = arith.constant 0 : i32
    %dma_wait3A_178 = arith.constant 0 : i32
    %dma_wait3A_179 = tpu.memref_slice %arg6[%dma_wait3A_177, %dma_wait3A_178] : memref<3x256xi32, #tpu.memory_space<vmem>> -> memref<1x256xi32, #tpu.memory_space<vmem>>
    %dma_wait3A_180 = tpu.memref_squeeze %dma_wait3A_179 : memref<1x256xi32, #tpu.memory_space<vmem>> -> memref<256xi32, #tpu.memory_space<vmem>>
    %dma_wait3A_181 = arith.constant 0 : i32
    %dma_wait3A_182 = tpu.memref_slice %arg3[%dma_wait3A_175, %dma_wait3A_176, %dma_wait3A_181] : memref<16x80x256xi32, #tpu.memory_space<hbm>> -> memref<1x1x256xi32, #tpu.memory_space<hbm>>
    %dma_wait3A_183 = tpu.memref_squeeze %dma_wait3A_182 : memref<1x1x256xi32, #tpu.memory_space<hbm>> -> memref<256xi32, #tpu.memory_space<hbm>>
    %dma_wait3A_184 = arith.constant 0 : i32
    %dma_wait3A_185 = tpu.memref_slice %arg6[%dma_wait3A_177, %dma_wait3A_184] : memref<3x256xi32, #tpu.memory_space<vmem>> -> memref<1x256xi32, #tpu.memory_space<vmem>>
    %dma_wait3A_186 = tpu.memref_squeeze %dma_wait3A_185 : memref<1x256xi32, #tpu.memory_space<vmem>> -> memref<256xi32, #tpu.memory_space<vmem>>
    %dma_wait3A_187 = arith.constant 0 : i32
    %dma_wait3A_188 = tpu.memref_slice %arg3[%dma_wait3A_175, %dma_wait3A_176, %dma_wait3A_187] : memref<16x80x256xi32, #tpu.memory_space<hbm>> -> memref<1x1x256xi32, #tpu.memory_space<hbm>>
    %dma_wait3A_189 = tpu.memref_squeeze %dma_wait3A_188 : memref<1x1x256xi32, #tpu.memory_space<hbm>> -> memref<256xi32, #tpu.memory_space<hbm>>
    tpu.wait_dma2 semaphore(%arg11 : memref<!tpu.dma_semaphore, #tpu.memory_space<semaphore_mem>>) src(%dma_wait3A_189 : memref<256xi32, #tpu.memory_space<hbm>>) dst(%dma_wait3A_186 : memref<256xi32, #tpu.memory_space<vmem>>)
    %dma_wait3A_190 = arith.constant 0 : i32
    %dma_wait3A_191 = arith.constant 0 : i32
    %dma_wait3A_192 = arith.constant 0 : i32
    %dma_wait3A_193 = arith.constant 0 : i32
    %dma_wait3A_194 = arith.constant 0 : i32
    %dma_wait3A_195 = tpu.memref_slice %arg7[%dma_wait3A_192, %dma_wait3A_193, %dma_wait3A_194] : memref<3x2x128xi32, #tpu.memory_space<vmem>> -> memref<1x2x128xi32, #tpu.memory_space<vmem>>
    %dma_wait3A_196 = tpu.memref_squeeze %dma_wait3A_195 : memref<1x2x128xi32, #tpu.memory_space<vmem>> -> memref<2x128xi32, #tpu.memory_space<vmem>>
    %dma_wait3A_197 = arith.constant 0 : i32
    %dma_wait3A_198 = arith.constant 0 : i32
    %dma_wait3A_199 = tpu.memref_slice %arg4[%dma_wait3A_190, %dma_wait3A_191, %dma_wait3A_197, %dma_wait3A_198] : memref<16x80x2x128xi32, #tpu.memory_space<hbm>> -> memref<1x1x2x128xi32, #tpu.memory_space<hbm>>
    %dma_wait3A_200 = tpu.memref_squeeze %dma_wait3A_199 : memref<1x1x2x128xi32, #tpu.memory_space<hbm>> -> memref<2x128xi32, #tpu.memory_space<hbm>>
    %dma_wait3A_201 = arith.constant 0 : i32
    %dma_wait3A_202 = arith.constant 0 : i32
    %dma_wait3A_203 = tpu.memref_slice %arg7[%dma_wait3A_192, %dma_wait3A_201, %dma_wait3A_202] : memref<3x2x128xi32, #tpu.memory_space<vmem>> -> memref<1x2x128xi32, #tpu.memory_space<vmem>>
    %dma_wait3A_204 = tpu.memref_squeeze %dma_wait3A_203 : memref<1x2x128xi32, #tpu.memory_space<vmem>> -> memref<2x128xi32, #tpu.memory_space<vmem>>
    %dma_wait3A_205 = arith.constant 0 : i32
    %dma_wait3A_206 = arith.constant 0 : i32
    %dma_wait3A_207 = tpu.memref_slice %arg4[%dma_wait3A_190, %dma_wait3A_191, %dma_wait3A_205, %dma_wait3A_206] : memref<16x80x2x128xi32, #tpu.memory_space<hbm>> -> memref<1x1x2x128xi32, #tpu.memory_space<hbm>>
    %dma_wait3A_208 = tpu.memref_squeeze %dma_wait3A_207 : memref<1x1x2x128xi32, #tpu.memory_space<hbm>> -> memref<2x128xi32, #tpu.memory_space<hbm>>
    tpu.wait_dma2 semaphore(%arg11 : memref<!tpu.dma_semaphore, #tpu.memory_space<semaphore_mem>>) src(%dma_wait3A_208 : memref<2x128xi32, #tpu.memory_space<hbm>>) dst(%dma_wait3A_204 : memref<2x128xi32, #tpu.memory_space<vmem>>)
    %dma_start3A_209 = arith.constant 1 : i32
    %dma_start3A_210 = arith.constant 2 : i32
    %dma_start3A_211 = arith.constant 0 : i32
    %dma_start3A_212 = arith.constant 0 : i32
    %dma_start3A_213 = tpu.memref_slice %arg8[%dma_start3A_210, %dma_start3A_211, %dma_start3A_212] : memref<4x128x64xf32, #tpu.memory_space<vmem>> -> memref<1x128x64xf32, #tpu.memory_space<vmem>>
    %dma_start3A_214 = tpu.memref_squeeze %dma_start3A_213 : memref<1x128x64xf32, #tpu.memory_space<vmem>> -> memref<128x64xf32, #tpu.memory_space<vmem>>
    %dma_start3A_215 = arith.constant 0 : i32
    %dma_start3A_216 = tpu.memref_slice %arg6[%dma_start3A_209, %dma_start3A_215] : memref<3x256xi32, #tpu.memory_space<vmem>> -> memref<1x128xi32, #tpu.memory_space<vmem>>
    %dma_start3A_217 = tpu.memref_squeeze %dma_start3A_216 : memref<1x128xi32, #tpu.memory_space<vmem>> -> memref<128xi32, #tpu.memory_space<vmem>>
    %dma_start3A_218 = arith.constant 0 : i32
    %dma_start3A_219 = arith.constant 0 : i32
    %dma_start3A_220 = tpu.memref_slice %arg9[%dma_start3A_218, %dma_start3A_219] : memref<10000x64xf32, #tpu.memory_space<vmem_shared>> -> memref<10000x64xf32, #tpu.memory_space<vmem_shared>>
    tpu.enqueue_indirect_dma source(%dma_start3A_220 : memref<10000x64xf32, #tpu.memory_space<vmem_shared>>) target(%dma_start3A_214 : memref<128x64xf32, #tpu.memory_space<vmem>>) offsets(%dma_start3A_217 : memref<128xi32, #tpu.memory_space<vmem>>) semaphore(%arg12 : memref<!tpu.dma_semaphore, #tpu.memory_space<semaphore_mem>>)
    %dma_start3A_221 = arith.constant 1 : i32
    %dma_start3A_222 = arith.constant 3 : i32
    %dma_start3A_223 = arith.constant 0 : i32
    %dma_start3A_224 = arith.constant 0 : i32
    %dma_start3A_225 = tpu.memref_slice %arg8[%dma_start3A_222, %dma_start3A_223, %dma_start3A_224] : memref<4x128x64xf32, #tpu.memory_space<vmem>> -> memref<1x128x64xf32, #tpu.memory_space<vmem>>
    %dma_start3A_226 = tpu.memref_squeeze %dma_start3A_225 : memref<1x128x64xf32, #tpu.memory_space<vmem>> -> memref<128x64xf32, #tpu.memory_space<vmem>>
    %dma_start3A_227 = arith.constant 128 : i32
    %dma_start3A_228 = tpu.memref_slice %arg6[%dma_start3A_221, %dma_start3A_227] : memref<3x256xi32, #tpu.memory_space<vmem>> -> memref<1x128xi32, #tpu.memory_space<vmem>>
    %dma_start3A_229 = tpu.memref_squeeze %dma_start3A_228 : memref<1x128xi32, #tpu.memory_space<vmem>> -> memref<128xi32, #tpu.memory_space<vmem>>
    %dma_start3A_230 = arith.constant 0 : i32
    %dma_start3A_231 = arith.constant 0 : i32
    %dma_start3A_232 = tpu.memref_slice %arg9[%dma_start3A_230, %dma_start3A_231] : memref<10000x64xf32, #tpu.memory_space<vmem_shared>> -> memref<10000x64xf32, #tpu.memory_space<vmem_shared>>
    tpu.enqueue_indirect_dma source(%dma_start3A_232 : memref<10000x64xf32, #tpu.memory_space<vmem_shared>>) target(%dma_start3A_226 : memref<128x64xf32, #tpu.memory_space<vmem>>) offsets(%dma_start3A_229 : memref<128xi32, #tpu.memory_space<vmem>>) semaphore(%arg12 : memref<!tpu.dma_semaphore, #tpu.memory_space<semaphore_mem>>)
    %dma_wait3A_233 = arith.constant 0 : i32
    %dma_wait3A_234 = arith.constant 0 : i32
    %dma_wait3A_235 = arith.constant 0 : i32
    %dma_wait3A_236 = arith.constant 0 : i32
    %dma_wait3A_237 = tpu.memref_slice %arg8[%dma_wait3A_234, %dma_wait3A_235, %dma_wait3A_236] : memref<4x128x64xf32, #tpu.memory_space<vmem>> -> memref<1x128x64xf32, #tpu.memory_space<vmem>>
    %dma_wait3A_238 = tpu.memref_squeeze %dma_wait3A_237 : memref<1x128x64xf32, #tpu.memory_space<vmem>> -> memref<128x64xf32, #tpu.memory_space<vmem>>
    %dma_wait3A_239 = arith.constant 0 : i32
    %dma_wait3A_240 = tpu.memref_slice %arg6[%dma_wait3A_233, %dma_wait3A_239] : memref<3x256xi32, #tpu.memory_space<vmem>> -> memref<1x128xi32, #tpu.memory_space<vmem>>
    %dma_wait3A_241 = tpu.memref_squeeze %dma_wait3A_240 : memref<1x128xi32, #tpu.memory_space<vmem>> -> memref<128xi32, #tpu.memory_space<vmem>>
    %dma_wait3A_242 = arith.constant 0 : i32
    %dma_wait3A_243 = arith.constant 0 : i32
    %dma_wait3A_244 = tpu.memref_slice %arg9[%dma_wait3A_242, %dma_wait3A_243] : memref<10000x64xf32, #tpu.memory_space<vmem_shared>> -> memref<10000x64xf32, #tpu.memory_space<vmem_shared>>
    tpu.wait_indirect_dma semaphore(%arg12 : memref<!tpu.dma_semaphore, #tpu.memory_space<semaphore_mem>>) src(%dma_wait3A_244 : memref<10000x64xf32, #tpu.memory_space<vmem_shared>>) dst(%dma_wait3A_238 : memref<128x64xf32, #tpu.memory_space<vmem>>)
    %dma_start3A_245 = arith.constant 0 : i32
    %dma_start3A_246 = arith.constant 0 : i32
    %dma_start3A_247 = arith.constant 0 : i32
    %dma_start3A_248 = arith.constant 0 : i32
    %dma_start3A_249 = arith.constant 0 : i32
    %dma_start3A_250 = tpu.memref_slice %arg8[%dma_start3A_245, %dma_start3A_248, %dma_start3A_249] : memref<4x128x64xf32, #tpu.memory_space<vmem>> -> memref<1x128x64xf32, #tpu.memory_space<vmem>>
    %dma_start3A_251 = tpu.memref_squeeze %dma_start3A_250 : memref<1x128x64xf32, #tpu.memory_space<vmem>> -> memref<128x64xf32, #tpu.memory_space<vmem>>
    %dma_start3A_252 = arith.constant 0 : i32
    %dma_start3A_253 = tpu.memref_slice %arg7[%dma_start3A_246, %dma_start3A_247, %dma_start3A_252] : memref<3x2x128xi32, #tpu.memory_space<vmem>> -> memref<1x1x128xi32, #tpu.memory_space<vmem>>
    %dma_start3A_254 = tpu.memref_squeeze %dma_start3A_253 : memref<1x1x128xi32, #tpu.memory_space<vmem>> -> memref<128xi32, #tpu.memory_space<vmem>>
    %dma_start3A_255 = arith.constant 0 : i32
    %dma_start3A_256 = arith.constant 0 : i32
    %dma_start3A_257 = tpu.memref_slice %arg10[%dma_start3A_255, %dma_start3A_256] : memref<10240x64xf32, #tpu.memory_space<vmem_shared>> -> memref<10240x64xf32, #tpu.memory_space<vmem_shared>>
    tpu.enqueue_indirect_dma source(%dma_start3A_251 : memref<128x64xf32, #tpu.memory_space<vmem>>) target(%dma_start3A_257 : memref<10240x64xf32, #tpu.memory_space<vmem_shared>>) offsets(%dma_start3A_254 : memref<128xi32, #tpu.memory_space<vmem>>) semaphore(%arg13 : memref<!tpu.dma_semaphore, #tpu.memory_space<semaphore_mem>>) {add = true}
    %dma_wait3A_258 = arith.constant 0 : i32
    %dma_wait3A_259 = arith.constant 0 : i32
    %dma_wait3A_260 = arith.constant 0 : i32
    %dma_wait3A_261 = arith.constant 0 : i32
    %dma_wait3A_262 = tpu.memref_slice %arg8[%dma_wait3A_259, %dma_wait3A_260, %dma_wait3A_261] : memref<4x128x64xf32, #tpu.memory_space<vmem>> -> memref<1x128x64xf32, #tpu.memory_space<vmem>>
    %dma_wait3A_263 = tpu.memref_squeeze %dma_wait3A_262 : memref<1x128x64xf32, #tpu.memory_space<vmem>> -> memref<128x64xf32, #tpu.memory_space<vmem>>
    %dma_wait3A_264 = arith.constant 0 : i32
    %dma_wait3A_265 = tpu.memref_slice %arg6[%dma_wait3A_258, %dma_wait3A_264] : memref<3x256xi32, #tpu.memory_space<vmem>> -> memref<1x128xi32, #tpu.memory_space<vmem>>
    %dma_wait3A_266 = tpu.memref_squeeze %dma_wait3A_265 : memref<1x128xi32, #tpu.memory_space<vmem>> -> memref<128xi32, #tpu.memory_space<vmem>>
    %dma_wait3A_267 = arith.constant 0 : i32
    %dma_wait3A_268 = arith.constant 0 : i32
    %dma_wait3A_269 = tpu.memref_slice %arg9[%dma_wait3A_267, %dma_wait3A_268] : memref<10000x64xf32, #tpu.memory_space<vmem_shared>> -> memref<10000x64xf32, #tpu.memory_space<vmem_shared>>
    tpu.wait_indirect_dma semaphore(%arg12 : memref<!tpu.dma_semaphore, #tpu.memory_space<semaphore_mem>>) src(%dma_wait3A_269 : memref<10000x64xf32, #tpu.memory_space<vmem_shared>>) dst(%dma_wait3A_263 : memref<128x64xf32, #tpu.memory_space<vmem>>)
    %dma_start3A_270 = arith.constant 1 : i32
    %dma_start3A_271 = arith.constant 0 : i32
    %dma_start3A_272 = arith.constant 1 : i32
    %dma_start3A_273 = arith.constant 0 : i32
    %dma_start3A_274 = arith.constant 0 : i32
    %dma_start3A_275 = tpu.memref_slice %arg8[%dma_start3A_270, %dma_start3A_273, %dma_start3A_274] : memref<4x128x64xf32, #tpu.memory_space<vmem>> -> memref<1x128x64xf32, #tpu.memory_space<vmem>>
    %dma_start3A_276 = tpu.memref_squeeze %dma_start3A_275 : memref<1x128x64xf32, #tpu.memory_space<vmem>> -> memref<128x64xf32, #tpu.memory_space<vmem>>
    %dma_start3A_277 = arith.constant 0 : i32
    %dma_start3A_278 = tpu.memref_slice %arg7[%dma_start3A_271, %dma_start3A_272, %dma_start3A_277] : memref<3x2x128xi32, #tpu.memory_space<vmem>> -> memref<1x1x128xi32, #tpu.memory_space<vmem>>
    %dma_start3A_279 = tpu.memref_squeeze %dma_start3A_278 : memref<1x1x128xi32, #tpu.memory_space<vmem>> -> memref<128xi32, #tpu.memory_space<vmem>>
    %dma_start3A_280 = arith.constant 0 : i32
    %dma_start3A_281 = arith.constant 0 : i32
    %dma_start3A_282 = tpu.memref_slice %arg10[%dma_start3A_280, %dma_start3A_281] : memref<10240x64xf32, #tpu.memory_space<vmem_shared>> -> memref<10240x64xf32, #tpu.memory_space<vmem_shared>>
    tpu.enqueue_indirect_dma source(%dma_start3A_276 : memref<128x64xf32, #tpu.memory_space<vmem>>) target(%dma_start3A_282 : memref<10240x64xf32, #tpu.memory_space<vmem_shared>>) offsets(%dma_start3A_279 : memref<128xi32, #tpu.memory_space<vmem>>) semaphore(%arg13 : memref<!tpu.dma_semaphore, #tpu.memory_space<semaphore_mem>>) {add = true}
    %scan3A_283 = arith.constant 0 : i32
    %scan3A_284 = arith.constant 1 : i32
    %scan3A_285 = arith.constant 77 : i32
    %scan3A_286 = arith.addi %scan3A_284, %scan3A_285 : i32
    %scan3A_287 = arith.constant 1 : i32
    scf.for %scan3A_526 = %scan3A_284 to %scan3A_286 step %scan3A_287  : i32 {
      %dma_wait3A_527 = arith.constant 0 : i32
      %dma_wait3A_528 = arith.constant 0 : i32
      %dma_wait3A_529 = arith.constant 0 : i32
      %dma_wait3A_530 = arith.constant 0 : i32
      %dma_wait3A_531 = arith.constant 0 : i32
      %dma_wait3A_532 = tpu.memref_slice %arg8[%dma_wait3A_527, %dma_wait3A_530, %dma_wait3A_531] : memref<4x128x64xf32, #tpu.memory_space<vmem>> -> memref<1x128x64xf32, #tpu.memory_space<vmem>>
      %dma_wait3A_533 = tpu.memref_squeeze %dma_wait3A_532 : memref<1x128x64xf32, #tpu.memory_space<vmem>> -> memref<128x64xf32, #tpu.memory_space<vmem>>
      %dma_wait3A_534 = arith.constant 0 : i32
      %dma_wait3A_535 = tpu.memref_slice %arg7[%dma_wait3A_528, %dma_wait3A_529, %dma_wait3A_534] : memref<3x2x128xi32, #tpu.memory_space<vmem>> -> memref<1x1x128xi32, #tpu.memory_space<vmem>>
      %dma_wait3A_536 = tpu.memref_squeeze %dma_wait3A_535 : memref<1x1x128xi32, #tpu.memory_space<vmem>> -> memref<128xi32, #tpu.memory_space<vmem>>
      %dma_wait3A_537 = arith.constant 0 : i32
      %dma_wait3A_538 = arith.constant 0 : i32
      %dma_wait3A_539 = tpu.memref_slice %arg10[%dma_wait3A_537, %dma_wait3A_538] : memref<10240x64xf32, #tpu.memory_space<vmem_shared>> -> memref<10240x64xf32, #tpu.memory_space<vmem_shared>>
      tpu.wait_indirect_dma semaphore(%arg13 : memref<!tpu.dma_semaphore, #tpu.memory_space<semaphore_mem>>) src(%dma_wait3A_533 : memref<128x64xf32, #tpu.memory_space<vmem>>) dst(%dma_wait3A_539 : memref<10240x64xf32, #tpu.memory_space<vmem_shared>>)
      %dma_wait3A_540 = arith.constant 0 : i32
      %dma_wait3A_541 = arith.constant 0 : i32
      %dma_wait3A_542 = arith.constant 0 : i32
      %dma_wait3A_543 = arith.constant 0 : i32
      %dma_wait3A_544 = arith.constant 0 : i32
      %dma_wait3A_545 = tpu.memref_slice %arg8[%dma_wait3A_540, %dma_wait3A_543, %dma_wait3A_544] : memref<4x128x64xf32, #tpu.memory_space<vmem>> -> memref<1x128x64xf32, #tpu.memory_space<vmem>>
      %dma_wait3A_546 = tpu.memref_squeeze %dma_wait3A_545 : memref<1x128x64xf32, #tpu.memory_space<vmem>> -> memref<128x64xf32, #tpu.memory_space<vmem>>
      %dma_wait3A_547 = arith.constant 0 : i32
      %dma_wait3A_548 = tpu.memref_slice %arg7[%dma_wait3A_541, %dma_wait3A_542, %dma_wait3A_547] : memref<3x2x128xi32, #tpu.memory_space<vmem>> -> memref<1x1x128xi32, #tpu.memory_space<vmem>>
      %dma_wait3A_549 = tpu.memref_squeeze %dma_wait3A_548 : memref<1x1x128xi32, #tpu.memory_space<vmem>> -> memref<128xi32, #tpu.memory_space<vmem>>
      %dma_wait3A_550 = arith.constant 0 : i32
      %dma_wait3A_551 = arith.constant 0 : i32
      %dma_wait3A_552 = tpu.memref_slice %arg10[%dma_wait3A_550, %dma_wait3A_551] : memref<10240x64xf32, #tpu.memory_space<vmem_shared>> -> memref<10240x64xf32, #tpu.memory_space<vmem_shared>>
      tpu.wait_indirect_dma semaphore(%arg13 : memref<!tpu.dma_semaphore, #tpu.memory_space<semaphore_mem>>) src(%dma_wait3A_546 : memref<128x64xf32, #tpu.memory_space<vmem>>) dst(%dma_wait3A_552 : memref<10240x64xf32, #tpu.memory_space<vmem_shared>>)
      %add3A_553 = arith.constant 2 : i32
      %add3A_554 = arith.addi %scan3A_526, %add3A_553 : i32
      %jit3A = arith.constant 3 : i32
      %eq3A = arith.constant 0 : i32
      %eq3A_555 = arith.cmpi eq, %jit3A, %eq3A : i32
      %jit3A_556 = arith.constant 1 : i32
      %select_n3A = arith.select %eq3A_555, %jit3A_556, %jit3A : i32
      %rem3A = arith.remsi %add3A_554, %select_n3A : i32
      %ne3A = arith.constant 0 : i32
      %ne3A_557 = arith.cmpi ne, %rem3A, %ne3A : i32
      %lt3A = arith.constant 0 : i32
      %lt3A_558 = arith.cmpi slt, %rem3A, %lt3A : i32
      %lt3A_559 = arith.constant 0 : i32
      %lt3A_560 = arith.cmpi slt, %select_n3A, %lt3A_559 : i32
      %ne3A_561 = arith.xori %lt3A_558, %lt3A_560 : i1
      %and3A = arith.andi %ne3A_561, %ne3A_557 : i1
      %add3A_562 = arith.addi %rem3A, %select_n3A : i32
      %select_n3A_563 = arith.select %and3A, %add3A_562, %rem3A : i32
      %dma_start3A_564 = arith.constant 0 : i32
      %dma_start3A_565 = tpu.memref_slice %arg6[%select_n3A_563, %dma_start3A_564] : memref<3x256xi32, #tpu.memory_space<vmem>> -> memref<1x256xi32, #tpu.memory_space<vmem>>
      %dma_start3A_566 = tpu.memref_squeeze %dma_start3A_565 : memref<1x256xi32, #tpu.memory_space<vmem>> -> memref<256xi32, #tpu.memory_space<vmem>>
      %dma_start3A_567 = arith.constant 0 : i32
      %dma_start3A_568 = tpu.memref_slice %arg3[%arg1, %add3A_554, %dma_start3A_567] : memref<16x80x256xi32, #tpu.memory_space<hbm>> -> memref<1x1x256xi32, #tpu.memory_space<hbm>>
      %dma_start3A_569 = tpu.memref_squeeze %dma_start3A_568 : memref<1x1x256xi32, #tpu.memory_space<hbm>> -> memref<256xi32, #tpu.memory_space<hbm>>
      %dma_start3A_570 = arith.constant 0 : i32
      %dma_start3A_571 = tpu.memref_slice %arg6[%select_n3A_563, %dma_start3A_570] : memref<3x256xi32, #tpu.memory_space<vmem>> -> memref<1x256xi32, #tpu.memory_space<vmem>>
      %dma_start3A_572 = tpu.memref_squeeze %dma_start3A_571 : memref<1x256xi32, #tpu.memory_space<vmem>> -> memref<256xi32, #tpu.memory_space<vmem>>
      %dma_start3A_573 = arith.constant 0 : i32
      %dma_start3A_574 = tpu.memref_slice %arg3[%arg1, %add3A_554, %dma_start3A_573] : memref<16x80x256xi32, #tpu.memory_space<hbm>> -> memref<1x1x256xi32, #tpu.memory_space<hbm>>
      %dma_start3A_575 = tpu.memref_squeeze %dma_start3A_574 : memref<1x1x256xi32, #tpu.memory_space<hbm>> -> memref<256xi32, #tpu.memory_space<hbm>>
      tpu.enqueue_dma source(%dma_start3A_575 : memref<256xi32, #tpu.memory_space<hbm>>) target(%dma_start3A_572 : memref<256xi32, #tpu.memory_space<vmem>>) target_semaphore(%arg11 : memref<!tpu.dma_semaphore, #tpu.memory_space<semaphore_mem>>)
      %dma_start3A_576 = arith.constant 0 : i32
      %dma_start3A_577 = arith.constant 0 : i32
      %dma_start3A_578 = tpu.memref_slice %arg7[%select_n3A_563, %dma_start3A_576, %dma_start3A_577] : memref<3x2x128xi32, #tpu.memory_space<vmem>> -> memref<1x2x128xi32, #tpu.memory_space<vmem>>
      %dma_start3A_579 = tpu.memref_squeeze %dma_start3A_578 : memref<1x2x128xi32, #tpu.memory_space<vmem>> -> memref<2x128xi32, #tpu.memory_space<vmem>>
      %dma_start3A_580 = arith.constant 0 : i32
      %dma_start3A_581 = arith.constant 0 : i32
      %dma_start3A_582 = tpu.memref_slice %arg4[%arg1, %add3A_554, %dma_start3A_580, %dma_start3A_581] : memref<16x80x2x128xi32, #tpu.memory_space<hbm>> -> memref<1x1x2x128xi32, #tpu.memory_space<hbm>>
      %dma_start3A_583 = tpu.memref_squeeze %dma_start3A_582 : memref<1x1x2x128xi32, #tpu.memory_space<hbm>> -> memref<2x128xi32, #tpu.memory_space<hbm>>
      %dma_start3A_584 = arith.constant 0 : i32
      %dma_start3A_585 = arith.constant 0 : i32
      %dma_start3A_586 = tpu.memref_slice %arg7[%select_n3A_563, %dma_start3A_584, %dma_start3A_585] : memref<3x2x128xi32, #tpu.memory_space<vmem>> -> memref<1x2x128xi32, #tpu.memory_space<vmem>>
      %dma_start3A_587 = tpu.memref_squeeze %dma_start3A_586 : memref<1x2x128xi32, #tpu.memory_space<vmem>> -> memref<2x128xi32, #tpu.memory_space<vmem>>
      %dma_start3A_588 = arith.constant 0 : i32
      %dma_start3A_589 = arith.constant 0 : i32
      %dma_start3A_590 = tpu.memref_slice %arg4[%arg1, %add3A_554, %dma_start3A_588, %dma_start3A_589] : memref<16x80x2x128xi32, #tpu.memory_space<hbm>> -> memref<1x1x2x128xi32, #tpu.memory_space<hbm>>
      %dma_start3A_591 = tpu.memref_squeeze %dma_start3A_590 : memref<1x1x2x128xi32, #tpu.memory_space<hbm>> -> memref<2x128xi32, #tpu.memory_space<hbm>>
      tpu.enqueue_dma source(%dma_start3A_591 : memref<2x128xi32, #tpu.memory_space<hbm>>) target(%dma_start3A_587 : memref<2x128xi32, #tpu.memory_space<vmem>>) target_semaphore(%arg11 : memref<!tpu.dma_semaphore, #tpu.memory_space<semaphore_mem>>)
      %dma_wait3A_592 = arith.constant 0 : i32
      %dma_wait3A_593 = arith.constant 0 : i32
      %dma_wait3A_594 = arith.constant 0 : i32
      %dma_wait3A_595 = arith.constant 0 : i32
      %dma_wait3A_596 = tpu.memref_slice %arg6[%dma_wait3A_594, %dma_wait3A_595] : memref<3x256xi32, #tpu.memory_space<vmem>> -> memref<1x256xi32, #tpu.memory_space<vmem>>
      %dma_wait3A_597 = tpu.memref_squeeze %dma_wait3A_596 : memref<1x256xi32, #tpu.memory_space<vmem>> -> memref<256xi32, #tpu.memory_space<vmem>>
      %dma_wait3A_598 = arith.constant 0 : i32
      %dma_wait3A_599 = tpu.memref_slice %arg3[%dma_wait3A_592, %dma_wait3A_593, %dma_wait3A_598] : memref<16x80x256xi32, #tpu.memory_space<hbm>> -> memref<1x1x256xi32, #tpu.memory_space<hbm>>
      %dma_wait3A_600 = tpu.memref_squeeze %dma_wait3A_599 : memref<1x1x256xi32, #tpu.memory_space<hbm>> -> memref<256xi32, #tpu.memory_space<hbm>>
      %dma_wait3A_601 = arith.constant 0 : i32
      %dma_wait3A_602 = tpu.memref_slice %arg6[%dma_wait3A_594, %dma_wait3A_601] : memref<3x256xi32, #tpu.memory_space<vmem>> -> memref<1x256xi32, #tpu.memory_space<vmem>>
      %dma_wait3A_603 = tpu.memref_squeeze %dma_wait3A_602 : memref<1x256xi32, #tpu.memory_space<vmem>> -> memref<256xi32, #tpu.memory_space<vmem>>
      %dma_wait3A_604 = arith.constant 0 : i32
      %dma_wait3A_605 = tpu.memref_slice %arg3[%dma_wait3A_592, %dma_wait3A_593, %dma_wait3A_604] : memref<16x80x256xi32, #tpu.memory_space<hbm>> -> memref<1x1x256xi32, #tpu.memory_space<hbm>>
      %dma_wait3A_606 = tpu.memref_squeeze %dma_wait3A_605 : memref<1x1x256xi32, #tpu.memory_space<hbm>> -> memref<256xi32, #tpu.memory_space<hbm>>
      tpu.wait_dma2 semaphore(%arg11 : memref<!tpu.dma_semaphore, #tpu.memory_space<semaphore_mem>>) src(%dma_wait3A_606 : memref<256xi32, #tpu.memory_space<hbm>>) dst(%dma_wait3A_603 : memref<256xi32, #tpu.memory_space<vmem>>)
      %dma_wait3A_607 = arith.constant 0 : i32
      %dma_wait3A_608 = arith.constant 0 : i32
      %dma_wait3A_609 = arith.constant 0 : i32
      %dma_wait3A_610 = arith.constant 0 : i32
      %dma_wait3A_611 = arith.constant 0 : i32
      %dma_wait3A_612 = tpu.memref_slice %arg7[%dma_wait3A_609, %dma_wait3A_610, %dma_wait3A_611] : memref<3x2x128xi32, #tpu.memory_space<vmem>> -> memref<1x2x128xi32, #tpu.memory_space<vmem>>
      %dma_wait3A_613 = tpu.memref_squeeze %dma_wait3A_612 : memref<1x2x128xi32, #tpu.memory_space<vmem>> -> memref<2x128xi32, #tpu.memory_space<vmem>>
      %dma_wait3A_614 = arith.constant 0 : i32
      %dma_wait3A_615 = arith.constant 0 : i32
      %dma_wait3A_616 = tpu.memref_slice %arg4[%dma_wait3A_607, %dma_wait3A_608, %dma_wait3A_614, %dma_wait3A_615] : memref<16x80x2x128xi32, #tpu.memory_space<hbm>> -> memref<1x1x2x128xi32, #tpu.memory_space<hbm>>
      %dma_wait3A_617 = tpu.memref_squeeze %dma_wait3A_616 : memref<1x1x2x128xi32, #tpu.memory_space<hbm>> -> memref<2x128xi32, #tpu.memory_space<hbm>>
      %dma_wait3A_618 = arith.constant 0 : i32
      %dma_wait3A_619 = arith.constant 0 : i32
      %dma_wait3A_620 = tpu.memref_slice %arg7[%dma_wait3A_609, %dma_wait3A_618, %dma_wait3A_619] : memref<3x2x128xi32, #tpu.memory_space<vmem>> -> memref<1x2x128xi32, #tpu.memory_space<vmem>>
      %dma_wait3A_621 = tpu.memref_squeeze %dma_wait3A_620 : memref<1x2x128xi32, #tpu.memory_space<vmem>> -> memref<2x128xi32, #tpu.memory_space<vmem>>
      %dma_wait3A_622 = arith.constant 0 : i32
      %dma_wait3A_623 = arith.constant 0 : i32
      %dma_wait3A_624 = tpu.memref_slice %arg4[%dma_wait3A_607, %dma_wait3A_608, %dma_wait3A_622, %dma_wait3A_623] : memref<16x80x2x128xi32, #tpu.memory_space<hbm>> -> memref<1x1x2x128xi32, #tpu.memory_space<hbm>>
      %dma_wait3A_625 = tpu.memref_squeeze %dma_wait3A_624 : memref<1x1x2x128xi32, #tpu.memory_space<hbm>> -> memref<2x128xi32, #tpu.memory_space<hbm>>
      tpu.wait_dma2 semaphore(%arg11 : memref<!tpu.dma_semaphore, #tpu.memory_space<semaphore_mem>>) src(%dma_wait3A_625 : memref<2x128xi32, #tpu.memory_space<hbm>>) dst(%dma_wait3A_621 : memref<2x128xi32, #tpu.memory_space<vmem>>)
      %add3A_626 = arith.constant 1 : i32
      %add3A_627 = arith.addi %scan3A_526, %add3A_626 : i32
      %jit3A_628 = arith.constant 3 : i32
      %eq3A_629 = arith.constant 0 : i32
      %eq3A_630 = arith.cmpi eq, %jit3A_628, %eq3A_629 : i32
      %jit3A_631 = arith.constant 1 : i32
      %select_n3A_632 = arith.select %eq3A_630, %jit3A_631, %jit3A_628 : i32
      %rem3A_633 = arith.remsi %add3A_627, %select_n3A_632 : i32
      %ne3A_634 = arith.constant 0 : i32
      %ne3A_635 = arith.cmpi ne, %rem3A_633, %ne3A_634 : i32
      %lt3A_636 = arith.constant 0 : i32
      %lt3A_637 = arith.cmpi slt, %rem3A_633, %lt3A_636 : i32
      %lt3A_638 = arith.constant 0 : i32
      %lt3A_639 = arith.cmpi slt, %select_n3A_632, %lt3A_638 : i32
      %ne3A_640 = arith.xori %lt3A_637, %lt3A_639 : i1
      %and3A_641 = arith.andi %ne3A_640, %ne3A_635 : i1
      %add3A_642 = arith.addi %rem3A_633, %select_n3A_632 : i32
      %select_n3A_643 = arith.select %and3A_641, %add3A_642, %rem3A_633 : i32
      %jit3A_644 = arith.constant 2 : i32
      %eq3A_645 = arith.constant 0 : i32
      %eq3A_646 = arith.cmpi eq, %jit3A_644, %eq3A_645 : i32
      %jit3A_647 = arith.constant 1 : i32
      %select_n3A_648 = arith.select %eq3A_646, %jit3A_647, %jit3A_644 : i32
      %rem3A_649 = arith.remsi %add3A_627, %select_n3A_648 : i32
      %ne3A_650 = arith.constant 0 : i32
      %ne3A_651 = arith.cmpi ne, %rem3A_649, %ne3A_650 : i32
      %lt3A_652 = arith.constant 0 : i32
      %lt3A_653 = arith.cmpi slt, %rem3A_649, %lt3A_652 : i32
      %lt3A_654 = arith.constant 0 : i32
      %lt3A_655 = arith.cmpi slt, %select_n3A_648, %lt3A_654 : i32
      %ne3A_656 = arith.xori %lt3A_653, %lt3A_655 : i1
      %and3A_657 = arith.andi %ne3A_656, %ne3A_651 : i1
      %add3A_658 = arith.addi %rem3A_649, %select_n3A_648 : i32
      %select_n3A_659 = arith.select %and3A_657, %add3A_658, %rem3A_649 : i32
      %mul3A_660 = arith.constant 2 : i32
      %mul3A_661 = arith.muli %select_n3A_659, %mul3A_660 : i32
      %add3A_662 = arith.constant 0 : i32
      %add3A_663 = arith.addi %mul3A_661, %add3A_662 : i32
      %dma_start3A_664 = arith.constant 0 : i32
      %dma_start3A_665 = arith.constant 0 : i32
      %dma_start3A_666 = tpu.memref_slice %arg8[%add3A_663, %dma_start3A_664, %dma_start3A_665] : memref<4x128x64xf32, #tpu.memory_space<vmem>> -> memref<1x128x64xf32, #tpu.memory_space<vmem>>
      %dma_start3A_667 = tpu.memref_squeeze %dma_start3A_666 : memref<1x128x64xf32, #tpu.memory_space<vmem>> -> memref<128x64xf32, #tpu.memory_space<vmem>>
      %dma_start3A_668 = arith.constant 0 : i32
      %dma_start3A_669 = tpu.memref_slice %arg6[%select_n3A_643, %dma_start3A_668] : memref<3x256xi32, #tpu.memory_space<vmem>> -> memref<1x128xi32, #tpu.memory_space<vmem>>
      %dma_start3A_670 = tpu.memref_squeeze %dma_start3A_669 : memref<1x128xi32, #tpu.memory_space<vmem>> -> memref<128xi32, #tpu.memory_space<vmem>>
      %dma_start3A_671 = arith.constant 0 : i32
      %dma_start3A_672 = arith.constant 0 : i32
      %dma_start3A_673 = tpu.memref_slice %arg9[%dma_start3A_671, %dma_start3A_672] : memref<10000x64xf32, #tpu.memory_space<vmem_shared>> -> memref<10000x64xf32, #tpu.memory_space<vmem_shared>>
      tpu.enqueue_indirect_dma source(%dma_start3A_673 : memref<10000x64xf32, #tpu.memory_space<vmem_shared>>) target(%dma_start3A_667 : memref<128x64xf32, #tpu.memory_space<vmem>>) offsets(%dma_start3A_670 : memref<128xi32, #tpu.memory_space<vmem>>) semaphore(%arg12 : memref<!tpu.dma_semaphore, #tpu.memory_space<semaphore_mem>>)
      %add3A_674 = arith.constant 1 : i32
      %add3A_675 = arith.addi %mul3A_661, %add3A_674 : i32
      %dma_start3A_676 = arith.constant 0 : i32
      %dma_start3A_677 = arith.constant 0 : i32
      %dma_start3A_678 = tpu.memref_slice %arg8[%add3A_675, %dma_start3A_676, %dma_start3A_677] : memref<4x128x64xf32, #tpu.memory_space<vmem>> -> memref<1x128x64xf32, #tpu.memory_space<vmem>>
      %dma_start3A_679 = tpu.memref_squeeze %dma_start3A_678 : memref<1x128x64xf32, #tpu.memory_space<vmem>> -> memref<128x64xf32, #tpu.memory_space<vmem>>
      %dma_start3A_680 = arith.constant 128 : i32
      %dma_start3A_681 = tpu.memref_slice %arg6[%select_n3A_643, %dma_start3A_680] : memref<3x256xi32, #tpu.memory_space<vmem>> -> memref<1x128xi32, #tpu.memory_space<vmem>>
      %dma_start3A_682 = tpu.memref_squeeze %dma_start3A_681 : memref<1x128xi32, #tpu.memory_space<vmem>> -> memref<128xi32, #tpu.memory_space<vmem>>
      %dma_start3A_683 = arith.constant 0 : i32
      %dma_start3A_684 = arith.constant 0 : i32
      %dma_start3A_685 = tpu.memref_slice %arg9[%dma_start3A_683, %dma_start3A_684] : memref<10000x64xf32, #tpu.memory_space<vmem_shared>> -> memref<10000x64xf32, #tpu.memory_space<vmem_shared>>
      tpu.enqueue_indirect_dma source(%dma_start3A_685 : memref<10000x64xf32, #tpu.memory_space<vmem_shared>>) target(%dma_start3A_679 : memref<128x64xf32, #tpu.memory_space<vmem>>) offsets(%dma_start3A_682 : memref<128xi32, #tpu.memory_space<vmem>>) semaphore(%arg12 : memref<!tpu.dma_semaphore, #tpu.memory_space<semaphore_mem>>)
      %jit3A_686 = arith.constant 3 : i32
      %eq3A_687 = arith.constant 0 : i32
      %eq3A_688 = arith.cmpi eq, %jit3A_686, %eq3A_687 : i32
      %jit3A_689 = arith.constant 1 : i32
      %select_n3A_690 = arith.select %eq3A_688, %jit3A_689, %jit3A_686 : i32
      %rem3A_691 = arith.remsi %scan3A_526, %select_n3A_690 : i32
      %ne3A_692 = arith.constant 0 : i32
      %ne3A_693 = arith.cmpi ne, %rem3A_691, %ne3A_692 : i32
      %lt3A_694 = arith.constant 0 : i32
      %lt3A_695 = arith.cmpi slt, %rem3A_691, %lt3A_694 : i32
      %lt3A_696 = arith.constant 0 : i32
      %lt3A_697 = arith.cmpi slt, %select_n3A_690, %lt3A_696 : i32
      %ne3A_698 = arith.xori %lt3A_695, %lt3A_697 : i1
      %and3A_699 = arith.andi %ne3A_698, %ne3A_693 : i1
      %add3A_700 = arith.addi %rem3A_691, %select_n3A_690 : i32
      %select_n3A_701 = arith.select %and3A_699, %add3A_700, %rem3A_691 : i32
      %jit3A_702 = arith.constant 2 : i32
      %eq3A_703 = arith.constant 0 : i32
      %eq3A_704 = arith.cmpi eq, %jit3A_702, %eq3A_703 : i32
      %jit3A_705 = arith.constant 1 : i32
      %select_n3A_706 = arith.select %eq3A_704, %jit3A_705, %jit3A_702 : i32
      %rem3A_707 = arith.remsi %scan3A_526, %select_n3A_706 : i32
      %ne3A_708 = arith.constant 0 : i32
      %ne3A_709 = arith.cmpi ne, %rem3A_707, %ne3A_708 : i32
      %lt3A_710 = arith.constant 0 : i32
      %lt3A_711 = arith.cmpi slt, %rem3A_707, %lt3A_710 : i32
      %lt3A_712 = arith.constant 0 : i32
      %lt3A_713 = arith.cmpi slt, %select_n3A_706, %lt3A_712 : i32
      %ne3A_714 = arith.xori %lt3A_711, %lt3A_713 : i1
      %and3A_715 = arith.andi %ne3A_714, %ne3A_709 : i1
      %add3A_716 = arith.addi %rem3A_707, %select_n3A_706 : i32
      %select_n3A_717 = arith.select %and3A_715, %add3A_716, %rem3A_707 : i32
      %mul3A_718 = arith.constant 2 : i32
      %mul3A_719 = arith.muli %select_n3A_717, %mul3A_718 : i32
      %dma_wait3A_720 = arith.constant 0 : i32
      %dma_wait3A_721 = arith.constant 0 : i32
      %dma_wait3A_722 = arith.constant 0 : i32
      %dma_wait3A_723 = arith.constant 0 : i32
      %dma_wait3A_724 = tpu.memref_slice %arg8[%dma_wait3A_721, %dma_wait3A_722, %dma_wait3A_723] : memref<4x128x64xf32, #tpu.memory_space<vmem>> -> memref<1x128x64xf32, #tpu.memory_space<vmem>>
      %dma_wait3A_725 = tpu.memref_squeeze %dma_wait3A_724 : memref<1x128x64xf32, #tpu.memory_space<vmem>> -> memref<128x64xf32, #tpu.memory_space<vmem>>
      %dma_wait3A_726 = arith.constant 0 : i32
      %dma_wait3A_727 = tpu.memref_slice %arg6[%dma_wait3A_720, %dma_wait3A_726] : memref<3x256xi32, #tpu.memory_space<vmem>> -> memref<1x128xi32, #tpu.memory_space<vmem>>
      %dma_wait3A_728 = tpu.memref_squeeze %dma_wait3A_727 : memref<1x128xi32, #tpu.memory_space<vmem>> -> memref<128xi32, #tpu.memory_space<vmem>>
      %dma_wait3A_729 = arith.constant 0 : i32
      %dma_wait3A_730 = arith.constant 0 : i32
      %dma_wait3A_731 = tpu.memref_slice %arg9[%dma_wait3A_729, %dma_wait3A_730] : memref<10000x64xf32, #tpu.memory_space<vmem_shared>> -> memref<10000x64xf32, #tpu.memory_space<vmem_shared>>
      tpu.wait_indirect_dma semaphore(%arg12 : memref<!tpu.dma_semaphore, #tpu.memory_space<semaphore_mem>>) src(%dma_wait3A_731 : memref<10000x64xf32, #tpu.memory_space<vmem_shared>>) dst(%dma_wait3A_725 : memref<128x64xf32, #tpu.memory_space<vmem>>)
      %add3A_732 = arith.constant 0 : i32
      %add3A_733 = arith.addi %mul3A_719, %add3A_732 : i32
      %dma_start3A_734 = arith.constant 0 : i32
      %dma_start3A_735 = arith.constant 0 : i32
      %dma_start3A_736 = arith.constant 0 : i32
      %dma_start3A_737 = tpu.memref_slice %arg8[%add3A_733, %dma_start3A_735, %dma_start3A_736] : memref<4x128x64xf32, #tpu.memory_space<vmem>> -> memref<1x128x64xf32, #tpu.memory_space<vmem>>
      %dma_start3A_738 = tpu.memref_squeeze %dma_start3A_737 : memref<1x128x64xf32, #tpu.memory_space<vmem>> -> memref<128x64xf32, #tpu.memory_space<vmem>>
      %dma_start3A_739 = arith.constant 0 : i32
      %dma_start3A_740 = tpu.memref_slice %arg7[%select_n3A_701, %dma_start3A_734, %dma_start3A_739] : memref<3x2x128xi32, #tpu.memory_space<vmem>> -> memref<1x1x128xi32, #tpu.memory_space<vmem>>
      %dma_start3A_741 = tpu.memref_squeeze %dma_start3A_740 : memref<1x1x128xi32, #tpu.memory_space<vmem>> -> memref<128xi32, #tpu.memory_space<vmem>>
      %dma_start3A_742 = arith.constant 0 : i32
      %dma_start3A_743 = arith.constant 0 : i32
      %dma_start3A_744 = tpu.memref_slice %arg10[%dma_start3A_742, %dma_start3A_743] : memref<10240x64xf32, #tpu.memory_space<vmem_shared>> -> memref<10240x64xf32, #tpu.memory_space<vmem_shared>>
      tpu.enqueue_indirect_dma source(%dma_start3A_738 : memref<128x64xf32, #tpu.memory_space<vmem>>) target(%dma_start3A_744 : memref<10240x64xf32, #tpu.memory_space<vmem_shared>>) offsets(%dma_start3A_741 : memref<128xi32, #tpu.memory_space<vmem>>) semaphore(%arg13 : memref<!tpu.dma_semaphore, #tpu.memory_space<semaphore_mem>>) {add = true}
      %dma_wait3A_745 = arith.constant 0 : i32
      %dma_wait3A_746 = arith.constant 0 : i32
      %dma_wait3A_747 = arith.constant 0 : i32
      %dma_wait3A_748 = arith.constant 0 : i32
      %dma_wait3A_749 = tpu.memref_slice %arg8[%dma_wait3A_746, %dma_wait3A_747, %dma_wait3A_748] : memref<4x128x64xf32, #tpu.memory_space<vmem>> -> memref<1x128x64xf32, #tpu.memory_space<vmem>>
      %dma_wait3A_750 = tpu.memref_squeeze %dma_wait3A_749 : memref<1x128x64xf32, #tpu.memory_space<vmem>> -> memref<128x64xf32, #tpu.memory_space<vmem>>
      %dma_wait3A_751 = arith.constant 0 : i32
      %dma_wait3A_752 = tpu.memref_slice %arg6[%dma_wait3A_745, %dma_wait3A_751] : memref<3x256xi32, #tpu.memory_space<vmem>> -> memref<1x128xi32, #tpu.memory_space<vmem>>
      %dma_wait3A_753 = tpu.memref_squeeze %dma_wait3A_752 : memref<1x128xi32, #tpu.memory_space<vmem>> -> memref<128xi32, #tpu.memory_space<vmem>>
      %dma_wait3A_754 = arith.constant 0 : i32
      %dma_wait3A_755 = arith.constant 0 : i32
      %dma_wait3A_756 = tpu.memref_slice %arg9[%dma_wait3A_754, %dma_wait3A_755] : memref<10000x64xf32, #tpu.memory_space<vmem_shared>> -> memref<10000x64xf32, #tpu.memory_space<vmem_shared>>
      tpu.wait_indirect_dma semaphore(%arg12 : memref<!tpu.dma_semaphore, #tpu.memory_space<semaphore_mem>>) src(%dma_wait3A_756 : memref<10000x64xf32, #tpu.memory_space<vmem_shared>>) dst(%dma_wait3A_750 : memref<128x64xf32, #tpu.memory_space<vmem>>)
      %add3A_757 = arith.constant 1 : i32
      %add3A_758 = arith.addi %mul3A_719, %add3A_757 : i32
      %dma_start3A_759 = arith.constant 1 : i32
      %dma_start3A_760 = arith.constant 0 : i32
      %dma_start3A_761 = arith.constant 0 : i32
      %dma_start3A_762 = tpu.memref_slice %arg8[%add3A_758, %dma_start3A_760, %dma_start3A_761] : memref<4x128x64xf32, #tpu.memory_space<vmem>> -> memref<1x128x64xf32, #tpu.memory_space<vmem>>
      %dma_start3A_763 = tpu.memref_squeeze %dma_start3A_762 : memref<1x128x64xf32, #tpu.memory_space<vmem>> -> memref<128x64xf32, #tpu.memory_space<vmem>>
      %dma_start3A_764 = arith.constant 0 : i32
      %dma_start3A_765 = tpu.memref_slice %arg7[%select_n3A_701, %dma_start3A_759, %dma_start3A_764] : memref<3x2x128xi32, #tpu.memory_space<vmem>> -> memref<1x1x128xi32, #tpu.memory_space<vmem>>
      %dma_start3A_766 = tpu.memref_squeeze %dma_start3A_765 : memref<1x1x128xi32, #tpu.memory_space<vmem>> -> memref<128xi32, #tpu.memory_space<vmem>>
      %dma_start3A_767 = arith.constant 0 : i32
      %dma_start3A_768 = arith.constant 0 : i32
      %dma_start3A_769 = tpu.memref_slice %arg10[%dma_start3A_767, %dma_start3A_768] : memref<10240x64xf32, #tpu.memory_space<vmem_shared>> -> memref<10240x64xf32, #tpu.memory_space<vmem_shared>>
      tpu.enqueue_indirect_dma source(%dma_start3A_763 : memref<128x64xf32, #tpu.memory_space<vmem>>) target(%dma_start3A_769 : memref<10240x64xf32, #tpu.memory_space<vmem_shared>>) offsets(%dma_start3A_766 : memref<128xi32, #tpu.memory_space<vmem>>) semaphore(%arg13 : memref<!tpu.dma_semaphore, #tpu.memory_space<semaphore_mem>>) {add = true}
    }
    %scan3A_288 = arith.constant 77 : i32
    %dma_wait3A_289 = arith.constant 0 : i32
    %dma_wait3A_290 = arith.constant 0 : i32
    %dma_wait3A_291 = arith.constant 0 : i32
    %dma_wait3A_292 = arith.constant 0 : i32
    %dma_wait3A_293 = arith.constant 0 : i32
    %dma_wait3A_294 = tpu.memref_slice %arg8[%dma_wait3A_289, %dma_wait3A_292, %dma_wait3A_293] : memref<4x128x64xf32, #tpu.memory_space<vmem>> -> memref<1x128x64xf32, #tpu.memory_space<vmem>>
    %dma_wait3A_295 = tpu.memref_squeeze %dma_wait3A_294 : memref<1x128x64xf32, #tpu.memory_space<vmem>> -> memref<128x64xf32, #tpu.memory_space<vmem>>
    %dma_wait3A_296 = arith.constant 0 : i32
    %dma_wait3A_297 = tpu.memref_slice %arg7[%dma_wait3A_290, %dma_wait3A_291, %dma_wait3A_296] : memref<3x2x128xi32, #tpu.memory_space<vmem>> -> memref<1x1x128xi32, #tpu.memory_space<vmem>>
    %dma_wait3A_298 = tpu.memref_squeeze %dma_wait3A_297 : memref<1x1x128xi32, #tpu.memory_space<vmem>> -> memref<128xi32, #tpu.memory_space<vmem>>
    %dma_wait3A_299 = arith.constant 0 : i32
    %dma_wait3A_300 = arith.constant 0 : i32
    %dma_wait3A_301 = tpu.memref_slice %arg10[%dma_wait3A_299, %dma_wait3A_300] : memref<10240x64xf32, #tpu.memory_space<vmem_shared>> -> memref<10240x64xf32, #tpu.memory_space<vmem_shared>>
    tpu.wait_indirect_dma semaphore(%arg13 : memref<!tpu.dma_semaphore, #tpu.memory_space<semaphore_mem>>) src(%dma_wait3A_295 : memref<128x64xf32, #tpu.memory_space<vmem>>) dst(%dma_wait3A_301 : memref<10240x64xf32, #tpu.memory_space<vmem_shared>>)
    %dma_wait3A_302 = arith.constant 0 : i32
    %dma_wait3A_303 = arith.constant 0 : i32
    %dma_wait3A_304 = arith.constant 0 : i32
    %dma_wait3A_305 = arith.constant 0 : i32
    %dma_wait3A_306 = arith.constant 0 : i32
    %dma_wait3A_307 = tpu.memref_slice %arg8[%dma_wait3A_302, %dma_wait3A_305, %dma_wait3A_306] : memref<4x128x64xf32, #tpu.memory_space<vmem>> -> memref<1x128x64xf32, #tpu.memory_space<vmem>>
    %dma_wait3A_308 = tpu.memref_squeeze %dma_wait3A_307 : memref<1x128x64xf32, #tpu.memory_space<vmem>> -> memref<128x64xf32, #tpu.memory_space<vmem>>
    %dma_wait3A_309 = arith.constant 0 : i32
    %dma_wait3A_310 = tpu.memref_slice %arg7[%dma_wait3A_303, %dma_wait3A_304, %dma_wait3A_309] : memref<3x2x128xi32, #tpu.memory_space<vmem>> -> memref<1x1x128xi32, #tpu.memory_space<vmem>>
    %dma_wait3A_311 = tpu.memref_squeeze %dma_wait3A_310 : memref<1x1x128xi32, #tpu.memory_space<vmem>> -> memref<128xi32, #tpu.memory_space<vmem>>
    %dma_wait3A_312 = arith.constant 0 : i32
    %dma_wait3A_313 = arith.constant 0 : i32
    %dma_wait3A_314 = tpu.memref_slice %arg10[%dma_wait3A_312, %dma_wait3A_313] : memref<10240x64xf32, #tpu.memory_space<vmem_shared>> -> memref<10240x64xf32, #tpu.memory_space<vmem_shared>>
    tpu.wait_indirect_dma semaphore(%arg13 : memref<!tpu.dma_semaphore, #tpu.memory_space<semaphore_mem>>) src(%dma_wait3A_308 : memref<128x64xf32, #tpu.memory_space<vmem>>) dst(%dma_wait3A_314 : memref<10240x64xf32, #tpu.memory_space<vmem_shared>>)
    %dma_wait3A_315 = arith.constant 0 : i32
    %dma_wait3A_316 = arith.constant 0 : i32
    %dma_wait3A_317 = arith.constant 0 : i32
    %dma_wait3A_318 = arith.constant 0 : i32
    %dma_wait3A_319 = tpu.memref_slice %arg6[%dma_wait3A_317, %dma_wait3A_318] : memref<3x256xi32, #tpu.memory_space<vmem>> -> memref<1x256xi32, #tpu.memory_space<vmem>>
    %dma_wait3A_320 = tpu.memref_squeeze %dma_wait3A_319 : memref<1x256xi32, #tpu.memory_space<vmem>> -> memref<256xi32, #tpu.memory_space<vmem>>
    %dma_wait3A_321 = arith.constant 0 : i32
    %dma_wait3A_322 = tpu.memref_slice %arg3[%dma_wait3A_315, %dma_wait3A_316, %dma_wait3A_321] : memref<16x80x256xi32, #tpu.memory_space<hbm>> -> memref<1x1x256xi32, #tpu.memory_space<hbm>>
    %dma_wait3A_323 = tpu.memref_squeeze %dma_wait3A_322 : memref<1x1x256xi32, #tpu.memory_space<hbm>> -> memref<256xi32, #tpu.memory_space<hbm>>
    %dma_wait3A_324 = arith.constant 0 : i32
    %dma_wait3A_325 = tpu.memref_slice %arg6[%dma_wait3A_317, %dma_wait3A_324] : memref<3x256xi32, #tpu.memory_space<vmem>> -> memref<1x256xi32, #tpu.memory_space<vmem>>
    %dma_wait3A_326 = tpu.memref_squeeze %dma_wait3A_325 : memref<1x256xi32, #tpu.memory_space<vmem>> -> memref<256xi32, #tpu.memory_space<vmem>>
    %dma_wait3A_327 = arith.constant 0 : i32
    %dma_wait3A_328 = tpu.memref_slice %arg3[%dma_wait3A_315, %dma_wait3A_316, %dma_wait3A_327] : memref<16x80x256xi32, #tpu.memory_space<hbm>> -> memref<1x1x256xi32, #tpu.memory_space<hbm>>
    %dma_wait3A_329 = tpu.memref_squeeze %dma_wait3A_328 : memref<1x1x256xi32, #tpu.memory_space<hbm>> -> memref<256xi32, #tpu.memory_space<hbm>>
    tpu.wait_dma2 semaphore(%arg11 : memref<!tpu.dma_semaphore, #tpu.memory_space<semaphore_mem>>) src(%dma_wait3A_329 : memref<256xi32, #tpu.memory_space<hbm>>) dst(%dma_wait3A_326 : memref<256xi32, #tpu.memory_space<vmem>>)
    %dma_wait3A_330 = arith.constant 0 : i32
    %dma_wait3A_331 = arith.constant 0 : i32
    %dma_wait3A_332 = arith.constant 0 : i32
    %dma_wait3A_333 = arith.constant 0 : i32
    %dma_wait3A_334 = arith.constant 0 : i32
    %dma_wait3A_335 = tpu.memref_slice %arg7[%dma_wait3A_332, %dma_wait3A_333, %dma_wait3A_334] : memref<3x2x128xi32, #tpu.memory_space<vmem>> -> memref<1x2x128xi32, #tpu.memory_space<vmem>>
    %dma_wait3A_336 = tpu.memref_squeeze %dma_wait3A_335 : memref<1x2x128xi32, #tpu.memory_space<vmem>> -> memref<2x128xi32, #tpu.memory_space<vmem>>
    %dma_wait3A_337 = arith.constant 0 : i32
    %dma_wait3A_338 = arith.constant 0 : i32
    %dma_wait3A_339 = tpu.memref_slice %arg4[%dma_wait3A_330, %dma_wait3A_331, %dma_wait3A_337, %dma_wait3A_338] : memref<16x80x2x128xi32, #tpu.memory_space<hbm>> -> memref<1x1x2x128xi32, #tpu.memory_space<hbm>>
    %dma_wait3A_340 = tpu.memref_squeeze %dma_wait3A_339 : memref<1x1x2x128xi32, #tpu.memory_space<hbm>> -> memref<2x128xi32, #tpu.memory_space<hbm>>
    %dma_wait3A_341 = arith.constant 0 : i32
    %dma_wait3A_342 = arith.constant 0 : i32
    %dma_wait3A_343 = tpu.memref_slice %arg7[%dma_wait3A_332, %dma_wait3A_341, %dma_wait3A_342] : memref<3x2x128xi32, #tpu.memory_space<vmem>> -> memref<1x2x128xi32, #tpu.memory_space<vmem>>
    %dma_wait3A_344 = tpu.memref_squeeze %dma_wait3A_343 : memref<1x2x128xi32, #tpu.memory_space<vmem>> -> memref<2x128xi32, #tpu.memory_space<vmem>>
    %dma_wait3A_345 = arith.constant 0 : i32
    %dma_wait3A_346 = arith.constant 0 : i32
    %dma_wait3A_347 = tpu.memref_slice %arg4[%dma_wait3A_330, %dma_wait3A_331, %dma_wait3A_345, %dma_wait3A_346] : memref<16x80x2x128xi32, #tpu.memory_space<hbm>> -> memref<1x1x2x128xi32, #tpu.memory_space<hbm>>
    %dma_wait3A_348 = tpu.memref_squeeze %dma_wait3A_347 : memref<1x1x2x128xi32, #tpu.memory_space<hbm>> -> memref<2x128xi32, #tpu.memory_space<hbm>>
    tpu.wait_dma2 semaphore(%arg11 : memref<!tpu.dma_semaphore, #tpu.memory_space<semaphore_mem>>) src(%dma_wait3A_348 : memref<2x128xi32, #tpu.memory_space<hbm>>) dst(%dma_wait3A_344 : memref<2x128xi32, #tpu.memory_space<vmem>>)
    %dma_start3A_349 = arith.constant 1 : i32
    %dma_start3A_350 = arith.constant 2 : i32
    %dma_start3A_351 = arith.constant 0 : i32
    %dma_start3A_352 = arith.constant 0 : i32
    %dma_start3A_353 = tpu.memref_slice %arg8[%dma_start3A_350, %dma_start3A_351, %dma_start3A_352] : memref<4x128x64xf32, #tpu.memory_space<vmem>> -> memref<1x128x64xf32, #tpu.memory_space<vmem>>
    %dma_start3A_354 = tpu.memref_squeeze %dma_start3A_353 : memref<1x128x64xf32, #tpu.memory_space<vmem>> -> memref<128x64xf32, #tpu.memory_space<vmem>>
    %dma_start3A_355 = arith.constant 0 : i32
    %dma_start3A_356 = tpu.memref_slice %arg6[%dma_start3A_349, %dma_start3A_355] : memref<3x256xi32, #tpu.memory_space<vmem>> -> memref<1x128xi32, #tpu.memory_space<vmem>>
    %dma_start3A_357 = tpu.memref_squeeze %dma_start3A_356 : memref<1x128xi32, #tpu.memory_space<vmem>> -> memref<128xi32, #tpu.memory_space<vmem>>
    %dma_start3A_358 = arith.constant 0 : i32
    %dma_start3A_359 = arith.constant 0 : i32
    %dma_start3A_360 = tpu.memref_slice %arg9[%dma_start3A_358, %dma_start3A_359] : memref<10000x64xf32, #tpu.memory_space<vmem_shared>> -> memref<10000x64xf32, #tpu.memory_space<vmem_shared>>
    tpu.enqueue_indirect_dma source(%dma_start3A_360 : memref<10000x64xf32, #tpu.memory_space<vmem_shared>>) target(%dma_start3A_354 : memref<128x64xf32, #tpu.memory_space<vmem>>) offsets(%dma_start3A_357 : memref<128xi32, #tpu.memory_space<vmem>>) semaphore(%arg12 : memref<!tpu.dma_semaphore, #tpu.memory_space<semaphore_mem>>)
    %dma_start3A_361 = arith.constant 1 : i32
    %dma_start3A_362 = arith.constant 3 : i32
    %dma_start3A_363 = arith.constant 0 : i32
    %dma_start3A_364 = arith.constant 0 : i32
    %dma_start3A_365 = tpu.memref_slice %arg8[%dma_start3A_362, %dma_start3A_363, %dma_start3A_364] : memref<4x128x64xf32, #tpu.memory_space<vmem>> -> memref<1x128x64xf32, #tpu.memory_space<vmem>>
    %dma_start3A_366 = tpu.memref_squeeze %dma_start3A_365 : memref<1x128x64xf32, #tpu.memory_space<vmem>> -> memref<128x64xf32, #tpu.memory_space<vmem>>
    %dma_start3A_367 = arith.constant 128 : i32
    %dma_start3A_368 = tpu.memref_slice %arg6[%dma_start3A_361, %dma_start3A_367] : memref<3x256xi32, #tpu.memory_space<vmem>> -> memref<1x128xi32, #tpu.memory_space<vmem>>
    %dma_start3A_369 = tpu.memref_squeeze %dma_start3A_368 : memref<1x128xi32, #tpu.memory_space<vmem>> -> memref<128xi32, #tpu.memory_space<vmem>>
    %dma_start3A_370 = arith.constant 0 : i32
    %dma_start3A_371 = arith.constant 0 : i32
    %dma_start3A_372 = tpu.memref_slice %arg9[%dma_start3A_370, %dma_start3A_371] : memref<10000x64xf32, #tpu.memory_space<vmem_shared>> -> memref<10000x64xf32, #tpu.memory_space<vmem_shared>>
    tpu.enqueue_indirect_dma source(%dma_start3A_372 : memref<10000x64xf32, #tpu.memory_space<vmem_shared>>) target(%dma_start3A_366 : memref<128x64xf32, #tpu.memory_space<vmem>>) offsets(%dma_start3A_369 : memref<128xi32, #tpu.memory_space<vmem>>) semaphore(%arg12 : memref<!tpu.dma_semaphore, #tpu.memory_space<semaphore_mem>>)
    %dma_wait3A_373 = arith.constant 0 : i32
    %dma_wait3A_374 = arith.constant 0 : i32
    %dma_wait3A_375 = arith.constant 0 : i32
    %dma_wait3A_376 = arith.constant 0 : i32
    %dma_wait3A_377 = tpu.memref_slice %arg8[%dma_wait3A_374, %dma_wait3A_375, %dma_wait3A_376] : memref<4x128x64xf32, #tpu.memory_space<vmem>> -> memref<1x128x64xf32, #tpu.memory_space<vmem>>
    %dma_wait3A_378 = tpu.memref_squeeze %dma_wait3A_377 : memref<1x128x64xf32, #tpu.memory_space<vmem>> -> memref<128x64xf32, #tpu.memory_space<vmem>>
    %dma_wait3A_379 = arith.constant 0 : i32
    %dma_wait3A_380 = tpu.memref_slice %arg6[%dma_wait3A_373, %dma_wait3A_379] : memref<3x256xi32, #tpu.memory_space<vmem>> -> memref<1x128xi32, #tpu.memory_space<vmem>>
    %dma_wait3A_381 = tpu.memref_squeeze %dma_wait3A_380 : memref<1x128xi32, #tpu.memory_space<vmem>> -> memref<128xi32, #tpu.memory_space<vmem>>
    %dma_wait3A_382 = arith.constant 0 : i32
    %dma_wait3A_383 = arith.constant 0 : i32
    %dma_wait3A_384 = tpu.memref_slice %arg9[%dma_wait3A_382, %dma_wait3A_383] : memref<10000x64xf32, #tpu.memory_space<vmem_shared>> -> memref<10000x64xf32, #tpu.memory_space<vmem_shared>>
    tpu.wait_indirect_dma semaphore(%arg12 : memref<!tpu.dma_semaphore, #tpu.memory_space<semaphore_mem>>) src(%dma_wait3A_384 : memref<10000x64xf32, #tpu.memory_space<vmem_shared>>) dst(%dma_wait3A_378 : memref<128x64xf32, #tpu.memory_space<vmem>>)
    %dma_start3A_385 = arith.constant 0 : i32
    %dma_start3A_386 = arith.constant 0 : i32
    %dma_start3A_387 = arith.constant 0 : i32
    %dma_start3A_388 = arith.constant 0 : i32
    %dma_start3A_389 = arith.constant 0 : i32
    %dma_start3A_390 = tpu.memref_slice %arg8[%dma_start3A_385, %dma_start3A_388, %dma_start3A_389] : memref<4x128x64xf32, #tpu.memory_space<vmem>> -> memref<1x128x64xf32, #tpu.memory_space<vmem>>
    %dma_start3A_391 = tpu.memref_squeeze %dma_start3A_390 : memref<1x128x64xf32, #tpu.memory_space<vmem>> -> memref<128x64xf32, #tpu.memory_space<vmem>>
    %dma_start3A_392 = arith.constant 0 : i32
    %dma_start3A_393 = tpu.memref_slice %arg7[%dma_start3A_386, %dma_start3A_387, %dma_start3A_392] : memref<3x2x128xi32, #tpu.memory_space<vmem>> -> memref<1x1x128xi32, #tpu.memory_space<vmem>>
    %dma_start3A_394 = tpu.memref_squeeze %dma_start3A_393 : memref<1x1x128xi32, #tpu.memory_space<vmem>> -> memref<128xi32, #tpu.memory_space<vmem>>
    %dma_start3A_395 = arith.constant 0 : i32
    %dma_start3A_396 = arith.constant 0 : i32
    %dma_start3A_397 = tpu.memref_slice %arg10[%dma_start3A_395, %dma_start3A_396] : memref<10240x64xf32, #tpu.memory_space<vmem_shared>> -> memref<10240x64xf32, #tpu.memory_space<vmem_shared>>
    tpu.enqueue_indirect_dma source(%dma_start3A_391 : memref<128x64xf32, #tpu.memory_space<vmem>>) target(%dma_start3A_397 : memref<10240x64xf32, #tpu.memory_space<vmem_shared>>) offsets(%dma_start3A_394 : memref<128xi32, #tpu.memory_space<vmem>>) semaphore(%arg13 : memref<!tpu.dma_semaphore, #tpu.memory_space<semaphore_mem>>) {add = true}
    %dma_wait3A_398 = arith.constant 0 : i32
    %dma_wait3A_399 = arith.constant 0 : i32
    %dma_wait3A_400 = arith.constant 0 : i32
    %dma_wait3A_401 = arith.constant 0 : i32
    %dma_wait3A_402 = tpu.memref_slice %arg8[%dma_wait3A_399, %dma_wait3A_400, %dma_wait3A_401] : memref<4x128x64xf32, #tpu.memory_space<vmem>> -> memref<1x128x64xf32, #tpu.memory_space<vmem>>
    %dma_wait3A_403 = tpu.memref_squeeze %dma_wait3A_402 : memref<1x128x64xf32, #tpu.memory_space<vmem>> -> memref<128x64xf32, #tpu.memory_space<vmem>>
    %dma_wait3A_404 = arith.constant 0 : i32
    %dma_wait3A_405 = tpu.memref_slice %arg6[%dma_wait3A_398, %dma_wait3A_404] : memref<3x256xi32, #tpu.memory_space<vmem>> -> memref<1x128xi32, #tpu.memory_space<vmem>>
    %dma_wait3A_406 = tpu.memref_squeeze %dma_wait3A_405 : memref<1x128xi32, #tpu.memory_space<vmem>> -> memref<128xi32, #tpu.memory_space<vmem>>
    %dma_wait3A_407 = arith.constant 0 : i32
    %dma_wait3A_408 = arith.constant 0 : i32
    %dma_wait3A_409 = tpu.memref_slice %arg9[%dma_wait3A_407, %dma_wait3A_408] : memref<10000x64xf32, #tpu.memory_space<vmem_shared>> -> memref<10000x64xf32, #tpu.memory_space<vmem_shared>>
    tpu.wait_indirect_dma semaphore(%arg12 : memref<!tpu.dma_semaphore, #tpu.memory_space<semaphore_mem>>) src(%dma_wait3A_409 : memref<10000x64xf32, #tpu.memory_space<vmem_shared>>) dst(%dma_wait3A_403 : memref<128x64xf32, #tpu.memory_space<vmem>>)
    %dma_start3A_410 = arith.constant 1 : i32
    %dma_start3A_411 = arith.constant 0 : i32
    %dma_start3A_412 = arith.constant 1 : i32
    %dma_start3A_413 = arith.constant 0 : i32
    %dma_start3A_414 = arith.constant 0 : i32
    %dma_start3A_415 = tpu.memref_slice %arg8[%dma_start3A_410, %dma_start3A_413, %dma_start3A_414] : memref<4x128x64xf32, #tpu.memory_space<vmem>> -> memref<1x128x64xf32, #tpu.memory_space<vmem>>
    %dma_start3A_416 = tpu.memref_squeeze %dma_start3A_415 : memref<1x128x64xf32, #tpu.memory_space<vmem>> -> memref<128x64xf32, #tpu.memory_space<vmem>>
    %dma_start3A_417 = arith.constant 0 : i32
    %dma_start3A_418 = tpu.memref_slice %arg7[%dma_start3A_411, %dma_start3A_412, %dma_start3A_417] : memref<3x2x128xi32, #tpu.memory_space<vmem>> -> memref<1x1x128xi32, #tpu.memory_space<vmem>>
    %dma_start3A_419 = tpu.memref_squeeze %dma_start3A_418 : memref<1x1x128xi32, #tpu.memory_space<vmem>> -> memref<128xi32, #tpu.memory_space<vmem>>
    %dma_start3A_420 = arith.constant 0 : i32
    %dma_start3A_421 = arith.constant 0 : i32
    %dma_start3A_422 = tpu.memref_slice %arg10[%dma_start3A_420, %dma_start3A_421] : memref<10240x64xf32, #tpu.memory_space<vmem_shared>> -> memref<10240x64xf32, #tpu.memory_space<vmem_shared>>
    tpu.enqueue_indirect_dma source(%dma_start3A_416 : memref<128x64xf32, #tpu.memory_space<vmem>>) target(%dma_start3A_422 : memref<10240x64xf32, #tpu.memory_space<vmem_shared>>) offsets(%dma_start3A_419 : memref<128xi32, #tpu.memory_space<vmem>>) semaphore(%arg13 : memref<!tpu.dma_semaphore, #tpu.memory_space<semaphore_mem>>) {add = true}
    %dma_wait3A_423 = arith.constant 0 : i32
    %dma_wait3A_424 = arith.constant 0 : i32
    %dma_wait3A_425 = arith.constant 0 : i32
    %dma_wait3A_426 = arith.constant 0 : i32
    %dma_wait3A_427 = arith.constant 0 : i32
    %dma_wait3A_428 = tpu.memref_slice %arg8[%dma_wait3A_423, %dma_wait3A_426, %dma_wait3A_427] : memref<4x128x64xf32, #tpu.memory_space<vmem>> -> memref<1x128x64xf32, #tpu.memory_space<vmem>>
    %dma_wait3A_429 = tpu.memref_squeeze %dma_wait3A_428 : memref<1x128x64xf32, #tpu.memory_space<vmem>> -> memref<128x64xf32, #tpu.memory_space<vmem>>
    %dma_wait3A_430 = arith.constant 0 : i32
    %dma_wait3A_431 = tpu.memref_slice %arg7[%dma_wait3A_424, %dma_wait3A_425, %dma_wait3A_430] : memref<3x2x128xi32, #tpu.memory_space<vmem>> -> memref<1x1x128xi32, #tpu.memory_space<vmem>>
    %dma_wait3A_432 = tpu.memref_squeeze %dma_wait3A_431 : memref<1x1x128xi32, #tpu.memory_space<vmem>> -> memref<128xi32, #tpu.memory_space<vmem>>
    %dma_wait3A_433 = arith.constant 0 : i32
    %dma_wait3A_434 = arith.constant 0 : i32
    %dma_wait3A_435 = tpu.memref_slice %arg10[%dma_wait3A_433, %dma_wait3A_434] : memref<10240x64xf32, #tpu.memory_space<vmem_shared>> -> memref<10240x64xf32, #tpu.memory_space<vmem_shared>>
    tpu.wait_indirect_dma semaphore(%arg13 : memref<!tpu.dma_semaphore, #tpu.memory_space<semaphore_mem>>) src(%dma_wait3A_429 : memref<128x64xf32, #tpu.memory_space<vmem>>) dst(%dma_wait3A_435 : memref<10240x64xf32, #tpu.memory_space<vmem_shared>>)
    %dma_wait3A_436 = arith.constant 0 : i32
    %dma_wait3A_437 = arith.constant 0 : i32
    %dma_wait3A_438 = arith.constant 0 : i32
    %dma_wait3A_439 = arith.constant 0 : i32
    %dma_wait3A_440 = arith.constant 0 : i32
    %dma_wait3A_441 = tpu.memref_slice %arg8[%dma_wait3A_436, %dma_wait3A_439, %dma_wait3A_440] : memref<4x128x64xf32, #tpu.memory_space<vmem>> -> memref<1x128x64xf32, #tpu.memory_space<vmem>>
    %dma_wait3A_442 = tpu.memref_squeeze %dma_wait3A_441 : memref<1x128x64xf32, #tpu.memory_space<vmem>> -> memref<128x64xf32, #tpu.memory_space<vmem>>
    %dma_wait3A_443 = arith.constant 0 : i32
    %dma_wait3A_444 = tpu.memref_slice %arg7[%dma_wait3A_437, %dma_wait3A_438, %dma_wait3A_443] : memref<3x2x128xi32, #tpu.memory_space<vmem>> -> memref<1x1x128xi32, #tpu.memory_space<vmem>>
    %dma_wait3A_445 = tpu.memref_squeeze %dma_wait3A_444 : memref<1x1x128xi32, #tpu.memory_space<vmem>> -> memref<128xi32, #tpu.memory_space<vmem>>
    %dma_wait3A_446 = arith.constant 0 : i32
    %dma_wait3A_447 = arith.constant 0 : i32
    %dma_wait3A_448 = tpu.memref_slice %arg10[%dma_wait3A_446, %dma_wait3A_447] : memref<10240x64xf32, #tpu.memory_space<vmem_shared>> -> memref<10240x64xf32, #tpu.memory_space<vmem_shared>>
    tpu.wait_indirect_dma semaphore(%arg13 : memref<!tpu.dma_semaphore, #tpu.memory_space<semaphore_mem>>) src(%dma_wait3A_442 : memref<128x64xf32, #tpu.memory_space<vmem>>) dst(%dma_wait3A_448 : memref<10240x64xf32, #tpu.memory_space<vmem_shared>>)
    %dma_wait3A_449 = arith.constant 0 : i32
    %dma_wait3A_450 = arith.constant 0 : i32
    %dma_wait3A_451 = arith.constant 0 : i32
    %dma_wait3A_452 = arith.constant 0 : i32
    %dma_wait3A_453 = tpu.memref_slice %arg8[%dma_wait3A_450, %dma_wait3A_451, %dma_wait3A_452] : memref<4x128x64xf32, #tpu.memory_space<vmem>> -> memref<1x128x64xf32, #tpu.memory_space<vmem>>
    %dma_wait3A_454 = tpu.memref_squeeze %dma_wait3A_453 : memref<1x128x64xf32, #tpu.memory_space<vmem>> -> memref<128x64xf32, #tpu.memory_space<vmem>>
    %dma_wait3A_455 = arith.constant 0 : i32
    %dma_wait3A_456 = tpu.memref_slice %arg6[%dma_wait3A_449, %dma_wait3A_455] : memref<3x256xi32, #tpu.memory_space<vmem>> -> memref<1x128xi32, #tpu.memory_space<vmem>>
    %dma_wait3A_457 = tpu.memref_squeeze %dma_wait3A_456 : memref<1x128xi32, #tpu.memory_space<vmem>> -> memref<128xi32, #tpu.memory_space<vmem>>
    %dma_wait3A_458 = arith.constant 0 : i32
    %dma_wait3A_459 = arith.constant 0 : i32
    %dma_wait3A_460 = tpu.memref_slice %arg9[%dma_wait3A_458, %dma_wait3A_459] : memref<10000x64xf32, #tpu.memory_space<vmem_shared>> -> memref<10000x64xf32, #tpu.memory_space<vmem_shared>>
    tpu.wait_indirect_dma semaphore(%arg12 : memref<!tpu.dma_semaphore, #tpu.memory_space<semaphore_mem>>) src(%dma_wait3A_460 : memref<10000x64xf32, #tpu.memory_space<vmem_shared>>) dst(%dma_wait3A_454 : memref<128x64xf32, #tpu.memory_space<vmem>>)
    %dma_start3A_461 = arith.constant 2 : i32
    %dma_start3A_462 = arith.constant 1 : i32
    %dma_start3A_463 = arith.constant 0 : i32
    %dma_start3A_464 = arith.constant 0 : i32
    %dma_start3A_465 = arith.constant 0 : i32
    %dma_start3A_466 = tpu.memref_slice %arg8[%dma_start3A_461, %dma_start3A_464, %dma_start3A_465] : memref<4x128x64xf32, #tpu.memory_space<vmem>> -> memref<1x128x64xf32, #tpu.memory_space<vmem>>
    %dma_start3A_467 = tpu.memref_squeeze %dma_start3A_466 : memref<1x128x64xf32, #tpu.memory_space<vmem>> -> memref<128x64xf32, #tpu.memory_space<vmem>>
    %dma_start3A_468 = arith.constant 0 : i32
    %dma_start3A_469 = tpu.memref_slice %arg7[%dma_start3A_462, %dma_start3A_463, %dma_start3A_468] : memref<3x2x128xi32, #tpu.memory_space<vmem>> -> memref<1x1x128xi32, #tpu.memory_space<vmem>>
    %dma_start3A_470 = tpu.memref_squeeze %dma_start3A_469 : memref<1x1x128xi32, #tpu.memory_space<vmem>> -> memref<128xi32, #tpu.memory_space<vmem>>
    %dma_start3A_471 = arith.constant 0 : i32
    %dma_start3A_472 = arith.constant 0 : i32
    %dma_start3A_473 = tpu.memref_slice %arg10[%dma_start3A_471, %dma_start3A_472] : memref<10240x64xf32, #tpu.memory_space<vmem_shared>> -> memref<10240x64xf32, #tpu.memory_space<vmem_shared>>
    tpu.enqueue_indirect_dma source(%dma_start3A_467 : memref<128x64xf32, #tpu.memory_space<vmem>>) target(%dma_start3A_473 : memref<10240x64xf32, #tpu.memory_space<vmem_shared>>) offsets(%dma_start3A_470 : memref<128xi32, #tpu.memory_space<vmem>>) semaphore(%arg13 : memref<!tpu.dma_semaphore, #tpu.memory_space<semaphore_mem>>) {add = true}
    %dma_wait3A_474 = arith.constant 0 : i32
    %dma_wait3A_475 = arith.constant 0 : i32
    %dma_wait3A_476 = arith.constant 0 : i32
    %dma_wait3A_477 = arith.constant 0 : i32
    %dma_wait3A_478 = tpu.memref_slice %arg8[%dma_wait3A_475, %dma_wait3A_476, %dma_wait3A_477] : memref<4x128x64xf32, #tpu.memory_space<vmem>> -> memref<1x128x64xf32, #tpu.memory_space<vmem>>
    %dma_wait3A_479 = tpu.memref_squeeze %dma_wait3A_478 : memref<1x128x64xf32, #tpu.memory_space<vmem>> -> memref<128x64xf32, #tpu.memory_space<vmem>>
    %dma_wait3A_480 = arith.constant 0 : i32
    %dma_wait3A_481 = tpu.memref_slice %arg6[%dma_wait3A_474, %dma_wait3A_480] : memref<3x256xi32, #tpu.memory_space<vmem>> -> memref<1x128xi32, #tpu.memory_space<vmem>>
    %dma_wait3A_482 = tpu.memref_squeeze %dma_wait3A_481 : memref<1x128xi32, #tpu.memory_space<vmem>> -> memref<128xi32, #tpu.memory_space<vmem>>
    %dma_wait3A_483 = arith.constant 0 : i32
    %dma_wait3A_484 = arith.constant 0 : i32
    %dma_wait3A_485 = tpu.memref_slice %arg9[%dma_wait3A_483, %dma_wait3A_484] : memref<10000x64xf32, #tpu.memory_space<vmem_shared>> -> memref<10000x64xf32, #tpu.memory_space<vmem_shared>>
    tpu.wait_indirect_dma semaphore(%arg12 : memref<!tpu.dma_semaphore, #tpu.memory_space<semaphore_mem>>) src(%dma_wait3A_485 : memref<10000x64xf32, #tpu.memory_space<vmem_shared>>) dst(%dma_wait3A_479 : memref<128x64xf32, #tpu.memory_space<vmem>>)
    %dma_start3A_486 = arith.constant 3 : i32
    %dma_start3A_487 = arith.constant 1 : i32
    %dma_start3A_488 = arith.constant 1 : i32
    %dma_start3A_489 = arith.constant 0 : i32
    %dma_start3A_490 = arith.constant 0 : i32
    %dma_start3A_491 = tpu.memref_slice %arg8[%dma_start3A_486, %dma_start3A_489, %dma_start3A_490] : memref<4x128x64xf32, #tpu.memory_space<vmem>> -> memref<1x128x64xf32, #tpu.memory_space<vmem>>
    %dma_start3A_492 = tpu.memref_squeeze %dma_start3A_491 : memref<1x128x64xf32, #tpu.memory_space<vmem>> -> memref<128x64xf32, #tpu.memory_space<vmem>>
    %dma_start3A_493 = arith.constant 0 : i32
    %dma_start3A_494 = tpu.memref_slice %arg7[%dma_start3A_487, %dma_start3A_488, %dma_start3A_493] : memref<3x2x128xi32, #tpu.memory_space<vmem>> -> memref<1x1x128xi32, #tpu.memory_space<vmem>>
    %dma_start3A_495 = tpu.memref_squeeze %dma_start3A_494 : memref<1x1x128xi32, #tpu.memory_space<vmem>> -> memref<128xi32, #tpu.memory_space<vmem>>
    %dma_start3A_496 = arith.constant 0 : i32
    %dma_start3A_497 = arith.constant 0 : i32
    %dma_start3A_498 = tpu.memref_slice %arg10[%dma_start3A_496, %dma_start3A_497] : memref<10240x64xf32, #tpu.memory_space<vmem_shared>> -> memref<10240x64xf32, #tpu.memory_space<vmem_shared>>
    tpu.enqueue_indirect_dma source(%dma_start3A_492 : memref<128x64xf32, #tpu.memory_space<vmem>>) target(%dma_start3A_498 : memref<10240x64xf32, #tpu.memory_space<vmem_shared>>) offsets(%dma_start3A_495 : memref<128xi32, #tpu.memory_space<vmem>>) semaphore(%arg13 : memref<!tpu.dma_semaphore, #tpu.memory_space<semaphore_mem>>) {add = true}
    %dma_wait3A_499 = arith.constant 0 : i32
    %dma_wait3A_500 = arith.constant 0 : i32
    %dma_wait3A_501 = arith.constant 0 : i32
    %dma_wait3A_502 = arith.constant 0 : i32
    %dma_wait3A_503 = arith.constant 0 : i32
    %dma_wait3A_504 = tpu.memref_slice %arg8[%dma_wait3A_499, %dma_wait3A_502, %dma_wait3A_503] : memref<4x128x64xf32, #tpu.memory_space<vmem>> -> memref<1x128x64xf32, #tpu.memory_space<vmem>>
    %dma_wait3A_505 = tpu.memref_squeeze %dma_wait3A_504 : memref<1x128x64xf32, #tpu.memory_space<vmem>> -> memref<128x64xf32, #tpu.memory_space<vmem>>
    %dma_wait3A_506 = arith.constant 0 : i32
    %dma_wait3A_507 = tpu.memref_slice %arg7[%dma_wait3A_500, %dma_wait3A_501, %dma_wait3A_506] : memref<3x2x128xi32, #tpu.memory_space<vmem>> -> memref<1x1x128xi32, #tpu.memory_space<vmem>>
    %dma_wait3A_508 = tpu.memref_squeeze %dma_wait3A_507 : memref<1x1x128xi32, #tpu.memory_space<vmem>> -> memref<128xi32, #tpu.memory_space<vmem>>
    %dma_wait3A_509 = arith.constant 0 : i32
    %dma_wait3A_510 = arith.constant 0 : i32
    %dma_wait3A_511 = tpu.memref_slice %arg10[%dma_wait3A_509, %dma_wait3A_510] : memref<10240x64xf32, #tpu.memory_space<vmem_shared>> -> memref<10240x64xf32, #tpu.memory_space<vmem_shared>>
    tpu.wait_indirect_dma semaphore(%arg13 : memref<!tpu.dma_semaphore, #tpu.memory_space<semaphore_mem>>) src(%dma_wait3A_505 : memref<128x64xf32, #tpu.memory_space<vmem>>) dst(%dma_wait3A_511 : memref<10240x64xf32, #tpu.memory_space<vmem_shared>>)
    %dma_wait3A_512 = arith.constant 0 : i32
    %dma_wait3A_513 = arith.constant 0 : i32
    %dma_wait3A_514 = arith.constant 0 : i32
    %dma_wait3A_515 = arith.constant 0 : i32
    %dma_wait3A_516 = arith.constant 0 : i32
    %dma_wait3A_517 = tpu.memref_slice %arg8[%dma_wait3A_512, %dma_wait3A_515, %dma_wait3A_516] : memref<4x128x64xf32, #tpu.memory_space<vmem>> -> memref<1x128x64xf32, #tpu.memory_space<vmem>>
    %dma_wait3A_518 = tpu.memref_squeeze %dma_wait3A_517 : memref<1x128x64xf32, #tpu.memory_space<vmem>> -> memref<128x64xf32, #tpu.memory_space<vmem>>
    %dma_wait3A_519 = arith.constant 0 : i32
    %dma_wait3A_520 = tpu.memref_slice %arg7[%dma_wait3A_513, %dma_wait3A_514, %dma_wait3A_519] : memref<3x2x128xi32, #tpu.memory_space<vmem>> -> memref<1x1x128xi32, #tpu.memory_space<vmem>>
    %dma_wait3A_521 = tpu.memref_squeeze %dma_wait3A_520 : memref<1x1x128xi32, #tpu.memory_space<vmem>> -> memref<128xi32, #tpu.memory_space<vmem>>
    %dma_wait3A_522 = arith.constant 0 : i32
    %dma_wait3A_523 = arith.constant 0 : i32
    %dma_wait3A_524 = tpu.memref_slice %arg10[%dma_wait3A_522, %dma_wait3A_523] : memref<10240x64xf32, #tpu.memory_space<vmem_shared>> -> memref<10240x64xf32, #tpu.memory_space<vmem_shared>>
    tpu.wait_indirect_dma semaphore(%arg13 : memref<!tpu.dma_semaphore, #tpu.memory_space<semaphore_mem>>) src(%dma_wait3A_518 : memref<128x64xf32, #tpu.memory_space<vmem>>) dst(%dma_wait3A_524 : memref<10240x64xf32, #tpu.memory_space<vmem_shared>>)
    %barrier3A_525 = arith.constant 0 : index
    tpu.barrier barrier_id(%barrier3A_525)
    "tpu.region"() ({
      %run_scoped3A_526 = tpu.sem_alloc : memref<!tpu.dma_semaphore, #tpu.memory_space<semaphore_mem>>
      %dma_start3A_527 = arith.constant 0 : i32
      %dma_start3A_528 = tpu.memref_slice %arg5[%arg0, %mul3A_0, %dma_start3A_527] : memref<2x10240x64xf32, #tpu.memory_space<hbm>> -> memref<1x640x64xf32, #tpu.memory_space<hbm>>
      %dma_start3A_529 = tpu.memref_squeeze %dma_start3A_528 : memref<1x640x64xf32, #tpu.memory_space<hbm>> -> memref<640x64xf32, #tpu.memory_space<hbm>>
      %dma_start3A_530 = arith.constant 0 : i32
      %dma_start3A_531 = tpu.memref_slice %arg10[%mul3A_0, %dma_start3A_530] : memref<10240x64xf32, #tpu.memory_space<vmem_shared>> -> memref<640x64xf32, #tpu.memory_space<vmem_shared>>
      tpu.enqueue_dma source(%dma_start3A_531 : memref<640x64xf32, #tpu.memory_space<vmem_shared>>) target(%dma_start3A_529 : memref<640x64xf32, #tpu.memory_space<hbm>>) target_semaphore(%run_scoped3A_526 : memref<!tpu.dma_semaphore, #tpu.memory_space<semaphore_mem>>)
      %dma_wait3A_532 = arith.constant 0 : i32
      %dma_wait3A_533 = tpu.memref_slice %arg5[%arg0, %mul3A_0, %dma_wait3A_532] : memref<2x10240x64xf32, #tpu.memory_space<hbm>> -> memref<1x640x64xf32, #tpu.memory_space<hbm>>
      %dma_wait3A_534 = tpu.memref_squeeze %dma_wait3A_533 : memref<1x640x64xf32, #tpu.memory_space<hbm>> -> memref<640x64xf32, #tpu.memory_space<hbm>>
      %dma_wait3A_535 = arith.constant 0 : i32
      %dma_wait3A_536 = tpu.memref_slice %arg10[%mul3A_0, %dma_wait3A_535] : memref<10240x64xf32, #tpu.memory_space<vmem_shared>> -> memref<640x64xf32, #tpu.memory_space<vmem_shared>>
      tpu.wait_dma2 semaphore(%run_scoped3A_526 : memref<!tpu.dma_semaphore, #tpu.memory_space<semaphore_mem>>) src(%dma_wait3A_536 : memref<640x64xf32, #tpu.memory_space<vmem_shared>>) dst(%dma_wait3A_534 : memref<640x64xf32, #tpu.memory_space<hbm>>)
      tpu.yield
    }) : () -> ()
    return
  }
}

module attributes {stable_mosaic.version = 14 : i64} {
  func.func @_tc_body(%arg0: i32, %arg1: memref<2048x128xf32, #tpu.memory_space<vmem>>, %arg2: memref<2x2048x64xf32, #tpu.memory_space<vmem>>, %arg3: memref<2x16x2048xf32, #tpu.memory_space<vmem>>, %arg4: memref<256x128xf32, #tpu.memory_space<vmem>>, %arg5: memref<2048x128xf32, #tpu.memory_space<vmem>>) attributes {dimension_semantics = [#tpu.dimension_semantics<arbitrary>], iteration_bounds = array<i64: 5>, scalar_prefetch = 0 : i64, scratch_operands = 0 : i64, tpu.core_type = #tpu.core_type<tc>, window_params = [{transform_indices = @transform_0, window_bounds = array<i64: 2048, 128>}, {transform_indices = @transform_1, window_bounds = array<i64: 2, 2048, 64>}, {transform_indices = @transform_2, window_bounds = array<i64: 2, 16, 2048>}, {pipeline_mode = #tpu.pipeline_mode<synchronous>, transform_indices = @transform_3, window_bounds = array<i64: 256, 128>}, {transform_indices = @transform_4, window_bounds = array<i64: 2048, 128>}]} {
    %get3A = arith.constant 0 : index
    %get3A_0 = arith.constant 0 : index
    %get3A_1 = arith.constant 0 : index
    %get3A_2 = vector.load %arg2[%get3A, %get3A_0, %get3A_1] : memref<2x2048x64xf32, #tpu.memory_space<vmem>>, vector<1x2048x64xf32>
    %get3A_3 = vector.shape_cast %get3A_2 : vector<1x2048x64xf32> to vector<2048x64xf32>
    %get3A_4 = arith.constant 1 : index
    %get3A_5 = arith.constant 0 : index
    %get3A_6 = arith.constant 0 : index
    %get3A_7 = vector.load %arg2[%get3A_4, %get3A_5, %get3A_6] : memref<2x2048x64xf32, #tpu.memory_space<vmem>>, vector<1x2048x64xf32>
    %get3A_8 = vector.shape_cast %get3A_7 : vector<1x2048x64xf32> to vector<2048x64xf32>
    %concatenate3A = tpu.concatenate %get3A_3, %get3A_8 in 1 : vector<2048x64xf32>, vector<2048x64xf32> -> vector<2048x128xf32>
    %get3A_9 = arith.constant 0 : index
    %get3A_10 = arith.constant 0 : index
    %get3A_11 = arith.constant 0 : index
    %get3A_12 = vector.load %arg3[%get3A_9, %get3A_10, %get3A_11] : memref<2x16x2048xf32, #tpu.memory_space<vmem>>, vector<2x16x2048xf32>
    %reduce_sum3A = arith.constant dense<0.000000e+00> : vector<2048xf32>
    %reduce_sum3A_13 = vector.multi_reduction <add>, %get3A_12, %reduce_sum3A [0, 1] : vector<2x16x2048xf32> to vector<2048xf32>
    %reshape3A = vector.shape_cast %reduce_sum3A_13 : vector<2048xf32> to vector<2048x1xf32>
    %max3A = arith.constant 1.000000e+00 : f32
    %max3A_14 = vector.broadcast %max3A : f32 to vector<2048x1xf32>
    %max3A_15 = arith.maximumf %reshape3A, %max3A_14 : vector<2048x1xf32>
    %div3A = vector.broadcast %max3A_15 : vector<2048x1xf32> to vector<2048x128xf32>
    %div3A_16 = arith.divf %concatenate3A, %div3A : vector<2048x128xf32>
    %get3A_17 = arith.constant 0 : index
    %get3A_18 = arith.constant 0 : index
    %get3A_19 = vector.load %arg1[%get3A_17, %get3A_18] : memref<2048x128xf32, #tpu.memory_space<vmem>>, vector<2048x128xf32>
    %get3A_20 = arith.constant 0 : index
    %get3A_21 = arith.constant 0 : index
    %get3A_22 = vector.load %arg4[%get3A_20, %get3A_21] : memref<256x128xf32, #tpu.memory_space<vmem>>, vector<128x128xf32>
    %dot_general3A = arith.constant dense<0.000000e+00> : vector<2048x128xf32>
    %dot_general3A_23 = tpu.matmul %get3A_19, %get3A_22, %dot_general3A {dimension_numbers = #tpu.dot_dimension_numbers<[1], [0], [0], [1], [0, 0, 1, 1], [], []>, transpose_lhs_hint = false} : vector<2048x128xf32>, vector<128x128xf32>, vector<2048x128xf32> -> vector<2048x128xf32>
    %get3A_24 = arith.constant 128 : index
    %get3A_25 = arith.constant 0 : index
    %get3A_26 = vector.load %arg4[%get3A_24, %get3A_25] : memref<256x128xf32, #tpu.memory_space<vmem>>, vector<128x128xf32>
    %dot_general3A_27 = arith.constant dense<0.000000e+00> : vector<2048x128xf32>
    %dot_general3A_28 = tpu.matmul %div3A_16, %get3A_26, %dot_general3A_27 {dimension_numbers = #tpu.dot_dimension_numbers<[1], [0], [0], [1], [0, 0, 1, 1], [], []>, transpose_lhs_hint = false} : vector<2048x128xf32>, vector<128x128xf32>, vector<2048x128xf32> -> vector<2048x128xf32>
    %add3A = arith.addf %dot_general3A_23, %dot_general3A_28 : vector<2048x128xf32>
    %max3A_29 = arith.constant 0.000000e+00 : f32
    %max3A_30 = vector.broadcast %max3A_29 : f32 to vector<2048x128xf32>
    %max3A_31 = arith.maximumf %add3A, %max3A_30 : vector<2048x128xf32>
    %mul3A = arith.mulf %max3A_31, %max3A_31 : vector<2048x128xf32>
    %reduce_sum3A_32 = arith.constant dense<0.000000e+00> : vector<2048xf32>
    %reduce_sum3A_33 = vector.multi_reduction <add>, %mul3A, %reduce_sum3A_32 [1] : vector<2048x128xf32> to vector<2048xf32>
    %broadcast_in_dim3A = vector.shape_cast %reduce_sum3A_33 : vector<2048xf32> to vector<2048x1xf32>
    %sqrt3A = math.sqrt %broadcast_in_dim3A : vector<2048x1xf32>
    %add3A_34 = arith.constant 9.99999996E-13 : f32
    %add3A_35 = vector.broadcast %add3A_34 : f32 to vector<2048x1xf32>
    %add3A_36 = arith.addf %sqrt3A, %add3A_35 : vector<2048x1xf32>
    %div3A_37 = vector.broadcast %add3A_36 : vector<2048x1xf32> to vector<2048x128xf32>
    %div3A_38 = arith.divf %max3A_31, %div3A_37 : vector<2048x128xf32>
    %swap3A = arith.constant 0 : index
    %swap3A_39 = arith.constant 0 : index
    %swap3A_40 = vector.load %arg5[%swap3A, %swap3A_39] : memref<2048x128xf32, #tpu.memory_space<vmem>>, vector<2048x128xf32>
    tpu.vector_store %arg5[%swap3A, %swap3A_39], %div3A_38 {strides = array<i32>} : memref<2048x128xf32, #tpu.memory_space<vmem>>, vector<2048x128xf32>,
    return
  }
  func.func @transform_0(%arg0: i32) -> (i32, i32) {
    %c0_i32 = arith.constant 0 : i32
    %c0_i32_0 = arith.constant 0 : i32
    return %arg0, %c0_i32 : i32, i32
  }
  func.func @transform_1(%arg0: i32) -> (i32, i32, i32) {
    %c0_i32 = arith.constant 0 : i32
    %c0_i32_0 = arith.constant 0 : i32
    %c0_i32_1 = arith.constant 0 : i32
    return %c0_i32, %arg0, %c0_i32_0 : i32, i32, i32
  }
  func.func @transform_2(%arg0: i32) -> (i32, i32, i32) {
    %c0_i32 = arith.constant 0 : i32
    %c0_i32_0 = arith.constant 0 : i32
    %c0_i32_1 = arith.constant 0 : i32
    return %c0_i32, %c0_i32_0, %arg0 : i32, i32, i32
  }
  func.func @transform_3(%arg0: i32) -> (i32, i32) {
    %c0_i32 = arith.constant 0 : i32
    %c0_i32_0 = arith.constant 0 : i32
    %c0_i32_1 = arith.constant 0 : i32
    return %c0_i32, %c0_i32_0 : i32, i32
  }
  func.func @transform_4(%arg0: i32) -> (i32, i32) {
    %c0_i32 = arith.constant 0 : i32
    %c0_i32_0 = arith.constant 0 : i32
    return %arg0, %c0_i32 : i32, i32
  }
}

module attributes {stable_mosaic.version = 14 : i64} {
  func.func @_tc_body(%arg0: i32, %arg1: memref<2048x128xf32, #tpu.memory_space<vmem>>, %arg2: memref<2x2048x64xf32, #tpu.memory_space<vmem>>, %arg3: memref<2x16x2048xf32, #tpu.memory_space<vmem>>, %arg4: memref<256x128xf32, #tpu.memory_space<vmem>>, %arg5: memref<2048x128xf32, #tpu.memory_space<vmem>>) attributes {dimension_semantics = [#tpu.dimension_semantics<arbitrary>], iteration_bounds = array<i64: 5>, scalar_prefetch = 0 : i64, scratch_operands = 0 : i64, tpu.core_type = #tpu.core_type<tc>, window_params = [{transform_indices = @transform_0, window_bounds = array<i64: 2048, 128>}, {transform_indices = @transform_1, window_bounds = array<i64: 2, 2048, 64>}, {transform_indices = @transform_2, window_bounds = array<i64: 2, 16, 2048>}, {pipeline_mode = #tpu.pipeline_mode<synchronous>, transform_indices = @transform_3, window_bounds = array<i64: 256, 128>}, {transform_indices = @transform_4, window_bounds = array<i64: 2048, 128>}]} {
    %get3A = arith.constant 0 : index
    %get3A_0 = arith.constant 0 : index
    %get3A_1 = arith.constant 0 : index
    %get3A_2 = vector.load %arg2[%get3A, %get3A_0, %get3A_1] : memref<2x2048x64xf32, #tpu.memory_space<vmem>>, vector<1x2048x64xf32>
    %get3A_3 = vector.shape_cast %get3A_2 : vector<1x2048x64xf32> to vector<2048x64xf32>
    %get3A_4 = arith.constant 1 : index
    %get3A_5 = arith.constant 0 : index
    %get3A_6 = arith.constant 0 : index
    %get3A_7 = vector.load %arg2[%get3A_4, %get3A_5, %get3A_6] : memref<2x2048x64xf32, #tpu.memory_space<vmem>>, vector<1x2048x64xf32>
    %get3A_8 = vector.shape_cast %get3A_7 : vector<1x2048x64xf32> to vector<2048x64xf32>
    %concatenate3A = tpu.concatenate %get3A_3, %get3A_8 in 1 : vector<2048x64xf32>, vector<2048x64xf32> -> vector<2048x128xf32>
    %get3A_9 = arith.constant 0 : index
    %get3A_10 = arith.constant 0 : index
    %get3A_11 = arith.constant 0 : index
    %get3A_12 = vector.load %arg3[%get3A_9, %get3A_10, %get3A_11] : memref<2x16x2048xf32, #tpu.memory_space<vmem>>, vector<2x16x2048xf32>
    %reduce_sum3A = arith.constant dense<0.000000e+00> : vector<2048xf32>
    %reduce_sum3A_13 = vector.multi_reduction <add>, %get3A_12, %reduce_sum3A [0, 1] : vector<2x16x2048xf32> to vector<2048xf32>
    %reshape3A = vector.shape_cast %reduce_sum3A_13 : vector<2048xf32> to vector<2048x1xf32>
    %max3A = arith.constant 1.000000e+00 : f32
    %max3A_14 = vector.broadcast %max3A : f32 to vector<2048x1xf32>
    %max3A_15 = arith.maximumf %reshape3A, %max3A_14 : vector<2048x1xf32>
    %div3A = vector.broadcast %max3A_15 : vector<2048x1xf32> to vector<2048x128xf32>
    %div3A_16 = arith.divf %concatenate3A, %div3A : vector<2048x128xf32>
    %get3A_17 = arith.constant 0 : index
    %get3A_18 = arith.constant 0 : index
    %get3A_19 = vector.load %arg1[%get3A_17, %get3A_18] : memref<2048x128xf32, #tpu.memory_space<vmem>>, vector<2048x128xf32>
    %get3A_20 = arith.constant 0 : index
    %get3A_21 = arith.constant 0 : index
    %get3A_22 = vector.load %arg4[%get3A_20, %get3A_21] : memref<256x128xf32, #tpu.memory_space<vmem>>, vector<128x128xf32>
    %dot_general3A = arith.constant dense<0.000000e+00> : vector<2048x128xf32>
    %dot_general3A_23 = tpu.matmul %get3A_19, %get3A_22, %dot_general3A {dimension_numbers = #tpu.dot_dimension_numbers<[1], [0], [0], [1], [0, 0, 1, 1], [], []>, transpose_lhs_hint = false} : vector<2048x128xf32>, vector<128x128xf32>, vector<2048x128xf32> -> vector<2048x128xf32>
    %get3A_24 = arith.constant 128 : index
    %get3A_25 = arith.constant 0 : index
    %get3A_26 = vector.load %arg4[%get3A_24, %get3A_25] : memref<256x128xf32, #tpu.memory_space<vmem>>, vector<128x128xf32>
    %dot_general3A_27 = arith.constant dense<0.000000e+00> : vector<2048x128xf32>
    %dot_general3A_28 = tpu.matmul %div3A_16, %get3A_26, %dot_general3A_27 {dimension_numbers = #tpu.dot_dimension_numbers<[1], [0], [0], [1], [0, 0, 1, 1], [], []>, transpose_lhs_hint = false} : vector<2048x128xf32>, vector<128x128xf32>, vector<2048x128xf32> -> vector<2048x128xf32>
    %add3A = arith.addf %dot_general3A_23, %dot_general3A_28 : vector<2048x128xf32>
    %max3A_29 = arith.constant 0.000000e+00 : f32
    %max3A_30 = vector.broadcast %max3A_29 : f32 to vector<2048x128xf32>
    %max3A_31 = arith.maximumf %add3A, %max3A_30 : vector<2048x128xf32>
    %mul3A = arith.mulf %max3A_31, %max3A_31 : vector<2048x128xf32>
    %reduce_sum3A_32 = arith.constant dense<0.000000e+00> : vector<2048xf32>
    %reduce_sum3A_33 = vector.multi_reduction <add>, %mul3A, %reduce_sum3A_32 [1] : vector<2048x128xf32> to vector<2048xf32>
    %broadcast_in_dim3A = vector.shape_cast %reduce_sum3A_33 : vector<2048xf32> to vector<2048x1xf32>
    %sqrt3A = math.sqrt %broadcast_in_dim3A : vector<2048x1xf32>
    %add3A_34 = arith.constant 9.99999996E-13 : f32
    %add3A_35 = vector.broadcast %add3A_34 : f32 to vector<2048x1xf32>
    %add3A_36 = arith.addf %sqrt3A, %add3A_35 : vector<2048x1xf32>
    %div3A_37 = vector.broadcast %add3A_36 : vector<2048x1xf32> to vector<2048x128xf32>
    %div3A_38 = arith.divf %max3A_31, %div3A_37 : vector<2048x128xf32>
    %swap3A = arith.constant 0 : index
    %swap3A_39 = arith.constant 0 : index
    %swap3A_40 = vector.load %arg5[%swap3A, %swap3A_39] : memref<2048x128xf32, #tpu.memory_space<vmem>>, vector<2048x128xf32>
    tpu.vector_store %arg5[%swap3A, %swap3A_39], %div3A_38 {strides = array<i32>} : memref<2048x128xf32, #tpu.memory_space<vmem>>, vector<2048x128xf32>,
    return
  }
  func.func @transform_0(%arg0: i32) -> (i32, i32) {
    %c0_i32 = arith.constant 0 : i32
    %c0_i32_0 = arith.constant 0 : i32
    return %arg0, %c0_i32 : i32, i32
  }
  func.func @transform_1(%arg0: i32) -> (i32, i32, i32) {
    %c0_i32 = arith.constant 0 : i32
    %c0_i32_0 = arith.constant 0 : i32
    %c0_i32_1 = arith.constant 0 : i32
    return %c0_i32, %arg0, %c0_i32_0 : i32, i32, i32
  }
  func.func @transform_2(%arg0: i32) -> (i32, i32, i32) {
    %c0_i32 = arith.constant 0 : i32
    %c0_i32_0 = arith.constant 0 : i32
    %c0_i32_1 = arith.constant 0 : i32
    return %c0_i32, %c0_i32_0, %arg0 : i32, i32, i32
  }
  func.func @transform_3(%arg0: i32) -> (i32, i32) {
    %c0_i32 = arith.constant 0 : i32
    %c0_i32_0 = arith.constant 0 : i32
    %c0_i32_1 = arith.constant 0 : i32
    return %c0_i32, %c0_i32_0 : i32, i32
  }
  func.func @transform_4(%arg0: i32) -> (i32, i32) {
    %c0_i32 = arith.constant 0 : i32
    %c0_i32_0 = arith.constant 0 : i32
    return %arg0, %c0_i32 : i32, i32
  }
}

</mosaic_0001>

<sc_bundles>
// kernel: kernel.10.cloned.1.call-start
scs
__scs_entry_jumppad:
0x0: {  	(pc) =	sbr.rel $0x88, $3  }
0x1: {  	(tag) =	ssettag $0x0;
	lr =	simm.s32 $0x1  }
0x2: {  	[smem:$0x3F9D] =	sst lr;
	_ =	strace $0xD0000000  }
0x3: {  	_ = 	snop  }
0x4: {  	_ = 	snop  }
0x5: {  	_ = 	snop  }
0x6: {  	_ = 	snop  }
0x7: {  	_ = 	snop  }
__scs_overlays_trampoline_lowered:
0x8: {  	[smem:$0x3FAC] =	sst s0  }
0x9: {  	[smem:$0x3FAD] =	sst s1  }
0xa: {  	[smem:$0x3FAE] =	sst s2  }
0xb: {  	[smem:$0x3FAF] =	sst s3  }
0xc: {  	[smem:$0x3FB0] =	sst s4  }
0xd: {  	[smem:$0x3FB1] =	sst s5  }
0xe: {  	[smem:$0x3FB2] =	sst s6  }
0xf: {  	[smem:$0x3FB3] =	sst s7  }
0x10: {  	[smem:$0x3FB4] =	sst s8  }
0x11: {  	[smem:$0x3FB5] =	sst s9;
	s0 =	simm.s32 @!p0 $0x0  }
0x12: {  	s1 =	sld [smem:$0x3F9B];
	s0 =	simm.s32 @p0 $0x1  }
0x13: {  	[smem:$0x3FB6] =	sst s0;
	s0 =	simm.s32 @!p1 $0x0  }
0x14: {  	s2 =	sld [smem:$0x3F9A];
	s0 =	simm.s32 @p1 $0x1  }
0x15: {  	[smem:$0x3FB7] =	sst s0;
	s0 =	simm.s32 @!p2 $0x0  }
0x16: {  	s3 =	sld [smem:$0x3FDB];
	s0 =	simm.s32 @p2 $0x1  }
0x17: {  	s4 =	simm.s32 $0x1BF5;
	[smem:$0x3FB9] =	sst s0  }
0x18: {  	s0 =	sld [smem:$0x3F9C];
	_ =	swait.ge [sflag:s4], $0x0  }
0x19: {  	s7 =	sld [smem:$0x3F9D]  }
0x1a: {  	s8 =	sadd.s32 $0xFFFFE003, lr  }
0x1b: {  	s9 =	sadd.s32 $0xFFFFFEF7, lr;
	s5 =	simm.s32 $0xFFFFFFFF;
	p2 =	slt.u32 s8, $0xFFFFF086  }
0x1c: {  	p1 =	slt.u32 s9, $0xF7A;
	s5 =	simm.s32 @!p2 $0x0  }
0x1d: {  	s5 =	simm.s32 @p1 $0x1;
	p0 =	seq.s32 s7, s2  }
0x1e: {  	s7 =	smul.u32 @!p0 $0xF7A, s2;
	p2 =	seq.s32 @!p0 s5, $0x0  }
0x1f: {  	s9 =	smul.u32 $0xF7A, s1;
	s8 =	simm.s32 @!p0 $0x1BF5;
	p2 =	por !p2, p0  }
0x20: {  	[sflag:s8] =	ssyncset.s32 @!p0 $0xFFFFF086;
	s6 =	sadd.s32 @!p0 s3, s7;
	s7 =	simm.s32 @!p0 $0x108  }
0x21: {  	s3 =	sadd.s32 s3, s9;
	s6 =	sadd.s32 @!p0 $0x88, s6;
	s7 =	simm.s32 @p2 $0x1082  }
0x22: {  	[simem:s7], [sflag:s8] =	dma.local @!p0 [hbm:s6], $0xF7A  }
0x23: {  	s9 =	sor.u32 $0xD0000000, s2;
	s6 =	simm.s32 $0x108;
	_ =	swait.ge @!p0 [sflag:s8], $0x0  }
0x24: {  	s3 =	sadd.s32 $0x88, s3;
	s6 =	simm.s32 @!p1 $0x1082;
	[sflag:s4] =	ssyncset.s32 $0xFFFFF086  }
0x25: {  	[simem:s6], [sflag:s4] =	dma.local [hbm:s3], $0xF7A  }
0x26: {  	[smem:$0x3F9D] =	sst s1;
	(tag) =	ssettag s2;
	_ =	strace s9  }
0x27: {  	s1 =	sld [smem:$0x3FAD]  }
0x28: {  	s2 =	sld [smem:$0x3FAE]  }
0x29: {  	s4 =	sld [smem:$0x3FB0]  }
0x2a: {  	p0 =	seq.s32 s5, $0x0;
	s5 =	sld [smem:$0x3FB1]  }
0x2b: {  	s6 =	sld [smem:$0x3FB2]  }
0x2c: {  	s7 =	sld [smem:$0x3FB3]  }
0x2d: {  	s3 =	simm.s32 $0x108;
	s8 =	sld [smem:$0x3FB4]  }
0x2e: {  	s3 =	simm.s32 @!p0 $0x1082;
	s9 =	sld [smem:$0x3FB5]  }
0x2f: {  	lr =	sadd.s32 s0, s3;
	s0 =	sld [smem:$0x3FAC]  }
0x30: {  	s3 =	sld [smem:$0x3FAF]  }
0x31: {  	[smem:$0x3FB8] =	sst s10  }
0x32: {  	s10 =	sld [smem:$0x3FB6];
	_ =	sdelay $0x3  }
0x33: {  	p0 =	seq.s32 s10, $0x1;
	s10 =	sld [smem:$0x3FB8];
	_ =	sdelay $0x3  }
0x34: {  	[smem:$0x3FB8] =	sst s10  }
0x35: {  	s10 =	sld [smem:$0x3FB7];
	_ =	sdelay $0x3  }
0x36: {  	p1 =	seq.s32 s10, $0x1;
	s10 =	sld [smem:$0x3FB8];
	_ =	sdelay $0x3  }
0x37: {  	[smem:$0x3FB8] =	sst s10  }
0x38: {  	s10 =	sld [smem:$0x3FB9]  }
0x39: {  	_ = 	snop;
	(pc) =	sbr.ind lr, $3  }
0x3a: {  	_ = 	snop  }
0x3b: {  	_ = 	snop  }
0x3c: {  	p2 =	seq.s32 s10, $0x1;
	s10 =	sld [smem:$0x3FB8]  }
0x3d: {  	_ =	shalt  }
0x3e: {  	_ =	shalt  }
0x3f: {  	_ =	shalt  }
0x40: {  	_ =	shalt  }
0x41: {  	_ =	shalt  }
0x42: {  	_ =	shalt  }
0x43: {  	_ =	shalt  }
0x44: {  	_ =	shalt  }
0x45: {  	_ =	shalt  }
0x46: {  	_ =	shalt  }
0x47: {  	_ =	shalt  }
0x48: {  	_ =	shalt  }
0x49: {  	_ =	shalt  }
0x4a: {  	_ =	shalt  }
0x4b: {  	_ =	shalt  }
0x4c: {  	_ =	shalt  }
0x4d: {  	_ =	shalt  }
0x4e: {  	_ =	shalt  }
0x4f: {  	_ =	shalt  }
0x50: {  	_ =	shalt  }
0x51: {  	_ =	shalt  }
0x52: {  	_ =	shalt  }
0x53: {  	_ =	shalt  }
0x54: {  	_ =	shalt  }
0x55: {  	_ =	shalt  }
0x56: {  	_ =	shalt  }
0x57: {  	_ =	shalt  }
0x58: {  	_ =	shalt  }
0x59: {  	_ =	shalt  }
0x5a: {  	_ =	shalt  }
0x5b: {  	_ =	shalt  }
0x5c: {  	_ =	shalt  }
0x5d: {  	_ =	shalt  }
0x5e: {  	_ =	shalt  }
0x5f: {  	_ =	shalt  }
0x60: {  	_ =	shalt  }
0x61: {  	_ =	shalt  }
0x62: {  	_ =	shalt  }
0x63: {  	_ =	shalt  }
0x64: {  	_ =	shalt  }
0x65: {  	_ =	shalt  }
0x66: {  	_ =	shalt  }
0x67: {  	_ =	shalt  }
0x68: {  	_ =	shalt  }
0x69: {  	_ =	shalt  }
0x6a: {  	_ =	shalt  }
0x6b: {  	_ =	shalt  }
0x6c: {  	_ =	shalt  }
0x6d: {  	_ =	shalt  }
0x6e: {  	_ =	shalt  }
0x6f: {  	_ =	shalt  }
0x70: {  	_ =	shalt  }
0x71: {  	_ =	shalt  }
0x72: {  	_ =	shalt  }
0x73: {  	_ =	shalt  }
0x74: {  	_ =	shalt  }
0x75: {  	_ =	shalt  }
0x76: {  	_ =	shalt  }
0x77: {  	_ =	shalt  }
0x78: {  	_ =	shalt  }
0x79: {  	_ =	shalt  }
0x7a: {  	_ =	shalt  }
0x7b: {  	_ =	shalt  }
0x7c: {  	_ =	shalt  }
0x7d: {  	_ =	shalt  }
0x7e: {  	_ =	shalt  }
0x7f: {  	_ =	shalt  }
0x80: {  	_ =	shalt  }
0x81: {  	_ =	shalt  }
0x82: {  	_ =	shalt  }
0x83: {  	_ =	shalt  }
0x84: {  	_ =	shalt  }
0x85: {  	_ =	shalt  }
0x86: {  	_ =	shalt  }
0x87: {  	_ =	shalt  }
.Lfunc_end0:
.L_simem_size_0:
called_computation.1_lowered:
.L_overlay_start_0:
0x88: {  	s2 =	sld [smem:$0x3FD9]  }
0x89: {  	s3 =	sld [smem:$0x3FFE];
	_ =	sdelay $0x1  }
0x8a: {  	s1 =	srdreg.scid  }
0x8b: {  	s0 =	sand.u32 $0x1, s1  }
0x8c: {  	s17 =	sshll.u32 s0, $0xA;
	s2 =	sadd.s32 s3, s2  }
0x8d: {  	s2 =	sadd.s32 s2, s17  }
0x8e: {  	[smem:$0x3FC4] =	sst s2  }
0x8f: {  	_ = 	snop  }
0x90: {  	s2 =	sld [smem:$0x3FD0];
	(tm) =	ssettm $0x1  }
0x91: {  	s18 =	sld [smem:$0x3FFB];
	_ =	sdelay $0x3  }
0x92: {  	_ =	strace s18  }
0x93: {  	s3 =	sld [smem:$0x3FFC];
	_ =	sdelay $0x3  }
0x94: {  	_ =	strace s3  }
0x95: {  	s3 =	sld [smem:$0x3FFD];
	_ =	sdelay $0x3  }
0x96: {  	_ =	strace s3  }
0x97: {  	_ =	strace $0x8FFFFFFF  }
0x98: {  	s19 =	sld [smem:$0x3FDB];
	_ =	sdelay $0x1  }
0x99: {  	s4 =	simm.s32 $_scs_section_size  }
0x9a: {  	s5 =	simm.s32 $_size__tile_overlayer_lowered;
	s6 =	simm.s32 $_tile_overlayer_lowered  }
0x9b: {  	s22 =	simm.s32 $0x1BFF;
	s21 =	sshll.u32 s6, $0x1;
	s3 =	sadd.s32 s4, s19  }
0x9c: {  	s7 =	simm.s32 $0x0;
	s20 =	sshll.u32 s5, $0x1;
	s5 =	sadd.s32 s21, s3  }
0x9d: {  	[timem:s7], [sflag:s22] =	dma.local [hbm:s5], s20  }
0x9e: {  	_ =	swait.ge [sflag:s22], s20  }
0x9f: {  	s4 =	ssub.s32 $0x0, s20;
	[sflag:s22] =	ssyncset.done $0x0  }
0xa0: {  	[sflag:s22] =	ssyncadd.s32 s4;
	_ =	sdelay $0x1  }
0xa1: {  	s23 =	simm.s32 $0x1B8B  }
0xa2: {  	_ =	swait.ge [sflag:s23], $0x1  }
0xa3: {  	[sflag:s23] =	ssyncset.done $0x0  }
0xa4: {  	s25 =	simm.s32 $0x1B8E;
	s24 =	sld [smem:$0x3FFE];
	[sflag:s23] =	ssyncadd.s32 $0xFFFFFFFF  }
0xa5: {  	s26 =	simm.s32 $execute0_lowered;
	[smem:$0x3FD2] =	sst s25  }
0xa6: {  	s5 =	sshll.u32 s26, $0x1;
	_ =	strace $0x80000049;
	[dreg:$0x1] =	wrdreg $0xFFFFFFFF  }
0xa7: {  	s28 =	simm.s32 $_size_execute0_lowered;
	s3 =	sadd.s32 s3, s5;
	[dreg:$0x0] =	wrdreg $0x0  }
0xa8: {  	s5 =	sshll.u32 s28, $0x1;
	[dreg:$0x2] =	wrdreg s3  }
0xa9: {  	[dreg:$0x3] =	wrdreg s5  }
0xaa: {  	[dreg:$0x4] =	wrdreg $0xC0  }
0xab: {  	_ =	task [dreg:s7], $0x5FFFF  }
0xac: {  	[dreg:$0x1] =	wrdreg $0xFFFFFFFF  }
0xad: {  	[dreg:$0x0] =	wrdreg $0x60  }
0xae: {  	[dreg:$0x2] =	wrdreg s2  }
0xaf: {  	[dreg:$0x3] =	wrdreg s24  }
0xb0: {  	[dreg:$0x4] =	wrdreg $0x122400  }
0xb1: {  	[dreg:$0x5] =	wrdreg $0x86000  }
0xb2: {  	[dreg:$0x6] =	wrdreg $0x9  }
0xb3: {  	_ =	task.clear_ibuf [dreg:s7], $0x7FFFF;
	_ =	strace $0x90000049  }
0xb4: {  	s29 =	simm.s32 $0x9;
	_ =	strace $0x8000004B  }
0xb5: {  	_ =	swait.ge [sflag:s29], $0x1  }
0xb6: {  	[sflag:s29] =	ssyncadd.s32 $0xFFFFFFFF  }
0xb7: {  	_ =	strace $0x9000004B  }
0xb8: {  	_ =	sfence  }
0xb9: {  	s30 =	sld [smem:$0x0];
	_ =	sdelay $0x2  }
0xba: {  	s31 =	sshll.u32 s1, $0xD;
	s1 =	sshrl.u32 s1, $0x2  }
0xbb: {  	s3 =	sand.u32 $0x4000, s31;
	s1 =	sadd.s32 s1, s30  }
0xbc: {  	s0 =	sor.u32 s3, s0;
	s1 =	sshll.u32 s1, $0x11  }
0xbd: {  	s0 =	sor.u32 s1, s0  }
0xbe: {  	s0 =	sadd.s32 $0x8F2B, s0  }
0xbf: {  	[sflag:s0] =	ssyncadd.remote.s32 $0x1  }
0xc0: {  	_ =	sfence.sel $0xFFFF  }
0xc1: {  	[dreg:$0x0] =	wrdreg $0xFFFFFFFF;
	(pc) =	sbr.abs _section_cstart, $3  }
0xc2: {  	[dreg:$0x1] =	wrdreg $0xFFFFFFFF  }
0xc3: {  	_ =	task.clear_ibuf [dreg:s7], $0x2FFFF;
	_ =	strace $0x9FFFFFFF  }
0xc4: {  	(tm) =	ssettm $0x7FFFFFFF  }
0xc5: {  	_ =	shalt  }
tec
execute0_lowered:
.L_overlay_start_1:
0x0: {  	(tag) =	ssettag $0x1  }
0x1: {  	s0 =	rddreg [dreg:$0x0]  }
0x2: {  	s1 =	rddreg [dreg:$0x1]  }
0x3: {  	s2 =	rddreg [dreg:$0x2]  }
0x4: {  	s3 =	rddreg [dreg:$0x3]  }
0x5: {  	s5 =	srdreg.scid;
	s14 =	stileid.u32  }
0x6: {  	s4 =	simm.s32 $0x0;
	s28 =	simm.s32 $0x600;
	s6 =	smul.u32 $0xA000, s14  }
0x7: {  	s29 =	simm.s32 $0x4;
	s30 =	simm.s32 $0x1;
	s10 =	smul.u32 $0x5000, s14  }
0x8: {  	s31 =	simm.s32 $0x80;
	s5 =	sand.u32 $0x1, s5;
	s21 =	smul.u32 $0x28000, s14  }
0x9: {  	[smem:$0x7FF] =	sst s4;
	s8 =	sadd.s32 $0xB200, s1;
	s25 =	smul.u32 $0x9C40, s14  }
0xa: {  	s12 =	sadd.s32 $0x1000, s1;
	s17 =	smul.u32 $0xA00, s14;
	s14 =	simm.s32 $0x180  }
0xb: {  	s7 =	smul.u32 $0xA0000, s5;
	_ =	strace $0x8000004A;
	s9 =	ssub.s32 $0x2, s5  }
0xc: {  	s5 =	smul.u32 $0x9C400, s5;
	s11 =	sshrl.u32 s9, $0x1;
	s19 =	sshrl.u32 s10, $0x3  }
0xd: {  	s23 =	sshrl.u32 s21, $0x2;
	s18 =	sadd.s32 s25, s3;
	s21 =	simm.s32 $0x300  }
0xe: {  	s7 =	sadd.s32 s6, s7;
	s10 =	sadd.s32 s8, s19;
	s20 =	sor.u32 $0x20, s19  }
0xf: {  	s13 =	sadd.s32 s12, s19;
	s5 =	sadd.s32 s25, s5;
	[dreg:$0x5] =	wrdreg s10  }
0x10: {  	s25 =	sadd.s32 s17, s8;
	s7 =	sshrl.u32 s7, $0x3;
	[dreg:$0x6] =	wrdreg s13  }
0x11: {  	s22 =	sadd.s32 s8, s20;
	s10 =	sadd.s32 s12, s20;
	s5 =	sshrl.u32 s5, $0x3  }
0x12: {  	s20 =	sadd.s32 $0x60, s25;
	s13 =	simm.s32 $0x400;
	[dreg:$0x7] =	wrdreg s22  }
0x13: {  	s1 =	sadd.s32 s7, s1;
	s7 =	ssub.s32 s9, s11;
	[dreg:$0x8] =	wrdreg s10  }
0x14: {  	s9 =	sor.u32 $0x40, s19;
	s10 =	sadd.s32 s23, s2;
	s0 =	sadd.s32 s0, s5  }
0x15: {  	s11 =	sadd.s32 s6, s2;
	s24 =	sadd.s32 s8, s9;
	[dreg:$0xf] =	wrdreg s0  }
0x16: {  	s5 =	simm.s32 $0x2;
	s9 =	sadd.s32 s12, s9;
	[dreg:$0x9] =	wrdreg s24  }
0x17: {  	s6 =	simm.s32 $0x380;
	s26 =	sadd.s32 $0x2000, s10;
	[dreg:$0xa] =	wrdreg s9  }
0x18: {  	s15 =	sadd.s32 $0x6000, s10;
	s16 =	sadd.s32 $0x8000, s10;
	[dreg:$0xb] =	wrdreg s26  }
0x19: {  	s22 =	sadd.s32 $0x15200, s1;
	s23 =	smax.u32 s7, $0x1;
	[dreg:$0xd] =	wrdreg s15  }
0x1a: {  	s0 =	simm.s32 $0x2600;
	s1 =	simm.s32 $0x6600;
	[dreg:$0xe] =	wrdreg s16  }
0x1b: {  	s7 =	simm.s32 $0x3;
	s8 =	simm.s32 $0x0;
	[dreg:$0x10] =	wrdreg s22  }
0x1c: {  	s9 =	sadd.s32 $0x4000, s10;
	[dreg:$0x11] =	wrdreg s23;
	s24 =	sadd.s32 s17, s12  }
0x1d: {  	s22 =	simm.s32 $0x100;
	s26 =	sshrl.u32 s18, $0x3;
	[dreg:$0xc] =	wrdreg s9  }
0x1e: {  	v0 =	vimm.f32 $0.0e+00;
	s19 =	sadd.s32 $0x60, s24;
	[dreg:$0x12] =	wrdreg s26;
	s24 =	simm.s32 $0x4600  }
.LBB2_1:
0x1f: {  	s9 =	rddreg [dreg:$0x5]  }
0x20: {  	s16 =	rddreg [dreg:$0x6]  }
0x21: {  	[tilespmem:s4], [sflag:$0x1] =	stream.linear.gather [hbm4b:s9+s4], $0x100, $0x38;
	[tilespmem:$0x1C240] =	vst v63  }
0x22: {  	s17 =	rddreg [dreg:$0x7]  }
0x23: {  	[tilespmem:s21], [sflag:$0x1] =	stream.linear.gather [hbm4b:s16+s4], $0x100, $0x38;
	[tilespmem:$0x1C240] =	vst v63  }
0x24: {  	s18 =	rddreg [dreg:$0x8]  }
0x25: {  	[tilespmem:s22], [sflag:$0x1] =	stream.linear.gather [hbm4b:s17+s4], $0x100, $0x38;
	[tilespmem:$0x1C240] =	vst v63  }
0x26: {  	s23 =	rddreg [dreg:$0x9]  }
0x27: {  	[tilespmem:s13], [sflag:$0x1] =	stream.linear.gather [hbm4b:s18+s4], $0x100, $0x38;
	[tilespmem:$0x1C240] =	vst v63  }
0x28: {  	s10 =	simm.s32 $0x200;
	s25 =	rddreg [dreg:$0xa]  }
0x29: {  	[tilespmem:s10], [sflag:$0x1] =	stream.linear.gather [hbm4b:s23+s4], $0x100, $0x38;
	[tilespmem:$0x1C240] =	vst v63  }
0x2a: {  	s26 =	simm.s32 $0x500;
	s9 =	simm.s32 $0x0;
	s10 =	simm.s32 $0x100  }
0x2b: {  	[tilespmem:s26], [sflag:$0x1] =	stream.linear.gather [hbm4b:s25+s4], $0x100, $0x38;
	[tilespmem:$0x1C240] =	vst v63  }
.LBB2_2:
0x2c: {  	p0 =	sne.s32 s10, $0x7F00;
	[tilespmem:s9+$0x630] =	vst v0;
	s12 =	smov.u32 s10;
	s10 =	sadd.s32 $0x100, s10  }
.Ltmp0:
0x2d: {  	[tilespmem:s9+$0x620] =	vst v0;
	(pc) =	sbr.rel @p0 .LBB2_2-.Ltmp0, $3  }
0x2e: {  	[tilespmem:s9+$0x600] =	vst v0  }
0x2f: {  	[tilespmem:s9+$0x610] =	vst v0;
	_ =	sdelay $0x1  }
0x30: {  	s9 =	sshra.s32 s12, $0x2  }
0x31: {  	[tilespmem:s9+$0x630] =	vst v0  }
0x32: {  	[tilespmem:s9+$0x620] =	vst v0  }
0x33: {  	[tilespmem:s9+$0x600] =	vst v0  }
0x34: {  	[tilespmem:s9+$0x610] =	vst v0  }
0x35: {  	[spmem:s11] =	stream.linear.scatter [tilespmem:s28], [sflag:$0x4], $0x2000, $0x38;
	[tilespmem:$0x1C240] =	vst v63  }
0x36: {  	_ =	swait.ge [sflag:s29], $0x2000  }
0x37: {  	[sflag:s29] =	ssyncset.done $0x0  }
0x38: {  	s25 =	rddreg [dreg:$0xb];
	[sflag:s29] =	ssyncadd.s32 $0xFFFFE000  }
0x39: {  	[spmem:s25] =	stream.linear.scatter [tilespmem:s28], [sflag:$0x4], $0x2000, $0x38;
	[tilespmem:$0x1C240] =	vst v63  }
0x3a: {  	_ =	swait.ge [sflag:s29], $0x2000  }
0x3b: {  	[sflag:s29] =	ssyncset.done $0x0  }
0x3c: {  	s26 =	rddreg [dreg:$0xc];
	[sflag:s29] =	ssyncadd.s32 $0xFFFFE000  }
0x3d: {  	[spmem:s26] =	stream.linear.scatter [tilespmem:s28], [sflag:$0x4], $0x2000, $0x38;
	[tilespmem:$0x1C240] =	vst v63  }
0x3e: {  	_ =	swait.ge [sflag:s29], $0x2000  }
0x3f: {  	[sflag:s29] =	ssyncset.done $0x0  }
0x40: {  	s10 =	rddreg [dreg:$0xd];
	[sflag:s29] =	ssyncadd.s32 $0xFFFFE000  }
0x41: {  	[spmem:s10] =	stream.linear.scatter [tilespmem:s28], [sflag:$0x4], $0x2000, $0x38;
	[tilespmem:$0x1C240] =	vst v63  }
0x42: {  	_ =	swait.ge [sflag:s29], $0x2000  }
0x43: {  	[sflag:s29] =	ssyncset.done $0x0  }
0x44: {  	s12 =	rddreg [dreg:$0xe];
	[sflag:s29] =	ssyncadd.s32 $0xFFFFE000  }
0x45: {  	[spmem:s12] =	stream.linear.scatter [tilespmem:s28], [sflag:$0x4], $0x2000, $0x38;
	[tilespmem:$0x1C240] =	vst v63  }
0x46: {  	s13 =	stileid.u32;
	_ =	swait.ge [sflag:s29], $0x2000  }
0x47: {  	s9 =	sshll.u32 s13, $0x6;
	[sflag:s29] =	ssyncset.done $0x0;
	s10 =	rddreg [dreg:$0xf]  }
0x48: {  	s9 =	sor.u32 $0x1C04, s9;
	s12 =	rddreg [dreg:$0x12];
	[sflag:s29] =	ssyncadd.s32 $0xFFFFE000  }
0x49: {  	[spmem:s12], [sflag:s9] =	dma.local [hbm:s10], $0x1388  }
0x4a: {  	_ =	swait.ge [sflag:s29], $0x1388  }
0x4b: {  	[sflag:s29] =	ssyncset.done $0x0  }
0x4c: {  	[sflag:s29] =	ssyncadd.s32 $0xFFFFEC78  }
0x4d: {  	[bflag:$0x0] =	sbarrier.arrive $0xFFFF  }
0x4e: {  	_ =	swait.ge [sflag:s30], $0x100  }
0x4f: {  	[sflag:s30] =	ssyncset.done $0x0  }
0x50: {  	[sflag:s30] =	ssyncadd.s32 $0xFFFFFF00  }
0x51: {  	_ =	swait.ge [sflag:s30], $0x100  }
0x52: {  	[sflag:s30] =	ssyncset.done $0x0  }
0x53: {  	[sflag:s30] =	ssyncadd.s32 $0xFFFFFF00  }
0x54: {  	[tilespmem:s28], [sflag:$0x2] =	stream.indirect.gather [spmem:s3], $0x40, s4, s31, $0xb8;
	[tilespmem:$0x1C240] =	vst v63  }
0x55: {  	_ = 	snop  }
0x56: {  	[tilespmem:s0], [sflag:$0x2] =	stream.indirect.gather [spmem:s3], $0x40, s31, s31, $0xb8;
	[tilespmem:$0x1C240] =	vst v63  }
0x57: {  	_ =	swait.ge [sflag:s30], $0x100  }
0x58: {  	[sflag:s30] =	ssyncset.done $0x0  }
0x59: {  	[sflag:s30] =	ssyncadd.s32 $0xFFFFFF00  }
0x5a: {  	_ =	swait.ge [sflag:s30], $0x100  }
0x5b: {  	[sflag:s30] =	ssyncset.done $0x0  }
0x5c: {  	[sflag:s30] =	ssyncadd.s32 $0xFFFFFF00  }
0x5d: {  	[tilespmem:s24], [sflag:$0x2] =	stream.indirect.gather [spmem:s3], $0x40, s22, s31, $0xb8;
	[tilespmem:$0x1C240] =	vst v63  }
0x5e: {  	_ = 	snop  }
0x5f: {  	[tilespmem:s1], [sflag:$0x2] =	stream.indirect.gather [spmem:s3], $0x40, s14, s31, $0xb8;
	[tilespmem:$0x1C240] =	vst v63  }
0x60: {  	_ =	swait.ge [sflag:s5], $0x2000  }
0x61: {  	s15 =	simm.s32 $0x3;
	[sflag:s5] =	ssyncset.done $0x0  }
0x62: {  	s13 =	smul.u32 $0xAB, s15;
	[sflag:s5] =	ssyncadd.s32 $0xFFFFE000  }
0x63: {  	[spmem:s2] =	stream.indirect.scatter.add.f32 [tilespmem:s28], [sflag:$0x3], $0x40, s21, s31, $0xb8;
	[tilespmem:$0x1C240] =	vst v63  }
0x64: {  	s17 =	sadd.s32 $0xFFFFFF55, s13;
	s13 =	sadd.s32 $0xFFFFFEAA, s13;
	_ =	swait.ge [sflag:s5], $0x2000  }
0x65: {  	s16 =	sand.u32 $0xFF, s15;
	s13 =	sshrl.u32 s13, $0x9;
	[sflag:s5] =	ssyncset.done $0x0  }
0x66: {  	s13 =	sand.u32 $0x7F, s13;
	s12 =	smul.u32 $0xAB, s16;
	[sflag:s5] =	ssyncadd.s32 $0xFFFFE000  }
0x67: {  	[spmem:s2] =	stream.indirect.scatter.add.f32 [tilespmem:s0], [sflag:$0x3], $0x40, s6, s31, $0xb8;
	[tilespmem:$0x1C240] =	vst v63  }
0x68: {  	s13 =	smul.u32 $0x3, s13;
	s12 =	sshrl.u32 s12, $0x9;
	_ =	swait.ge [sflag:s7], $0x2000  }
0x69: {  	s12 =	smul.u32 $0x3, s12;
	[sflag:s7] =	ssyncset.done $0x0  }
0x6a: {  	s15 =	simm.s32 $0x10000;
	[sflag:s7] =	ssyncadd.s32 $0xFFFFE000  }
0x6b: {  	s13 =	ssub.s32 $0x3, s13;
	s12 =	ssub.s32 $0x3, s12;
	_ =	swait.ge [sflag:s7], $0x2000  }
0x6c: {  	s13 =	sadd.s32 $0xFFFFFFFE, s13;
	s12 =	sand.u32 $0xFF, s12;
	[sflag:s7] =	ssyncset.done $0x0  }
0x6d: {  	s12 =	sshll.u32 s12, $0x8;
	s14 =	sshrl.u32 s17, $0x9;
	[sflag:s7] =	ssyncadd.s32 $0xFFFFE000  }
0x6e: {  	[tilespmem:s12], [sflag:$0x1] =	stream.linear.gather [hbm4b:s20+s4], $0x100, $0x38;
	[tilespmem:$0x1C240] =	vst v63  }
0x6f: {  	s13 =	sand.u32 $0xFF, s13;
	s14 =	sand.u32 $0x7F, s14;
	s12 =	sadd.s32 $0x300, s12  }
0x70: {  	[tilespmem:s12], [sflag:$0x1] =	stream.linear.gather [hbm4b:s19+s4], $0x100, $0x38;
	[tilespmem:$0x1C240] =	vst v63  }
0x71: {  	s10 =	simm.s32 $0x20000;
	s14 =	smul.u32 $0x3, s14;
	_ =	swait.ge [sflag:s30], $0x100  }
0x72: {  	s16 =	simm.s32 $0x5;
	s17 =	simm.s32 $0x8000;
	[sflag:s30] =	ssyncset.done $0x0  }
0x73: {  	s17 =	sand.u32 $0x4000, s17;
	s14 =	sxor.u32 $0xFFFFFFFF, s14;
	[sflag:s30] =	ssyncadd.s32 $0xFFFFFF00  }
0x74: {  	s18 =	sor.u32 $0x600, s17;
	s14 =	sadd.s32 $0x3, s14;
	_ =	swait.ge [sflag:s30], $0x100  }
0x75: {  	s17 =	sor.u32 $0x2600, s17;
	s14 =	sand.u32 $0xFF, s14;
	[sflag:s30] =	ssyncset.done $0x0  }
0x76: {  	s14 =	sshll.u32 s14, $0x8;
	s12 =	simm.s32 $0x4;
	[sflag:s30] =	ssyncadd.s32 $0xFFFFFF00  }
0x77: {  	[tilespmem:s18], [sflag:$0x2] =	stream.indirect.gather [spmem:s3], $0x40, s14, s31, $0xb8;
	[tilespmem:$0x1C240] =	vst v63  }
0x78: {  	s14 =	sor.u32 $0x80, s14;
	s18 =	sand.u32 $0x10000, s15;
	s15 =	sand.u32 $0xFF, s12  }
0x79: {  	[tilespmem:s17], [sflag:$0x2] =	stream.indirect.gather [spmem:s3], $0x40, s14, s31, $0xb8;
	[tilespmem:$0x1C240] =	vst v63  }
0x7a: {  	s23 =	sshrl.u32 s18, $0x2;
	s18 =	sshll.u32 s13, $0x8;
	_ =	swait.ge [sflag:s5], $0x2000  }
0x7b: {  	s13 =	sadd.s32 $0x20, s19;
	s25 =	sor.u32 $0x600, s23;
	[sflag:s5] =	ssyncset.done $0x0  }
0x7c: {  	s26 =	sadd.s32 $0x300, s18;
	s14 =	sadd.s32 $0x20, s20;
	[sflag:s5] =	ssyncadd.s32 $0xFFFFE000  }
0x7d: {  	[spmem:s2] =	stream.indirect.scatter.add.f32 [tilespmem:s25], [sflag:$0x3], $0x40, s26, s31, $0xb8;
	[tilespmem:$0x1C240] =	vst v63  }
0x7e: {  	s23 =	sor.u32 $0x2600, s23;
	s25 =	sadd.s32 $0x380, s18;
	_ =	swait.ge [sflag:s5], $0x2000  }
.LBB2_4:
0x7f: {  	[sflag:s5] =	ssyncset.done $0x0  }
0x80: {  	s10 =	sadd.s32 $0x10000, s10;
	s17 =	smov.u32 s16;
	s18 =	sadd.s32 $0x1, s16  }
0x81: {  	s26 =	smul.u32 $0xAB, s15;
	s15 =	sand.u32 $0xFF, s17;
	[sflag:s5] =	ssyncadd.s32 $0xFFFFE000  }
0x82: {  	[spmem:s2] =	stream.indirect.scatter.add.f32 [tilespmem:s23], [sflag:$0x3], $0x40, s25, s31, $0xb8;
	[tilespmem:$0x1C240] =	vst v63  }
0x83: {  	p0 =	sne.s32 s16, $0x4F;
	s16 =	sshrl.u32 s26, $0x9;
	_ =	swait.ge [sflag:s7], $0x2000  }
0x84: {  	s16 =	smul.u32 $0x3, s16;
	[sflag:s7] =	ssyncset.done $0x0  }
0x85: {  	[sflag:s7] =	ssyncadd.s32 $0xFFFFE000  }
0x86: {  	s16 =	ssub.s32 s12, s16;
	_ =	swait.ge [sflag:s7], $0x2000  }
0x87: {  	s23 =	smul.u32 $0xAB, s12;
	s16 =	sand.u32 $0xFF, s16;
	[sflag:s7] =	ssyncset.done $0x0  }
0x88: {  	s25 =	sadd.s32 $0xFFFF0000, s10;
	s16 =	sshll.u32 s16, $0x8;
	[sflag:s7] =	ssyncadd.s32 $0xFFFFE000  }
0x89: {  	[tilespmem:s16], [sflag:$0x1] =	stream.linear.gather [hbm4b:s14+s4], $0x100, $0x38;
	[tilespmem:$0x1C240] =	vst v63  }
0x8a: {  	s26 =	sadd.s32 $0xFFFFFF55, s23;
	s23 =	sadd.s32 $0xFFFFFEAA, s23;
	s16 =	sadd.s32 $0x300, s16  }
0x8b: {  	[tilespmem:s16], [sflag:$0x1] =	stream.linear.gather [hbm4b:s13+s4], $0x100, $0x38;
	[tilespmem:$0x1C240] =	vst v63  }
0x8c: {  	s23 =	sshrl.u32 s23, $0x9;
	s16 =	sshrl.u32 s26, $0x9;
	_ =	swait.ge [sflag:s30], $0x100  }
0x8d: {  	s23 =	sand.u32 $0x7F, s23;
	s16 =	sand.u32 $0x7F, s16;
	[sflag:s30] =	ssyncset.done $0x0  }
0x8e: {  	s26 =	sshrl.u32 s10, $0x2;
	s16 =	smul.u32 $0x3, s16;
	[sflag:s30] =	ssyncadd.s32 $0xFFFFFF00  }
0x8f: {  	s23 =	smul.u32 $0x3, s23;
	s26 =	sand.u32 $0x4000, s26;
	_ =	swait.ge [sflag:s30], $0x100  }
0x90: {  	s25 =	sand.u32 $0x10000, s25;
	s16 =	sxor.u32 $0xFFFFFFFF, s16;
	[sflag:s30] =	ssyncset.done $0x0  }
0x91: {  	s16 =	sadd.s32 s12, s16;
	s12 =	ssub.s32 s12, s23;
	[sflag:s30] =	ssyncadd.s32 $0xFFFFFF00  }
0x92: {  	s23 =	sshrl.u32 s25, $0x2;
	s16 =	sand.u32 $0xFF, s16;
	s12 =	sadd.s32 $0xFFFFFFFE, s12  }
0x93: {  	s25 =	sor.u32 $0x600, s26;
	s16 =	sshll.u32 s16, $0x8;
	s12 =	sand.u32 $0xFF, s12  }
0x94: {  	[tilespmem:s25], [sflag:$0x2] =	stream.indirect.gather [spmem:s3], $0x40, s16, s31, $0xb8;
	[tilespmem:$0x1C240] =	vst v63  }
0x95: {  	s25 =	sor.u32 $0x2600, s26;
	s16 =	sor.u32 $0x80, s16;
	s26 =	sshll.u32 s12, $0x8  }
0x96: {  	[tilespmem:s25], [sflag:$0x2] =	stream.indirect.gather [spmem:s3], $0x40, s16, s31, $0xb8;
	[tilespmem:$0x1C240] =	vst v63  }
0x97: {  	s16 =	sor.u32 $0x600, s23  }
.Ltmp1:
0x98: {  	s25 =	sadd.s32 $0x300, s26;
	_ =	swait.ge [sflag:s5], $0x2000;
	(pc) =	sbr.rel @p0 .LBB2_4-.Ltmp1, $4  }
0x99: {  	s14 =	sadd.s32 $0x20, s14;
	s12 =	smov.u32 s17;
	[sflag:s5] =	ssyncset.done $0x0  }
0x9a: {  	s13 =	sadd.s32 $0x20, s13;
	s23 =	sor.u32 $0x2600, s23;
	[sflag:s5] =	ssyncadd.s32 $0xFFFFE000  }
0x9b: {  	[spmem:s2] =	stream.indirect.scatter.add.f32 [tilespmem:s16], [sflag:$0x3], $0x40, s25, s31, $0xb8;
	[tilespmem:$0x1C240] =	vst v63  }
0x9c: {  	s25 =	sadd.s32 $0x380, s26;
	s16 =	smov.u32 s18;
	_ =	swait.ge [sflag:s5], $0x2000  }
0x9d: {  	[sflag:s5] =	ssyncset.done $0x0  }
0x9e: {  	s15 =	smul.u32 $0xAB, s15;
	[sflag:s5] =	ssyncadd.s32 $0xFFFFE000  }
0x9f: {  	[spmem:s2] =	stream.indirect.scatter.add.f32 [tilespmem:s23], [sflag:$0x3], $0x40, s25, s31, $0xb8;
	[tilespmem:$0x1C240] =	vst v63  }
0xa0: {  	s15 =	sshrl.u32 s15, $0x9;
	_ =	swait.ge [sflag:s7], $0x2000  }
0xa1: {  	s15 =	smul.u32 $0x3, s15;
	[sflag:s7] =	ssyncset.done $0x0  }
0xa2: {  	[sflag:s7] =	ssyncadd.s32 $0xFFFFE000  }
0xa3: {  	s16 =	smul.u32 $0xAB, s12;
	s15 =	ssub.s32 s12, s15;
	_ =	swait.ge [sflag:s7], $0x2000  }
0xa4: {  	s15 =	sand.u32 $0xFF, s15;
	[sflag:s7] =	ssyncset.done $0x0  }
0xa5: {  	s17 =	sadd.s32 $0xFFFFFF55, s16;
	s15 =	sshll.u32 s15, $0x8;
	[sflag:s7] =	ssyncadd.s32 $0xFFFFE000  }
0xa6: {  	[tilespmem:s15], [sflag:$0x1] =	stream.linear.gather [hbm4b:s14+s4], $0x100, $0x38;
	[tilespmem:$0x1C240] =	vst v63  }
0xa7: {  	s10 =	sadd.s32 $0x10000, s10;
	s18 =	sshrl.u32 s17, $0x9;
	s15 =	sadd.s32 $0x300, s15  }
0xa8: {  	[tilespmem:s15], [sflag:$0x1] =	stream.linear.gather [hbm4b:s13+s4], $0x100, $0x38;
	[tilespmem:$0x1C240] =	vst v63  }
0xa9: {  	s23 =	sadd.s32 $0xFFFFFEAA, s16;
	s25 =	sshrl.u32 s10, $0x2;
	s13 =	sand.u32 $0x7F, s18  }
0xaa: {  	s14 =	sshrl.u32 s23, $0x9;
	_ =	swait.ge [sflag:s30], $0x100;
	s13 =	smul.u32 $0x3, s13  }
0xab: {  	s10 =	sadd.s32 $0xFFFF0000, s10;
	s14 =	sand.u32 $0x7F, s14;
	[sflag:s30] =	ssyncset.done $0x0  }
0xac: {  	s15 =	sand.u32 $0x4000, s25;
	[sflag:s30] =	ssyncadd.s32 $0xFFFFFF00;
	s13 =	sxor.u32 $0xFFFFFFFF, s13  }
0xad: {  	s14 =	smul.u32 $0x3, s14;
	_ =	swait.ge [sflag:s30], $0x100;
	s13 =	sadd.s32 s12, s13  }
0xae: {  	s26 =	sor.u32 $0x600, s15;
	[sflag:s30] =	ssyncset.done $0x0;
	s13 =	sand.u32 $0xFF, s13  }
0xaf: {  	s14 =	ssub.s32 s12, s14;
	[sflag:s30] =	ssyncadd.s32 $0xFFFFFF00;
	s13 =	sshll.u32 s13, $0x8  }
0xb0: {  	[tilespmem:s26], [sflag:$0x2] =	stream.indirect.gather [spmem:s3], $0x40, s13, s31, $0xb8;
	[tilespmem:$0x1C240] =	vst v63  }
0xb1: {  	s15 =	sor.u32 $0x2600, s15;
	s12 =	sadd.s32 $0xFFFFFFFE, s14;
	s13 =	sor.u32 $0x80, s13  }
0xb2: {  	[tilespmem:s15], [sflag:$0x2] =	stream.indirect.gather [spmem:s3], $0x40, s13, s31, $0xb8;
	[tilespmem:$0x1C240] =	vst v63  }
0xb3: {  	s10 =	sand.u32 $0x10000, s10;
	s12 =	sand.u32 $0xFF, s12;
	_ =	swait.ge [sflag:s5], $0x2000  }
0xb4: {  	s10 =	sshrl.u32 s10, $0x2;
	s12 =	sshll.u32 s12, $0x8;
	[sflag:s5] =	ssyncset.done $0x0  }
0xb5: {  	s16 =	sor.u32 $0x600, s10;
	s17 =	sadd.s32 $0x300, s12;
	[sflag:s5] =	ssyncadd.s32 $0xFFFFE000  }
0xb6: {  	[spmem:s2] =	stream.indirect.scatter.add.f32 [tilespmem:s16], [sflag:$0x3], $0x40, s17, s31, $0xb8;
	[tilespmem:$0x1C240] =	vst v63  }
0xb7: {  	_ =	swait.ge [sflag:s5], $0x2000  }
0xb8: {  	[sflag:s5] =	ssyncset.done $0x0  }
0xb9: {  	s10 =	sor.u32 $0x2600, s10;
	s12 =	sadd.s32 $0x380, s12;
	[sflag:s5] =	ssyncadd.s32 $0xFFFFE000  }
0xba: {  	[spmem:s2] =	stream.indirect.scatter.add.f32 [tilespmem:s10], [sflag:$0x3], $0x40, s12, s31, $0xb8;
	[tilespmem:$0x1C240] =	vst v63  }
0xbb: {  	_ =	swait.ge [sflag:s7], $0x2000  }
0xbc: {  	[sflag:s7] =	ssyncset.done $0x0  }
0xbd: {  	[sflag:s7] =	ssyncadd.s32 $0xFFFFE000  }
0xbe: {  	_ =	swait.ge [sflag:s7], $0x2000  }
0xbf: {  	[sflag:s7] =	ssyncset.done $0x0  }
0xc0: {  	[sflag:s7] =	ssyncadd.s32 $0xFFFFE000  }
0xc1: {  	_ =	swait.ge [sflag:s30], $0x100  }
0xc2: {  	[sflag:s30] =	ssyncset.done $0x0  }
0xc3: {  	[sflag:s30] =	ssyncadd.s32 $0xFFFFFF00  }
0xc4: {  	_ =	swait.ge [sflag:s30], $0x100  }
0xc5: {  	[sflag:s30] =	ssyncset.done $0x0  }
0xc6: {  	[sflag:s30] =	ssyncadd.s32 $0xFFFFFF00  }
0xc7: {  	[tilespmem:s24], [sflag:$0x2] =	stream.indirect.gather [spmem:s3], $0x40, s22, s31, $0xb8;
	[tilespmem:$0x1C240] =	vst v63  }
0xc8: {  	s14 =	simm.s32 $0x180  }
0xc9: {  	[tilespmem:s1], [sflag:$0x2] =	stream.indirect.gather [spmem:s3], $0x40, s14, s31, $0xb8;
	[tilespmem:$0x1C240] =	vst v63  }
0xca: {  	_ =	swait.ge [sflag:s5], $0x2000  }
0xcb: {  	[sflag:s5] =	ssyncset.done $0x0  }
0xcc: {  	[sflag:s5] =	ssyncadd.s32 $0xFFFFE000  }
0xcd: {  	[spmem:s2] =	stream.indirect.scatter.add.f32 [tilespmem:s28], [sflag:$0x3], $0x40, s21, s31, $0xb8;
	[tilespmem:$0x1C240] =	vst v63  }
0xce: {  	_ =	swait.ge [sflag:s5], $0x2000  }
0xcf: {  	[sflag:s5] =	ssyncset.done $0x0  }
0xd0: {  	[sflag:s5] =	ssyncadd.s32 $0xFFFFE000  }
0xd1: {  	[spmem:s2] =	stream.indirect.scatter.add.f32 [tilespmem:s0], [sflag:$0x3], $0x40, s6, s31, $0xb8;
	[tilespmem:$0x1C240] =	vst v63  }
0xd2: {  	_ =	swait.ge [sflag:s7], $0x2000  }
0xd3: {  	[sflag:s7] =	ssyncset.done $0x0  }
0xd4: {  	[sflag:s7] =	ssyncadd.s32 $0xFFFFE000  }
0xd5: {  	_ =	swait.ge [sflag:s7], $0x2000  }
0xd6: {  	[sflag:s7] =	ssyncset.done $0x0  }
0xd7: {  	[sflag:s7] =	ssyncadd.s32 $0xFFFFE000  }
0xd8: {  	_ =	swait.ge [sflag:s5], $0x2000  }
0xd9: {  	[sflag:s5] =	ssyncset.done $0x0  }
0xda: {  	s13 =	simm.s32 $0x400;
	[sflag:s5] =	ssyncadd.s32 $0xFFFFE000  }
0xdb: {  	[spmem:s2] =	stream.indirect.scatter.add.f32 [tilespmem:s24], [sflag:$0x3], $0x40, s13, s31, $0xb8;
	[tilespmem:$0x1C240] =	vst v63  }
0xdc: {  	_ =	swait.ge [sflag:s5], $0x2000  }
0xdd: {  	[sflag:s5] =	ssyncset.done $0x0  }
0xde: {  	s18 =	simm.s32 $0x480;
	[sflag:s5] =	ssyncadd.s32 $0xFFFFE000  }
0xdf: {  	[spmem:s2] =	stream.indirect.scatter.add.f32 [tilespmem:s1], [sflag:$0x3], $0x40, s18, s31, $0xb8;
	[tilespmem:$0x1C240] =	vst v63  }
0xe0: {  	_ =	swait.ge [sflag:s7], $0x2000  }
0xe1: {  	[sflag:s7] =	ssyncset.done $0x0  }
0xe2: {  	[sflag:s7] =	ssyncadd.s32 $0xFFFFE000  }
0xe3: {  	_ =	swait.ge [sflag:s7], $0x2000  }
0xe4: {  	[sflag:s7] =	ssyncset.done $0x0  }
0xe5: {  	[sflag:s7] =	ssyncadd.s32 $0xFFFFE000  }
0xe6: {  	[bflag:$0x0] =	sbarrier.arrive $0xFFFF  }
0xe7: {  	s23 =	sshrl.u32 s11, $0x3;
	s25 =	rddreg [dreg:$0x10]  }
0xe8: {  	[hbm:s25], [sflag:s9] =	dma.local [spmem:s23], $0x1400  }
0xe9: {  	_ =	swait.ge [sflag:s29], $0x1400  }
0xea: {  	s8 =	sadd.s32 $0x1, s8;
	s26 =	rddreg [dreg:$0x11]  }
0xeb: {  	p0 =	sne.s32 s8, s26  }
.Ltmp2:
0xec: {  	_ = 	snop;
	(pc) =	sbr.rel @p0 .LBB2_1-.Ltmp2, $3  }
0xed: {  	_ =	sdelay $0x1  }
0xee: {  	[sflag:s29] =	ssyncset.done $0x0  }
0xef: {  	[sflag:s29] =	ssyncadd.s32 $0xFFFFEC00  }
0xf0: {  	_ =	sfence.sel $0x180000  }
0xf1: {  	[bflag:$0x0] =	sbarrier.arrive $0xFFFF  }
0xf2: {  	_ =	strace $0x9000004A  }
0xf3: {  	s0 =	stileid.u32;
	[bflag:$0x2] =	sbarrier.arrive $0xFFFF  }
0xf4: {  	p0 =	sne.s32 s0, $0x0;
	s0 =	rddreg [dreg:$0x4]  }
0xf5: {  	s0 =	sadd.s32 @!p0 $0x100000, s0  }
0xf6: {  	[sflag:s0] =	ssyncadd.tile.s32 @!p0 $0x1;
	_ =	shalt  }
.Lfunc_end2:
_tile_overlayer_lowered:
.L_overlay_start_2:
0xf7: {  	(tag) =	ssettag $0x2  }
0xf8: {  	s0 =	rddreg [dreg:$0x0];
	s2 =	stileid.u32  }
0xf9: {  	s1 =	rddreg [dreg:$0x1];
	p0 =	sne.s32 s2, $0x0  }
0xfa: {  	s3 =	rddreg [dreg:$0x2];
	[bflag:$0x3] =	sbarrier.arrive $0xFFFF;
	s2 =	simm.s32 @!p0 $0x1C04  }
0xfb: {  	[timem:s3], [sflag:s2] =	dma.local @!p0 [hbm:s0], s1  }
0xfc: {  	s0 =	simm.s32 @!p0 $0x4  }
0xfd: {  	_ =	swait.ge @!p0 [sflag:s0], s1  }
0xfe: {  	s1 =	ssub.s32 @!p0 $0x0, s1;
	[sflag:s0] =	ssyncset.done @!p0 $0x0  }
0xff: {  	[sflag:s0] =	ssyncadd.s32 @!p0 s1  }
0x100: {  	[bflag:$0x3] =	sbarrier.arrive $0xFFFF  }
0x101: {  	_ =	shalt  }

// kernel: kernel.13.cloned.1.call-start
scs
__scs_entry_jumppad:
0x0: {  	(pc) =	sbr.rel $0x88, $3  }
0x1: {  	(tag) =	ssettag $0x0;
	lr =	simm.s32 $0x1  }
0x2: {  	[smem:$0x3F9D] =	sst lr;
	_ =	strace $0xD0000000  }
0x3: {  	_ = 	snop  }
0x4: {  	_ = 	snop  }
0x5: {  	_ = 	snop  }
0x6: {  	_ = 	snop  }
0x7: {  	_ = 	snop  }
__scs_overlays_trampoline_lowered:
0x8: {  	[smem:$0x3FAC] =	sst s0  }
0x9: {  	[smem:$0x3FAD] =	sst s1  }
0xa: {  	[smem:$0x3FAE] =	sst s2  }
0xb: {  	[smem:$0x3FAF] =	sst s3  }
0xc: {  	[smem:$0x3FB0] =	sst s4  }
0xd: {  	[smem:$0x3FB1] =	sst s5  }
0xe: {  	[smem:$0x3FB2] =	sst s6  }
0xf: {  	[smem:$0x3FB3] =	sst s7  }
0x10: {  	[smem:$0x3FB4] =	sst s8  }
0x11: {  	[smem:$0x3FB5] =	sst s9;
	s0 =	simm.s32 @!p0 $0x0  }
0x12: {  	s1 =	sld [smem:$0x3F9B];
	s0 =	simm.s32 @p0 $0x1  }
0x13: {  	[smem:$0x3FB6] =	sst s0;
	s0 =	simm.s32 @!p1 $0x0  }
0x14: {  	s2 =	sld [smem:$0x3F9A];
	s0 =	simm.s32 @p1 $0x1  }
0x15: {  	[smem:$0x3FB7] =	sst s0;
	s0 =	simm.s32 @!p2 $0x0  }
0x16: {  	s3 =	sld [smem:$0x3FDB];
	s0 =	simm.s32 @p2 $0x1  }
0x17: {  	s4 =	simm.s32 $0x1BF5;
	[smem:$0x3FB9] =	sst s0  }
0x18: {  	s0 =	sld [smem:$0x3F9C];
	_ =	swait.ge [sflag:s4], $0x0  }
0x19: {  	s7 =	sld [smem:$0x3F9D]  }
0x1a: {  	s8 =	sadd.s32 $0xFFFFE003, lr  }
0x1b: {  	s9 =	sadd.s32 $0xFFFFFEF7, lr;
	s5 =	simm.s32 $0xFFFFFFFF;
	p2 =	slt.u32 s8, $0xFFFFF086  }
0x1c: {  	p1 =	slt.u32 s9, $0xF7A;
	s5 =	simm.s32 @!p2 $0x0  }
0x1d: {  	s5 =	simm.s32 @p1 $0x1;
	p0 =	seq.s32 s7, s2  }
0x1e: {  	s7 =	smul.u32 @!p0 $0xF7A, s2;
	p2 =	seq.s32 @!p0 s5, $0x0  }
0x1f: {  	s9 =	smul.u32 $0xF7A, s1;
	s8 =	simm.s32 @!p0 $0x1BF5;
	p2 =	por !p2, p0  }
0x20: {  	[sflag:s8] =	ssyncset.s32 @!p0 $0xFFFFF086;
	s6 =	sadd.s32 @!p0 s3, s7;
	s7 =	simm.s32 @!p0 $0x108  }
0x21: {  	s3 =	sadd.s32 s3, s9;
	s6 =	sadd.s32 @!p0 $0x88, s6;
	s7 =	simm.s32 @p2 $0x1082  }
0x22: {  	[simem:s7], [sflag:s8] =	dma.local @!p0 [hbm:s6], $0xF7A  }
0x23: {  	s9 =	sor.u32 $0xD0000000, s2;
	s6 =	simm.s32 $0x108;
	_ =	swait.ge @!p0 [sflag:s8], $0x0  }
0x24: {  	s3 =	sadd.s32 $0x88, s3;
	s6 =	simm.s32 @!p1 $0x1082;
	[sflag:s4] =	ssyncset.s32 $0xFFFFF086  }
0x25: {  	[simem:s6], [sflag:s4] =	dma.local [hbm:s3], $0xF7A  }
0x26: {  	[smem:$0x3F9D] =	sst s1;
	(tag) =	ssettag s2;
	_ =	strace s9  }
0x27: {  	s1 =	sld [smem:$0x3FAD]  }
0x28: {  	s2 =	sld [smem:$0x3FAE]  }
0x29: {  	s4 =	sld [smem:$0x3FB0]  }
0x2a: {  	p0 =	seq.s32 s5, $0x0;
	s5 =	sld [smem:$0x3FB1]  }
0x2b: {  	s6 =	sld [smem:$0x3FB2]  }
0x2c: {  	s7 =	sld [smem:$0x3FB3]  }
0x2d: {  	s3 =	simm.s32 $0x108;
	s8 =	sld [smem:$0x3FB4]  }
0x2e: {  	s3 =	simm.s32 @!p0 $0x1082;
	s9 =	sld [smem:$0x3FB5]  }
0x2f: {  	lr =	sadd.s32 s0, s3;
	s0 =	sld [smem:$0x3FAC]  }
0x30: {  	s3 =	sld [smem:$0x3FAF]  }
0x31: {  	[smem:$0x3FB8] =	sst s10  }
0x32: {  	s10 =	sld [smem:$0x3FB6];
	_ =	sdelay $0x3  }
0x33: {  	p0 =	seq.s32 s10, $0x1;
	s10 =	sld [smem:$0x3FB8];
	_ =	sdelay $0x3  }
0x34: {  	[smem:$0x3FB8] =	sst s10  }
0x35: {  	s10 =	sld [smem:$0x3FB7];
	_ =	sdelay $0x3  }
0x36: {  	p1 =	seq.s32 s10, $0x1;
	s10 =	sld [smem:$0x3FB8];
	_ =	sdelay $0x3  }
0x37: {  	[smem:$0x3FB8] =	sst s10  }
0x38: {  	s10 =	sld [smem:$0x3FB9]  }
0x39: {  	_ = 	snop;
	(pc) =	sbr.ind lr, $3  }
0x3a: {  	_ = 	snop  }
0x3b: {  	_ = 	snop  }
0x3c: {  	p2 =	seq.s32 s10, $0x1;
	s10 =	sld [smem:$0x3FB8]  }
0x3d: {  	_ =	shalt  }
0x3e: {  	_ =	shalt  }
0x3f: {  	_ =	shalt  }
0x40: {  	_ =	shalt  }
0x41: {  	_ =	shalt  }
0x42: {  	_ =	shalt  }
0x43: {  	_ =	shalt  }
0x44: {  	_ =	shalt  }
0x45: {  	_ =	shalt  }
0x46: {  	_ =	shalt  }
0x47: {  	_ =	shalt  }
0x48: {  	_ =	shalt  }
0x49: {  	_ =	shalt  }
0x4a: {  	_ =	shalt  }
0x4b: {  	_ =	shalt  }
0x4c: {  	_ =	shalt  }
0x4d: {  	_ =	shalt  }
0x4e: {  	_ =	shalt  }
0x4f: {  	_ =	shalt  }
0x50: {  	_ =	shalt  }
0x51: {  	_ =	shalt  }
0x52: {  	_ =	shalt  }
0x53: {  	_ =	shalt  }
0x54: {  	_ =	shalt  }
0x55: {  	_ =	shalt  }
0x56: {  	_ =	shalt  }
0x57: {  	_ =	shalt  }
0x58: {  	_ =	shalt  }
0x59: {  	_ =	shalt  }
0x5a: {  	_ =	shalt  }
0x5b: {  	_ =	shalt  }
0x5c: {  	_ =	shalt  }
0x5d: {  	_ =	shalt  }
0x5e: {  	_ =	shalt  }
0x5f: {  	_ =	shalt  }
0x60: {  	_ =	shalt  }
0x61: {  	_ =	shalt  }
0x62: {  	_ =	shalt  }
0x63: {  	_ =	shalt  }
0x64: {  	_ =	shalt  }
0x65: {  	_ =	shalt  }
0x66: {  	_ =	shalt  }
0x67: {  	_ =	shalt  }
0x68: {  	_ =	shalt  }
0x69: {  	_ =	shalt  }
0x6a: {  	_ =	shalt  }
0x6b: {  	_ =	shalt  }
0x6c: {  	_ =	shalt  }
0x6d: {  	_ =	shalt  }
0x6e: {  	_ =	shalt  }
0x6f: {  	_ =	shalt  }
0x70: {  	_ =	shalt  }
0x71: {  	_ =	shalt  }
0x72: {  	_ =	shalt  }
0x73: {  	_ =	shalt  }
0x74: {  	_ =	shalt  }
0x75: {  	_ =	shalt  }
0x76: {  	_ =	shalt  }
0x77: {  	_ =	shalt  }
0x78: {  	_ =	shalt  }
0x79: {  	_ =	shalt  }
0x7a: {  	_ =	shalt  }
0x7b: {  	_ =	shalt  }
0x7c: {  	_ =	shalt  }
0x7d: {  	_ =	shalt  }
0x7e: {  	_ =	shalt  }
0x7f: {  	_ =	shalt  }
0x80: {  	_ =	shalt  }
0x81: {  	_ =	shalt  }
0x82: {  	_ =	shalt  }
0x83: {  	_ =	shalt  }
0x84: {  	_ =	shalt  }
0x85: {  	_ =	shalt  }
0x86: {  	_ =	shalt  }
0x87: {  	_ =	shalt  }
.Lfunc_end0:
.L_simem_size_0:
called_computation.2_lowered:
.L_overlay_start_0:
0x88: {  	s2 =	sld [smem:$0x3FD9]  }
0x89: {  	s3 =	sld [smem:$0x3FFE];
	_ =	sdelay $0x1  }
0x8a: {  	s1 =	srdreg.scid  }
0x8b: {  	s0 =	sand.u32 $0x1, s1  }
0x8c: {  	s17 =	sshll.u32 s0, $0xA;
	s2 =	sadd.s32 s3, s2  }
0x8d: {  	s2 =	sadd.s32 s2, s17  }
0x8e: {  	[smem:$0x3FC4] =	sst s2  }
0x8f: {  	_ = 	snop  }
0x90: {  	s2 =	sld [smem:$0x3FD0];
	(tm) =	ssettm $0x1  }
0x91: {  	s18 =	sld [smem:$0x3FFB];
	_ =	sdelay $0x3  }
0x92: {  	_ =	strace s18  }
0x93: {  	s3 =	sld [smem:$0x3FFC];
	_ =	sdelay $0x3  }
0x94: {  	_ =	strace s3  }
0x95: {  	s3 =	sld [smem:$0x3FFD];
	_ =	sdelay $0x3  }
0x96: {  	_ =	strace s3  }
0x97: {  	_ =	strace $0x8FFFFFFF  }
0x98: {  	s19 =	sld [smem:$0x3FDB];
	_ =	sdelay $0x1  }
0x99: {  	s4 =	simm.s32 $_scs_section_size  }
0x9a: {  	s5 =	simm.s32 $_size__tile_overlayer_lowered;
	s6 =	simm.s32 $_tile_overlayer_lowered  }
0x9b: {  	s22 =	simm.s32 $0x1BFF;
	s21 =	sshll.u32 s6, $0x1;
	s3 =	sadd.s32 s4, s19  }
0x9c: {  	s7 =	simm.s32 $0x0;
	s20 =	sshll.u32 s5, $0x1;
	s5 =	sadd.s32 s21, s3  }
0x9d: {  	[timem:s7], [sflag:s22] =	dma.local [hbm:s5], s20  }
0x9e: {  	_ =	swait.ge [sflag:s22], s20  }
0x9f: {  	s4 =	ssub.s32 $0x0, s20;
	[sflag:s22] =	ssyncset.done $0x0  }
0xa0: {  	[sflag:s22] =	ssyncadd.s32 s4;
	_ =	sdelay $0x1  }
0xa1: {  	s23 =	simm.s32 $0x1B8B  }
0xa2: {  	_ =	swait.ge [sflag:s23], $0x1  }
0xa3: {  	[sflag:s23] =	ssyncset.done $0x0  }
0xa4: {  	s25 =	simm.s32 $0x1B8E;
	s24 =	sld [smem:$0x3FFE];
	[sflag:s23] =	ssyncadd.s32 $0xFFFFFFFF  }
0xa5: {  	s26 =	simm.s32 $execute0_lowered;
	[smem:$0x3FD2] =	sst s25  }
0xa6: {  	s5 =	sshll.u32 s26, $0x1;
	_ =	strace $0x8000004C;
	[dreg:$0x1] =	wrdreg $0xFFFFFFFF  }
0xa7: {  	s28 =	simm.s32 $_size_execute0_lowered;
	s3 =	sadd.s32 s3, s5;
	[dreg:$0x0] =	wrdreg $0x0  }
0xa8: {  	s5 =	sshll.u32 s28, $0x1;
	[dreg:$0x2] =	wrdreg s3  }
0xa9: {  	[dreg:$0x3] =	wrdreg s5  }
0xaa: {  	[dreg:$0x4] =	wrdreg $0xC0  }
0xab: {  	_ =	task [dreg:s7], $0x5FFFF  }
0xac: {  	[dreg:$0x1] =	wrdreg $0xFFFFFFFF  }
0xad: {  	[dreg:$0x0] =	wrdreg $0x60  }
0xae: {  	[dreg:$0x2] =	wrdreg s2  }
0xaf: {  	[dreg:$0x3] =	wrdreg s24  }
0xb0: {  	[dreg:$0x4] =	wrdreg $0x122400  }
0xb1: {  	[dreg:$0x5] =	wrdreg $0x86000  }
0xb2: {  	[dreg:$0x6] =	wrdreg $0x9  }
0xb3: {  	_ =	task.clear_ibuf [dreg:s7], $0x7FFFF;
	_ =	strace $0x9000004C  }
0xb4: {  	s29 =	simm.s32 $0x9;
	_ =	strace $0x8000004E  }
0xb5: {  	_ =	swait.ge [sflag:s29], $0x1  }
0xb6: {  	[sflag:s29] =	ssyncadd.s32 $0xFFFFFFFF  }
0xb7: {  	_ =	strace $0x9000004E  }
0xb8: {  	_ =	sfence  }
0xb9: {  	s30 =	sld [smem:$0x0];
	_ =	sdelay $0x2  }
0xba: {  	s31 =	sshll.u32 s1, $0xD;
	s1 =	sshrl.u32 s1, $0x2  }
0xbb: {  	s3 =	sand.u32 $0x4000, s31;
	s1 =	sadd.s32 s1, s30  }
0xbc: {  	s0 =	sor.u32 s3, s0;
	s1 =	sshll.u32 s1, $0x11  }
0xbd: {  	s0 =	sor.u32 s1, s0  }
0xbe: {  	s0 =	sadd.s32 $0x8F2B, s0  }
0xbf: {  	[sflag:s0] =	ssyncadd.remote.s32 $0x1  }
0xc0: {  	_ =	sfence.sel $0xFFFF  }
0xc1: {  	[dreg:$0x0] =	wrdreg $0xFFFFFFFF;
	(pc) =	sbr.abs _section_cstart, $3  }
0xc2: {  	[dreg:$0x1] =	wrdreg $0xFFFFFFFF  }
0xc3: {  	_ =	task.clear_ibuf [dreg:s7], $0x2FFFF;
	_ =	strace $0x9FFFFFFF  }
0xc4: {  	(tm) =	ssettm $0x7FFFFFFF  }
0xc5: {  	_ =	shalt  }
tec
execute0_lowered:
.L_overlay_start_1:
0x0: {  	(tag) =	ssettag $0x1  }
0x1: {  	s0 =	rddreg [dreg:$0x0]  }
0x2: {  	s1 =	rddreg [dreg:$0x1]  }
0x3: {  	s2 =	rddreg [dreg:$0x2]  }
0x4: {  	s3 =	rddreg [dreg:$0x3]  }
0x5: {  	s5 =	srdreg.scid;
	s14 =	stileid.u32  }
0x6: {  	s4 =	simm.s32 $0x0;
	s28 =	simm.s32 $0x600;
	s6 =	smul.u32 $0xA000, s14  }
0x7: {  	s29 =	simm.s32 $0x4;
	s30 =	simm.s32 $0x1;
	s10 =	smul.u32 $0x5000, s14  }
0x8: {  	s31 =	simm.s32 $0x80;
	s5 =	sand.u32 $0x1, s5;
	s21 =	smul.u32 $0x28000, s14  }
0x9: {  	[smem:$0x7FF] =	sst s4;
	s8 =	sadd.s32 $0xB200, s1;
	s25 =	smul.u32 $0x9C40, s14  }
0xa: {  	s12 =	sadd.s32 $0x1000, s1;
	s17 =	smul.u32 $0xA00, s14;
	s14 =	simm.s32 $0x180  }
0xb: {  	s7 =	smul.u32 $0xA0000, s5;
	_ =	strace $0x8000004D;
	s9 =	ssub.s32 $0x2, s5  }
0xc: {  	s5 =	smul.u32 $0x9C400, s5;
	s11 =	sshrl.u32 s9, $0x1;
	s19 =	sshrl.u32 s10, $0x3  }
0xd: {  	s23 =	sshrl.u32 s21, $0x2;
	s18 =	sadd.s32 s25, s3;
	s21 =	simm.s32 $0x300  }
0xe: {  	s7 =	sadd.s32 s6, s7;
	s10 =	sadd.s32 s8, s19;
	s20 =	sor.u32 $0x20, s19  }
0xf: {  	s13 =	sadd.s32 s12, s19;
	s5 =	sadd.s32 s25, s5;
	[dreg:$0x5] =	wrdreg s10  }
0x10: {  	s25 =	sadd.s32 s17, s8;
	s7 =	sshrl.u32 s7, $0x3;
	[dreg:$0x6] =	wrdreg s13  }
0x11: {  	s22 =	sadd.s32 s8, s20;
	s10 =	sadd.s32 s12, s20;
	s5 =	sshrl.u32 s5, $0x3  }
0x12: {  	s20 =	sadd.s32 $0x60, s25;
	s13 =	simm.s32 $0x400;
	[dreg:$0x7] =	wrdreg s22  }
0x13: {  	s1 =	sadd.s32 s7, s1;
	s7 =	ssub.s32 s9, s11;
	[dreg:$0x8] =	wrdreg s10  }
0x14: {  	s9 =	sor.u32 $0x40, s19;
	s10 =	sadd.s32 s23, s2;
	s0 =	sadd.s32 s0, s5  }
0x15: {  	s11 =	sadd.s32 s6, s2;
	s24 =	sadd.s32 s8, s9;
	[dreg:$0xf] =	wrdreg s0  }
0x16: {  	s5 =	simm.s32 $0x2;
	s9 =	sadd.s32 s12, s9;
	[dreg:$0x9] =	wrdreg s24  }
0x17: {  	s6 =	simm.s32 $0x380;
	s26 =	sadd.s32 $0x2000, s10;
	[dreg:$0xa] =	wrdreg s9  }
0x18: {  	s15 =	sadd.s32 $0x6000, s10;
	s16 =	sadd.s32 $0x8000, s10;
	[dreg:$0xb] =	wrdreg s26  }
0x19: {  	s22 =	sadd.s32 $0x15200, s1;
	s23 =	smax.u32 s7, $0x1;
	[dreg:$0xd] =	wrdreg s15  }
0x1a: {  	s0 =	simm.s32 $0x2600;
	s1 =	simm.s32 $0x6600;
	[dreg:$0xe] =	wrdreg s16  }
0x1b: {  	s7 =	simm.s32 $0x3;
	s8 =	simm.s32 $0x0;
	[dreg:$0x10] =	wrdreg s22  }
0x1c: {  	s9 =	sadd.s32 $0x4000, s10;
	[dreg:$0x11] =	wrdreg s23;
	s24 =	sadd.s32 s17, s12  }
0x1d: {  	s22 =	simm.s32 $0x100;
	s26 =	sshrl.u32 s18, $0x3;
	[dreg:$0xc] =	wrdreg s9  }
0x1e: {  	v0 =	vimm.f32 $0.0e+00;
	s19 =	sadd.s32 $0x60, s24;
	[dreg:$0x12] =	wrdreg s26;
	s24 =	simm.s32 $0x4600  }
.LBB2_1:
0x1f: {  	s9 =	rddreg [dreg:$0x5]  }
0x20: {  	s16 =	rddreg [dreg:$0x6]  }
0x21: {  	[tilespmem:s4], [sflag:$0x1] =	stream.linear.gather [hbm4b:s9+s4], $0x100, $0x38;
	[tilespmem:$0x1C240] =	vst v63  }
0x22: {  	s17 =	rddreg [dreg:$0x7]  }
0x23: {  	[tilespmem:s21], [sflag:$0x1] =	stream.linear.gather [hbm4b:s16+s4], $0x100, $0x38;
	[tilespmem:$0x1C240] =	vst v63  }
0x24: {  	s18 =	rddreg [dreg:$0x8]  }
0x25: {  	[tilespmem:s22], [sflag:$0x1] =	stream.linear.gather [hbm4b:s17+s4], $0x100, $0x38;
	[tilespmem:$0x1C240] =	vst v63  }
0x26: {  	s23 =	rddreg [dreg:$0x9]  }
0x27: {  	[tilespmem:s13], [sflag:$0x1] =	stream.linear.gather [hbm4b:s18+s4], $0x100, $0x38;
	[tilespmem:$0x1C240] =	vst v63  }
0x28: {  	s10 =	simm.s32 $0x200;
	s25 =	rddreg [dreg:$0xa]  }
0x29: {  	[tilespmem:s10], [sflag:$0x1] =	stream.linear.gather [hbm4b:s23+s4], $0x100, $0x38;
	[tilespmem:$0x1C240] =	vst v63  }
0x2a: {  	s26 =	simm.s32 $0x500;
	s9 =	simm.s32 $0x0;
	s10 =	simm.s32 $0x100  }
0x2b: {  	[tilespmem:s26], [sflag:$0x1] =	stream.linear.gather [hbm4b:s25+s4], $0x100, $0x38;
	[tilespmem:$0x1C240] =	vst v63  }
.LBB2_2:
0x2c: {  	p0 =	sne.s32 s10, $0x7F00;
	[tilespmem:s9+$0x630] =	vst v0;
	s12 =	smov.u32 s10;
	s10 =	sadd.s32 $0x100, s10  }
.Ltmp0:
0x2d: {  	[tilespmem:s9+$0x620] =	vst v0;
	(pc) =	sbr.rel @p0 .LBB2_2-.Ltmp0, $3  }
0x2e: {  	[tilespmem:s9+$0x600] =	vst v0  }
0x2f: {  	[tilespmem:s9+$0x610] =	vst v0;
	_ =	sdelay $0x1  }
0x30: {  	s9 =	sshra.s32 s12, $0x2  }
0x31: {  	[tilespmem:s9+$0x630] =	vst v0  }
0x32: {  	[tilespmem:s9+$0x620] =	vst v0  }
0x33: {  	[tilespmem:s9+$0x600] =	vst v0  }
0x34: {  	[tilespmem:s9+$0x610] =	vst v0  }
0x35: {  	[spmem:s11] =	stream.linear.scatter [tilespmem:s28], [sflag:$0x4], $0x2000, $0x38;
	[tilespmem:$0x1C240] =	vst v63  }
0x36: {  	_ =	swait.ge [sflag:s29], $0x2000  }
0x37: {  	[sflag:s29] =	ssyncset.done $0x0  }
0x38: {  	s25 =	rddreg [dreg:$0xb];
	[sflag:s29] =	ssyncadd.s32 $0xFFFFE000  }
0x39: {  	[spmem:s25] =	stream.linear.scatter [tilespmem:s28], [sflag:$0x4], $0x2000, $0x38;
	[tilespmem:$0x1C240] =	vst v63  }
0x3a: {  	_ =	swait.ge [sflag:s29], $0x2000  }
0x3b: {  	[sflag:s29] =	ssyncset.done $0x0  }
0x3c: {  	s26 =	rddreg [dreg:$0xc];
	[sflag:s29] =	ssyncadd.s32 $0xFFFFE000  }
0x3d: {  	[spmem:s26] =	stream.linear.scatter [tilespmem:s28], [sflag:$0x4], $0x2000, $0x38;
	[tilespmem:$0x1C240] =	vst v63  }
0x3e: {  	_ =	swait.ge [sflag:s29], $0x2000  }
0x3f: {  	[sflag:s29] =	ssyncset.done $0x0  }
0x40: {  	s10 =	rddreg [dreg:$0xd];
	[sflag:s29] =	ssyncadd.s32 $0xFFFFE000  }
0x41: {  	[spmem:s10] =	stream.linear.scatter [tilespmem:s28], [sflag:$0x4], $0x2000, $0x38;
	[tilespmem:$0x1C240] =	vst v63  }
0x42: {  	_ =	swait.ge [sflag:s29], $0x2000  }
0x43: {  	[sflag:s29] =	ssyncset.done $0x0  }
0x44: {  	s12 =	rddreg [dreg:$0xe];
	[sflag:s29] =	ssyncadd.s32 $0xFFFFE000  }
0x45: {  	[spmem:s12] =	stream.linear.scatter [tilespmem:s28], [sflag:$0x4], $0x2000, $0x38;
	[tilespmem:$0x1C240] =	vst v63  }
0x46: {  	s13 =	stileid.u32;
	_ =	swait.ge [sflag:s29], $0x2000  }
0x47: {  	s9 =	sshll.u32 s13, $0x6;
	[sflag:s29] =	ssyncset.done $0x0;
	s10 =	rddreg [dreg:$0xf]  }
0x48: {  	s9 =	sor.u32 $0x1C04, s9;
	s12 =	rddreg [dreg:$0x12];
	[sflag:s29] =	ssyncadd.s32 $0xFFFFE000  }
0x49: {  	[spmem:s12], [sflag:s9] =	dma.local [hbm:s10], $0x1388  }
0x4a: {  	_ =	swait.ge [sflag:s29], $0x1388  }
0x4b: {  	[sflag:s29] =	ssyncset.done $0x0  }
0x4c: {  	[sflag:s29] =	ssyncadd.s32 $0xFFFFEC78  }
0x4d: {  	[bflag:$0x0] =	sbarrier.arrive $0xFFFF  }
0x4e: {  	_ =	swait.ge [sflag:s30], $0x100  }
0x4f: {  	[sflag:s30] =	ssyncset.done $0x0  }
0x50: {  	[sflag:s30] =	ssyncadd.s32 $0xFFFFFF00  }
0x51: {  	_ =	swait.ge [sflag:s30], $0x100  }
0x52: {  	[sflag:s30] =	ssyncset.done $0x0  }
0x53: {  	[sflag:s30] =	ssyncadd.s32 $0xFFFFFF00  }
0x54: {  	[tilespmem:s28], [sflag:$0x2] =	stream.indirect.gather [spmem:s3], $0x40, s4, s31, $0xb8;
	[tilespmem:$0x1C240] =	vst v63  }
0x55: {  	_ = 	snop  }
0x56: {  	[tilespmem:s0], [sflag:$0x2] =	stream.indirect.gather [spmem:s3], $0x40, s31, s31, $0xb8;
	[tilespmem:$0x1C240] =	vst v63  }
0x57: {  	_ =	swait.ge [sflag:s30], $0x100  }
0x58: {  	[sflag:s30] =	ssyncset.done $0x0  }
0x59: {  	[sflag:s30] =	ssyncadd.s32 $0xFFFFFF00  }
0x5a: {  	_ =	swait.ge [sflag:s30], $0x100  }
0x5b: {  	[sflag:s30] =	ssyncset.done $0x0  }
0x5c: {  	[sflag:s30] =	ssyncadd.s32 $0xFFFFFF00  }
0x5d: {  	[tilespmem:s24], [sflag:$0x2] =	stream.indirect.gather [spmem:s3], $0x40, s22, s31, $0xb8;
	[tilespmem:$0x1C240] =	vst v63  }
0x5e: {  	_ = 	snop  }
0x5f: {  	[tilespmem:s1], [sflag:$0x2] =	stream.indirect.gather [spmem:s3], $0x40, s14, s31, $0xb8;
	[tilespmem:$0x1C240] =	vst v63  }
0x60: {  	_ =	swait.ge [sflag:s5], $0x2000  }
0x61: {  	s15 =	simm.s32 $0x3;
	[sflag:s5] =	ssyncset.done $0x0  }
0x62: {  	s13 =	smul.u32 $0xAB, s15;
	[sflag:s5] =	ssyncadd.s32 $0xFFFFE000  }
0x63: {  	[spmem:s2] =	stream.indirect.scatter.add.f32 [tilespmem:s28], [sflag:$0x3], $0x40, s21, s31, $0xb8;
	[tilespmem:$0x1C240] =	vst v63  }
0x64: {  	s17 =	sadd.s32 $0xFFFFFF55, s13;
	s13 =	sadd.s32 $0xFFFFFEAA, s13;
	_ =	swait.ge [sflag:s5], $0x2000  }
0x65: {  	s16 =	sand.u32 $0xFF, s15;
	s13 =	sshrl.u32 s13, $0x9;
	[sflag:s5] =	ssyncset.done $0x0  }
0x66: {  	s13 =	sand.u32 $0x7F, s13;
	s12 =	smul.u32 $0xAB, s16;
	[sflag:s5] =	ssyncadd.s32 $0xFFFFE000  }
0x67: {  	[spmem:s2] =	stream.indirect.scatter.add.f32 [tilespmem:s0], [sflag:$0x3], $0x40, s6, s31, $0xb8;
	[tilespmem:$0x1C240] =	vst v63  }
0x68: {  	s13 =	smul.u32 $0x3, s13;
	s12 =	sshrl.u32 s12, $0x9;
	_ =	swait.ge [sflag:s7], $0x2000  }
0x69: {  	s12 =	smul.u32 $0x3, s12;
	[sflag:s7] =	ssyncset.done $0x0  }
0x6a: {  	s15 =	simm.s32 $0x10000;
	[sflag:s7] =	ssyncadd.s32 $0xFFFFE000  }
0x6b: {  	s13 =	ssub.s32 $0x3, s13;
	s12 =	ssub.s32 $0x3, s12;
	_ =	swait.ge [sflag:s7], $0x2000  }
0x6c: {  	s13 =	sadd.s32 $0xFFFFFFFE, s13;
	s12 =	sand.u32 $0xFF, s12;
	[sflag:s7] =	ssyncset.done $0x0  }
0x6d: {  	s12 =	sshll.u32 s12, $0x8;
	s14 =	sshrl.u32 s17, $0x9;
	[sflag:s7] =	ssyncadd.s32 $0xFFFFE000  }
0x6e: {  	[tilespmem:s12], [sflag:$0x1] =	stream.linear.gather [hbm4b:s20+s4], $0x100, $0x38;
	[tilespmem:$0x1C240] =	vst v63  }
0x6f: {  	s13 =	sand.u32 $0xFF, s13;
	s14 =	sand.u32 $0x7F, s14;
	s12 =	sadd.s32 $0x300, s12  }
0x70: {  	[tilespmem:s12], [sflag:$0x1] =	stream.linear.gather [hbm4b:s19+s4], $0x100, $0x38;
	[tilespmem:$0x1C240] =	vst v63  }
0x71: {  	s10 =	simm.s32 $0x20000;
	s14 =	smul.u32 $0x3, s14;
	_ =	swait.ge [sflag:s30], $0x100  }
0x72: {  	s16 =	simm.s32 $0x5;
	s17 =	simm.s32 $0x8000;
	[sflag:s30] =	ssyncset.done $0x0  }
0x73: {  	s17 =	sand.u32 $0x4000, s17;
	s14 =	sxor.u32 $0xFFFFFFFF, s14;
	[sflag:s30] =	ssyncadd.s32 $0xFFFFFF00  }
0x74: {  	s18 =	sor.u32 $0x600, s17;
	s14 =	sadd.s32 $0x3, s14;
	_ =	swait.ge [sflag:s30], $0x100  }
0x75: {  	s17 =	sor.u32 $0x2600, s17;
	s14 =	sand.u32 $0xFF, s14;
	[sflag:s30] =	ssyncset.done $0x0  }
0x76: {  	s14 =	sshll.u32 s14, $0x8;
	s12 =	simm.s32 $0x4;
	[sflag:s30] =	ssyncadd.s32 $0xFFFFFF00  }
0x77: {  	[tilespmem:s18], [sflag:$0x2] =	stream.indirect.gather [spmem:s3], $0x40, s14, s31, $0xb8;
	[tilespmem:$0x1C240] =	vst v63  }
0x78: {  	s14 =	sor.u32 $0x80, s14;
	s18 =	sand.u32 $0x10000, s15;
	s15 =	sand.u32 $0xFF, s12  }
0x79: {  	[tilespmem:s17], [sflag:$0x2] =	stream.indirect.gather [spmem:s3], $0x40, s14, s31, $0xb8;
	[tilespmem:$0x1C240] =	vst v63  }
0x7a: {  	s23 =	sshrl.u32 s18, $0x2;
	s18 =	sshll.u32 s13, $0x8;
	_ =	swait.ge [sflag:s5], $0x2000  }
0x7b: {  	s13 =	sadd.s32 $0x20, s19;
	s25 =	sor.u32 $0x600, s23;
	[sflag:s5] =	ssyncset.done $0x0  }
0x7c: {  	s26 =	sadd.s32 $0x300, s18;
	s14 =	sadd.s32 $0x20, s20;
	[sflag:s5] =	ssyncadd.s32 $0xFFFFE000  }
0x7d: {  	[spmem:s2] =	stream.indirect.scatter.add.f32 [tilespmem:s25], [sflag:$0x3], $0x40, s26, s31, $0xb8;
	[tilespmem:$0x1C240] =	vst v63  }
0x7e: {  	s23 =	sor.u32 $0x2600, s23;
	s25 =	sadd.s32 $0x380, s18;
	_ =	swait.ge [sflag:s5], $0x2000  }
.LBB2_4:
0x7f: {  	[sflag:s5] =	ssyncset.done $0x0  }
0x80: {  	s10 =	sadd.s32 $0x10000, s10;
	s17 =	smov.u32 s16;
	s18 =	sadd.s32 $0x1, s16  }
0x81: {  	s26 =	smul.u32 $0xAB, s15;
	s15 =	sand.u32 $0xFF, s17;
	[sflag:s5] =	ssyncadd.s32 $0xFFFFE000  }
0x82: {  	[spmem:s2] =	stream.indirect.scatter.add.f32 [tilespmem:s23], [sflag:$0x3], $0x40, s25, s31, $0xb8;
	[tilespmem:$0x1C240] =	vst v63  }
0x83: {  	p0 =	sne.s32 s16, $0x4F;
	s16 =	sshrl.u32 s26, $0x9;
	_ =	swait.ge [sflag:s7], $0x2000  }
0x84: {  	s16 =	smul.u32 $0x3, s16;
	[sflag:s7] =	ssyncset.done $0x0  }
0x85: {  	[sflag:s7] =	ssyncadd.s32 $0xFFFFE000  }
0x86: {  	s16 =	ssub.s32 s12, s16;
	_ =	swait.ge [sflag:s7], $0x2000  }
0x87: {  	s23 =	smul.u32 $0xAB, s12;
	s16 =	sand.u32 $0xFF, s16;
	[sflag:s7] =	ssyncset.done $0x0  }
0x88: {  	s25 =	sadd.s32 $0xFFFF0000, s10;
	s16 =	sshll.u32 s16, $0x8;
	[sflag:s7] =	ssyncadd.s32 $0xFFFFE000  }
0x89: {  	[tilespmem:s16], [sflag:$0x1] =	stream.linear.gather [hbm4b:s14+s4], $0x100, $0x38;
	[tilespmem:$0x1C240] =	vst v63  }
0x8a: {  	s26 =	sadd.s32 $0xFFFFFF55, s23;
	s23 =	sadd.s32 $0xFFFFFEAA, s23;
	s16 =	sadd.s32 $0x300, s16  }
0x8b: {  	[tilespmem:s16], [sflag:$0x1] =	stream.linear.gather [hbm4b:s13+s4], $0x100, $0x38;
	[tilespmem:$0x1C240] =	vst v63  }
0x8c: {  	s23 =	sshrl.u32 s23, $0x9;
	s16 =	sshrl.u32 s26, $0x9;
	_ =	swait.ge [sflag:s30], $0x100  }
0x8d: {  	s23 =	sand.u32 $0x7F, s23;
	s16 =	sand.u32 $0x7F, s16;
	[sflag:s30] =	ssyncset.done $0x0  }
0x8e: {  	s26 =	sshrl.u32 s10, $0x2;
	s16 =	smul.u32 $0x3, s16;
	[sflag:s30] =	ssyncadd.s32 $0xFFFFFF00  }
0x8f: {  	s23 =	smul.u32 $0x3, s23;
	s26 =	sand.u32 $0x4000, s26;
	_ =	swait.ge [sflag:s30], $0x100  }
0x90: {  	s25 =	sand.u32 $0x10000, s25;
	s16 =	sxor.u32 $0xFFFFFFFF, s16;
	[sflag:s30] =	ssyncset.done $0x0  }
0x91: {  	s16 =	sadd.s32 s12, s16;
	s12 =	ssub.s32 s12, s23;
	[sflag:s30] =	ssyncadd.s32 $0xFFFFFF00  }
0x92: {  	s23 =	sshrl.u32 s25, $0x2;
	s16 =	sand.u32 $0xFF, s16;
	s12 =	sadd.s32 $0xFFFFFFFE, s12  }
0x93: {  	s25 =	sor.u32 $0x600, s26;
	s16 =	sshll.u32 s16, $0x8;
	s12 =	sand.u32 $0xFF, s12  }
0x94: {  	[tilespmem:s25], [sflag:$0x2] =	stream.indirect.gather [spmem:s3], $0x40, s16, s31, $0xb8;
	[tilespmem:$0x1C240] =	vst v63  }
0x95: {  	s25 =	sor.u32 $0x2600, s26;
	s16 =	sor.u32 $0x80, s16;
	s26 =	sshll.u32 s12, $0x8  }
0x96: {  	[tilespmem:s25], [sflag:$0x2] =	stream.indirect.gather [spmem:s3], $0x40, s16, s31, $0xb8;
	[tilespmem:$0x1C240] =	vst v63  }
0x97: {  	s16 =	sor.u32 $0x600, s23  }
.Ltmp1:
0x98: {  	s25 =	sadd.s32 $0x300, s26;
	_ =	swait.ge [sflag:s5], $0x2000;
	(pc) =	sbr.rel @p0 .LBB2_4-.Ltmp1, $4  }
0x99: {  	s14 =	sadd.s32 $0x20, s14;
	s12 =	smov.u32 s17;
	[sflag:s5] =	ssyncset.done $0x0  }
0x9a: {  	s13 =	sadd.s32 $0x20, s13;
	s23 =	sor.u32 $0x2600, s23;
	[sflag:s5] =	ssyncadd.s32 $0xFFFFE000  }
0x9b: {  	[spmem:s2] =	stream.indirect.scatter.add.f32 [tilespmem:s16], [sflag:$0x3], $0x40, s25, s31, $0xb8;
	[tilespmem:$0x1C240] =	vst v63  }
0x9c: {  	s25 =	sadd.s32 $0x380, s26;
	s16 =	smov.u32 s18;
	_ =	swait.ge [sflag:s5], $0x2000  }
0x9d: {  	[sflag:s5] =	ssyncset.done $0x0  }
0x9e: {  	s15 =	smul.u32 $0xAB, s15;
	[sflag:s5] =	ssyncadd.s32 $0xFFFFE000  }
0x9f: {  	[spmem:s2] =	stream.indirect.scatter.add.f32 [tilespmem:s23], [sflag:$0x3], $0x40, s25, s31, $0xb8;
	[tilespmem:$0x1C240] =	vst v63  }
0xa0: {  	s15 =	sshrl.u32 s15, $0x9;
	_ =	swait.ge [sflag:s7], $0x2000  }
0xa1: {  	s15 =	smul.u32 $0x3, s15;
	[sflag:s7] =	ssyncset.done $0x0  }
0xa2: {  	[sflag:s7] =	ssyncadd.s32 $0xFFFFE000  }
0xa3: {  	s16 =	smul.u32 $0xAB, s12;
	s15 =	ssub.s32 s12, s15;
	_ =	swait.ge [sflag:s7], $0x2000  }
0xa4: {  	s15 =	sand.u32 $0xFF, s15;
	[sflag:s7] =	ssyncset.done $0x0  }
0xa5: {  	s17 =	sadd.s32 $0xFFFFFF55, s16;
	s15 =	sshll.u32 s15, $0x8;
	[sflag:s7] =	ssyncadd.s32 $0xFFFFE000  }
0xa6: {  	[tilespmem:s15], [sflag:$0x1] =	stream.linear.gather [hbm4b:s14+s4], $0x100, $0x38;
	[tilespmem:$0x1C240] =	vst v63  }
0xa7: {  	s10 =	sadd.s32 $0x10000, s10;
	s18 =	sshrl.u32 s17, $0x9;
	s15 =	sadd.s32 $0x300, s15  }
0xa8: {  	[tilespmem:s15], [sflag:$0x1] =	stream.linear.gather [hbm4b:s13+s4], $0x100, $0x38;
	[tilespmem:$0x1C240] =	vst v63  }
0xa9: {  	s23 =	sadd.s32 $0xFFFFFEAA, s16;
	s25 =	sshrl.u32 s10, $0x2;
	s13 =	sand.u32 $0x7F, s18  }
0xaa: {  	s14 =	sshrl.u32 s23, $0x9;
	_ =	swait.ge [sflag:s30], $0x100;
	s13 =	smul.u32 $0x3, s13  }
0xab: {  	s10 =	sadd.s32 $0xFFFF0000, s10;
	s14 =	sand.u32 $0x7F, s14;
	[sflag:s30] =	ssyncset.done $0x0  }
0xac: {  	s15 =	sand.u32 $0x4000, s25;
	[sflag:s30] =	ssyncadd.s32 $0xFFFFFF00;
	s13 =	sxor.u32 $0xFFFFFFFF, s13  }
0xad: {  	s14 =	smul.u32 $0x3, s14;
	_ =	swait.ge [sflag:s30], $0x100;
	s13 =	sadd.s32 s12, s13  }
0xae: {  	s26 =	sor.u32 $0x600, s15;
	[sflag:s30] =	ssyncset.done $0x0;
	s13 =	sand.u32 $0xFF, s13  }
0xaf: {  	s14 =	ssub.s32 s12, s14;
	[sflag:s30] =	ssyncadd.s32 $0xFFFFFF00;
	s13 =	sshll.u32 s13, $0x8  }
0xb0: {  	[tilespmem:s26], [sflag:$0x2] =	stream.indirect.gather [spmem:s3], $0x40, s13, s31, $0xb8;
	[tilespmem:$0x1C240] =	vst v63  }
0xb1: {  	s15 =	sor.u32 $0x2600, s15;
	s12 =	sadd.s32 $0xFFFFFFFE, s14;
	s13 =	sor.u32 $0x80, s13  }
0xb2: {  	[tilespmem:s15], [sflag:$0x2] =	stream.indirect.gather [spmem:s3], $0x40, s13, s31, $0xb8;
	[tilespmem:$0x1C240] =	vst v63  }
0xb3: {  	s10 =	sand.u32 $0x10000, s10;
	s12 =	sand.u32 $0xFF, s12;
	_ =	swait.ge [sflag:s5], $0x2000  }
0xb4: {  	s10 =	sshrl.u32 s10, $0x2;
	s12 =	sshll.u32 s12, $0x8;
	[sflag:s5] =	ssyncset.done $0x0  }
0xb5: {  	s16 =	sor.u32 $0x600, s10;
	s17 =	sadd.s32 $0x300, s12;
	[sflag:s5] =	ssyncadd.s32 $0xFFFFE000  }
0xb6: {  	[spmem:s2] =	stream.indirect.scatter.add.f32 [tilespmem:s16], [sflag:$0x3], $0x40, s17, s31, $0xb8;
	[tilespmem:$0x1C240] =	vst v63  }
0xb7: {  	_ =	swait.ge [sflag:s5], $0x2000  }
0xb8: {  	[sflag:s5] =	ssyncset.done $0x0  }
0xb9: {  	s10 =	sor.u32 $0x2600, s10;
	s12 =	sadd.s32 $0x380, s12;
	[sflag:s5] =	ssyncadd.s32 $0xFFFFE000  }
0xba: {  	[spmem:s2] =	stream.indirect.scatter.add.f32 [tilespmem:s10], [sflag:$0x3], $0x40, s12, s31, $0xb8;
	[tilespmem:$0x1C240] =	vst v63  }
0xbb: {  	_ =	swait.ge [sflag:s7], $0x2000  }
0xbc: {  	[sflag:s7] =	ssyncset.done $0x0  }
0xbd: {  	[sflag:s7] =	ssyncadd.s32 $0xFFFFE000  }
0xbe: {  	_ =	swait.ge [sflag:s7], $0x2000  }
0xbf: {  	[sflag:s7] =	ssyncset.done $0x0  }
0xc0: {  	[sflag:s7] =	ssyncadd.s32 $0xFFFFE000  }
0xc1: {  	_ =	swait.ge [sflag:s30], $0x100  }
0xc2: {  	[sflag:s30] =	ssyncset.done $0x0  }
0xc3: {  	[sflag:s30] =	ssyncadd.s32 $0xFFFFFF00  }
0xc4: {  	_ =	swait.ge [sflag:s30], $0x100  }
0xc5: {  	[sflag:s30] =	ssyncset.done $0x0  }
0xc6: {  	[sflag:s30] =	ssyncadd.s32 $0xFFFFFF00  }
0xc7: {  	[tilespmem:s24], [sflag:$0x2] =	stream.indirect.gather [spmem:s3], $0x40, s22, s31, $0xb8;
	[tilespmem:$0x1C240] =	vst v63  }
0xc8: {  	s14 =	simm.s32 $0x180  }
0xc9: {  	[tilespmem:s1], [sflag:$0x2] =	stream.indirect.gather [spmem:s3], $0x40, s14, s31, $0xb8;
	[tilespmem:$0x1C240] =	vst v63  }
0xca: {  	_ =	swait.ge [sflag:s5], $0x2000  }
0xcb: {  	[sflag:s5] =	ssyncset.done $0x0  }
0xcc: {  	[sflag:s5] =	ssyncadd.s32 $0xFFFFE000  }
0xcd: {  	[spmem:s2] =	stream.indirect.scatter.add.f32 [tilespmem:s28], [sflag:$0x3], $0x40, s21, s31, $0xb8;
	[tilespmem:$0x1C240] =	vst v63  }
0xce: {  	_ =	swait.ge [sflag:s5], $0x2000  }
0xcf: {  	[sflag:s5] =	ssyncset.done $0x0  }
0xd0: {  	[sflag:s5] =	ssyncadd.s32 $0xFFFFE000  }
0xd1: {  	[spmem:s2] =	stream.indirect.scatter.add.f32 [tilespmem:s0], [sflag:$0x3], $0x40, s6, s31, $0xb8;
	[tilespmem:$0x1C240] =	vst v63  }
0xd2: {  	_ =	swait.ge [sflag:s7], $0x2000  }
0xd3: {  	[sflag:s7] =	ssyncset.done $0x0  }
0xd4: {  	[sflag:s7] =	ssyncadd.s32 $0xFFFFE000  }
0xd5: {  	_ =	swait.ge [sflag:s7], $0x2000  }
0xd6: {  	[sflag:s7] =	ssyncset.done $0x0  }
0xd7: {  	[sflag:s7] =	ssyncadd.s32 $0xFFFFE000  }
0xd8: {  	_ =	swait.ge [sflag:s5], $0x2000  }
0xd9: {  	[sflag:s5] =	ssyncset.done $0x0  }
0xda: {  	s13 =	simm.s32 $0x400;
	[sflag:s5] =	ssyncadd.s32 $0xFFFFE000  }
0xdb: {  	[spmem:s2] =	stream.indirect.scatter.add.f32 [tilespmem:s24], [sflag:$0x3], $0x40, s13, s31, $0xb8;
	[tilespmem:$0x1C240] =	vst v63  }
0xdc: {  	_ =	swait.ge [sflag:s5], $0x2000  }
0xdd: {  	[sflag:s5] =	ssyncset.done $0x0  }
0xde: {  	s18 =	simm.s32 $0x480;
	[sflag:s5] =	ssyncadd.s32 $0xFFFFE000  }
0xdf: {  	[spmem:s2] =	stream.indirect.scatter.add.f32 [tilespmem:s1], [sflag:$0x3], $0x40, s18, s31, $0xb8;
	[tilespmem:$0x1C240] =	vst v63  }
0xe0: {  	_ =	swait.ge [sflag:s7], $0x2000  }
0xe1: {  	[sflag:s7] =	ssyncset.done $0x0  }
0xe2: {  	[sflag:s7] =	ssyncadd.s32 $0xFFFFE000  }
0xe3: {  	_ =	swait.ge [sflag:s7], $0x2000  }
0xe4: {  	[sflag:s7] =	ssyncset.done $0x0  }
0xe5: {  	[sflag:s7] =	ssyncadd.s32 $0xFFFFE000  }
0xe6: {  	[bflag:$0x0] =	sbarrier.arrive $0xFFFF  }
0xe7: {  	s23 =	sshrl.u32 s11, $0x3;
	s25 =	rddreg [dreg:$0x10]  }
0xe8: {  	[hbm:s25], [sflag:s9] =	dma.local [spmem:s23], $0x1400  }
0xe9: {  	_ =	swait.ge [sflag:s29], $0x1400  }
0xea: {  	s8 =	sadd.s32 $0x1, s8;
	s26 =	rddreg [dreg:$0x11]  }
0xeb: {  	p0 =	sne.s32 s8, s26  }
.Ltmp2:
0xec: {  	_ = 	snop;
	(pc) =	sbr.rel @p0 .LBB2_1-.Ltmp2, $3  }
0xed: {  	_ =	sdelay $0x1  }
0xee: {  	[sflag:s29] =	ssyncset.done $0x0  }
0xef: {  	[sflag:s29] =	ssyncadd.s32 $0xFFFFEC00  }
0xf0: {  	_ =	sfence.sel $0x180000  }
0xf1: {  	[bflag:$0x0] =	sbarrier.arrive $0xFFFF  }
0xf2: {  	_ =	strace $0x9000004D  }
0xf3: {  	s0 =	stileid.u32;
	[bflag:$0x2] =	sbarrier.arrive $0xFFFF  }
0xf4: {  	p0 =	sne.s32 s0, $0x0;
	s0 =	rddreg [dreg:$0x4]  }
0xf5: {  	s0 =	sadd.s32 @!p0 $0x100000, s0  }
0xf6: {  	[sflag:s0] =	ssyncadd.tile.s32 @!p0 $0x1;
	_ =	shalt  }
.Lfunc_end2:
_tile_overlayer_lowered:
.L_overlay_start_2:
0xf7: {  	(tag) =	ssettag $0x2  }
0xf8: {  	s0 =	rddreg [dreg:$0x0];
	s2 =	stileid.u32  }
0xf9: {  	s1 =	rddreg [dreg:$0x1];
	p0 =	sne.s32 s2, $0x0  }
0xfa: {  	s3 =	rddreg [dreg:$0x2];
	[bflag:$0x3] =	sbarrier.arrive $0xFFFF;
	s2 =	simm.s32 @!p0 $0x1C04  }
0xfb: {  	[timem:s3], [sflag:s2] =	dma.local @!p0 [hbm:s0], s1  }
0xfc: {  	s0 =	simm.s32 @!p0 $0x4  }
0xfd: {  	_ =	swait.ge @!p0 [sflag:s0], s1  }
0xfe: {  	s1 =	ssub.s32 @!p0 $0x0, s1;
	[sflag:s0] =	ssyncset.done @!p0 $0x0  }
0xff: {  	[sflag:s0] =	ssyncadd.s32 @!p0 s1  }
0x100: {  	[bflag:$0x3] =	sbarrier.arrive $0xFFFF  }
0x101: {  	_ =	shalt  }

// kernel: kernel.7.cloned.1.call-start
scs
__scs_entry_jumppad:
0x0: {  	(pc) =	sbr.rel $0x88, $3  }
0x1: {  	(tag) =	ssettag $0x0;
	lr =	simm.s32 $0x1  }
0x2: {  	[smem:$0x3F9D] =	sst lr;
	_ =	strace $0xD0000000  }
0x3: {  	_ = 	snop  }
0x4: {  	_ = 	snop  }
0x5: {  	_ = 	snop  }
0x6: {  	_ = 	snop  }
0x7: {  	_ = 	snop  }
__scs_overlays_trampoline_lowered:
0x8: {  	[smem:$0x3FAC] =	sst s0  }
0x9: {  	[smem:$0x3FAD] =	sst s1  }
0xa: {  	[smem:$0x3FAE] =	sst s2  }
0xb: {  	[smem:$0x3FAF] =	sst s3  }
0xc: {  	[smem:$0x3FB0] =	sst s4  }
0xd: {  	[smem:$0x3FB1] =	sst s5  }
0xe: {  	[smem:$0x3FB2] =	sst s6  }
0xf: {  	[smem:$0x3FB3] =	sst s7  }
0x10: {  	[smem:$0x3FB4] =	sst s8  }
0x11: {  	[smem:$0x3FB5] =	sst s9;
	s0 =	simm.s32 @!p0 $0x0  }
0x12: {  	s1 =	sld [smem:$0x3F9B];
	s0 =	simm.s32 @p0 $0x1  }
0x13: {  	[smem:$0x3FB6] =	sst s0;
	s0 =	simm.s32 @!p1 $0x0  }
0x14: {  	s2 =	sld [smem:$0x3F9A];
	s0 =	simm.s32 @p1 $0x1  }
0x15: {  	[smem:$0x3FB7] =	sst s0;
	s0 =	simm.s32 @!p2 $0x0  }
0x16: {  	s3 =	sld [smem:$0x3FDB];
	s0 =	simm.s32 @p2 $0x1  }
0x17: {  	s4 =	simm.s32 $0x1BF5;
	[smem:$0x3FB9] =	sst s0  }
0x18: {  	s0 =	sld [smem:$0x3F9C];
	_ =	swait.ge [sflag:s4], $0x0  }
0x19: {  	s7 =	sld [smem:$0x3F9D]  }
0x1a: {  	s8 =	sadd.s32 $0xFFFFE003, lr  }
0x1b: {  	s9 =	sadd.s32 $0xFFFFFEF7, lr;
	s5 =	simm.s32 $0xFFFFFFFF;
	p2 =	slt.u32 s8, $0xFFFFF086  }
0x1c: {  	p1 =	slt.u32 s9, $0xF7A;
	s5 =	simm.s32 @!p2 $0x0  }
0x1d: {  	s5 =	simm.s32 @p1 $0x1;
	p0 =	seq.s32 s7, s2  }
0x1e: {  	s7 =	smul.u32 @!p0 $0xF7A, s2;
	p2 =	seq.s32 @!p0 s5, $0x0  }
0x1f: {  	s9 =	smul.u32 $0xF7A, s1;
	s8 =	simm.s32 @!p0 $0x1BF5;
	p2 =	por !p2, p0  }
0x20: {  	[sflag:s8] =	ssyncset.s32 @!p0 $0xFFFFF086;
	s6 =	sadd.s32 @!p0 s3, s7;
	s7 =	simm.s32 @!p0 $0x108  }
0x21: {  	s3 =	sadd.s32 s3, s9;
	s6 =	sadd.s32 @!p0 $0x88, s6;
	s7 =	simm.s32 @p2 $0x1082  }
0x22: {  	[simem:s7], [sflag:s8] =	dma.local @!p0 [hbm:s6], $0xF7A  }
0x23: {  	s9 =	sor.u32 $0xD0000000, s2;
	s6 =	simm.s32 $0x108;
	_ =	swait.ge @!p0 [sflag:s8], $0x0  }
0x24: {  	s3 =	sadd.s32 $0x88, s3;
	s6 =	simm.s32 @!p1 $0x1082;
	[sflag:s4] =	ssyncset.s32 $0xFFFFF086  }
0x25: {  	[simem:s6], [sflag:s4] =	dma.local [hbm:s3], $0xF7A  }
0x26: {  	[smem:$0x3F9D] =	sst s1;
	(tag) =	ssettag s2;
	_ =	strace s9  }
0x27: {  	s1 =	sld [smem:$0x3FAD]  }
0x28: {  	s2 =	sld [smem:$0x3FAE]  }
0x29: {  	s4 =	sld [smem:$0x3FB0]  }
0x2a: {  	p0 =	seq.s32 s5, $0x0;
	s5 =	sld [smem:$0x3FB1]  }
0x2b: {  	s6 =	sld [smem:$0x3FB2]  }
0x2c: {  	s7 =	sld [smem:$0x3FB3]  }
0x2d: {  	s3 =	simm.s32 $0x108;
	s8 =	sld [smem:$0x3FB4]  }
0x2e: {  	s3 =	simm.s32 @!p0 $0x1082;
	s9 =	sld [smem:$0x3FB5]  }
0x2f: {  	lr =	sadd.s32 s0, s3;
	s0 =	sld [smem:$0x3FAC]  }
0x30: {  	s3 =	sld [smem:$0x3FAF]  }
0x31: {  	[smem:$0x3FB8] =	sst s10  }
0x32: {  	s10 =	sld [smem:$0x3FB6];
	_ =	sdelay $0x3  }
0x33: {  	p0 =	seq.s32 s10, $0x1;
	s10 =	sld [smem:$0x3FB8];
	_ =	sdelay $0x3  }
0x34: {  	[smem:$0x3FB8] =	sst s10  }
0x35: {  	s10 =	sld [smem:$0x3FB7];
	_ =	sdelay $0x3  }
0x36: {  	p1 =	seq.s32 s10, $0x1;
	s10 =	sld [smem:$0x3FB8];
	_ =	sdelay $0x3  }
0x37: {  	[smem:$0x3FB8] =	sst s10  }
0x38: {  	s10 =	sld [smem:$0x3FB9]  }
0x39: {  	_ = 	snop;
	(pc) =	sbr.ind lr, $3  }
0x3a: {  	_ = 	snop  }
0x3b: {  	_ = 	snop  }
0x3c: {  	p2 =	seq.s32 s10, $0x1;
	s10 =	sld [smem:$0x3FB8]  }
0x3d: {  	_ =	shalt  }
0x3e: {  	_ =	shalt  }
0x3f: {  	_ =	shalt  }
0x40: {  	_ =	shalt  }
0x41: {  	_ =	shalt  }
0x42: {  	_ =	shalt  }
0x43: {  	_ =	shalt  }
0x44: {  	_ =	shalt  }
0x45: {  	_ =	shalt  }
0x46: {  	_ =	shalt  }
0x47: {  	_ =	shalt  }
0x48: {  	_ =	shalt  }
0x49: {  	_ =	shalt  }
0x4a: {  	_ =	shalt  }
0x4b: {  	_ =	shalt  }
0x4c: {  	_ =	shalt  }
0x4d: {  	_ =	shalt  }
0x4e: {  	_ =	shalt  }
0x4f: {  	_ =	shalt  }
0x50: {  	_ =	shalt  }
0x51: {  	_ =	shalt  }
0x52: {  	_ =	shalt  }
0x53: {  	_ =	shalt  }
0x54: {  	_ =	shalt  }
0x55: {  	_ =	shalt  }
0x56: {  	_ =	shalt  }
0x57: {  	_ =	shalt  }
0x58: {  	_ =	shalt  }
0x59: {  	_ =	shalt  }
0x5a: {  	_ =	shalt  }
0x5b: {  	_ =	shalt  }
0x5c: {  	_ =	shalt  }
0x5d: {  	_ =	shalt  }
0x5e: {  	_ =	shalt  }
0x5f: {  	_ =	shalt  }
0x60: {  	_ =	shalt  }
0x61: {  	_ =	shalt  }
0x62: {  	_ =	shalt  }
0x63: {  	_ =	shalt  }
0x64: {  	_ =	shalt  }
0x65: {  	_ =	shalt  }
0x66: {  	_ =	shalt  }
0x67: {  	_ =	shalt  }
0x68: {  	_ =	shalt  }
0x69: {  	_ =	shalt  }
0x6a: {  	_ =	shalt  }
0x6b: {  	_ =	shalt  }
0x6c: {  	_ =	shalt  }
0x6d: {  	_ =	shalt  }
0x6e: {  	_ =	shalt  }
0x6f: {  	_ =	shalt  }
0x70: {  	_ =	shalt  }
0x71: {  	_ =	shalt  }
0x72: {  	_ =	shalt  }
0x73: {  	_ =	shalt  }
0x74: {  	_ =	shalt  }
0x75: {  	_ =	shalt  }
0x76: {  	_ =	shalt  }
0x77: {  	_ =	shalt  }
0x78: {  	_ =	shalt  }
0x79: {  	_ =	shalt  }
0x7a: {  	_ =	shalt  }
0x7b: {  	_ =	shalt  }
0x7c: {  	_ =	shalt  }
0x7d: {  	_ =	shalt  }
0x7e: {  	_ =	shalt  }
0x7f: {  	_ =	shalt  }
0x80: {  	_ =	shalt  }
0x81: {  	_ =	shalt  }
0x82: {  	_ =	shalt  }
0x83: {  	_ =	shalt  }
0x84: {  	_ =	shalt  }
0x85: {  	_ =	shalt  }
0x86: {  	_ =	shalt  }
0x87: {  	_ =	shalt  }
.Lfunc_end0:
.L_simem_size_0:
called_computation_lowered:
.L_overlay_start_0:
0x88: {  	s2 =	sld [smem:$0x3FD9]  }
0x89: {  	s3 =	sld [smem:$0x3FFE];
	_ =	sdelay $0x1  }
0x8a: {  	s1 =	srdreg.scid  }
0x8b: {  	s0 =	sand.u32 $0x1, s1  }
0x8c: {  	s16 =	sshll.u32 s0, $0xA;
	s2 =	sadd.s32 s3, s2  }
0x8d: {  	s2 =	sadd.s32 s2, s16  }
0x8e: {  	[smem:$0x3FC4] =	sst s2  }
0x8f: {  	_ = 	snop  }
0x90: {  	(tm) =	ssettm $0x1  }
0x91: {  	s17 =	sld [smem:$0x3FFB];
	_ =	sdelay $0x3  }
0x92: {  	_ =	strace s17  }
0x93: {  	s2 =	sld [smem:$0x3FFC];
	_ =	sdelay $0x3  }
0x94: {  	_ =	strace s2  }
0x95: {  	s2 =	sld [smem:$0x3FFD];
	_ =	sdelay $0x3  }
0x96: {  	_ =	strace s2  }
0x97: {  	_ =	strace $0x8FFFFFFF  }
0x98: {  	s18 =	sld [smem:$0x3FDB];
	_ =	sdelay $0x1  }
0x99: {  	s19 =	simm.s32 $_scs_section_size  }
0x9a: {  	s4 =	simm.s32 $_size__tile_overlayer_lowered;
	s5 =	simm.s32 $_tile_overlayer_lowered  }
0x9b: {  	s22 =	simm.s32 $0x1BFF;
	s21 =	sshll.u32 s5, $0x1;
	s2 =	sadd.s32 s19, s18  }
0x9c: {  	s6 =	simm.s32 $0x0;
	s20 =	sshll.u32 s4, $0x1;
	s4 =	sadd.s32 s21, s2  }
0x9d: {  	[timem:s6], [sflag:s22] =	dma.local [hbm:s4], s20  }
0x9e: {  	_ =	swait.ge [sflag:s22], s20  }
0x9f: {  	s3 =	ssub.s32 $0x0, s20;
	[sflag:s22] =	ssyncset.done $0x0  }
0xa0: {  	[sflag:s22] =	ssyncadd.s32 s3;
	_ =	sdelay $0x1  }
0xa1: {  	s23 =	simm.s32 $0x1B8B  }
0xa2: {  	_ =	swait.ge [sflag:s23], $0x1  }
0xa3: {  	[sflag:s23] =	ssyncset.done $0x0  }
0xa4: {  	s25 =	simm.s32 $0x1B8E;
	s24 =	sld [smem:$0x3FFE];
	[sflag:s23] =	ssyncadd.s32 $0xFFFFFFFF  }
0xa5: {  	s26 =	simm.s32 $execute0_lowered;
	[smem:$0x3FD2] =	sst s25  }
0xa6: {  	s4 =	sshll.u32 s26, $0x1;
	_ =	strace $0x80000046;
	[dreg:$0x1] =	wrdreg $0xFFFFFFFF  }
0xa7: {  	s28 =	simm.s32 $_size_execute0_lowered;
	s2 =	sadd.s32 s2, s4;
	[dreg:$0x0] =	wrdreg $0x0  }
0xa8: {  	s4 =	sshll.u32 s28, $0x1;
	[dreg:$0x2] =	wrdreg s2  }
0xa9: {  	[dreg:$0x3] =	wrdreg s4  }
0xaa: {  	[dreg:$0x4] =	wrdreg $0xC0  }
0xab: {  	_ =	task [dreg:s6], $0x5FFFF  }
0xac: {  	[dreg:$0x1] =	wrdreg $0xFFFFFFFF  }
0xad: {  	[dreg:$0x0] =	wrdreg $0x60  }
0xae: {  	[dreg:$0x2] =	wrdreg s24  }
0xaf: {  	[dreg:$0x3] =	wrdreg $0x9  }
0xb0: {  	_ =	task.clear_ibuf [dreg:s6], $0x4FFFF;
	_ =	strace $0x90000046  }
0xb1: {  	s29 =	simm.s32 $0x9;
	_ =	strace $0x80000048  }
0xb2: {  	_ =	swait.ge [sflag:s29], $0x1  }
0xb3: {  	[sflag:s29] =	ssyncadd.s32 $0xFFFFFFFF  }
0xb4: {  	_ =	strace $0x90000048  }
0xb5: {  	_ =	sfence  }
0xb6: {  	s30 =	sld [smem:$0x0];
	_ =	sdelay $0x2  }
0xb7: {  	s31 =	sshll.u32 s1, $0xD;
	s1 =	sshrl.u32 s1, $0x2  }
0xb8: {  	s3 =	sand.u32 $0x4000, s31;
	s1 =	sadd.s32 s1, s30  }
0xb9: {  	s0 =	sor.u32 s3, s0;
	s1 =	sshll.u32 s1, $0x11  }
0xba: {  	s0 =	sor.u32 s1, s0  }
0xbb: {  	s0 =	sadd.s32 $0x8F2B, s0  }
0xbc: {  	[sflag:s0] =	ssyncadd.remote.s32 $0x1  }
0xbd: {  	_ =	sfence.sel $0xFFFF  }
0xbe: {  	[dreg:$0x0] =	wrdreg $0xFFFFFFFF;
	(pc) =	sbr.abs _section_cstart, $3  }
0xbf: {  	[dreg:$0x1] =	wrdreg $0xFFFFFFFF  }
0xc0: {  	_ =	task.clear_ibuf [dreg:s6], $0x2FFFF;
	_ =	strace $0x9FFFFFFF  }
0xc1: {  	(tm) =	ssettm $0x7FFFFFFF  }
tec
execute0_lowered:
.L_overlay_start_1:
0x0: {  	(tag) =	ssettag $0x1  }
0x1: {  	s0 =	srdreg.scid  }
0x2: {  	s4 =	rddreg [dreg:$0x0];
	s1 =	stileid.u32  }
0x3: {  	s2 =	simm.s32 $0x0;
	s10 =	simm.s32 $0x1;
	s11 =	simm.s32 $0x800  }
0x4: {  	s12 =	simm.s32 $0x2;
	s3 =	sand.u32 $0x1, s0;
	s6 =	smul.u32 $0x2800, s1  }
0x5: {  	s13 =	simm.s32 $0x0;
	[smem:$0x7FF] =	sst s2;
	s5 =	smul.u32 $0x28000, s3  }
0x6: {  	s0 =	rddreg [dreg:$0x1];
	_ =	strace $0x80000047;
	s31 =	ssub.s32 $0x2, s3  }
0x7: {  	s3 =	sadd.s32 $0x1000, s4;
	s8 =	sshrl.u32 s31, $0x1;
	s6 =	sadd.s32 s6, s5  }
0x8: {  	s8 =	ssub.s32 s31, s8;
	s7 =	sshrl.u32 s6, $0x3;
	s6 =	sadd.s32 $0x800, s6  }
0x9: {  	s8 =	smax.u32 s8, $0x1;
	s9 =	sadd.s32 s7, s4;
	s4 =	sadd.s32 s3, s7  }
0xa: {  	v0 =	vimm.f32 $0.0e+00;
	v1 =	vimm.f32 $1.000000000e+00;
	s5 =	sadd.s32 $0x80, s4;
	s7 =	sadd.s32 $0xB000, s9;
	s9 =	simm.s32 $0x400  }
.LBB2_1:
0xb: {  	[tilespmem:s2], [sflag:$0x1] =	stream.linear.gather [hbm4b:s4+s2], $0x400, $0x38;
	[tilespmem:$0x3000] =	vst v63  }
0xc: {  	s14 =	simm.s32 $0x0  }
0xd: {  	[tilespmem:s9], [sflag:$0x1] =	stream.linear.gather [hbm4b:s5+s2], $0x400, $0x38;
	[tilespmem:$0x3000] =	vst v63  }
.LBB2_2:
0xe: {  	p0 =	sne.s32 s14, $0x9FC0  }
.Ltmp0:
0xf: {  	_ = 	snop;
	(pc) =	sbr.rel @p0 .LBB2_2-.Ltmp0, $3  }
0x10: {  	_ =	sdelay $0x1  }
0x11: {  	s15 =	sshra.s32 s14, $0x2  }
0x12: {  	s14 =	sadd.s32 $0x40, s14;
	[tilespmem:s15+$0x800] =	vst v0  }
0x13: {  	s14 =	simm.s32 $0x0;
	p0 =	por $0x0, $0x0  }
.LBB2_4:
0x14: {  	s15 =	simm.s32 $0x1  }
0x15: {  	s15 =	simm.s32 @!p0 $0x0  }
0x16: {  	s17 =	sshll.u32 s15, $0xA  }
0x17: {  	v2 =	vmov s17;
	_ =	sdelay $0x1  }
0x18: {  	_ =	swait.ge [sflag:s10], $0x400  }
0x19: {  	s16 =	sshll.u32 s14, $0xA;
	s18 =	simm.s32 $0x0;
	[sflag:s10] =	ssyncset.done $0x0  }
0x1a: {  	[sflag:s10] =	ssyncadd.s32 $0xFFFFFC00;
	s15 =	sand.u32 $0x400, s16;
	s17 =	simm.s32 $0x40  }
.LBB2_5:
0x1b: {  	p1 =	sne.s32 s17, $0xFC0;
	v3 =	vld.idx.msk [tilespmem:v2+s18+$0x0 ss:$0x1], $0xffff;
	_ =	sdelay $0x3  }
.Ltmp1:
0x1c: {  	(pc) =	sbr.rel @p1 .LBB2_5-.Ltmp1, $2  }
0x1d: {  	_ =	sdelay $0x2  }
0x1e: {  	s18 =	sshra.s32 s17, $0x2;
	s17 =	sadd.s32 $0x40, s17;
	[tilespmem:v3+s11+$0x0] =	vst.idx.add.f32.msk $0xffff, v1  }
0x1f: {  	_ =	sdelay $0x3  }
0x20: {  	v2 =	vld.idx.msk [tilespmem:v2+s18+$0x0 ss:$0x1], $0xffff;
	_ =	sdelay $0x4  }
0x21: {  	p1 =	sgt.u32 s14, $0x7  }
0x22: {  	s16 =	sadd.s32 @!p1 s16, s6  }
0x23: {  	s16 =	sshrl.u32 @!p1 s16, $0x3  }
0x24: {  	s14 =	sadd.s32 $0x1, s14;
	s17 =	simm.s32 @!p1 $0x0;
	s16 =	sadd.s32 @!p1 s3, s16;
	[tilespmem:v2+s11+$0x0] =	vst.idx.add.f32.msk $0xffff, v1  }
0x25: {  	[tilespmem:s15], [sflag:$0x1] =	stream.linear.gather @!p1 [hbm4b:s16+s17], $0x400, $0x38;
	[tilespmem:$0x3000] =	vst v63  }
0x26: {  	p1 =	sne.s32 s14, $0xA  }
.Ltmp2:
0x27: {  	_ = 	snop;
	(pc) =	sbr.rel @p1 .LBB2_4-.Ltmp2, $2  }
0x28: {  	_ =	sdelay $0x2  }
0x29: {  	p0 =	por !p0, !p0  }
0x2a: {  	s13 =	sadd.s32 $0x1, s13  }
0x2b: {  	p0 =	sne.s32 s13, s8  }
.Ltmp3:
0x2c: {  	_ = 	snop;
	(pc) =	sbr.rel @p0 .LBB2_1-.Ltmp3, $4  }
0x2d: {  	[hbm4b:s7+s2] =	stream.linear.scatter [tilespmem:s11], [sflag:$0x2], $0x2800, $0x38;
	[tilespmem:$0x3000] =	vst v63  }
0x2e: {  	_ =	swait.ge [sflag:s12], $0x2800  }
0x2f: {  	[sflag:s12] =	ssyncset.done $0x0  }
0x30: {  	[sflag:s12] =	ssyncadd.s32 $0xFFFFD800  }
0x31: {  	_ =	sfence.sel $0x180000  }
0x32: {  	[bflag:$0x0] =	sbarrier.arrive $0xFFFF  }
0x33: {  	p0 =	sne.s32 s1, $0x0;
	_ =	strace $0x90000047  }
0x34: {  	s0 =	sadd.s32 @!p0 $0x100000, s0;
	[bflag:$0x2] =	sbarrier.arrive $0xFFFF  }
0x35: {  	[sflag:s0] =	ssyncadd.tile.s32 @!p0 $0x1;
	_ =	shalt  }
.Lfunc_end2:
_tile_overlayer_lowered:
.L_overlay_start_2:
0x36: {  	(tag) =	ssettag $0x2  }
0x37: {  	s0 =	rddreg [dreg:$0x0];
	s2 =	stileid.u32  }
0x38: {  	s1 =	rddreg [dreg:$0x1];
	p0 =	sne.s32 s2, $0x0  }
0x39: {  	s3 =	rddreg [dreg:$0x2];
	[bflag:$0x3] =	sbarrier.arrive $0xFFFF;
	s2 =	simm.s32 @!p0 $0x1C02  }
0x3a: {  	[timem:s3], [sflag:s2] =	dma.local @!p0 [hbm:s0], s1  }
0x3b: {  	s0 =	simm.s32 @!p0 $0x2  }
0x3c: {  	_ =	swait.ge @!p0 [sflag:s0], s1  }
0x3d: {  	s1 =	ssub.s32 @!p0 $0x0, s1;
	[sflag:s0] =	ssyncset.done @!p0 $0x0  }
0x3e: {  	[sflag:s0] =	ssyncadd.s32 @!p0 s1  }
0x3f: {  	[bflag:$0x3] =	sbarrier.arrive $0xFFFF  }
0x40: {  	_ =	shalt  }

</sc_bundles>
